<compile_context>
chip_gen: v7x
topology: tpu7x:2x2x1
jax: 0.10.2.dev20260603
libtpu: 0.0.44.dev20260713+nightly
codegen_flags: <defaults>
</compile_context>

<pallas_src>
import functools

import jax
import jax.numpy as jnp
from jax import lax
from jax.experimental import pallas as pl
from jax.experimental.pallas import tpu as pltpu
from jax.experimental.pallas import tpu_sc as plsc

B = 16
C = 32
G = 1024
S = 16
L = 4
M = 32
GB = G * B
GAMMA = 0.01
INV_GAMMA = 100.0
TRP = 17


def _combine_body(m_ref, e_ref, w_ref, r_ref, out_ref):
    cs = m_ref[...] + GAMMA * jnp.log(e_ref[...])
    cs3 = cs.reshape(C, GB // 128, 128)
    w = w_ref[...]
    wmax = jnp.max(w, axis=1, keepdims=True)
    we = jnp.exp(w - wmax)
    wstar = we / jnp.sum(we, axis=1, keepdims=True)
    denom = jnp.maximum(jnp.max(cs3, axis=(1, 2)), 1.0)
    wsc = wstar / denom.reshape(1, C)
    h = lax.dot_general(
        wsc,
        cs3,
        (((1,), (0,)), ((), ())),
        preferred_element_type=jnp.float32,
    )
    mh = jnp.max(h, axis=0, keepdims=True)
    eh = jnp.sum(jnp.exp((h - mh) * INV_GAMMA), axis=0, keepdims=True)
    lse = (mh + GAMMA * jnp.log(eh)).reshape(GB // 128, 128)
    r_new = lse / jnp.maximum(jnp.max(lse), 1.0)
    r_old = r_ref[...]
    mm = jnp.maximum(r_old, r_new)
    pair = jnp.exp((r_old - mm) * INV_GAMMA) + jnp.exp((r_new - mm) * INV_GAMMA)
    l2 = mm + GAMMA * jnp.log(pair)
    out_ref[...] = l2 / jnp.maximum(jnp.max(l2), 1.0)


_combine = pl.pallas_call(
    _combine_body,
    out_shape=jax.ShapeDtypeStruct((GB // 128, 128), jnp.float32),
)


_sc_mesh = plsc.VectorSubcoreMesh(
    core_axis_name="c", subcore_axis_name="s", num_cores=2, num_subcores=16
)


G1 = G + 1


@functools.partial(
    pl.kernel,
    out_type=[
        jax.ShapeDtypeStruct((C, B, G), jnp.float32),
        jax.ShapeDtypeStruct((C, B, G), jnp.float32),
    ],
    mesh=_sc_mesh,
    compiler_params=pltpu.CompilerParams(
        needs_layout_passes=False, use_tc_tiling_on_sc=False
    ),
    scratch_types=[
        pltpu.VMEM((G * S * L // 128, 128), jnp.int32),
        pltpu.VMEM((GB,), jnp.float32),
        pltpu.VMEM((32, S * TRP), jnp.float32),
        pltpu.VMEM((B, G1), jnp.float32),
        pltpu.VMEM((B, G1), jnp.float32),
    ],
)
def _sc_clause(xf_hbm, i_hbm, m_hbm, e_hbm, i_v, xf_v, tr_v, m_v, e_v):
    cid = lax.axis_index("c")
    sid = lax.axis_index("s")
    clause = sid * 2 + cid
    pltpu.sync_copy(xf_hbm, xf_v)
    pltpu.sync_copy(i_hbm.at[clause], i_v)
    iota = lax.iota(jnp.int32, 16)
    iota4 = iota * 4
    iota_tr = iota * TRP

    def outer(go, carry):
        @plsc.parallel_loop(0, 32, unroll=1)
        def gather_phase(gi):
            g = go * 32 + gi
            tr = tr_v.at[gi]
            base = g * (S * L)
            js = [
                plsc.load_gather(
                    i_v,
                    [
                        (iota4 + (base + l)) >> 7,
                        (iota4 + (base + l)) & 127,
                    ],
                )
                for l in range(L)
            ]
            for b in range(B):
                off = b * G
                p01 = plsc.load_gather(xf_v, [js[0] + off]) * plsc.load_gather(
                    xf_v, [js[1] + off]
                )
                p23 = plsc.load_gather(xf_v, [js[2] + off]) * plsc.load_gather(
                    xf_v, [js[3] + off]
                )
                plsc.store_scatter(tr, [iota_tr + b], p01 * p23)

        @plsc.parallel_loop(0, 32, unroll=1)
        def reduce_phase(gi):
            g = go * 32 + gi
            tr = tr_v.at[gi]
            rows = [plsc.load_gather(tr, [iota + (s * TRP)]) for s in range(S)]
            t = rows
            while len(t) > 1:
                t = [
                    jnp.maximum(t[2 * i], t[2 * i + 1])
                    for i in range(len(t) // 2)
                ]
            m = t[0]
            es = [jnp.exp((r - m) * INV_GAMMA) for r in rows]
            while len(es) > 1:
                es = [es[2 * i] + es[2 * i + 1] for i in range(len(es) // 2)]
            g_vec = jnp.broadcast_to(g, (16,))
            plsc.store_scatter(m_v, [iota, g_vec], m)
            plsc.store_scatter(e_v, [iota, g_vec], es[0])

        return carry

    lax.fori_loop(0, G // 32, outer, 0)
    pltpu.sync_copy(m_v.at[:, pl.ds(0, G)], m_hbm.at[clause])
    pltpu.sync_copy(e_v.at[:, pl.ds(0, G)], e_hbm.at[clause])


def kernel(x, I, W):
    xf = x.reshape(GB)
    i_flat = I.reshape(C, G * S * L // 128, 128)
    r = xf.reshape(GB // 128, 128)
    for _ in range(2):
        m, e = _sc_clause(xf, i_flat)
        r = _combine(
            m.reshape(C * GB // 128, 128), e.reshape(C * GB // 128, 128), W, r
        )
        xf = r.reshape(GB)
    return r.reshape(B, G)

# --- scband reference (transcript-rebuilt; emitter-appended) ---
"""Pipeline reference for scband-infer-module-18227841204320 (READ-ONLY COPY).

The authoritative reference and input builder live on the scoring server;
editing this copy changes nothing except your own understanding.
"""

import jax, jax.numpy as jnp
import numpy as np

B = 16
C = 32
G = 1024
S = 16
L = 4
M = 32
INFER_STEP = 2
GAMMA = 0.01


def softor(xs, axis=0, gamma=0.01):
    # NSFR-style soft-or: gamma * logsumexp(x/gamma), normalized if max > 1
    if isinstance(xs, (list, tuple)):
        xs = jnp.stack(xs, axis)
    lse = gamma * jax.nn.logsumexp(xs * (1.0 / gamma), axis=axis)
    mx = jnp.max(lse)
    denom = jnp.maximum(mx, 1.0)
    return lse / denom


def clause_fn(x, I_i, gamma):
    # x: [B, G] valuation; I_i: [G, S, L] int indices into G
    b = x.shape[0]
    V_tild = jnp.broadcast_to(x[:, :, None, None], (b, G, S, L))
    idx = jnp.broadcast_to(I_i[None, :, :, :], (b, G, S, L))
    gathered = jnp.take_along_axis(V_tild, idx, axis=1)
    body = jnp.prod(gathered, axis=3)  # [B, G, S]
    return softor(body, axis=2, gamma=gamma)  # [B, G]


def r_fn(x, I, W, gamma):
    Cs = jnp.stack([clause_fn(x, I[i], gamma) for i in range(C)], 0)  # [C, B, G]
    W_star = jax.nn.softmax(W, axis=1)  # [M, C]
    H = jnp.einsum('mc,cbg->mbg', W_star, Cs)  # [M, B, G]
    return softor(H, axis=0, gamma=gamma)  # [B, G]


def setup_inputs(seed: int = 0) -> dict:
    key = jax.random.key(seed)
    k1, k2, k3 = jax.random.split(key, 3)
    x = jax.random.uniform(k1, (B, G), dtype=jnp.float32)
    I = jax.random.randint(k2, (C, G, S, L), 0, G)  # int32 indices (int64 in torch)
    W = jax.random.normal(k3, (M, C), dtype=jnp.float32)  # learned soft program weights
    return {"x": x, "I": I, "W": W}


def reference(x, I, W):
    R = x
    for _ in range(INFER_STEP):
        R = softor(jnp.stack([R, r_fn(R, I, W, GAMMA)], axis=1), axis=1, gamma=GAMMA)
    return R

if __name__ == "__main__":
    import jax
    _d = setup_inputs()
    print(jax.jit(kernel)(*tuple(_d.values())))

</pallas_src>

<mosaic_0001>
#map = affine_map<(d0, d1) -> (0)>
#map1 = affine_map<(d0, d1) -> (0, 0, 0)>
module attributes {stable_mosaic.version = 14 : i64} {
  func.func @_sc_clause(%arg0: i32, %arg1: i32, %arg2: memref<16384xf32, #tpu.memory_space<hbm>>, %arg3: memref<32x512x128xi32, #tpu.memory_space<hbm>>, %arg4: memref<32x16x1024xf32, #tpu.memory_space<hbm>>, %arg5: memref<32x16x1024xf32, #tpu.memory_space<hbm>>, %arg6: memref<512x128xi32, #tpu.memory_space<vmem>>, %arg7: memref<16384xf32, #tpu.memory_space<vmem>>, %arg8: memref<32x272xf32, #tpu.memory_space<vmem>>, %arg9: memref<16x1025xf32, #tpu.memory_space<vmem>>, %arg10: memref<16x1025xf32, #tpu.memory_space<vmem>>) attributes {dimension_semantics = [#tpu.dimension_semantics<core_parallel>, #tpu.dimension_semantics<subcore_parallel>], iteration_bounds = array<i64: 2, 16>, scalar_prefetch = 0 : i64, scratch_operands = 5 : i64, tpu.core_type = #tpu.core_type<sc_vector_subcore>, window_params = [{transform_indices = #map}, {transform_indices = #map1}, {transform_indices = #map1}, {transform_indices = #map1}]} {
    %mul3A = arith.constant 2 : i32
    %mul3A_0 = arith.muli %arg1, %mul3A : i32
    %add3A = arith.addi %mul3A_0, %arg0 : i32
    "tpu.region"() ({
      %run_scoped3A = tpu.sem_alloc : memref<!tpu.dma_semaphore, #tpu.memory_space<semaphore_mem>>
      tpu.enqueue_dma source(%arg2 : memref<16384xf32, #tpu.memory_space<hbm>>) target(%arg7 : memref<16384xf32, #tpu.memory_space<vmem>>) target_semaphore(%run_scoped3A : memref<!tpu.dma_semaphore, #tpu.memory_space<semaphore_mem>>)
      tpu.wait_dma2 semaphore(%run_scoped3A : memref<!tpu.dma_semaphore, #tpu.memory_space<semaphore_mem>>) src(%arg2 : memref<16384xf32, #tpu.memory_space<hbm>>) dst(%arg7 : memref<16384xf32, #tpu.memory_space<vmem>>)
      tpu.yield
    }) : () -> ()
    "tpu.region"() ({
      %run_scoped3A = tpu.sem_alloc : memref<!tpu.dma_semaphore, #tpu.memory_space<semaphore_mem>>
      %dma_start3A = arith.constant 0 : i32
      %dma_start3A_12 = arith.constant 0 : i32
      %dma_start3A_13 = tpu.memref_slice %arg3[%add3A, %dma_start3A, %dma_start3A_12] : memref<32x512x128xi32, #tpu.memory_space<hbm>> -> memref<1x512x128xi32, #tpu.memory_space<hbm>>
      %dma_start3A_14 = tpu.memref_squeeze %dma_start3A_13 : memref<1x512x128xi32, #tpu.memory_space<hbm>> -> memref<512x128xi32, #tpu.memory_space<hbm>>
      %dma_start3A_15 = arith.constant 0 : i32
      %dma_start3A_16 = arith.constant 0 : i32
      %dma_start3A_17 = tpu.memref_slice %arg3[%add3A, %dma_start3A_15, %dma_start3A_16] : memref<32x512x128xi32, #tpu.memory_space<hbm>> -> memref<1x512x128xi32, #tpu.memory_space<hbm>>
      %dma_start3A_18 = tpu.memref_squeeze %dma_start3A_17 : memref<1x512x128xi32, #tpu.memory_space<hbm>> -> memref<512x128xi32, #tpu.memory_space<hbm>>
      tpu.enqueue_dma source(%dma_start3A_18 : memref<512x128xi32, #tpu.memory_space<hbm>>) target(%arg6 : memref<512x128xi32, #tpu.memory_space<vmem>>) target_semaphore(%run_scoped3A : memref<!tpu.dma_semaphore, #tpu.memory_space<semaphore_mem>>)
      %dma_wait3A = arith.constant 0 : i32
      %dma_wait3A_19 = arith.constant 0 : i32
      %dma_wait3A_20 = tpu.memref_slice %arg3[%add3A, %dma_wait3A, %dma_wait3A_19] : memref<32x512x128xi32, #tpu.memory_space<hbm>> -> memref<1x512x128xi32, #tpu.memory_space<hbm>>
      %dma_wait3A_21 = tpu.memref_squeeze %dma_wait3A_20 : memref<1x512x128xi32, #tpu.memory_space<hbm>> -> memref<512x128xi32, #tpu.memory_space<hbm>>
      %dma_wait3A_22 = arith.constant 0 : i32
      %dma_wait3A_23 = arith.constant 0 : i32
      %dma_wait3A_24 = tpu.memref_slice %arg3[%add3A, %dma_wait3A_22, %dma_wait3A_23] : memref<32x512x128xi32, #tpu.memory_space<hbm>> -> memref<1x512x128xi32, #tpu.memory_space<hbm>>
      %dma_wait3A_25 = tpu.memref_squeeze %dma_wait3A_24 : memref<1x512x128xi32, #tpu.memory_space<hbm>> -> memref<512x128xi32, #tpu.memory_space<hbm>>
      tpu.wait_dma2 semaphore(%run_scoped3A : memref<!tpu.dma_semaphore, #tpu.memory_space<semaphore_mem>>) src(%dma_wait3A_25 : memref<512x128xi32, #tpu.memory_space<hbm>>) dst(%arg6 : memref<512x128xi32, #tpu.memory_space<vmem>>)
      tpu.yield
    }) : () -> ()
    %iota3A = tpu.iota {dimensions = array<i32: 0>} : vector<16xi32>
    %mul3A_1 = arith.constant 4 : i32
    %mul3A_2 = vector.broadcast %mul3A_1 : i32 to vector<16xi32>
    %mul3A_3 = arith.muli %iota3A, %mul3A_2 : vector<16xi32>
    %mul3A_4 = arith.constant 17 : i32
    %mul3A_5 = vector.broadcast %mul3A_4 : i32 to vector<16xi32>
    %mul3A_6 = arith.muli %iota3A, %mul3A_5 : vector<16xi32>
    %scan3A = arith.constant 0 : i32
    %scan3A_7 = arith.constant 0 : i32
    %scan3A_8 = arith.constant 32 : i32
    %scan3A_9 = arith.addi %scan3A_7, %scan3A_8 : i32
    %scan3A_10 = arith.constant 1 : i32
    scf.for %scan3A_12 = %scan3A_7 to %scan3A_9 step %scan3A_10  : i32 {
      %parallel_loop3A = arith.constant 0 : i32
      %parallel_loop3A_13 = arith.constant 32 : i32
      %parallel_loop3A_14 = arith.constant 1 : i32
      scf.for %parallel_loop3A_18 = %parallel_loop3A to %parallel_loop3A_13 step %parallel_loop3A_14  : i32 {
        %parallel_loop3A_19 = arith.constant 32 : i32
        %parallel_loop3A_20 = arith.muli %scan3A_12, %parallel_loop3A_19 : i32
        %parallel_loop3A_21 = arith.addi %parallel_loop3A_20, %parallel_loop3A_18 : i32
        %parallel_loop3A_22 = arith.constant 64 : i32
        %parallel_loop3A_23 = arith.muli %parallel_loop3A_21, %parallel_loop3A_22 : i32
        %parallel_loop3A_24 = arith.constant 0 : i32
        %parallel_loop3A_25 = arith.addi %parallel_loop3A_23, %parallel_loop3A_24 : i32
        %parallel_loop3A_26 = vector.broadcast %parallel_loop3A_25 : i32 to vector<16xi32>
        %parallel_loop3A_27 = arith.addi %mul3A_3, %parallel_loop3A_26 : vector<16xi32>
        %parallel_loop3A_28 = arith.constant 7 : i32
        %parallel_loop3A_29 = vector.broadcast %parallel_loop3A_28 : i32 to vector<16xi32>
        %parallel_loop3A_30 = arith.shrsi %parallel_loop3A_27, %parallel_loop3A_29 : vector<16xi32>
        %parallel_loop3A_31 = arith.constant 0 : i32
        %parallel_loop3A_32 = arith.addi %parallel_loop3A_23, %parallel_loop3A_31 : i32
        %parallel_loop3A_33 = vector.broadcast %parallel_loop3A_32 : i32 to vector<16xi32>
        %parallel_loop3A_34 = arith.addi %mul3A_3, %parallel_loop3A_33 : vector<16xi32>
        %parallel_loop3A_35 = arith.constant 127 : i32
        %parallel_loop3A_36 = vector.broadcast %parallel_loop3A_35 : i32 to vector<16xi32>
        %parallel_loop3A_37 = arith.andi %parallel_loop3A_34, %parallel_loop3A_36 : vector<16xi32>
        %parallel_loop3A_38 = tpu.vector_load_idx %arg6[%parallel_loop3A_30, %parallel_loop3A_37] : memref<512x128xi32, #tpu.memory_space<vmem>>[vector<16xi32>, vector<16xi32>], vector<16xi32>,
        %parallel_loop3A_39 = arith.constant 1 : i32
        %parallel_loop3A_40 = arith.addi %parallel_loop3A_23, %parallel_loop3A_39 : i32
        %parallel_loop3A_41 = vector.broadcast %parallel_loop3A_40 : i32 to vector<16xi32>
        %parallel_loop3A_42 = arith.addi %mul3A_3, %parallel_loop3A_41 : vector<16xi32>
        %parallel_loop3A_43 = arith.constant 7 : i32
        %parallel_loop3A_44 = vector.broadcast %parallel_loop3A_43 : i32 to vector<16xi32>
        %parallel_loop3A_45 = arith.shrsi %parallel_loop3A_42, %parallel_loop3A_44 : vector<16xi32>
        %parallel_loop3A_46 = arith.constant 1 : i32
        %parallel_loop3A_47 = arith.addi %parallel_loop3A_23, %parallel_loop3A_46 : i32
        %parallel_loop3A_48 = vector.broadcast %parallel_loop3A_47 : i32 to vector<16xi32>
        %parallel_loop3A_49 = arith.addi %mul3A_3, %parallel_loop3A_48 : vector<16xi32>
        %parallel_loop3A_50 = arith.constant 127 : i32
        %parallel_loop3A_51 = vector.broadcast %parallel_loop3A_50 : i32 to vector<16xi32>
        %parallel_loop3A_52 = arith.andi %parallel_loop3A_49, %parallel_loop3A_51 : vector<16xi32>
        %parallel_loop3A_53 = tpu.vector_load_idx %arg6[%parallel_loop3A_45, %parallel_loop3A_52] : memref<512x128xi32, #tpu.memory_space<vmem>>[vector<16xi32>, vector<16xi32>], vector<16xi32>,
        %parallel_loop3A_54 = arith.constant 2 : i32
        %parallel_loop3A_55 = arith.addi %parallel_loop3A_23, %parallel_loop3A_54 : i32
        %parallel_loop3A_56 = vector.broadcast %parallel_loop3A_55 : i32 to vector<16xi32>
        %parallel_loop3A_57 = arith.addi %mul3A_3, %parallel_loop3A_56 : vector<16xi32>
        %parallel_loop3A_58 = arith.constant 7 : i32
        %parallel_loop3A_59 = vector.broadcast %parallel_loop3A_58 : i32 to vector<16xi32>
        %parallel_loop3A_60 = arith.shrsi %parallel_loop3A_57, %parallel_loop3A_59 : vector<16xi32>
        %parallel_loop3A_61 = arith.constant 2 : i32
        %parallel_loop3A_62 = arith.addi %parallel_loop3A_23, %parallel_loop3A_61 : i32
        %parallel_loop3A_63 = vector.broadcast %parallel_loop3A_62 : i32 to vector<16xi32>
        %parallel_loop3A_64 = arith.addi %mul3A_3, %parallel_loop3A_63 : vector<16xi32>
        %parallel_loop3A_65 = arith.constant 127 : i32
        %parallel_loop3A_66 = vector.broadcast %parallel_loop3A_65 : i32 to vector<16xi32>
        %parallel_loop3A_67 = arith.andi %parallel_loop3A_64, %parallel_loop3A_66 : vector<16xi32>
        %parallel_loop3A_68 = tpu.vector_load_idx %arg6[%parallel_loop3A_60, %parallel_loop3A_67] : memref<512x128xi32, #tpu.memory_space<vmem>>[vector<16xi32>, vector<16xi32>], vector<16xi32>,
        %parallel_loop3A_69 = arith.constant 3 : i32
        %parallel_loop3A_70 = arith.addi %parallel_loop3A_23, %parallel_loop3A_69 : i32
        %parallel_loop3A_71 = vector.broadcast %parallel_loop3A_70 : i32 to vector<16xi32>
        %parallel_loop3A_72 = arith.addi %mul3A_3, %parallel_loop3A_71 : vector<16xi32>
        %parallel_loop3A_73 = arith.constant 7 : i32
        %parallel_loop3A_74 = vector.broadcast %parallel_loop3A_73 : i32 to vector<16xi32>
        %parallel_loop3A_75 = arith.shrsi %parallel_loop3A_72, %parallel_loop3A_74 : vector<16xi32>
        %parallel_loop3A_76 = arith.constant 3 : i32
        %parallel_loop3A_77 = arith.addi %parallel_loop3A_23, %parallel_loop3A_76 : i32
        %parallel_loop3A_78 = vector.broadcast %parallel_loop3A_77 : i32 to vector<16xi32>
        %parallel_loop3A_79 = arith.addi %mul3A_3, %parallel_loop3A_78 : vector<16xi32>
        %parallel_loop3A_80 = arith.constant 127 : i32
        %parallel_loop3A_81 = vector.broadcast %parallel_loop3A_80 : i32 to vector<16xi32>
        %parallel_loop3A_82 = arith.andi %parallel_loop3A_79, %parallel_loop3A_81 : vector<16xi32>
        %parallel_loop3A_83 = tpu.vector_load_idx %arg6[%parallel_loop3A_75, %parallel_loop3A_82] : memref<512x128xi32, #tpu.memory_space<vmem>>[vector<16xi32>, vector<16xi32>], vector<16xi32>,
        %parallel_loop3A_84 = arith.constant 0 : i32
        %parallel_loop3A_85 = vector.broadcast %parallel_loop3A_84 : i32 to vector<16xi32>
        %parallel_loop3A_86 = arith.addi %parallel_loop3A_38, %parallel_loop3A_85 : vector<16xi32>
        %parallel_loop3A_87 = tpu.vector_load_idx %arg7[%parallel_loop3A_86] : memref<16384xf32, #tpu.memory_space<vmem>>[vector<16xi32>], vector<16xf32>,
        %parallel_loop3A_88 = arith.constant 0 : i32
        %parallel_loop3A_89 = vector.broadcast %parallel_loop3A_88 : i32 to vector<16xi32>
        %parallel_loop3A_90 = arith.addi %parallel_loop3A_53, %parallel_loop3A_89 : vector<16xi32>
        %parallel_loop3A_91 = tpu.vector_load_idx %arg7[%parallel_loop3A_90] : memref<16384xf32, #tpu.memory_space<vmem>>[vector<16xi32>], vector<16xf32>,
        %parallel_loop3A_92 = arith.mulf %parallel_loop3A_87, %parallel_loop3A_91 : vector<16xf32>
        %parallel_loop3A_93 = arith.constant 0 : i32
        %parallel_loop3A_94 = vector.broadcast %parallel_loop3A_93 : i32 to vector<16xi32>
        %parallel_loop3A_95 = arith.addi %parallel_loop3A_68, %parallel_loop3A_94 : vector<16xi32>
        %parallel_loop3A_96 = tpu.vector_load_idx %arg7[%parallel_loop3A_95] : memref<16384xf32, #tpu.memory_space<vmem>>[vector<16xi32>], vector<16xf32>,
        %parallel_loop3A_97 = arith.constant 0 : i32
        %parallel_loop3A_98 = vector.broadcast %parallel_loop3A_97 : i32 to vector<16xi32>
        %parallel_loop3A_99 = arith.addi %parallel_loop3A_83, %parallel_loop3A_98 : vector<16xi32>
        %parallel_loop3A_100 = tpu.vector_load_idx %arg7[%parallel_loop3A_99] : memref<16384xf32, #tpu.memory_space<vmem>>[vector<16xi32>], vector<16xf32>,
        %parallel_loop3A_101 = arith.mulf %parallel_loop3A_96, %parallel_loop3A_100 : vector<16xf32>
        %parallel_loop3A_102 = arith.constant 0 : i32
        %parallel_loop3A_103 = vector.broadcast %parallel_loop3A_102 : i32 to vector<16xi32>
        %parallel_loop3A_104 = arith.addi %mul3A_6, %parallel_loop3A_103 : vector<16xi32>
        %parallel_loop3A_105 = arith.mulf %parallel_loop3A_92, %parallel_loop3A_101 : vector<16xf32>
        %parallel_loop3A_106 = arith.constant 0 : i32
        %parallel_loop3A_107 = tpu.memref_slice %arg8[%parallel_loop3A_18, %parallel_loop3A_106] : memref<32x272xf32, #tpu.memory_space<vmem>> -> memref<1x272xf32, #tpu.memory_space<vmem>>
        %parallel_loop3A_108 = tpu.memref_squeeze %parallel_loop3A_107 : memref<1x272xf32, #tpu.memory_space<vmem>> -> memref<272xf32, #tpu.memory_space<vmem>>
        tpu.vector_store_idx %parallel_loop3A_108[%parallel_loop3A_104], %parallel_loop3A_105 : memref<272xf32, #tpu.memory_space<vmem>>[vector<16xi32>], vector<16xf32>,
        %parallel_loop3A_109 = arith.constant 1024 : i32
        %parallel_loop3A_110 = vector.broadcast %parallel_loop3A_109 : i32 to vector<16xi32>
        %parallel_loop3A_111 = arith.addi %parallel_loop3A_38, %parallel_loop3A_110 : vector<16xi32>
        %parallel_loop3A_112 = tpu.vector_load_idx %arg7[%parallel_loop3A_111] : memref<16384xf32, #tpu.memory_space<vmem>>[vector<16xi32>], vector<16xf32>,
        %parallel_loop3A_113 = arith.constant 1024 : i32
        %parallel_loop3A_114 = vector.broadcast %parallel_loop3A_113 : i32 to vector<16xi32>
        %parallel_loop3A_115 = arith.addi %parallel_loop3A_53, %parallel_loop3A_114 : vector<16xi32>
        %parallel_loop3A_116 = tpu.vector_load_idx %arg7[%parallel_loop3A_115] : memref<16384xf32, #tpu.memory_space<vmem>>[vector<16xi32>], vector<16xf32>,
        %parallel_loop3A_117 = arith.mulf %parallel_loop3A_112, %parallel_loop3A_116 : vector<16xf32>
        %parallel_loop3A_118 = arith.constant 1024 : i32
        %parallel_loop3A_119 = vector.broadcast %parallel_loop3A_118 : i32 to vector<16xi32>
        %parallel_loop3A_120 = arith.addi %parallel_loop3A_68, %parallel_loop3A_119 : vector<16xi32>
        %parallel_loop3A_121 = tpu.vector_load_idx %arg7[%parallel_loop3A_120] : memref<16384xf32, #tpu.memory_space<vmem>>[vector<16xi32>], vector<16xf32>,
        %parallel_loop3A_122 = arith.constant 1024 : i32
        %parallel_loop3A_123 = vector.broadcast %parallel_loop3A_122 : i32 to vector<16xi32>
        %parallel_loop3A_124 = arith.addi %parallel_loop3A_83, %parallel_loop3A_123 : vector<16xi32>
        %parallel_loop3A_125 = tpu.vector_load_idx %arg7[%parallel_loop3A_124] : memref<16384xf32, #tpu.memory_space<vmem>>[vector<16xi32>], vector<16xf32>,
        %parallel_loop3A_126 = arith.mulf %parallel_loop3A_121, %parallel_loop3A_125 : vector<16xf32>
        %parallel_loop3A_127 = arith.constant 1 : i32
        %parallel_loop3A_128 = vector.broadcast %parallel_loop3A_127 : i32 to vector<16xi32>
        %parallel_loop3A_129 = arith.addi %mul3A_6, %parallel_loop3A_128 : vector<16xi32>
        %parallel_loop3A_130 = arith.mulf %parallel_loop3A_117, %parallel_loop3A_126 : vector<16xf32>
        %parallel_loop3A_131 = arith.constant 0 : i32
        %parallel_loop3A_132 = tpu.memref_slice %arg8[%parallel_loop3A_18, %parallel_loop3A_131] : memref<32x272xf32, #tpu.memory_space<vmem>> -> memref<1x272xf32, #tpu.memory_space<vmem>>
        %parallel_loop3A_133 = tpu.memref_squeeze %parallel_loop3A_132 : memref<1x272xf32, #tpu.memory_space<vmem>> -> memref<272xf32, #tpu.memory_space<vmem>>
        tpu.vector_store_idx %parallel_loop3A_133[%parallel_loop3A_129], %parallel_loop3A_130 : memref<272xf32, #tpu.memory_space<vmem>>[vector<16xi32>], vector<16xf32>,
        %parallel_loop3A_134 = arith.constant 2048 : i32
        %parallel_loop3A_135 = vector.broadcast %parallel_loop3A_134 : i32 to vector<16xi32>
        %parallel_loop3A_136 = arith.addi %parallel_loop3A_38, %parallel_loop3A_135 : vector<16xi32>
        %parallel_loop3A_137 = tpu.vector_load_idx %arg7[%parallel_loop3A_136] : memref<16384xf32, #tpu.memory_space<vmem>>[vector<16xi32>], vector<16xf32>,
        %parallel_loop3A_138 = arith.constant 2048 : i32
        %parallel_loop3A_139 = vector.broadcast %parallel_loop3A_138 : i32 to vector<16xi32>
        %parallel_loop3A_140 = arith.addi %parallel_loop3A_53, %parallel_loop3A_139 : vector<16xi32>
        %parallel_loop3A_141 = tpu.vector_load_idx %arg7[%parallel_loop3A_140] : memref<16384xf32, #tpu.memory_space<vmem>>[vector<16xi32>], vector<16xf32>,
        %parallel_loop3A_142 = arith.mulf %parallel_loop3A_137, %parallel_loop3A_141 : vector<16xf32>
        %parallel_loop3A_143 = arith.constant 2048 : i32
        %parallel_loop3A_144 = vector.broadcast %parallel_loop3A_143 : i32 to vector<16xi32>
        %parallel_loop3A_145 = arith.addi %parallel_loop3A_68, %parallel_loop3A_144 : vector<16xi32>
        %parallel_loop3A_146 = tpu.vector_load_idx %arg7[%parallel_loop3A_145] : memref<16384xf32, #tpu.memory_space<vmem>>[vector<16xi32>], vector<16xf32>,
        %parallel_loop3A_147 = arith.constant 2048 : i32
        %parallel_loop3A_148 = vector.broadcast %parallel_loop3A_147 : i32 to vector<16xi32>
        %parallel_loop3A_149 = arith.addi %parallel_loop3A_83, %parallel_loop3A_148 : vector<16xi32>
        %parallel_loop3A_150 = tpu.vector_load_idx %arg7[%parallel_loop3A_149] : memref<16384xf32, #tpu.memory_space<vmem>>[vector<16xi32>], vector<16xf32>,
        %parallel_loop3A_151 = arith.mulf %parallel_loop3A_146, %parallel_loop3A_150 : vector<16xf32>
        %parallel_loop3A_152 = arith.constant 2 : i32
        %parallel_loop3A_153 = vector.broadcast %parallel_loop3A_152 : i32 to vector<16xi32>
        %parallel_loop3A_154 = arith.addi %mul3A_6, %parallel_loop3A_153 : vector<16xi32>
        %parallel_loop3A_155 = arith.mulf %parallel_loop3A_142, %parallel_loop3A_151 : vector<16xf32>
        %parallel_loop3A_156 = arith.constant 0 : i32
        %parallel_loop3A_157 = tpu.memref_slice %arg8[%parallel_loop3A_18, %parallel_loop3A_156] : memref<32x272xf32, #tpu.memory_space<vmem>> -> memref<1x272xf32, #tpu.memory_space<vmem>>
        %parallel_loop3A_158 = tpu.memref_squeeze %parallel_loop3A_157 : memref<1x272xf32, #tpu.memory_space<vmem>> -> memref<272xf32, #tpu.memory_space<vmem>>
        tpu.vector_store_idx %parallel_loop3A_158[%parallel_loop3A_154], %parallel_loop3A_155 : memref<272xf32, #tpu.memory_space<vmem>>[vector<16xi32>], vector<16xf32>,
        %parallel_loop3A_159 = arith.constant 3072 : i32
        %parallel_loop3A_160 = vector.broadcast %parallel_loop3A_159 : i32 to vector<16xi32>
        %parallel_loop3A_161 = arith.addi %parallel_loop3A_38, %parallel_loop3A_160 : vector<16xi32>
        %parallel_loop3A_162 = tpu.vector_load_idx %arg7[%parallel_loop3A_161] : memref<16384xf32, #tpu.memory_space<vmem>>[vector<16xi32>], vector<16xf32>,
        %parallel_loop3A_163 = arith.constant 3072 : i32
        %parallel_loop3A_164 = vector.broadcast %parallel_loop3A_163 : i32 to vector<16xi32>
        %parallel_loop3A_165 = arith.addi %parallel_loop3A_53, %parallel_loop3A_164 : vector<16xi32>
        %parallel_loop3A_166 = tpu.vector_load_idx %arg7[%parallel_loop3A_165] : memref<16384xf32, #tpu.memory_space<vmem>>[vector<16xi32>], vector<16xf32>,
        %parallel_loop3A_167 = arith.mulf %parallel_loop3A_162, %parallel_loop3A_166 : vector<16xf32>
        %parallel_loop3A_168 = arith.constant 3072 : i32
        %parallel_loop3A_169 = vector.broadcast %parallel_loop3A_168 : i32 to vector<16xi32>
        %parallel_loop3A_170 = arith.addi %parallel_loop3A_68, %parallel_loop3A_169 : vector<16xi32>
        %parallel_loop3A_171 = tpu.vector_load_idx %arg7[%parallel_loop3A_170] : memref<16384xf32, #tpu.memory_space<vmem>>[vector<16xi32>], vector<16xf32>,
        %parallel_loop3A_172 = arith.constant 3072 : i32
        %parallel_loop3A_173 = vector.broadcast %parallel_loop3A_172 : i32 to vector<16xi32>
        %parallel_loop3A_174 = arith.addi %parallel_loop3A_83, %parallel_loop3A_173 : vector<16xi32>
        %parallel_loop3A_175 = tpu.vector_load_idx %arg7[%parallel_loop3A_174] : memref<16384xf32, #tpu.memory_space<vmem>>[vector<16xi32>], vector<16xf32>,
        %parallel_loop3A_176 = arith.mulf %parallel_loop3A_171, %parallel_loop3A_175 : vector<16xf32>
        %parallel_loop3A_177 = arith.constant 3 : i32
        %parallel_loop3A_178 = vector.broadcast %parallel_loop3A_177 : i32 to vector<16xi32>
        %parallel_loop3A_179 = arith.addi %mul3A_6, %parallel_loop3A_178 : vector<16xi32>
        %parallel_loop3A_180 = arith.mulf %parallel_loop3A_167, %parallel_loop3A_176 : vector<16xf32>
        %parallel_loop3A_181 = arith.constant 0 : i32
        %parallel_loop3A_182 = tpu.memref_slice %arg8[%parallel_loop3A_18, %parallel_loop3A_181] : memref<32x272xf32, #tpu.memory_space<vmem>> -> memref<1x272xf32, #tpu.memory_space<vmem>>
        %parallel_loop3A_183 = tpu.memref_squeeze %parallel_loop3A_182 : memref<1x272xf32, #tpu.memory_space<vmem>> -> memref<272xf32, #tpu.memory_space<vmem>>
        tpu.vector_store_idx %parallel_loop3A_183[%parallel_loop3A_179], %parallel_loop3A_180 : memref<272xf32, #tpu.memory_space<vmem>>[vector<16xi32>], vector<16xf32>,
        %parallel_loop3A_184 = arith.constant 4096 : i32
        %parallel_loop3A_185 = vector.broadcast %parallel_loop3A_184 : i32 to vector<16xi32>
        %parallel_loop3A_186 = arith.addi %parallel_loop3A_38, %parallel_loop3A_185 : vector<16xi32>
        %parallel_loop3A_187 = tpu.vector_load_idx %arg7[%parallel_loop3A_186] : memref<16384xf32, #tpu.memory_space<vmem>>[vector<16xi32>], vector<16xf32>,
        %parallel_loop3A_188 = arith.constant 4096 : i32
        %parallel_loop3A_189 = vector.broadcast %parallel_loop3A_188 : i32 to vector<16xi32>
        %parallel_loop3A_190 = arith.addi %parallel_loop3A_53, %parallel_loop3A_189 : vector<16xi32>
        %parallel_loop3A_191 = tpu.vector_load_idx %arg7[%parallel_loop3A_190] : memref<16384xf32, #tpu.memory_space<vmem>>[vector<16xi32>], vector<16xf32>,
        %parallel_loop3A_192 = arith.mulf %parallel_loop3A_187, %parallel_loop3A_191 : vector<16xf32>
        %parallel_loop3A_193 = arith.constant 4096 : i32
        %parallel_loop3A_194 = vector.broadcast %parallel_loop3A_193 : i32 to vector<16xi32>
        %parallel_loop3A_195 = arith.addi %parallel_loop3A_68, %parallel_loop3A_194 : vector<16xi32>
        %parallel_loop3A_196 = tpu.vector_load_idx %arg7[%parallel_loop3A_195] : memref<16384xf32, #tpu.memory_space<vmem>>[vector<16xi32>], vector<16xf32>,
        %parallel_loop3A_197 = arith.constant 4096 : i32
        %parallel_loop3A_198 = vector.broadcast %parallel_loop3A_197 : i32 to vector<16xi32>
        %parallel_loop3A_199 = arith.addi %parallel_loop3A_83, %parallel_loop3A_198 : vector<16xi32>
        %parallel_loop3A_200 = tpu.vector_load_idx %arg7[%parallel_loop3A_199] : memref<16384xf32, #tpu.memory_space<vmem>>[vector<16xi32>], vector<16xf32>,
        %parallel_loop3A_201 = arith.mulf %parallel_loop3A_196, %parallel_loop3A_200 : vector<16xf32>
        %parallel_loop3A_202 = arith.constant 4 : i32
        %parallel_loop3A_203 = vector.broadcast %parallel_loop3A_202 : i32 to vector<16xi32>
        %parallel_loop3A_204 = arith.addi %mul3A_6, %parallel_loop3A_203 : vector<16xi32>
        %parallel_loop3A_205 = arith.mulf %parallel_loop3A_192, %parallel_loop3A_201 : vector<16xf32>
        %parallel_loop3A_206 = arith.constant 0 : i32
        %parallel_loop3A_207 = tpu.memref_slice %arg8[%parallel_loop3A_18, %parallel_loop3A_206] : memref<32x272xf32, #tpu.memory_space<vmem>> -> memref<1x272xf32, #tpu.memory_space<vmem>>
        %parallel_loop3A_208 = tpu.memref_squeeze %parallel_loop3A_207 : memref<1x272xf32, #tpu.memory_space<vmem>> -> memref<272xf32, #tpu.memory_space<vmem>>
        tpu.vector_store_idx %parallel_loop3A_208[%parallel_loop3A_204], %parallel_loop3A_205 : memref<272xf32, #tpu.memory_space<vmem>>[vector<16xi32>], vector<16xf32>,
        %parallel_loop3A_209 = arith.constant 5120 : i32
        %parallel_loop3A_210 = vector.broadcast %parallel_loop3A_209 : i32 to vector<16xi32>
        %parallel_loop3A_211 = arith.addi %parallel_loop3A_38, %parallel_loop3A_210 : vector<16xi32>
        %parallel_loop3A_212 = tpu.vector_load_idx %arg7[%parallel_loop3A_211] : memref<16384xf32, #tpu.memory_space<vmem>>[vector<16xi32>], vector<16xf32>,
        %parallel_loop3A_213 = arith.constant 5120 : i32
        %parallel_loop3A_214 = vector.broadcast %parallel_loop3A_213 : i32 to vector<16xi32>
        %parallel_loop3A_215 = arith.addi %parallel_loop3A_53, %parallel_loop3A_214 : vector<16xi32>
        %parallel_loop3A_216 = tpu.vector_load_idx %arg7[%parallel_loop3A_215] : memref<16384xf32, #tpu.memory_space<vmem>>[vector<16xi32>], vector<16xf32>,
        %parallel_loop3A_217 = arith.mulf %parallel_loop3A_212, %parallel_loop3A_216 : vector<16xf32>
        %parallel_loop3A_218 = arith.constant 5120 : i32
        %parallel_loop3A_219 = vector.broadcast %parallel_loop3A_218 : i32 to vector<16xi32>
        %parallel_loop3A_220 = arith.addi %parallel_loop3A_68, %parallel_loop3A_219 : vector<16xi32>
        %parallel_loop3A_221 = tpu.vector_load_idx %arg7[%parallel_loop3A_220] : memref<16384xf32, #tpu.memory_space<vmem>>[vector<16xi32>], vector<16xf32>,
        %parallel_loop3A_222 = arith.constant 5120 : i32
        %parallel_loop3A_223 = vector.broadcast %parallel_loop3A_222 : i32 to vector<16xi32>
        %parallel_loop3A_224 = arith.addi %parallel_loop3A_83, %parallel_loop3A_223 : vector<16xi32>
        %parallel_loop3A_225 = tpu.vector_load_idx %arg7[%parallel_loop3A_224] : memref<16384xf32, #tpu.memory_space<vmem>>[vector<16xi32>], vector<16xf32>,
        %parallel_loop3A_226 = arith.mulf %parallel_loop3A_221, %parallel_loop3A_225 : vector<16xf32>
        %parallel_loop3A_227 = arith.constant 5 : i32
        %parallel_loop3A_228 = vector.broadcast %parallel_loop3A_227 : i32 to vector<16xi32>
        %parallel_loop3A_229 = arith.addi %mul3A_6, %parallel_loop3A_228 : vector<16xi32>
        %parallel_loop3A_230 = arith.mulf %parallel_loop3A_217, %parallel_loop3A_226 : vector<16xf32>
        %parallel_loop3A_231 = arith.constant 0 : i32
        %parallel_loop3A_232 = tpu.memref_slice %arg8[%parallel_loop3A_18, %parallel_loop3A_231] : memref<32x272xf32, #tpu.memory_space<vmem>> -> memref<1x272xf32, #tpu.memory_space<vmem>>
        %parallel_loop3A_233 = tpu.memref_squeeze %parallel_loop3A_232 : memref<1x272xf32, #tpu.memory_space<vmem>> -> memref<272xf32, #tpu.memory_space<vmem>>
        tpu.vector_store_idx %parallel_loop3A_233[%parallel_loop3A_229], %parallel_loop3A_230 : memref<272xf32, #tpu.memory_space<vmem>>[vector<16xi32>], vector<16xf32>,
        %parallel_loop3A_234 = arith.constant 6144 : i32
        %parallel_loop3A_235 = vector.broadcast %parallel_loop3A_234 : i32 to vector<16xi32>
        %parallel_loop3A_236 = arith.addi %parallel_loop3A_38, %parallel_loop3A_235 : vector<16xi32>
        %parallel_loop3A_237 = tpu.vector_load_idx %arg7[%parallel_loop3A_236] : memref<16384xf32, #tpu.memory_space<vmem>>[vector<16xi32>], vector<16xf32>,
        %parallel_loop3A_238 = arith.constant 6144 : i32
        %parallel_loop3A_239 = vector.broadcast %parallel_loop3A_238 : i32 to vector<16xi32>
        %parallel_loop3A_240 = arith.addi %parallel_loop3A_53, %parallel_loop3A_239 : vector<16xi32>
        %parallel_loop3A_241 = tpu.vector_load_idx %arg7[%parallel_loop3A_240] : memref<16384xf32, #tpu.memory_space<vmem>>[vector<16xi32>], vector<16xf32>,
        %parallel_loop3A_242 = arith.mulf %parallel_loop3A_237, %parallel_loop3A_241 : vector<16xf32>
        %parallel_loop3A_243 = arith.constant 6144 : i32
        %parallel_loop3A_244 = vector.broadcast %parallel_loop3A_243 : i32 to vector<16xi32>
        %parallel_loop3A_245 = arith.addi %parallel_loop3A_68, %parallel_loop3A_244 : vector<16xi32>
        %parallel_loop3A_246 = tpu.vector_load_idx %arg7[%parallel_loop3A_245] : memref<16384xf32, #tpu.memory_space<vmem>>[vector<16xi32>], vector<16xf32>,
        %parallel_loop3A_247 = arith.constant 6144 : i32
        %parallel_loop3A_248 = vector.broadcast %parallel_loop3A_247 : i32 to vector<16xi32>
        %parallel_loop3A_249 = arith.addi %parallel_loop3A_83, %parallel_loop3A_248 : vector<16xi32>
        %parallel_loop3A_250 = tpu.vector_load_idx %arg7[%parallel_loop3A_249] : memref<16384xf32, #tpu.memory_space<vmem>>[vector<16xi32>], vector<16xf32>,
        %parallel_loop3A_251 = arith.mulf %parallel_loop3A_246, %parallel_loop3A_250 : vector<16xf32>
        %parallel_loop3A_252 = arith.constant 6 : i32
        %parallel_loop3A_253 = vector.broadcast %parallel_loop3A_252 : i32 to vector<16xi32>
        %parallel_loop3A_254 = arith.addi %mul3A_6, %parallel_loop3A_253 : vector<16xi32>
        %parallel_loop3A_255 = arith.mulf %parallel_loop3A_242, %parallel_loop3A_251 : vector<16xf32>
        %parallel_loop3A_256 = arith.constant 0 : i32
        %parallel_loop3A_257 = tpu.memref_slice %arg8[%parallel_loop3A_18, %parallel_loop3A_256] : memref<32x272xf32, #tpu.memory_space<vmem>> -> memref<1x272xf32, #tpu.memory_space<vmem>>
        %parallel_loop3A_258 = tpu.memref_squeeze %parallel_loop3A_257 : memref<1x272xf32, #tpu.memory_space<vmem>> -> memref<272xf32, #tpu.memory_space<vmem>>
        tpu.vector_store_idx %parallel_loop3A_258[%parallel_loop3A_254], %parallel_loop3A_255 : memref<272xf32, #tpu.memory_space<vmem>>[vector<16xi32>], vector<16xf32>,
        %parallel_loop3A_259 = arith.constant 7168 : i32
        %parallel_loop3A_260 = vector.broadcast %parallel_loop3A_259 : i32 to vector<16xi32>
        %parallel_loop3A_261 = arith.addi %parallel_loop3A_38, %parallel_loop3A_260 : vector<16xi32>
        %parallel_loop3A_262 = tpu.vector_load_idx %arg7[%parallel_loop3A_261] : memref<16384xf32, #tpu.memory_space<vmem>>[vector<16xi32>], vector<16xf32>,
        %parallel_loop3A_263 = arith.constant 7168 : i32
        %parallel_loop3A_264 = vector.broadcast %parallel_loop3A_263 : i32 to vector<16xi32>
        %parallel_loop3A_265 = arith.addi %parallel_loop3A_53, %parallel_loop3A_264 : vector<16xi32>
        %parallel_loop3A_266 = tpu.vector_load_idx %arg7[%parallel_loop3A_265] : memref<16384xf32, #tpu.memory_space<vmem>>[vector<16xi32>], vector<16xf32>,
        %parallel_loop3A_267 = arith.mulf %parallel_loop3A_262, %parallel_loop3A_266 : vector<16xf32>
        %parallel_loop3A_268 = arith.constant 7168 : i32
        %parallel_loop3A_269 = vector.broadcast %parallel_loop3A_268 : i32 to vector<16xi32>
        %parallel_loop3A_270 = arith.addi %parallel_loop3A_68, %parallel_loop3A_269 : vector<16xi32>
        %parallel_loop3A_271 = tpu.vector_load_idx %arg7[%parallel_loop3A_270] : memref<16384xf32, #tpu.memory_space<vmem>>[vector<16xi32>], vector<16xf32>,
        %parallel_loop3A_272 = arith.constant 7168 : i32
        %parallel_loop3A_273 = vector.broadcast %parallel_loop3A_272 : i32 to vector<16xi32>
        %parallel_loop3A_274 = arith.addi %parallel_loop3A_83, %parallel_loop3A_273 : vector<16xi32>
        %parallel_loop3A_275 = tpu.vector_load_idx %arg7[%parallel_loop3A_274] : memref<16384xf32, #tpu.memory_space<vmem>>[vector<16xi32>], vector<16xf32>,
        %parallel_loop3A_276 = arith.mulf %parallel_loop3A_271, %parallel_loop3A_275 : vector<16xf32>
        %parallel_loop3A_277 = arith.constant 7 : i32
        %parallel_loop3A_278 = vector.broadcast %parallel_loop3A_277 : i32 to vector<16xi32>
        %parallel_loop3A_279 = arith.addi %mul3A_6, %parallel_loop3A_278 : vector<16xi32>
        %parallel_loop3A_280 = arith.mulf %parallel_loop3A_267, %parallel_loop3A_276 : vector<16xf32>
        %parallel_loop3A_281 = arith.constant 0 : i32
        %parallel_loop3A_282 = tpu.memref_slice %arg8[%parallel_loop3A_18, %parallel_loop3A_281] : memref<32x272xf32, #tpu.memory_space<vmem>> -> memref<1x272xf32, #tpu.memory_space<vmem>>
        %parallel_loop3A_283 = tpu.memref_squeeze %parallel_loop3A_282 : memref<1x272xf32, #tpu.memory_space<vmem>> -> memref<272xf32, #tpu.memory_space<vmem>>
        tpu.vector_store_idx %parallel_loop3A_283[%parallel_loop3A_279], %parallel_loop3A_280 : memref<272xf32, #tpu.memory_space<vmem>>[vector<16xi32>], vector<16xf32>,
        %parallel_loop3A_284 = arith.constant 8192 : i32
        %parallel_loop3A_285 = vector.broadcast %parallel_loop3A_284 : i32 to vector<16xi32>
        %parallel_loop3A_286 = arith.addi %parallel_loop3A_38, %parallel_loop3A_285 : vector<16xi32>
        %parallel_loop3A_287 = tpu.vector_load_idx %arg7[%parallel_loop3A_286] : memref<16384xf32, #tpu.memory_space<vmem>>[vector<16xi32>], vector<16xf32>,
        %parallel_loop3A_288 = arith.constant 8192 : i32
        %parallel_loop3A_289 = vector.broadcast %parallel_loop3A_288 : i32 to vector<16xi32>
        %parallel_loop3A_290 = arith.addi %parallel_loop3A_53, %parallel_loop3A_289 : vector<16xi32>
        %parallel_loop3A_291 = tpu.vector_load_idx %arg7[%parallel_loop3A_290] : memref<16384xf32, #tpu.memory_space<vmem>>[vector<16xi32>], vector<16xf32>,
        %parallel_loop3A_292 = arith.mulf %parallel_loop3A_287, %parallel_loop3A_291 : vector<16xf32>
        %parallel_loop3A_293 = arith.constant 8192 : i32
        %parallel_loop3A_294 = vector.broadcast %parallel_loop3A_293 : i32 to vector<16xi32>
        %parallel_loop3A_295 = arith.addi %parallel_loop3A_68, %parallel_loop3A_294 : vector<16xi32>
        %parallel_loop3A_296 = tpu.vector_load_idx %arg7[%parallel_loop3A_295] : memref<16384xf32, #tpu.memory_space<vmem>>[vector<16xi32>], vector<16xf32>,
        %parallel_loop3A_297 = arith.constant 8192 : i32
        %parallel_loop3A_298 = vector.broadcast %parallel_loop3A_297 : i32 to vector<16xi32>
        %parallel_loop3A_299 = arith.addi %parallel_loop3A_83, %parallel_loop3A_298 : vector<16xi32>
        %parallel_loop3A_300 = tpu.vector_load_idx %arg7[%parallel_loop3A_299] : memref<16384xf32, #tpu.memory_space<vmem>>[vector<16xi32>], vector<16xf32>,
        %parallel_loop3A_301 = arith.mulf %parallel_loop3A_296, %parallel_loop3A_300 : vector<16xf32>
        %parallel_loop3A_302 = arith.constant 8 : i32
        %parallel_loop3A_303 = vector.broadcast %parallel_loop3A_302 : i32 to vector<16xi32>
        %parallel_loop3A_304 = arith.addi %mul3A_6, %parallel_loop3A_303 : vector<16xi32>
        %parallel_loop3A_305 = arith.mulf %parallel_loop3A_292, %parallel_loop3A_301 : vector<16xf32>
        %parallel_loop3A_306 = arith.constant 0 : i32
        %parallel_loop3A_307 = tpu.memref_slice %arg8[%parallel_loop3A_18, %parallel_loop3A_306] : memref<32x272xf32, #tpu.memory_space<vmem>> -> memref<1x272xf32, #tpu.memory_space<vmem>>
        %parallel_loop3A_308 = tpu.memref_squeeze %parallel_loop3A_307 : memref<1x272xf32, #tpu.memory_space<vmem>> -> memref<272xf32, #tpu.memory_space<vmem>>
        tpu.vector_store_idx %parallel_loop3A_308[%parallel_loop3A_304], %parallel_loop3A_305 : memref<272xf32, #tpu.memory_space<vmem>>[vector<16xi32>], vector<16xf32>,
        %parallel_loop3A_309 = arith.constant 9216 : i32
        %parallel_loop3A_310 = vector.broadcast %parallel_loop3A_309 : i32 to vector<16xi32>
        %parallel_loop3A_311 = arith.addi %parallel_loop3A_38, %parallel_loop3A_310 : vector<16xi32>
        %parallel_loop3A_312 = tpu.vector_load_idx %arg7[%parallel_loop3A_311] : memref<16384xf32, #tpu.memory_space<vmem>>[vector<16xi32>], vector<16xf32>,
        %parallel_loop3A_313 = arith.constant 9216 : i32
        %parallel_loop3A_314 = vector.broadcast %parallel_loop3A_313 : i32 to vector<16xi32>
        %parallel_loop3A_315 = arith.addi %parallel_loop3A_53, %parallel_loop3A_314 : vector<16xi32>
        %parallel_loop3A_316 = tpu.vector_load_idx %arg7[%parallel_loop3A_315] : memref<16384xf32, #tpu.memory_space<vmem>>[vector<16xi32>], vector<16xf32>,
        %parallel_loop3A_317 = arith.mulf %parallel_loop3A_312, %parallel_loop3A_316 : vector<16xf32>
        %parallel_loop3A_318 = arith.constant 9216 : i32
        %parallel_loop3A_319 = vector.broadcast %parallel_loop3A_318 : i32 to vector<16xi32>
        %parallel_loop3A_320 = arith.addi %parallel_loop3A_68, %parallel_loop3A_319 : vector<16xi32>
        %parallel_loop3A_321 = tpu.vector_load_idx %arg7[%parallel_loop3A_320] : memref<16384xf32, #tpu.memory_space<vmem>>[vector<16xi32>], vector<16xf32>,
        %parallel_loop3A_322 = arith.constant 9216 : i32
        %parallel_loop3A_323 = vector.broadcast %parallel_loop3A_322 : i32 to vector<16xi32>
        %parallel_loop3A_324 = arith.addi %parallel_loop3A_83, %parallel_loop3A_323 : vector<16xi32>
        %parallel_loop3A_325 = tpu.vector_load_idx %arg7[%parallel_loop3A_324] : memref<16384xf32, #tpu.memory_space<vmem>>[vector<16xi32>], vector<16xf32>,
        %parallel_loop3A_326 = arith.mulf %parallel_loop3A_321, %parallel_loop3A_325 : vector<16xf32>
        %parallel_loop3A_327 = arith.constant 9 : i32
        %parallel_loop3A_328 = vector.broadcast %parallel_loop3A_327 : i32 to vector<16xi32>
        %parallel_loop3A_329 = arith.addi %mul3A_6, %parallel_loop3A_328 : vector<16xi32>
        %parallel_loop3A_330 = arith.mulf %parallel_loop3A_317, %parallel_loop3A_326 : vector<16xf32>
        %parallel_loop3A_331 = arith.constant 0 : i32
        %parallel_loop3A_332 = tpu.memref_slice %arg8[%parallel_loop3A_18, %parallel_loop3A_331] : memref<32x272xf32, #tpu.memory_space<vmem>> -> memref<1x272xf32, #tpu.memory_space<vmem>>
        %parallel_loop3A_333 = tpu.memref_squeeze %parallel_loop3A_332 : memref<1x272xf32, #tpu.memory_space<vmem>> -> memref<272xf32, #tpu.memory_space<vmem>>
        tpu.vector_store_idx %parallel_loop3A_333[%parallel_loop3A_329], %parallel_loop3A_330 : memref<272xf32, #tpu.memory_space<vmem>>[vector<16xi32>], vector<16xf32>,
        %parallel_loop3A_334 = arith.constant 10240 : i32
        %parallel_loop3A_335 = vector.broadcast %parallel_loop3A_334 : i32 to vector<16xi32>
        %parallel_loop3A_336 = arith.addi %parallel_loop3A_38, %parallel_loop3A_335 : vector<16xi32>
        %parallel_loop3A_337 = tpu.vector_load_idx %arg7[%parallel_loop3A_336] : memref<16384xf32, #tpu.memory_space<vmem>>[vector<16xi32>], vector<16xf32>,
        %parallel_loop3A_338 = arith.constant 10240 : i32
        %parallel_loop3A_339 = vector.broadcast %parallel_loop3A_338 : i32 to vector<16xi32>
        %parallel_loop3A_340 = arith.addi %parallel_loop3A_53, %parallel_loop3A_339 : vector<16xi32>
        %parallel_loop3A_341 = tpu.vector_load_idx %arg7[%parallel_loop3A_340] : memref<16384xf32, #tpu.memory_space<vmem>>[vector<16xi32>], vector<16xf32>,
        %parallel_loop3A_342 = arith.mulf %parallel_loop3A_337, %parallel_loop3A_341 : vector<16xf32>
        %parallel_loop3A_343 = arith.constant 10240 : i32
        %parallel_loop3A_344 = vector.broadcast %parallel_loop3A_343 : i32 to vector<16xi32>
        %parallel_loop3A_345 = arith.addi %parallel_loop3A_68, %parallel_loop3A_344 : vector<16xi32>
        %parallel_loop3A_346 = tpu.vector_load_idx %arg7[%parallel_loop3A_345] : memref<16384xf32, #tpu.memory_space<vmem>>[vector<16xi32>], vector<16xf32>,
        %parallel_loop3A_347 = arith.constant 10240 : i32
        %parallel_loop3A_348 = vector.broadcast %parallel_loop3A_347 : i32 to vector<16xi32>
        %parallel_loop3A_349 = arith.addi %parallel_loop3A_83, %parallel_loop3A_348 : vector<16xi32>
        %parallel_loop3A_350 = tpu.vector_load_idx %arg7[%parallel_loop3A_349] : memref<16384xf32, #tpu.memory_space<vmem>>[vector<16xi32>], vector<16xf32>,
        %parallel_loop3A_351 = arith.mulf %parallel_loop3A_346, %parallel_loop3A_350 : vector<16xf32>
        %parallel_loop3A_352 = arith.constant 10 : i32
        %parallel_loop3A_353 = vector.broadcast %parallel_loop3A_352 : i32 to vector<16xi32>
        %parallel_loop3A_354 = arith.addi %mul3A_6, %parallel_loop3A_353 : vector<16xi32>
        %parallel_loop3A_355 = arith.mulf %parallel_loop3A_342, %parallel_loop3A_351 : vector<16xf32>
        %parallel_loop3A_356 = arith.constant 0 : i32
        %parallel_loop3A_357 = tpu.memref_slice %arg8[%parallel_loop3A_18, %parallel_loop3A_356] : memref<32x272xf32, #tpu.memory_space<vmem>> -> memref<1x272xf32, #tpu.memory_space<vmem>>
        %parallel_loop3A_358 = tpu.memref_squeeze %parallel_loop3A_357 : memref<1x272xf32, #tpu.memory_space<vmem>> -> memref<272xf32, #tpu.memory_space<vmem>>
        tpu.vector_store_idx %parallel_loop3A_358[%parallel_loop3A_354], %parallel_loop3A_355 : memref<272xf32, #tpu.memory_space<vmem>>[vector<16xi32>], vector<16xf32>,
        %parallel_loop3A_359 = arith.constant 11264 : i32
        %parallel_loop3A_360 = vector.broadcast %parallel_loop3A_359 : i32 to vector<16xi32>
        %parallel_loop3A_361 = arith.addi %parallel_loop3A_38, %parallel_loop3A_360 : vector<16xi32>
        %parallel_loop3A_362 = tpu.vector_load_idx %arg7[%parallel_loop3A_361] : memref<16384xf32, #tpu.memory_space<vmem>>[vector<16xi32>], vector<16xf32>,
        %parallel_loop3A_363 = arith.constant 11264 : i32
        %parallel_loop3A_364 = vector.broadcast %parallel_loop3A_363 : i32 to vector<16xi32>
        %parallel_loop3A_365 = arith.addi %parallel_loop3A_53, %parallel_loop3A_364 : vector<16xi32>
        %parallel_loop3A_366 = tpu.vector_load_idx %arg7[%parallel_loop3A_365] : memref<16384xf32, #tpu.memory_space<vmem>>[vector<16xi32>], vector<16xf32>,
        %parallel_loop3A_367 = arith.mulf %parallel_loop3A_362, %parallel_loop3A_366 : vector<16xf32>
        %parallel_loop3A_368 = arith.constant 11264 : i32
        %parallel_loop3A_369 = vector.broadcast %parallel_loop3A_368 : i32 to vector<16xi32>
        %parallel_loop3A_370 = arith.addi %parallel_loop3A_68, %parallel_loop3A_369 : vector<16xi32>
        %parallel_loop3A_371 = tpu.vector_load_idx %arg7[%parallel_loop3A_370] : memref<16384xf32, #tpu.memory_space<vmem>>[vector<16xi32>], vector<16xf32>,
        %parallel_loop3A_372 = arith.constant 11264 : i32
        %parallel_loop3A_373 = vector.broadcast %parallel_loop3A_372 : i32 to vector<16xi32>
        %parallel_loop3A_374 = arith.addi %parallel_loop3A_83, %parallel_loop3A_373 : vector<16xi32>
        %parallel_loop3A_375 = tpu.vector_load_idx %arg7[%parallel_loop3A_374] : memref<16384xf32, #tpu.memory_space<vmem>>[vector<16xi32>], vector<16xf32>,
        %parallel_loop3A_376 = arith.mulf %parallel_loop3A_371, %parallel_loop3A_375 : vector<16xf32>
        %parallel_loop3A_377 = arith.constant 11 : i32
        %parallel_loop3A_378 = vector.broadcast %parallel_loop3A_377 : i32 to vector<16xi32>
        %parallel_loop3A_379 = arith.addi %mul3A_6, %parallel_loop3A_378 : vector<16xi32>
        %parallel_loop3A_380 = arith.mulf %parallel_loop3A_367, %parallel_loop3A_376 : vector<16xf32>
        %parallel_loop3A_381 = arith.constant 0 : i32
        %parallel_loop3A_382 = tpu.memref_slice %arg8[%parallel_loop3A_18, %parallel_loop3A_381] : memref<32x272xf32, #tpu.memory_space<vmem>> -> memref<1x272xf32, #tpu.memory_space<vmem>>
        %parallel_loop3A_383 = tpu.memref_squeeze %parallel_loop3A_382 : memref<1x272xf32, #tpu.memory_space<vmem>> -> memref<272xf32, #tpu.memory_space<vmem>>
        tpu.vector_store_idx %parallel_loop3A_383[%parallel_loop3A_379], %parallel_loop3A_380 : memref<272xf32, #tpu.memory_space<vmem>>[vector<16xi32>], vector<16xf32>,
        %parallel_loop3A_384 = arith.constant 12288 : i32
        %parallel_loop3A_385 = vector.broadcast %parallel_loop3A_384 : i32 to vector<16xi32>
        %parallel_loop3A_386 = arith.addi %parallel_loop3A_38, %parallel_loop3A_385 : vector<16xi32>
        %parallel_loop3A_387 = tpu.vector_load_idx %arg7[%parallel_loop3A_386] : memref<16384xf32, #tpu.memory_space<vmem>>[vector<16xi32>], vector<16xf32>,
        %parallel_loop3A_388 = arith.constant 12288 : i32
        %parallel_loop3A_389 = vector.broadcast %parallel_loop3A_388 : i32 to vector<16xi32>
        %parallel_loop3A_390 = arith.addi %parallel_loop3A_53, %parallel_loop3A_389 : vector<16xi32>
        %parallel_loop3A_391 = tpu.vector_load_idx %arg7[%parallel_loop3A_390] : memref<16384xf32, #tpu.memory_space<vmem>>[vector<16xi32>], vector<16xf32>,
        %parallel_loop3A_392 = arith.mulf %parallel_loop3A_387, %parallel_loop3A_391 : vector<16xf32>
        %parallel_loop3A_393 = arith.constant 12288 : i32
        %parallel_loop3A_394 = vector.broadcast %parallel_loop3A_393 : i32 to vector<16xi32>
        %parallel_loop3A_395 = arith.addi %parallel_loop3A_68, %parallel_loop3A_394 : vector<16xi32>
        %parallel_loop3A_396 = tpu.vector_load_idx %arg7[%parallel_loop3A_395] : memref<16384xf32, #tpu.memory_space<vmem>>[vector<16xi32>], vector<16xf32>,
        %parallel_loop3A_397 = arith.constant 12288 : i32
        %parallel_loop3A_398 = vector.broadcast %parallel_loop3A_397 : i32 to vector<16xi32>
        %parallel_loop3A_399 = arith.addi %parallel_loop3A_83, %parallel_loop3A_398 : vector<16xi32>
        %parallel_loop3A_400 = tpu.vector_load_idx %arg7[%parallel_loop3A_399] : memref<16384xf32, #tpu.memory_space<vmem>>[vector<16xi32>], vector<16xf32>,
        %parallel_loop3A_401 = arith.mulf %parallel_loop3A_396, %parallel_loop3A_400 : vector<16xf32>
        %parallel_loop3A_402 = arith.constant 12 : i32
        %parallel_loop3A_403 = vector.broadcast %parallel_loop3A_402 : i32 to vector<16xi32>
        %parallel_loop3A_404 = arith.addi %mul3A_6, %parallel_loop3A_403 : vector<16xi32>
        %parallel_loop3A_405 = arith.mulf %parallel_loop3A_392, %parallel_loop3A_401 : vector<16xf32>
        %parallel_loop3A_406 = arith.constant 0 : i32
        %parallel_loop3A_407 = tpu.memref_slice %arg8[%parallel_loop3A_18, %parallel_loop3A_406] : memref<32x272xf32, #tpu.memory_space<vmem>> -> memref<1x272xf32, #tpu.memory_space<vmem>>
        %parallel_loop3A_408 = tpu.memref_squeeze %parallel_loop3A_407 : memref<1x272xf32, #tpu.memory_space<vmem>> -> memref<272xf32, #tpu.memory_space<vmem>>
        tpu.vector_store_idx %parallel_loop3A_408[%parallel_loop3A_404], %parallel_loop3A_405 : memref<272xf32, #tpu.memory_space<vmem>>[vector<16xi32>], vector<16xf32>,
        %parallel_loop3A_409 = arith.constant 13312 : i32
        %parallel_loop3A_410 = vector.broadcast %parallel_loop3A_409 : i32 to vector<16xi32>
        %parallel_loop3A_411 = arith.addi %parallel_loop3A_38, %parallel_loop3A_410 : vector<16xi32>
        %parallel_loop3A_412 = tpu.vector_load_idx %arg7[%parallel_loop3A_411] : memref<16384xf32, #tpu.memory_space<vmem>>[vector<16xi32>], vector<16xf32>,
        %parallel_loop3A_413 = arith.constant 13312 : i32
        %parallel_loop3A_414 = vector.broadcast %parallel_loop3A_413 : i32 to vector<16xi32>
        %parallel_loop3A_415 = arith.addi %parallel_loop3A_53, %parallel_loop3A_414 : vector<16xi32>
        %parallel_loop3A_416 = tpu.vector_load_idx %arg7[%parallel_loop3A_415] : memref<16384xf32, #tpu.memory_space<vmem>>[vector<16xi32>], vector<16xf32>,
        %parallel_loop3A_417 = arith.mulf %parallel_loop3A_412, %parallel_loop3A_416 : vector<16xf32>
        %parallel_loop3A_418 = arith.constant 13312 : i32
        %parallel_loop3A_419 = vector.broadcast %parallel_loop3A_418 : i32 to vector<16xi32>
        %parallel_loop3A_420 = arith.addi %parallel_loop3A_68, %parallel_loop3A_419 : vector<16xi32>
        %parallel_loop3A_421 = tpu.vector_load_idx %arg7[%parallel_loop3A_420] : memref<16384xf32, #tpu.memory_space<vmem>>[vector<16xi32>], vector<16xf32>,
        %parallel_loop3A_422 = arith.constant 13312 : i32
        %parallel_loop3A_423 = vector.broadcast %parallel_loop3A_422 : i32 to vector<16xi32>
        %parallel_loop3A_424 = arith.addi %parallel_loop3A_83, %parallel_loop3A_423 : vector<16xi32>
        %parallel_loop3A_425 = tpu.vector_load_idx %arg7[%parallel_loop3A_424] : memref<16384xf32, #tpu.memory_space<vmem>>[vector<16xi32>], vector<16xf32>,
        %parallel_loop3A_426 = arith.mulf %parallel_loop3A_421, %parallel_loop3A_425 : vector<16xf32>
        %parallel_loop3A_427 = arith.constant 13 : i32
        %parallel_loop3A_428 = vector.broadcast %parallel_loop3A_427 : i32 to vector<16xi32>
        %parallel_loop3A_429 = arith.addi %mul3A_6, %parallel_loop3A_428 : vector<16xi32>
        %parallel_loop3A_430 = arith.mulf %parallel_loop3A_417, %parallel_loop3A_426 : vector<16xf32>
        %parallel_loop3A_431 = arith.constant 0 : i32
        %parallel_loop3A_432 = tpu.memref_slice %arg8[%parallel_loop3A_18, %parallel_loop3A_431] : memref<32x272xf32, #tpu.memory_space<vmem>> -> memref<1x272xf32, #tpu.memory_space<vmem>>
        %parallel_loop3A_433 = tpu.memref_squeeze %parallel_loop3A_432 : memref<1x272xf32, #tpu.memory_space<vmem>> -> memref<272xf32, #tpu.memory_space<vmem>>
        tpu.vector_store_idx %parallel_loop3A_433[%parallel_loop3A_429], %parallel_loop3A_430 : memref<272xf32, #tpu.memory_space<vmem>>[vector<16xi32>], vector<16xf32>,
        %parallel_loop3A_434 = arith.constant 14336 : i32
        %parallel_loop3A_435 = vector.broadcast %parallel_loop3A_434 : i32 to vector<16xi32>
        %parallel_loop3A_436 = arith.addi %parallel_loop3A_38, %parallel_loop3A_435 : vector<16xi32>
        %parallel_loop3A_437 = tpu.vector_load_idx %arg7[%parallel_loop3A_436] : memref<16384xf32, #tpu.memory_space<vmem>>[vector<16xi32>], vector<16xf32>,
        %parallel_loop3A_438 = arith.constant 14336 : i32
        %parallel_loop3A_439 = vector.broadcast %parallel_loop3A_438 : i32 to vector<16xi32>
        %parallel_loop3A_440 = arith.addi %parallel_loop3A_53, %parallel_loop3A_439 : vector<16xi32>
        %parallel_loop3A_441 = tpu.vector_load_idx %arg7[%parallel_loop3A_440] : memref<16384xf32, #tpu.memory_space<vmem>>[vector<16xi32>], vector<16xf32>,
        %parallel_loop3A_442 = arith.mulf %parallel_loop3A_437, %parallel_loop3A_441 : vector<16xf32>
        %parallel_loop3A_443 = arith.constant 14336 : i32
        %parallel_loop3A_444 = vector.broadcast %parallel_loop3A_443 : i32 to vector<16xi32>
        %parallel_loop3A_445 = arith.addi %parallel_loop3A_68, %parallel_loop3A_444 : vector<16xi32>
        %parallel_loop3A_446 = tpu.vector_load_idx %arg7[%parallel_loop3A_445] : memref<16384xf32, #tpu.memory_space<vmem>>[vector<16xi32>], vector<16xf32>,
        %parallel_loop3A_447 = arith.constant 14336 : i32
        %parallel_loop3A_448 = vector.broadcast %parallel_loop3A_447 : i32 to vector<16xi32>
        %parallel_loop3A_449 = arith.addi %parallel_loop3A_83, %parallel_loop3A_448 : vector<16xi32>
        %parallel_loop3A_450 = tpu.vector_load_idx %arg7[%parallel_loop3A_449] : memref<16384xf32, #tpu.memory_space<vmem>>[vector<16xi32>], vector<16xf32>,
        %parallel_loop3A_451 = arith.mulf %parallel_loop3A_446, %parallel_loop3A_450 : vector<16xf32>
        %parallel_loop3A_452 = arith.constant 14 : i32
        %parallel_loop3A_453 = vector.broadcast %parallel_loop3A_452 : i32 to vector<16xi32>
        %parallel_loop3A_454 = arith.addi %mul3A_6, %parallel_loop3A_453 : vector<16xi32>
        %parallel_loop3A_455 = arith.mulf %parallel_loop3A_442, %parallel_loop3A_451 : vector<16xf32>
        %parallel_loop3A_456 = arith.constant 0 : i32
        %parallel_loop3A_457 = tpu.memref_slice %arg8[%parallel_loop3A_18, %parallel_loop3A_456] : memref<32x272xf32, #tpu.memory_space<vmem>> -> memref<1x272xf32, #tpu.memory_space<vmem>>
        %parallel_loop3A_458 = tpu.memref_squeeze %parallel_loop3A_457 : memref<1x272xf32, #tpu.memory_space<vmem>> -> memref<272xf32, #tpu.memory_space<vmem>>
        tpu.vector_store_idx %parallel_loop3A_458[%parallel_loop3A_454], %parallel_loop3A_455 : memref<272xf32, #tpu.memory_space<vmem>>[vector<16xi32>], vector<16xf32>,
        %parallel_loop3A_459 = arith.constant 15360 : i32
        %parallel_loop3A_460 = vector.broadcast %parallel_loop3A_459 : i32 to vector<16xi32>
        %parallel_loop3A_461 = arith.addi %parallel_loop3A_38, %parallel_loop3A_460 : vector<16xi32>
        %parallel_loop3A_462 = tpu.vector_load_idx %arg7[%parallel_loop3A_461] : memref<16384xf32, #tpu.memory_space<vmem>>[vector<16xi32>], vector<16xf32>,
        %parallel_loop3A_463 = arith.constant 15360 : i32
        %parallel_loop3A_464 = vector.broadcast %parallel_loop3A_463 : i32 to vector<16xi32>
        %parallel_loop3A_465 = arith.addi %parallel_loop3A_53, %parallel_loop3A_464 : vector<16xi32>
        %parallel_loop3A_466 = tpu.vector_load_idx %arg7[%parallel_loop3A_465] : memref<16384xf32, #tpu.memory_space<vmem>>[vector<16xi32>], vector<16xf32>,
        %parallel_loop3A_467 = arith.mulf %parallel_loop3A_462, %parallel_loop3A_466 : vector<16xf32>
        %parallel_loop3A_468 = arith.constant 15360 : i32
        %parallel_loop3A_469 = vector.broadcast %parallel_loop3A_468 : i32 to vector<16xi32>
        %parallel_loop3A_470 = arith.addi %parallel_loop3A_68, %parallel_loop3A_469 : vector<16xi32>
        %parallel_loop3A_471 = tpu.vector_load_idx %arg7[%parallel_loop3A_470] : memref<16384xf32, #tpu.memory_space<vmem>>[vector<16xi32>], vector<16xf32>,
        %parallel_loop3A_472 = arith.constant 15360 : i32
        %parallel_loop3A_473 = vector.broadcast %parallel_loop3A_472 : i32 to vector<16xi32>
        %parallel_loop3A_474 = arith.addi %parallel_loop3A_83, %parallel_loop3A_473 : vector<16xi32>
        %parallel_loop3A_475 = tpu.vector_load_idx %arg7[%parallel_loop3A_474] : memref<16384xf32, #tpu.memory_space<vmem>>[vector<16xi32>], vector<16xf32>,
        %parallel_loop3A_476 = arith.mulf %parallel_loop3A_471, %parallel_loop3A_475 : vector<16xf32>
        %parallel_loop3A_477 = arith.constant 15 : i32
        %parallel_loop3A_478 = vector.broadcast %parallel_loop3A_477 : i32 to vector<16xi32>
        %parallel_loop3A_479 = arith.addi %mul3A_6, %parallel_loop3A_478 : vector<16xi32>
        %parallel_loop3A_480 = arith.mulf %parallel_loop3A_467, %parallel_loop3A_476 : vector<16xf32>
        %parallel_loop3A_481 = arith.constant 0 : i32
        %parallel_loop3A_482 = tpu.memref_slice %arg8[%parallel_loop3A_18, %parallel_loop3A_481] : memref<32x272xf32, #tpu.memory_space<vmem>> -> memref<1x272xf32, #tpu.memory_space<vmem>>
        %parallel_loop3A_483 = tpu.memref_squeeze %parallel_loop3A_482 : memref<1x272xf32, #tpu.memory_space<vmem>> -> memref<272xf32, #tpu.memory_space<vmem>>
        tpu.vector_store_idx %parallel_loop3A_483[%parallel_loop3A_479], %parallel_loop3A_480 : memref<272xf32, #tpu.memory_space<vmem>>[vector<16xi32>], vector<16xf32>,
      } {sc.loop_unroll_factor = 1 : i64, sc.parallel_access}
      %parallel_loop3A_15 = arith.constant 0 : i32
      %parallel_loop3A_16 = arith.constant 32 : i32
      %parallel_loop3A_17 = arith.constant 1 : i32
      scf.for %parallel_loop3A_18 = %parallel_loop3A_15 to %parallel_loop3A_16 step %parallel_loop3A_17  : i32 {
        %parallel_loop3A_19 = arith.constant 32 : i32
        %parallel_loop3A_20 = arith.muli %scan3A_12, %parallel_loop3A_19 : i32
        %parallel_loop3A_21 = arith.addi %parallel_loop3A_20, %parallel_loop3A_18 : i32
        %parallel_loop3A_22 = arith.constant 0 : i32
        %parallel_loop3A_23 = vector.broadcast %parallel_loop3A_22 : i32 to vector<16xi32>
        %parallel_loop3A_24 = arith.addi %iota3A, %parallel_loop3A_23 : vector<16xi32>
        %parallel_loop3A_25 = arith.constant 0 : i32
        %parallel_loop3A_26 = tpu.memref_slice %arg8[%parallel_loop3A_18, %parallel_loop3A_25] : memref<32x272xf32, #tpu.memory_space<vmem>> -> memref<1x272xf32, #tpu.memory_space<vmem>>
        %parallel_loop3A_27 = tpu.memref_squeeze %parallel_loop3A_26 : memref<1x272xf32, #tpu.memory_space<vmem>> -> memref<272xf32, #tpu.memory_space<vmem>>
        %parallel_loop3A_28 = tpu.vector_load_idx %parallel_loop3A_27[%parallel_loop3A_24] : memref<272xf32, #tpu.memory_space<vmem>>[vector<16xi32>], vector<16xf32>,
        %parallel_loop3A_29 = arith.constant 17 : i32
        %parallel_loop3A_30 = vector.broadcast %parallel_loop3A_29 : i32 to vector<16xi32>
        %parallel_loop3A_31 = arith.addi %iota3A, %parallel_loop3A_30 : vector<16xi32>
        %parallel_loop3A_32 = arith.constant 0 : i32
        %parallel_loop3A_33 = tpu.memref_slice %arg8[%parallel_loop3A_18, %parallel_loop3A_32] : memref<32x272xf32, #tpu.memory_space<vmem>> -> memref<1x272xf32, #tpu.memory_space<vmem>>
        %parallel_loop3A_34 = tpu.memref_squeeze %parallel_loop3A_33 : memref<1x272xf32, #tpu.memory_space<vmem>> -> memref<272xf32, #tpu.memory_space<vmem>>
        %parallel_loop3A_35 = tpu.vector_load_idx %parallel_loop3A_34[%parallel_loop3A_31] : memref<272xf32, #tpu.memory_space<vmem>>[vector<16xi32>], vector<16xf32>,
        %parallel_loop3A_36 = arith.constant 34 : i32
        %parallel_loop3A_37 = vector.broadcast %parallel_loop3A_36 : i32 to vector<16xi32>
        %parallel_loop3A_38 = arith.addi %iota3A, %parallel_loop3A_37 : vector<16xi32>
        %parallel_loop3A_39 = arith.constant 0 : i32
        %parallel_loop3A_40 = tpu.memref_slice %arg8[%parallel_loop3A_18, %parallel_loop3A_39] : memref<32x272xf32, #tpu.memory_space<vmem>> -> memref<1x272xf32, #tpu.memory_space<vmem>>
        %parallel_loop3A_41 = tpu.memref_squeeze %parallel_loop3A_40 : memref<1x272xf32, #tpu.memory_space<vmem>> -> memref<272xf32, #tpu.memory_space<vmem>>
        %parallel_loop3A_42 = tpu.vector_load_idx %parallel_loop3A_41[%parallel_loop3A_38] : memref<272xf32, #tpu.memory_space<vmem>>[vector<16xi32>], vector<16xf32>,
        %parallel_loop3A_43 = arith.constant 51 : i32
        %parallel_loop3A_44 = vector.broadcast %parallel_loop3A_43 : i32 to vector<16xi32>
        %parallel_loop3A_45 = arith.addi %iota3A, %parallel_loop3A_44 : vector<16xi32>
        %parallel_loop3A_46 = arith.constant 0 : i32
        %parallel_loop3A_47 = tpu.memref_slice %arg8[%parallel_loop3A_18, %parallel_loop3A_46] : memref<32x272xf32, #tpu.memory_space<vmem>> -> memref<1x272xf32, #tpu.memory_space<vmem>>
        %parallel_loop3A_48 = tpu.memref_squeeze %parallel_loop3A_47 : memref<1x272xf32, #tpu.memory_space<vmem>> -> memref<272xf32, #tpu.memory_space<vmem>>
        %parallel_loop3A_49 = tpu.vector_load_idx %parallel_loop3A_48[%parallel_loop3A_45] : memref<272xf32, #tpu.memory_space<vmem>>[vector<16xi32>], vector<16xf32>,
        %parallel_loop3A_50 = arith.constant 68 : i32
        %parallel_loop3A_51 = vector.broadcast %parallel_loop3A_50 : i32 to vector<16xi32>
        %parallel_loop3A_52 = arith.addi %iota3A, %parallel_loop3A_51 : vector<16xi32>
        %parallel_loop3A_53 = arith.constant 0 : i32
        %parallel_loop3A_54 = tpu.memref_slice %arg8[%parallel_loop3A_18, %parallel_loop3A_53] : memref<32x272xf32, #tpu.memory_space<vmem>> -> memref<1x272xf32, #tpu.memory_space<vmem>>
        %parallel_loop3A_55 = tpu.memref_squeeze %parallel_loop3A_54 : memref<1x272xf32, #tpu.memory_space<vmem>> -> memref<272xf32, #tpu.memory_space<vmem>>
        %parallel_loop3A_56 = tpu.vector_load_idx %parallel_loop3A_55[%parallel_loop3A_52] : memref<272xf32, #tpu.memory_space<vmem>>[vector<16xi32>], vector<16xf32>,
        %parallel_loop3A_57 = arith.constant 85 : i32
        %parallel_loop3A_58 = vector.broadcast %parallel_loop3A_57 : i32 to vector<16xi32>
        %parallel_loop3A_59 = arith.addi %iota3A, %parallel_loop3A_58 : vector<16xi32>
        %parallel_loop3A_60 = arith.constant 0 : i32
        %parallel_loop3A_61 = tpu.memref_slice %arg8[%parallel_loop3A_18, %parallel_loop3A_60] : memref<32x272xf32, #tpu.memory_space<vmem>> -> memref<1x272xf32, #tpu.memory_space<vmem>>
        %parallel_loop3A_62 = tpu.memref_squeeze %parallel_loop3A_61 : memref<1x272xf32, #tpu.memory_space<vmem>> -> memref<272xf32, #tpu.memory_space<vmem>>
        %parallel_loop3A_63 = tpu.vector_load_idx %parallel_loop3A_62[%parallel_loop3A_59] : memref<272xf32, #tpu.memory_space<vmem>>[vector<16xi32>], vector<16xf32>,
        %parallel_loop3A_64 = arith.constant 102 : i32
        %parallel_loop3A_65 = vector.broadcast %parallel_loop3A_64 : i32 to vector<16xi32>
        %parallel_loop3A_66 = arith.addi %iota3A, %parallel_loop3A_65 : vector<16xi32>
        %parallel_loop3A_67 = arith.constant 0 : i32
        %parallel_loop3A_68 = tpu.memref_slice %arg8[%parallel_loop3A_18, %parallel_loop3A_67] : memref<32x272xf32, #tpu.memory_space<vmem>> -> memref<1x272xf32, #tpu.memory_space<vmem>>
        %parallel_loop3A_69 = tpu.memref_squeeze %parallel_loop3A_68 : memref<1x272xf32, #tpu.memory_space<vmem>> -> memref<272xf32, #tpu.memory_space<vmem>>
        %parallel_loop3A_70 = tpu.vector_load_idx %parallel_loop3A_69[%parallel_loop3A_66] : memref<272xf32, #tpu.memory_space<vmem>>[vector<16xi32>], vector<16xf32>,
        %parallel_loop3A_71 = arith.constant 119 : i32
        %parallel_loop3A_72 = vector.broadcast %parallel_loop3A_71 : i32 to vector<16xi32>
        %parallel_loop3A_73 = arith.addi %iota3A, %parallel_loop3A_72 : vector<16xi32>
        %parallel_loop3A_74 = arith.constant 0 : i32
        %parallel_loop3A_75 = tpu.memref_slice %arg8[%parallel_loop3A_18, %parallel_loop3A_74] : memref<32x272xf32, #tpu.memory_space<vmem>> -> memref<1x272xf32, #tpu.memory_space<vmem>>
        %parallel_loop3A_76 = tpu.memref_squeeze %parallel_loop3A_75 : memref<1x272xf32, #tpu.memory_space<vmem>> -> memref<272xf32, #tpu.memory_space<vmem>>
        %parallel_loop3A_77 = tpu.vector_load_idx %parallel_loop3A_76[%parallel_loop3A_73] : memref<272xf32, #tpu.memory_space<vmem>>[vector<16xi32>], vector<16xf32>,
        %parallel_loop3A_78 = arith.constant 136 : i32
        %parallel_loop3A_79 = vector.broadcast %parallel_loop3A_78 : i32 to vector<16xi32>
        %parallel_loop3A_80 = arith.addi %iota3A, %parallel_loop3A_79 : vector<16xi32>
        %parallel_loop3A_81 = arith.constant 0 : i32
        %parallel_loop3A_82 = tpu.memref_slice %arg8[%parallel_loop3A_18, %parallel_loop3A_81] : memref<32x272xf32, #tpu.memory_space<vmem>> -> memref<1x272xf32, #tpu.memory_space<vmem>>
        %parallel_loop3A_83 = tpu.memref_squeeze %parallel_loop3A_82 : memref<1x272xf32, #tpu.memory_space<vmem>> -> memref<272xf32, #tpu.memory_space<vmem>>
        %parallel_loop3A_84 = tpu.vector_load_idx %parallel_loop3A_83[%parallel_loop3A_80] : memref<272xf32, #tpu.memory_space<vmem>>[vector<16xi32>], vector<16xf32>,
        %parallel_loop3A_85 = arith.constant 153 : i32
        %parallel_loop3A_86 = vector.broadcast %parallel_loop3A_85 : i32 to vector<16xi32>
        %parallel_loop3A_87 = arith.addi %iota3A, %parallel_loop3A_86 : vector<16xi32>
        %parallel_loop3A_88 = arith.constant 0 : i32
        %parallel_loop3A_89 = tpu.memref_slice %arg8[%parallel_loop3A_18, %parallel_loop3A_88] : memref<32x272xf32, #tpu.memory_space<vmem>> -> memref<1x272xf32, #tpu.memory_space<vmem>>
        %parallel_loop3A_90 = tpu.memref_squeeze %parallel_loop3A_89 : memref<1x272xf32, #tpu.memory_space<vmem>> -> memref<272xf32, #tpu.memory_space<vmem>>
        %parallel_loop3A_91 = tpu.vector_load_idx %parallel_loop3A_90[%parallel_loop3A_87] : memref<272xf32, #tpu.memory_space<vmem>>[vector<16xi32>], vector<16xf32>,
        %parallel_loop3A_92 = arith.constant 170 : i32
        %parallel_loop3A_93 = vector.broadcast %parallel_loop3A_92 : i32 to vector<16xi32>
        %parallel_loop3A_94 = arith.addi %iota3A, %parallel_loop3A_93 : vector<16xi32>
        %parallel_loop3A_95 = arith.constant 0 : i32
        %parallel_loop3A_96 = tpu.memref_slice %arg8[%parallel_loop3A_18, %parallel_loop3A_95] : memref<32x272xf32, #tpu.memory_space<vmem>> -> memref<1x272xf32, #tpu.memory_space<vmem>>
        %parallel_loop3A_97 = tpu.memref_squeeze %parallel_loop3A_96 : memref<1x272xf32, #tpu.memory_space<vmem>> -> memref<272xf32, #tpu.memory_space<vmem>>
        %parallel_loop3A_98 = tpu.vector_load_idx %parallel_loop3A_97[%parallel_loop3A_94] : memref<272xf32, #tpu.memory_space<vmem>>[vector<16xi32>], vector<16xf32>,
        %parallel_loop3A_99 = arith.constant 187 : i32
        %parallel_loop3A_100 = vector.broadcast %parallel_loop3A_99 : i32 to vector<16xi32>
        %parallel_loop3A_101 = arith.addi %iota3A, %parallel_loop3A_100 : vector<16xi32>
        %parallel_loop3A_102 = arith.constant 0 : i32
        %parallel_loop3A_103 = tpu.memref_slice %arg8[%parallel_loop3A_18, %parallel_loop3A_102] : memref<32x272xf32, #tpu.memory_space<vmem>> -> memref<1x272xf32, #tpu.memory_space<vmem>>
        %parallel_loop3A_104 = tpu.memref_squeeze %parallel_loop3A_103 : memref<1x272xf32, #tpu.memory_space<vmem>> -> memref<272xf32, #tpu.memory_space<vmem>>
        %parallel_loop3A_105 = tpu.vector_load_idx %parallel_loop3A_104[%parallel_loop3A_101] : memref<272xf32, #tpu.memory_space<vmem>>[vector<16xi32>], vector<16xf32>,
        %parallel_loop3A_106 = arith.constant 204 : i32
        %parallel_loop3A_107 = vector.broadcast %parallel_loop3A_106 : i32 to vector<16xi32>
        %parallel_loop3A_108 = arith.addi %iota3A, %parallel_loop3A_107 : vector<16xi32>
        %parallel_loop3A_109 = arith.constant 0 : i32
        %parallel_loop3A_110 = tpu.memref_slice %arg8[%parallel_loop3A_18, %parallel_loop3A_109] : memref<32x272xf32, #tpu.memory_space<vmem>> -> memref<1x272xf32, #tpu.memory_space<vmem>>
        %parallel_loop3A_111 = tpu.memref_squeeze %parallel_loop3A_110 : memref<1x272xf32, #tpu.memory_space<vmem>> -> memref<272xf32, #tpu.memory_space<vmem>>
        %parallel_loop3A_112 = tpu.vector_load_idx %parallel_loop3A_111[%parallel_loop3A_108] : memref<272xf32, #tpu.memory_space<vmem>>[vector<16xi32>], vector<16xf32>,
        %parallel_loop3A_113 = arith.constant 221 : i32
        %parallel_loop3A_114 = vector.broadcast %parallel_loop3A_113 : i32 to vector<16xi32>
        %parallel_loop3A_115 = arith.addi %iota3A, %parallel_loop3A_114 : vector<16xi32>
        %parallel_loop3A_116 = arith.constant 0 : i32
        %parallel_loop3A_117 = tpu.memref_slice %arg8[%parallel_loop3A_18, %parallel_loop3A_116] : memref<32x272xf32, #tpu.memory_space<vmem>> -> memref<1x272xf32, #tpu.memory_space<vmem>>
        %parallel_loop3A_118 = tpu.memref_squeeze %parallel_loop3A_117 : memref<1x272xf32, #tpu.memory_space<vmem>> -> memref<272xf32, #tpu.memory_space<vmem>>
        %parallel_loop3A_119 = tpu.vector_load_idx %parallel_loop3A_118[%parallel_loop3A_115] : memref<272xf32, #tpu.memory_space<vmem>>[vector<16xi32>], vector<16xf32>,
        %parallel_loop3A_120 = arith.constant 238 : i32
        %parallel_loop3A_121 = vector.broadcast %parallel_loop3A_120 : i32 to vector<16xi32>
        %parallel_loop3A_122 = arith.addi %iota3A, %parallel_loop3A_121 : vector<16xi32>
        %parallel_loop3A_123 = arith.constant 0 : i32
        %parallel_loop3A_124 = tpu.memref_slice %arg8[%parallel_loop3A_18, %parallel_loop3A_123] : memref<32x272xf32, #tpu.memory_space<vmem>> -> memref<1x272xf32, #tpu.memory_space<vmem>>
        %parallel_loop3A_125 = tpu.memref_squeeze %parallel_loop3A_124 : memref<1x272xf32, #tpu.memory_space<vmem>> -> memref<272xf32, #tpu.memory_space<vmem>>
        %parallel_loop3A_126 = tpu.vector_load_idx %parallel_loop3A_125[%parallel_loop3A_122] : memref<272xf32, #tpu.memory_space<vmem>>[vector<16xi32>], vector<16xf32>,
        %parallel_loop3A_127 = arith.constant 255 : i32
        %parallel_loop3A_128 = vector.broadcast %parallel_loop3A_127 : i32 to vector<16xi32>
        %parallel_loop3A_129 = arith.addi %iota3A, %parallel_loop3A_128 : vector<16xi32>
        %parallel_loop3A_130 = arith.constant 0 : i32
        %parallel_loop3A_131 = tpu.memref_slice %arg8[%parallel_loop3A_18, %parallel_loop3A_130] : memref<32x272xf32, #tpu.memory_space<vmem>> -> memref<1x272xf32, #tpu.memory_space<vmem>>
        %parallel_loop3A_132 = tpu.memref_squeeze %parallel_loop3A_131 : memref<1x272xf32, #tpu.memory_space<vmem>> -> memref<272xf32, #tpu.memory_space<vmem>>
        %parallel_loop3A_133 = tpu.vector_load_idx %parallel_loop3A_132[%parallel_loop3A_129] : memref<272xf32, #tpu.memory_space<vmem>>[vector<16xi32>], vector<16xf32>,
        %parallel_loop3A_134 = arith.maximumf %parallel_loop3A_28, %parallel_loop3A_35 : vector<16xf32>
        %parallel_loop3A_135 = arith.maximumf %parallel_loop3A_42, %parallel_loop3A_49 : vector<16xf32>
        %parallel_loop3A_136 = arith.maximumf %parallel_loop3A_56, %parallel_loop3A_63 : vector<16xf32>
        %parallel_loop3A_137 = arith.maximumf %parallel_loop3A_70, %parallel_loop3A_77 : vector<16xf32>
        %parallel_loop3A_138 = arith.maximumf %parallel_loop3A_84, %parallel_loop3A_91 : vector<16xf32>
        %parallel_loop3A_139 = arith.maximumf %parallel_loop3A_98, %parallel_loop3A_105 : vector<16xf32>
        %parallel_loop3A_140 = arith.maximumf %parallel_loop3A_112, %parallel_loop3A_119 : vector<16xf32>
        %parallel_loop3A_141 = arith.maximumf %parallel_loop3A_126, %parallel_loop3A_133 : vector<16xf32>
        %parallel_loop3A_142 = arith.maximumf %parallel_loop3A_134, %parallel_loop3A_135 : vector<16xf32>
        %parallel_loop3A_143 = arith.maximumf %parallel_loop3A_136, %parallel_loop3A_137 : vector<16xf32>
        %parallel_loop3A_144 = arith.maximumf %parallel_loop3A_138, %parallel_loop3A_139 : vector<16xf32>
        %parallel_loop3A_145 = arith.maximumf %parallel_loop3A_140, %parallel_loop3A_141 : vector<16xf32>
        %parallel_loop3A_146 = arith.maximumf %parallel_loop3A_142, %parallel_loop3A_143 : vector<16xf32>
        %parallel_loop3A_147 = arith.maximumf %parallel_loop3A_144, %parallel_loop3A_145 : vector<16xf32>
        %parallel_loop3A_148 = arith.maximumf %parallel_loop3A_146, %parallel_loop3A_147 : vector<16xf32>
        %parallel_loop3A_149 = arith.subf %parallel_loop3A_28, %parallel_loop3A_148 : vector<16xf32>
        %parallel_loop3A_150 = arith.constant 1.000000e+02 : f32
        %parallel_loop3A_151 = vector.broadcast %parallel_loop3A_150 : f32 to vector<16xf32>
        %parallel_loop3A_152 = arith.mulf %parallel_loop3A_149, %parallel_loop3A_151 : vector<16xf32>
        %parallel_loop3A_153 = math.exp %parallel_loop3A_152 : vector<16xf32>
        %parallel_loop3A_154 = arith.subf %parallel_loop3A_35, %parallel_loop3A_148 : vector<16xf32>
        %parallel_loop3A_155 = arith.constant 1.000000e+02 : f32
        %parallel_loop3A_156 = vector.broadcast %parallel_loop3A_155 : f32 to vector<16xf32>
        %parallel_loop3A_157 = arith.mulf %parallel_loop3A_154, %parallel_loop3A_156 : vector<16xf32>
        %parallel_loop3A_158 = math.exp %parallel_loop3A_157 : vector<16xf32>
        %parallel_loop3A_159 = arith.subf %parallel_loop3A_42, %parallel_loop3A_148 : vector<16xf32>
        %parallel_loop3A_160 = arith.constant 1.000000e+02 : f32
        %parallel_loop3A_161 = vector.broadcast %parallel_loop3A_160 : f32 to vector<16xf32>
        %parallel_loop3A_162 = arith.mulf %parallel_loop3A_159, %parallel_loop3A_161 : vector<16xf32>
        %parallel_loop3A_163 = math.exp %parallel_loop3A_162 : vector<16xf32>
        %parallel_loop3A_164 = arith.subf %parallel_loop3A_49, %parallel_loop3A_148 : vector<16xf32>
        %parallel_loop3A_165 = arith.constant 1.000000e+02 : f32
        %parallel_loop3A_166 = vector.broadcast %parallel_loop3A_165 : f32 to vector<16xf32>
        %parallel_loop3A_167 = arith.mulf %parallel_loop3A_164, %parallel_loop3A_166 : vector<16xf32>
        %parallel_loop3A_168 = math.exp %parallel_loop3A_167 : vector<16xf32>
        %parallel_loop3A_169 = arith.subf %parallel_loop3A_56, %parallel_loop3A_148 : vector<16xf32>
        %parallel_loop3A_170 = arith.constant 1.000000e+02 : f32
        %parallel_loop3A_171 = vector.broadcast %parallel_loop3A_170 : f32 to vector<16xf32>
        %parallel_loop3A_172 = arith.mulf %parallel_loop3A_169, %parallel_loop3A_171 : vector<16xf32>
        %parallel_loop3A_173 = math.exp %parallel_loop3A_172 : vector<16xf32>
        %parallel_loop3A_174 = arith.subf %parallel_loop3A_63, %parallel_loop3A_148 : vector<16xf32>
        %parallel_loop3A_175 = arith.constant 1.000000e+02 : f32
        %parallel_loop3A_176 = vector.broadcast %parallel_loop3A_175 : f32 to vector<16xf32>
        %parallel_loop3A_177 = arith.mulf %parallel_loop3A_174, %parallel_loop3A_176 : vector<16xf32>
        %parallel_loop3A_178 = math.exp %parallel_loop3A_177 : vector<16xf32>
        %parallel_loop3A_179 = arith.subf %parallel_loop3A_70, %parallel_loop3A_148 : vector<16xf32>
        %parallel_loop3A_180 = arith.constant 1.000000e+02 : f32
        %parallel_loop3A_181 = vector.broadcast %parallel_loop3A_180 : f32 to vector<16xf32>
        %parallel_loop3A_182 = arith.mulf %parallel_loop3A_179, %parallel_loop3A_181 : vector<16xf32>
        %parallel_loop3A_183 = math.exp %parallel_loop3A_182 : vector<16xf32>
        %parallel_loop3A_184 = arith.subf %parallel_loop3A_77, %parallel_loop3A_148 : vector<16xf32>
        %parallel_loop3A_185 = arith.constant 1.000000e+02 : f32
        %parallel_loop3A_186 = vector.broadcast %parallel_loop3A_185 : f32 to vector<16xf32>
        %parallel_loop3A_187 = arith.mulf %parallel_loop3A_184, %parallel_loop3A_186 : vector<16xf32>
        %parallel_loop3A_188 = math.exp %parallel_loop3A_187 : vector<16xf32>
        %parallel_loop3A_189 = arith.subf %parallel_loop3A_84, %parallel_loop3A_148 : vector<16xf32>
        %parallel_loop3A_190 = arith.constant 1.000000e+02 : f32
        %parallel_loop3A_191 = vector.broadcast %parallel_loop3A_190 : f32 to vector<16xf32>
        %parallel_loop3A_192 = arith.mulf %parallel_loop3A_189, %parallel_loop3A_191 : vector<16xf32>
        %parallel_loop3A_193 = math.exp %parallel_loop3A_192 : vector<16xf32>
        %parallel_loop3A_194 = arith.subf %parallel_loop3A_91, %parallel_loop3A_148 : vector<16xf32>
        %parallel_loop3A_195 = arith.constant 1.000000e+02 : f32
        %parallel_loop3A_196 = vector.broadcast %parallel_loop3A_195 : f32 to vector<16xf32>
        %parallel_loop3A_197 = arith.mulf %parallel_loop3A_194, %parallel_loop3A_196 : vector<16xf32>
        %parallel_loop3A_198 = math.exp %parallel_loop3A_197 : vector<16xf32>
        %parallel_loop3A_199 = arith.subf %parallel_loop3A_98, %parallel_loop3A_148 : vector<16xf32>
        %parallel_loop3A_200 = arith.constant 1.000000e+02 : f32
        %parallel_loop3A_201 = vector.broadcast %parallel_loop3A_200 : f32 to vector<16xf32>
        %parallel_loop3A_202 = arith.mulf %parallel_loop3A_199, %parallel_loop3A_201 : vector<16xf32>
        %parallel_loop3A_203 = math.exp %parallel_loop3A_202 : vector<16xf32>
        %parallel_loop3A_204 = arith.subf %parallel_loop3A_105, %parallel_loop3A_148 : vector<16xf32>
        %parallel_loop3A_205 = arith.constant 1.000000e+02 : f32
        %parallel_loop3A_206 = vector.broadcast %parallel_loop3A_205 : f32 to vector<16xf32>
        %parallel_loop3A_207 = arith.mulf %parallel_loop3A_204, %parallel_loop3A_206 : vector<16xf32>
        %parallel_loop3A_208 = math.exp %parallel_loop3A_207 : vector<16xf32>
        %parallel_loop3A_209 = arith.subf %parallel_loop3A_112, %parallel_loop3A_148 : vector<16xf32>
        %parallel_loop3A_210 = arith.constant 1.000000e+02 : f32
        %parallel_loop3A_211 = vector.broadcast %parallel_loop3A_210 : f32 to vector<16xf32>
        %parallel_loop3A_212 = arith.mulf %parallel_loop3A_209, %parallel_loop3A_211 : vector<16xf32>
        %parallel_loop3A_213 = math.exp %parallel_loop3A_212 : vector<16xf32>
        %parallel_loop3A_214 = arith.subf %parallel_loop3A_119, %parallel_loop3A_148 : vector<16xf32>
        %parallel_loop3A_215 = arith.constant 1.000000e+02 : f32
        %parallel_loop3A_216 = vector.broadcast %parallel_loop3A_215 : f32 to vector<16xf32>
        %parallel_loop3A_217 = arith.mulf %parallel_loop3A_214, %parallel_loop3A_216 : vector<16xf32>
        %parallel_loop3A_218 = math.exp %parallel_loop3A_217 : vector<16xf32>
        %parallel_loop3A_219 = arith.subf %parallel_loop3A_126, %parallel_loop3A_148 : vector<16xf32>
        %parallel_loop3A_220 = arith.constant 1.000000e+02 : f32
        %parallel_loop3A_221 = vector.broadcast %parallel_loop3A_220 : f32 to vector<16xf32>
        %parallel_loop3A_222 = arith.mulf %parallel_loop3A_219, %parallel_loop3A_221 : vector<16xf32>
        %parallel_loop3A_223 = math.exp %parallel_loop3A_222 : vector<16xf32>
        %parallel_loop3A_224 = arith.subf %parallel_loop3A_133, %parallel_loop3A_148 : vector<16xf32>
        %parallel_loop3A_225 = arith.constant 1.000000e+02 : f32
        %parallel_loop3A_226 = vector.broadcast %parallel_loop3A_225 : f32 to vector<16xf32>
        %parallel_loop3A_227 = arith.mulf %parallel_loop3A_224, %parallel_loop3A_226 : vector<16xf32>
        %parallel_loop3A_228 = math.exp %parallel_loop3A_227 : vector<16xf32>
        %parallel_loop3A_229 = arith.addf %parallel_loop3A_153, %parallel_loop3A_158 : vector<16xf32>
        %parallel_loop3A_230 = arith.addf %parallel_loop3A_163, %parallel_loop3A_168 : vector<16xf32>
        %parallel_loop3A_231 = arith.addf %parallel_loop3A_173, %parallel_loop3A_178 : vector<16xf32>
        %parallel_loop3A_232 = arith.addf %parallel_loop3A_183, %parallel_loop3A_188 : vector<16xf32>
        %parallel_loop3A_233 = arith.addf %parallel_loop3A_193, %parallel_loop3A_198 : vector<16xf32>
        %parallel_loop3A_234 = arith.addf %parallel_loop3A_203, %parallel_loop3A_208 : vector<16xf32>
        %parallel_loop3A_235 = arith.addf %parallel_loop3A_213, %parallel_loop3A_218 : vector<16xf32>
        %parallel_loop3A_236 = arith.addf %parallel_loop3A_223, %parallel_loop3A_228 : vector<16xf32>
        %parallel_loop3A_237 = arith.addf %parallel_loop3A_229, %parallel_loop3A_230 : vector<16xf32>
        %parallel_loop3A_238 = arith.addf %parallel_loop3A_231, %parallel_loop3A_232 : vector<16xf32>
        %parallel_loop3A_239 = arith.addf %parallel_loop3A_233, %parallel_loop3A_234 : vector<16xf32>
        %parallel_loop3A_240 = arith.addf %parallel_loop3A_235, %parallel_loop3A_236 : vector<16xf32>
        %parallel_loop3A_241 = arith.addf %parallel_loop3A_237, %parallel_loop3A_238 : vector<16xf32>
        %parallel_loop3A_242 = arith.addf %parallel_loop3A_239, %parallel_loop3A_240 : vector<16xf32>
        %parallel_loop3A_243 = arith.addf %parallel_loop3A_241, %parallel_loop3A_242 : vector<16xf32>
        %parallel_loop3A_244 = vector.broadcast %parallel_loop3A_21 : i32 to vector<16xi32>
        tpu.vector_store_idx %arg9[%iota3A, %parallel_loop3A_244], %parallel_loop3A_148 : memref<16x1025xf32, #tpu.memory_space<vmem>>[vector<16xi32>, vector<16xi32>], vector<16xf32>,
        tpu.vector_store_idx %arg10[%iota3A, %parallel_loop3A_244], %parallel_loop3A_243 : memref<16x1025xf32, #tpu.memory_space<vmem>>[vector<16xi32>, vector<16xi32>], vector<16xf32>,
      } {sc.loop_unroll_factor = 1 : i64, sc.parallel_access}
    }
    %scan3A_11 = arith.constant 32 : i32
    "tpu.region"() ({
      %run_scoped3A = tpu.sem_alloc : memref<!tpu.dma_semaphore, #tpu.memory_space<semaphore_mem>>
      %dma_start3A = arith.constant 0 : i32
      %dma_start3A_12 = arith.constant 0 : i32
      %dma_start3A_13 = tpu.memref_slice %arg9[%dma_start3A, %dma_start3A_12] : memref<16x1025xf32, #tpu.memory_space<vmem>> -> memref<16x1024xf32, #tpu.memory_space<vmem>>
      %dma_start3A_14 = arith.constant 0 : i32
      %dma_start3A_15 = arith.constant 0 : i32
      %dma_start3A_16 = tpu.memref_slice %arg4[%add3A, %dma_start3A_14, %dma_start3A_15] : memref<32x16x1024xf32, #tpu.memory_space<hbm>> -> memref<1x16x1024xf32, #tpu.memory_space<hbm>>
      %dma_start3A_17 = tpu.memref_squeeze %dma_start3A_16 : memref<1x16x1024xf32, #tpu.memory_space<hbm>> -> memref<16x1024xf32, #tpu.memory_space<hbm>>
      %dma_start3A_18 = arith.constant 0 : i32
      %dma_start3A_19 = arith.constant 0 : i32
      %dma_start3A_20 = tpu.memref_slice %arg4[%add3A, %dma_start3A_18, %dma_start3A_19] : memref<32x16x1024xf32, #tpu.memory_space<hbm>> -> memref<1x16x1024xf32, #tpu.memory_space<hbm>>
      %dma_start3A_21 = tpu.memref_squeeze %dma_start3A_20 : memref<1x16x1024xf32, #tpu.memory_space<hbm>> -> memref<16x1024xf32, #tpu.memory_space<hbm>>
      %dma_start3A_22 = arith.constant 0 : i32
      %dma_start3A_23 = arith.constant 0 : i32
      %dma_start3A_24 = tpu.memref_slice %arg9[%dma_start3A_22, %dma_start3A_23] : memref<16x1025xf32, #tpu.memory_space<vmem>> -> memref<16x1024xf32, #tpu.memory_space<vmem>>
      tpu.enqueue_dma source(%dma_start3A_24 : memref<16x1024xf32, #tpu.memory_space<vmem>>) target(%dma_start3A_21 : memref<16x1024xf32, #tpu.memory_space<hbm>>) target_semaphore(%run_scoped3A : memref<!tpu.dma_semaphore, #tpu.memory_space<semaphore_mem>>)
      %dma_wait3A = arith.constant 0 : i32
      %dma_wait3A_25 = arith.constant 0 : i32
      %dma_wait3A_26 = tpu.memref_slice %arg9[%dma_wait3A, %dma_wait3A_25] : memref<16x1025xf32, #tpu.memory_space<vmem>> -> memref<16x1024xf32, #tpu.memory_space<vmem>>
      %dma_wait3A_27 = arith.constant 0 : i32
      %dma_wait3A_28 = arith.constant 0 : i32
      %dma_wait3A_29 = tpu.memref_slice %arg4[%add3A, %dma_wait3A_27, %dma_wait3A_28] : memref<32x16x1024xf32, #tpu.memory_space<hbm>> -> memref<1x16x1024xf32, #tpu.memory_space<hbm>>
      %dma_wait3A_30 = tpu.memref_squeeze %dma_wait3A_29 : memref<1x16x1024xf32, #tpu.memory_space<hbm>> -> memref<16x1024xf32, #tpu.memory_space<hbm>>
      %dma_wait3A_31 = arith.constant 0 : i32
      %dma_wait3A_32 = arith.constant 0 : i32
      %dma_wait3A_33 = tpu.memref_slice %arg4[%add3A, %dma_wait3A_31, %dma_wait3A_32] : memref<32x16x1024xf32, #tpu.memory_space<hbm>> -> memref<1x16x1024xf32, #tpu.memory_space<hbm>>
      %dma_wait3A_34 = tpu.memref_squeeze %dma_wait3A_33 : memref<1x16x1024xf32, #tpu.memory_space<hbm>> -> memref<16x1024xf32, #tpu.memory_space<hbm>>
      %dma_wait3A_35 = arith.constant 0 : i32
      %dma_wait3A_36 = arith.constant 0 : i32
      %dma_wait3A_37 = tpu.memref_slice %arg9[%dma_wait3A_35, %dma_wait3A_36] : memref<16x1025xf32, #tpu.memory_space<vmem>> -> memref<16x1024xf32, #tpu.memory_space<vmem>>
      tpu.wait_dma2 semaphore(%run_scoped3A : memref<!tpu.dma_semaphore, #tpu.memory_space<semaphore_mem>>) src(%dma_wait3A_37 : memref<16x1024xf32, #tpu.memory_space<vmem>>) dst(%dma_wait3A_34 : memref<16x1024xf32, #tpu.memory_space<hbm>>)
      tpu.yield
    }) : () -> ()
    "tpu.region"() ({
      %run_scoped3A = tpu.sem_alloc : memref<!tpu.dma_semaphore, #tpu.memory_space<semaphore_mem>>
      %dma_start3A = arith.constant 0 : i32
      %dma_start3A_12 = arith.constant 0 : i32
      %dma_start3A_13 = tpu.memref_slice %arg10[%dma_start3A, %dma_start3A_12] : memref<16x1025xf32, #tpu.memory_space<vmem>> -> memref<16x1024xf32, #tpu.memory_space<vmem>>
      %dma_start3A_14 = arith.constant 0 : i32
      %dma_start3A_15 = arith.constant 0 : i32
      %dma_start3A_16 = tpu.memref_slice %arg5[%add3A, %dma_start3A_14, %dma_start3A_15] : memref<32x16x1024xf32, #tpu.memory_space<hbm>> -> memref<1x16x1024xf32, #tpu.memory_space<hbm>>
      %dma_start3A_17 = tpu.memref_squeeze %dma_start3A_16 : memref<1x16x1024xf32, #tpu.memory_space<hbm>> -> memref<16x1024xf32, #tpu.memory_space<hbm>>
      %dma_start3A_18 = arith.constant 0 : i32
      %dma_start3A_19 = arith.constant 0 : i32
      %dma_start3A_20 = tpu.memref_slice %arg5[%add3A, %dma_start3A_18, %dma_start3A_19] : memref<32x16x1024xf32, #tpu.memory_space<hbm>> -> memref<1x16x1024xf32, #tpu.memory_space<hbm>>
      %dma_start3A_21 = tpu.memref_squeeze %dma_start3A_20 : memref<1x16x1024xf32, #tpu.memory_space<hbm>> -> memref<16x1024xf32, #tpu.memory_space<hbm>>
      %dma_start3A_22 = arith.constant 0 : i32
      %dma_start3A_23 = arith.constant 0 : i32
      %dma_start3A_24 = tpu.memref_slice %arg10[%dma_start3A_22, %dma_start3A_23] : memref<16x1025xf32, #tpu.memory_space<vmem>> -> memref<16x1024xf32, #tpu.memory_space<vmem>>
      tpu.enqueue_dma source(%dma_start3A_24 : memref<16x1024xf32, #tpu.memory_space<vmem>>) target(%dma_start3A_21 : memref<16x1024xf32, #tpu.memory_space<hbm>>) target_semaphore(%run_scoped3A : memref<!tpu.dma_semaphore, #tpu.memory_space<semaphore_mem>>)
      %dma_wait3A = arith.constant 0 : i32
      %dma_wait3A_25 = arith.constant 0 : i32
      %dma_wait3A_26 = tpu.memref_slice %arg10[%dma_wait3A, %dma_wait3A_25] : memref<16x1025xf32, #tpu.memory_space<vmem>> -> memref<16x1024xf32, #tpu.memory_space<vmem>>
      %dma_wait3A_27 = arith.constant 0 : i32
      %dma_wait3A_28 = arith.constant 0 : i32
      %dma_wait3A_29 = tpu.memref_slice %arg5[%add3A, %dma_wait3A_27, %dma_wait3A_28] : memref<32x16x1024xf32, #tpu.memory_space<hbm>> -> memref<1x16x1024xf32, #tpu.memory_space<hbm>>
      %dma_wait3A_30 = tpu.memref_squeeze %dma_wait3A_29 : memref<1x16x1024xf32, #tpu.memory_space<hbm>> -> memref<16x1024xf32, #tpu.memory_space<hbm>>
      %dma_wait3A_31 = arith.constant 0 : i32
      %dma_wait3A_32 = arith.constant 0 : i32
      %dma_wait3A_33 = tpu.memref_slice %arg5[%add3A, %dma_wait3A_31, %dma_wait3A_32] : memref<32x16x1024xf32, #tpu.memory_space<hbm>> -> memref<1x16x1024xf32, #tpu.memory_space<hbm>>
      %dma_wait3A_34 = tpu.memref_squeeze %dma_wait3A_33 : memref<1x16x1024xf32, #tpu.memory_space<hbm>> -> memref<16x1024xf32, #tpu.memory_space<hbm>>
      %dma_wait3A_35 = arith.constant 0 : i32
      %dma_wait3A_36 = arith.constant 0 : i32
      %dma_wait3A_37 = tpu.memref_slice %arg10[%dma_wait3A_35, %dma_wait3A_36] : memref<16x1025xf32, #tpu.memory_space<vmem>> -> memref<16x1024xf32, #tpu.memory_space<vmem>>
      tpu.wait_dma2 semaphore(%run_scoped3A : memref<!tpu.dma_semaphore, #tpu.memory_space<semaphore_mem>>) src(%dma_wait3A_37 : memref<16x1024xf32, #tpu.memory_space<vmem>>) dst(%dma_wait3A_34 : memref<16x1024xf32, #tpu.memory_space<hbm>>)
      tpu.yield
    }) : () -> ()
    return
  }
}

#map = affine_map<(d0, d1) -> (0)>
#map1 = affine_map<(d0, d1) -> (0, 0, 0)>
module attributes {stable_mosaic.version = 14 : i64} {
  func.func @_sc_clause(%arg0: i32, %arg1: i32, %arg2: memref<16384xf32, #tpu.memory_space<hbm>>, %arg3: memref<32x512x128xi32, #tpu.memory_space<hbm>>, %arg4: memref<32x16x1024xf32, #tpu.memory_space<hbm>>, %arg5: memref<32x16x1024xf32, #tpu.memory_space<hbm>>, %arg6: memref<512x128xi32, #tpu.memory_space<vmem>>, %arg7: memref<16384xf32, #tpu.memory_space<vmem>>, %arg8: memref<32x272xf32, #tpu.memory_space<vmem>>, %arg9: memref<16x1025xf32, #tpu.memory_space<vmem>>, %arg10: memref<16x1025xf32, #tpu.memory_space<vmem>>) attributes {dimension_semantics = [#tpu.dimension_semantics<core_parallel>, #tpu.dimension_semantics<subcore_parallel>], iteration_bounds = array<i64: 2, 16>, scalar_prefetch = 0 : i64, scratch_operands = 5 : i64, tpu.core_type = #tpu.core_type<sc_vector_subcore>, window_params = [{transform_indices = #map}, {transform_indices = #map1}, {transform_indices = #map1}, {transform_indices = #map1}]} {
    %mul3A = arith.constant 2 : i32
    %mul3A_0 = arith.muli %arg1, %mul3A : i32
    %add3A = arith.addi %mul3A_0, %arg0 : i32
    "tpu.region"() ({
      %run_scoped3A = tpu.sem_alloc : memref<!tpu.dma_semaphore, #tpu.memory_space<semaphore_mem>>
      tpu.enqueue_dma source(%arg2 : memref<16384xf32, #tpu.memory_space<hbm>>) target(%arg7 : memref<16384xf32, #tpu.memory_space<vmem>>) target_semaphore(%run_scoped3A : memref<!tpu.dma_semaphore, #tpu.memory_space<semaphore_mem>>)
      tpu.wait_dma2 semaphore(%run_scoped3A : memref<!tpu.dma_semaphore, #tpu.memory_space<semaphore_mem>>) src(%arg2 : memref<16384xf32, #tpu.memory_space<hbm>>) dst(%arg7 : memref<16384xf32, #tpu.memory_space<vmem>>)
      tpu.yield
    }) : () -> ()
    "tpu.region"() ({
      %run_scoped3A = tpu.sem_alloc : memref<!tpu.dma_semaphore, #tpu.memory_space<semaphore_mem>>
      %dma_start3A = arith.constant 0 : i32
      %dma_start3A_12 = arith.constant 0 : i32
      %dma_start3A_13 = tpu.memref_slice %arg3[%add3A, %dma_start3A, %dma_start3A_12] : memref<32x512x128xi32, #tpu.memory_space<hbm>> -> memref<1x512x128xi32, #tpu.memory_space<hbm>>
      %dma_start3A_14 = tpu.memref_squeeze %dma_start3A_13 : memref<1x512x128xi32, #tpu.memory_space<hbm>> -> memref<512x128xi32, #tpu.memory_space<hbm>>
      %dma_start3A_15 = arith.constant 0 : i32
      %dma_start3A_16 = arith.constant 0 : i32
      %dma_start3A_17 = tpu.memref_slice %arg3[%add3A, %dma_start3A_15, %dma_start3A_16] : memref<32x512x128xi32, #tpu.memory_space<hbm>> -> memref<1x512x128xi32, #tpu.memory_space<hbm>>
      %dma_start3A_18 = tpu.memref_squeeze %dma_start3A_17 : memref<1x512x128xi32, #tpu.memory_space<hbm>> -> memref<512x128xi32, #tpu.memory_space<hbm>>
      tpu.enqueue_dma source(%dma_start3A_18 : memref<512x128xi32, #tpu.memory_space<hbm>>) target(%arg6 : memref<512x128xi32, #tpu.memory_space<vmem>>) target_semaphore(%run_scoped3A : memref<!tpu.dma_semaphore, #tpu.memory_space<semaphore_mem>>)
      %dma_wait3A = arith.constant 0 : i32
      %dma_wait3A_19 = arith.constant 0 : i32
      %dma_wait3A_20 = tpu.memref_slice %arg3[%add3A, %dma_wait3A, %dma_wait3A_19] : memref<32x512x128xi32, #tpu.memory_space<hbm>> -> memref<1x512x128xi32, #tpu.memory_space<hbm>>
      %dma_wait3A_21 = tpu.memref_squeeze %dma_wait3A_20 : memref<1x512x128xi32, #tpu.memory_space<hbm>> -> memref<512x128xi32, #tpu.memory_space<hbm>>
      %dma_wait3A_22 = arith.constant 0 : i32
      %dma_wait3A_23 = arith.constant 0 : i32
      %dma_wait3A_24 = tpu.memref_slice %arg3[%add3A, %dma_wait3A_22, %dma_wait3A_23] : memref<32x512x128xi32, #tpu.memory_space<hbm>> -> memref<1x512x128xi32, #tpu.memory_space<hbm>>
      %dma_wait3A_25 = tpu.memref_squeeze %dma_wait3A_24 : memref<1x512x128xi32, #tpu.memory_space<hbm>> -> memref<512x128xi32, #tpu.memory_space<hbm>>
      tpu.wait_dma2 semaphore(%run_scoped3A : memref<!tpu.dma_semaphore, #tpu.memory_space<semaphore_mem>>) src(%dma_wait3A_25 : memref<512x128xi32, #tpu.memory_space<hbm>>) dst(%arg6 : memref<512x128xi32, #tpu.memory_space<vmem>>)
      tpu.yield
    }) : () -> ()
    %iota3A = tpu.iota {dimensions = array<i32: 0>} : vector<16xi32>
    %mul3A_1 = arith.constant 4 : i32
    %mul3A_2 = vector.broadcast %mul3A_1 : i32 to vector<16xi32>
    %mul3A_3 = arith.muli %iota3A, %mul3A_2 : vector<16xi32>
    %mul3A_4 = arith.constant 17 : i32
    %mul3A_5 = vector.broadcast %mul3A_4 : i32 to vector<16xi32>
    %mul3A_6 = arith.muli %iota3A, %mul3A_5 : vector<16xi32>
    %scan3A = arith.constant 0 : i32
    %scan3A_7 = arith.constant 0 : i32
    %scan3A_8 = arith.constant 32 : i32
    %scan3A_9 = arith.addi %scan3A_7, %scan3A_8 : i32
    %scan3A_10 = arith.constant 1 : i32
    scf.for %scan3A_12 = %scan3A_7 to %scan3A_9 step %scan3A_10  : i32 {
      %parallel_loop3A = arith.constant 0 : i32
      %parallel_loop3A_13 = arith.constant 32 : i32
      %parallel_loop3A_14 = arith.constant 1 : i32
      scf.for %parallel_loop3A_18 = %parallel_loop3A to %parallel_loop3A_13 step %parallel_loop3A_14  : i32 {
        %parallel_loop3A_19 = arith.constant 32 : i32
        %parallel_loop3A_20 = arith.muli %scan3A_12, %parallel_loop3A_19 : i32
        %parallel_loop3A_21 = arith.addi %parallel_loop3A_20, %parallel_loop3A_18 : i32
        %parallel_loop3A_22 = arith.constant 64 : i32
        %parallel_loop3A_23 = arith.muli %parallel_loop3A_21, %parallel_loop3A_22 : i32
        %parallel_loop3A_24 = arith.constant 0 : i32
        %parallel_loop3A_25 = arith.addi %parallel_loop3A_23, %parallel_loop3A_24 : i32
        %parallel_loop3A_26 = vector.broadcast %parallel_loop3A_25 : i32 to vector<16xi32>
        %parallel_loop3A_27 = arith.addi %mul3A_3, %parallel_loop3A_26 : vector<16xi32>
        %parallel_loop3A_28 = arith.constant 7 : i32
        %parallel_loop3A_29 = vector.broadcast %parallel_loop3A_28 : i32 to vector<16xi32>
        %parallel_loop3A_30 = arith.shrsi %parallel_loop3A_27, %parallel_loop3A_29 : vector<16xi32>
        %parallel_loop3A_31 = arith.constant 0 : i32
        %parallel_loop3A_32 = arith.addi %parallel_loop3A_23, %parallel_loop3A_31 : i32
        %parallel_loop3A_33 = vector.broadcast %parallel_loop3A_32 : i32 to vector<16xi32>
        %parallel_loop3A_34 = arith.addi %mul3A_3, %parallel_loop3A_33 : vector<16xi32>
        %parallel_loop3A_35 = arith.constant 127 : i32
        %parallel_loop3A_36 = vector.broadcast %parallel_loop3A_35 : i32 to vector<16xi32>
        %parallel_loop3A_37 = arith.andi %parallel_loop3A_34, %parallel_loop3A_36 : vector<16xi32>
        %parallel_loop3A_38 = tpu.vector_load_idx %arg6[%parallel_loop3A_30, %parallel_loop3A_37] : memref<512x128xi32, #tpu.memory_space<vmem>>[vector<16xi32>, vector<16xi32>], vector<16xi32>,
        %parallel_loop3A_39 = arith.constant 1 : i32
        %parallel_loop3A_40 = arith.addi %parallel_loop3A_23, %parallel_loop3A_39 : i32
        %parallel_loop3A_41 = vector.broadcast %parallel_loop3A_40 : i32 to vector<16xi32>
        %parallel_loop3A_42 = arith.addi %mul3A_3, %parallel_loop3A_41 : vector<16xi32>
        %parallel_loop3A_43 = arith.constant 7 : i32
        %parallel_loop3A_44 = vector.broadcast %parallel_loop3A_43 : i32 to vector<16xi32>
        %parallel_loop3A_45 = arith.shrsi %parallel_loop3A_42, %parallel_loop3A_44 : vector<16xi32>
        %parallel_loop3A_46 = arith.constant 1 : i32
        %parallel_loop3A_47 = arith.addi %parallel_loop3A_23, %parallel_loop3A_46 : i32
        %parallel_loop3A_48 = vector.broadcast %parallel_loop3A_47 : i32 to vector<16xi32>
        %parallel_loop3A_49 = arith.addi %mul3A_3, %parallel_loop3A_48 : vector<16xi32>
        %parallel_loop3A_50 = arith.constant 127 : i32
        %parallel_loop3A_51 = vector.broadcast %parallel_loop3A_50 : i32 to vector<16xi32>
        %parallel_loop3A_52 = arith.andi %parallel_loop3A_49, %parallel_loop3A_51 : vector<16xi32>
        %parallel_loop3A_53 = tpu.vector_load_idx %arg6[%parallel_loop3A_45, %parallel_loop3A_52] : memref<512x128xi32, #tpu.memory_space<vmem>>[vector<16xi32>, vector<16xi32>], vector<16xi32>,
        %parallel_loop3A_54 = arith.constant 2 : i32
        %parallel_loop3A_55 = arith.addi %parallel_loop3A_23, %parallel_loop3A_54 : i32
        %parallel_loop3A_56 = vector.broadcast %parallel_loop3A_55 : i32 to vector<16xi32>
        %parallel_loop3A_57 = arith.addi %mul3A_3, %parallel_loop3A_56 : vector<16xi32>
        %parallel_loop3A_58 = arith.constant 7 : i32
        %parallel_loop3A_59 = vector.broadcast %parallel_loop3A_58 : i32 to vector<16xi32>
        %parallel_loop3A_60 = arith.shrsi %parallel_loop3A_57, %parallel_loop3A_59 : vector<16xi32>
        %parallel_loop3A_61 = arith.constant 2 : i32
        %parallel_loop3A_62 = arith.addi %parallel_loop3A_23, %parallel_loop3A_61 : i32
        %parallel_loop3A_63 = vector.broadcast %parallel_loop3A_62 : i32 to vector<16xi32>
        %parallel_loop3A_64 = arith.addi %mul3A_3, %parallel_loop3A_63 : vector<16xi32>
        %parallel_loop3A_65 = arith.constant 127 : i32
        %parallel_loop3A_66 = vector.broadcast %parallel_loop3A_65 : i32 to vector<16xi32>
        %parallel_loop3A_67 = arith.andi %parallel_loop3A_64, %parallel_loop3A_66 : vector<16xi32>
        %parallel_loop3A_68 = tpu.vector_load_idx %arg6[%parallel_loop3A_60, %parallel_loop3A_67] : memref<512x128xi32, #tpu.memory_space<vmem>>[vector<16xi32>, vector<16xi32>], vector<16xi32>,
        %parallel_loop3A_69 = arith.constant 3 : i32
        %parallel_loop3A_70 = arith.addi %parallel_loop3A_23, %parallel_loop3A_69 : i32
        %parallel_loop3A_71 = vector.broadcast %parallel_loop3A_70 : i32 to vector<16xi32>
        %parallel_loop3A_72 = arith.addi %mul3A_3, %parallel_loop3A_71 : vector<16xi32>
        %parallel_loop3A_73 = arith.constant 7 : i32
        %parallel_loop3A_74 = vector.broadcast %parallel_loop3A_73 : i32 to vector<16xi32>
        %parallel_loop3A_75 = arith.shrsi %parallel_loop3A_72, %parallel_loop3A_74 : vector<16xi32>
        %parallel_loop3A_76 = arith.constant 3 : i32
        %parallel_loop3A_77 = arith.addi %parallel_loop3A_23, %parallel_loop3A_76 : i32
        %parallel_loop3A_78 = vector.broadcast %parallel_loop3A_77 : i32 to vector<16xi32>
        %parallel_loop3A_79 = arith.addi %mul3A_3, %parallel_loop3A_78 : vector<16xi32>
        %parallel_loop3A_80 = arith.constant 127 : i32
        %parallel_loop3A_81 = vector.broadcast %parallel_loop3A_80 : i32 to vector<16xi32>
        %parallel_loop3A_82 = arith.andi %parallel_loop3A_79, %parallel_loop3A_81 : vector<16xi32>
        %parallel_loop3A_83 = tpu.vector_load_idx %arg6[%parallel_loop3A_75, %parallel_loop3A_82] : memref<512x128xi32, #tpu.memory_space<vmem>>[vector<16xi32>, vector<16xi32>], vector<16xi32>,
        %parallel_loop3A_84 = arith.constant 0 : i32
        %parallel_loop3A_85 = vector.broadcast %parallel_loop3A_84 : i32 to vector<16xi32>
        %parallel_loop3A_86 = arith.addi %parallel_loop3A_38, %parallel_loop3A_85 : vector<16xi32>
        %parallel_loop3A_87 = tpu.vector_load_idx %arg7[%parallel_loop3A_86] : memref<16384xf32, #tpu.memory_space<vmem>>[vector<16xi32>], vector<16xf32>,
        %parallel_loop3A_88 = arith.constant 0 : i32
        %parallel_loop3A_89 = vector.broadcast %parallel_loop3A_88 : i32 to vector<16xi32>
        %parallel_loop3A_90 = arith.addi %parallel_loop3A_53, %parallel_loop3A_89 : vector<16xi32>
        %parallel_loop3A_91 = tpu.vector_load_idx %arg7[%parallel_loop3A_90] : memref<16384xf32, #tpu.memory_space<vmem>>[vector<16xi32>], vector<16xf32>,
        %parallel_loop3A_92 = arith.mulf %parallel_loop3A_87, %parallel_loop3A_91 : vector<16xf32>
        %parallel_loop3A_93 = arith.constant 0 : i32
        %parallel_loop3A_94 = vector.broadcast %parallel_loop3A_93 : i32 to vector<16xi32>
        %parallel_loop3A_95 = arith.addi %parallel_loop3A_68, %parallel_loop3A_94 : vector<16xi32>
        %parallel_loop3A_96 = tpu.vector_load_idx %arg7[%parallel_loop3A_95] : memref<16384xf32, #tpu.memory_space<vmem>>[vector<16xi32>], vector<16xf32>,
        %parallel_loop3A_97 = arith.constant 0 : i32
        %parallel_loop3A_98 = vector.broadcast %parallel_loop3A_97 : i32 to vector<16xi32>
        %parallel_loop3A_99 = arith.addi %parallel_loop3A_83, %parallel_loop3A_98 : vector<16xi32>
        %parallel_loop3A_100 = tpu.vector_load_idx %arg7[%parallel_loop3A_99] : memref<16384xf32, #tpu.memory_space<vmem>>[vector<16xi32>], vector<16xf32>,
        %parallel_loop3A_101 = arith.mulf %parallel_loop3A_96, %parallel_loop3A_100 : vector<16xf32>
        %parallel_loop3A_102 = arith.constant 0 : i32
        %parallel_loop3A_103 = vector.broadcast %parallel_loop3A_102 : i32 to vector<16xi32>
        %parallel_loop3A_104 = arith.addi %mul3A_6, %parallel_loop3A_103 : vector<16xi32>
        %parallel_loop3A_105 = arith.mulf %parallel_loop3A_92, %parallel_loop3A_101 : vector<16xf32>
        %parallel_loop3A_106 = arith.constant 0 : i32
        %parallel_loop3A_107 = tpu.memref_slice %arg8[%parallel_loop3A_18, %parallel_loop3A_106] : memref<32x272xf32, #tpu.memory_space<vmem>> -> memref<1x272xf32, #tpu.memory_space<vmem>>
        %parallel_loop3A_108 = tpu.memref_squeeze %parallel_loop3A_107 : memref<1x272xf32, #tpu.memory_space<vmem>> -> memref<272xf32, #tpu.memory_space<vmem>>
        tpu.vector_store_idx %parallel_loop3A_108[%parallel_loop3A_104], %parallel_loop3A_105 : memref<272xf32, #tpu.memory_space<vmem>>[vector<16xi32>], vector<16xf32>,
        %parallel_loop3A_109 = arith.constant 1024 : i32
        %parallel_loop3A_110 = vector.broadcast %parallel_loop3A_109 : i32 to vector<16xi32>
        %parallel_loop3A_111 = arith.addi %parallel_loop3A_38, %parallel_loop3A_110 : vector<16xi32>
        %parallel_loop3A_112 = tpu.vector_load_idx %arg7[%parallel_loop3A_111] : memref<16384xf32, #tpu.memory_space<vmem>>[vector<16xi32>], vector<16xf32>,
        %parallel_loop3A_113 = arith.constant 1024 : i32
        %parallel_loop3A_114 = vector.broadcast %parallel_loop3A_113 : i32 to vector<16xi32>
        %parallel_loop3A_115 = arith.addi %parallel_loop3A_53, %parallel_loop3A_114 : vector<16xi32>
        %parallel_loop3A_116 = tpu.vector_load_idx %arg7[%parallel_loop3A_115] : memref<16384xf32, #tpu.memory_space<vmem>>[vector<16xi32>], vector<16xf32>,
        %parallel_loop3A_117 = arith.mulf %parallel_loop3A_112, %parallel_loop3A_116 : vector<16xf32>
        %parallel_loop3A_118 = arith.constant 1024 : i32
        %parallel_loop3A_119 = vector.broadcast %parallel_loop3A_118 : i32 to vector<16xi32>
        %parallel_loop3A_120 = arith.addi %parallel_loop3A_68, %parallel_loop3A_119 : vector<16xi32>
        %parallel_loop3A_121 = tpu.vector_load_idx %arg7[%parallel_loop3A_120] : memref<16384xf32, #tpu.memory_space<vmem>>[vector<16xi32>], vector<16xf32>,
        %parallel_loop3A_122 = arith.constant 1024 : i32
        %parallel_loop3A_123 = vector.broadcast %parallel_loop3A_122 : i32 to vector<16xi32>
        %parallel_loop3A_124 = arith.addi %parallel_loop3A_83, %parallel_loop3A_123 : vector<16xi32>
        %parallel_loop3A_125 = tpu.vector_load_idx %arg7[%parallel_loop3A_124] : memref<16384xf32, #tpu.memory_space<vmem>>[vector<16xi32>], vector<16xf32>,
        %parallel_loop3A_126 = arith.mulf %parallel_loop3A_121, %parallel_loop3A_125 : vector<16xf32>
        %parallel_loop3A_127 = arith.constant 1 : i32
        %parallel_loop3A_128 = vector.broadcast %parallel_loop3A_127 : i32 to vector<16xi32>
        %parallel_loop3A_129 = arith.addi %mul3A_6, %parallel_loop3A_128 : vector<16xi32>
        %parallel_loop3A_130 = arith.mulf %parallel_loop3A_117, %parallel_loop3A_126 : vector<16xf32>
        %parallel_loop3A_131 = arith.constant 0 : i32
        %parallel_loop3A_132 = tpu.memref_slice %arg8[%parallel_loop3A_18, %parallel_loop3A_131] : memref<32x272xf32, #tpu.memory_space<vmem>> -> memref<1x272xf32, #tpu.memory_space<vmem>>
        %parallel_loop3A_133 = tpu.memref_squeeze %parallel_loop3A_132 : memref<1x272xf32, #tpu.memory_space<vmem>> -> memref<272xf32, #tpu.memory_space<vmem>>
        tpu.vector_store_idx %parallel_loop3A_133[%parallel_loop3A_129], %parallel_loop3A_130 : memref<272xf32, #tpu.memory_space<vmem>>[vector<16xi32>], vector<16xf32>,
        %parallel_loop3A_134 = arith.constant 2048 : i32
        %parallel_loop3A_135 = vector.broadcast %parallel_loop3A_134 : i32 to vector<16xi32>
        %parallel_loop3A_136 = arith.addi %parallel_loop3A_38, %parallel_loop3A_135 : vector<16xi32>
        %parallel_loop3A_137 = tpu.vector_load_idx %arg7[%parallel_loop3A_136] : memref<16384xf32, #tpu.memory_space<vmem>>[vector<16xi32>], vector<16xf32>,
        %parallel_loop3A_138 = arith.constant 2048 : i32
        %parallel_loop3A_139 = vector.broadcast %parallel_loop3A_138 : i32 to vector<16xi32>
        %parallel_loop3A_140 = arith.addi %parallel_loop3A_53, %parallel_loop3A_139 : vector<16xi32>
        %parallel_loop3A_141 = tpu.vector_load_idx %arg7[%parallel_loop3A_140] : memref<16384xf32, #tpu.memory_space<vmem>>[vector<16xi32>], vector<16xf32>,
        %parallel_loop3A_142 = arith.mulf %parallel_loop3A_137, %parallel_loop3A_141 : vector<16xf32>
        %parallel_loop3A_143 = arith.constant 2048 : i32
        %parallel_loop3A_144 = vector.broadcast %parallel_loop3A_143 : i32 to vector<16xi32>
        %parallel_loop3A_145 = arith.addi %parallel_loop3A_68, %parallel_loop3A_144 : vector<16xi32>
        %parallel_loop3A_146 = tpu.vector_load_idx %arg7[%parallel_loop3A_145] : memref<16384xf32, #tpu.memory_space<vmem>>[vector<16xi32>], vector<16xf32>,
        %parallel_loop3A_147 = arith.constant 2048 : i32
        %parallel_loop3A_148 = vector.broadcast %parallel_loop3A_147 : i32 to vector<16xi32>
        %parallel_loop3A_149 = arith.addi %parallel_loop3A_83, %parallel_loop3A_148 : vector<16xi32>
        %parallel_loop3A_150 = tpu.vector_load_idx %arg7[%parallel_loop3A_149] : memref<16384xf32, #tpu.memory_space<vmem>>[vector<16xi32>], vector<16xf32>,
        %parallel_loop3A_151 = arith.mulf %parallel_loop3A_146, %parallel_loop3A_150 : vector<16xf32>
        %parallel_loop3A_152 = arith.constant 2 : i32
        %parallel_loop3A_153 = vector.broadcast %parallel_loop3A_152 : i32 to vector<16xi32>
        %parallel_loop3A_154 = arith.addi %mul3A_6, %parallel_loop3A_153 : vector<16xi32>
        %parallel_loop3A_155 = arith.mulf %parallel_loop3A_142, %parallel_loop3A_151 : vector<16xf32>
        %parallel_loop3A_156 = arith.constant 0 : i32
        %parallel_loop3A_157 = tpu.memref_slice %arg8[%parallel_loop3A_18, %parallel_loop3A_156] : memref<32x272xf32, #tpu.memory_space<vmem>> -> memref<1x272xf32, #tpu.memory_space<vmem>>
        %parallel_loop3A_158 = tpu.memref_squeeze %parallel_loop3A_157 : memref<1x272xf32, #tpu.memory_space<vmem>> -> memref<272xf32, #tpu.memory_space<vmem>>
        tpu.vector_store_idx %parallel_loop3A_158[%parallel_loop3A_154], %parallel_loop3A_155 : memref<272xf32, #tpu.memory_space<vmem>>[vector<16xi32>], vector<16xf32>,
        %parallel_loop3A_159 = arith.constant 3072 : i32
        %parallel_loop3A_160 = vector.broadcast %parallel_loop3A_159 : i32 to vector<16xi32>
        %parallel_loop3A_161 = arith.addi %parallel_loop3A_38, %parallel_loop3A_160 : vector<16xi32>
        %parallel_loop3A_162 = tpu.vector_load_idx %arg7[%parallel_loop3A_161] : memref<16384xf32, #tpu.memory_space<vmem>>[vector<16xi32>], vector<16xf32>,
        %parallel_loop3A_163 = arith.constant 3072 : i32
        %parallel_loop3A_164 = vector.broadcast %parallel_loop3A_163 : i32 to vector<16xi32>
        %parallel_loop3A_165 = arith.addi %parallel_loop3A_53, %parallel_loop3A_164 : vector<16xi32>
        %parallel_loop3A_166 = tpu.vector_load_idx %arg7[%parallel_loop3A_165] : memref<16384xf32, #tpu.memory_space<vmem>>[vector<16xi32>], vector<16xf32>,
        %parallel_loop3A_167 = arith.mulf %parallel_loop3A_162, %parallel_loop3A_166 : vector<16xf32>
        %parallel_loop3A_168 = arith.constant 3072 : i32
        %parallel_loop3A_169 = vector.broadcast %parallel_loop3A_168 : i32 to vector<16xi32>
        %parallel_loop3A_170 = arith.addi %parallel_loop3A_68, %parallel_loop3A_169 : vector<16xi32>
        %parallel_loop3A_171 = tpu.vector_load_idx %arg7[%parallel_loop3A_170] : memref<16384xf32, #tpu.memory_space<vmem>>[vector<16xi32>], vector<16xf32>,
        %parallel_loop3A_172 = arith.constant 3072 : i32
        %parallel_loop3A_173 = vector.broadcast %parallel_loop3A_172 : i32 to vector<16xi32>
        %parallel_loop3A_174 = arith.addi %parallel_loop3A_83, %parallel_loop3A_173 : vector<16xi32>
        %parallel_loop3A_175 = tpu.vector_load_idx %arg7[%parallel_loop3A_174] : memref<16384xf32, #tpu.memory_space<vmem>>[vector<16xi32>], vector<16xf32>,
        %parallel_loop3A_176 = arith.mulf %parallel_loop3A_171, %parallel_loop3A_175 : vector<16xf32>
        %parallel_loop3A_177 = arith.constant 3 : i32
        %parallel_loop3A_178 = vector.broadcast %parallel_loop3A_177 : i32 to vector<16xi32>
        %parallel_loop3A_179 = arith.addi %mul3A_6, %parallel_loop3A_178 : vector<16xi32>
        %parallel_loop3A_180 = arith.mulf %parallel_loop3A_167, %parallel_loop3A_176 : vector<16xf32>
        %parallel_loop3A_181 = arith.constant 0 : i32
        %parallel_loop3A_182 = tpu.memref_slice %arg8[%parallel_loop3A_18, %parallel_loop3A_181] : memref<32x272xf32, #tpu.memory_space<vmem>> -> memref<1x272xf32, #tpu.memory_space<vmem>>
        %parallel_loop3A_183 = tpu.memref_squeeze %parallel_loop3A_182 : memref<1x272xf32, #tpu.memory_space<vmem>> -> memref<272xf32, #tpu.memory_space<vmem>>
        tpu.vector_store_idx %parallel_loop3A_183[%parallel_loop3A_179], %parallel_loop3A_180 : memref<272xf32, #tpu.memory_space<vmem>>[vector<16xi32>], vector<16xf32>,
        %parallel_loop3A_184 = arith.constant 4096 : i32
        %parallel_loop3A_185 = vector.broadcast %parallel_loop3A_184 : i32 to vector<16xi32>
        %parallel_loop3A_186 = arith.addi %parallel_loop3A_38, %parallel_loop3A_185 : vector<16xi32>
        %parallel_loop3A_187 = tpu.vector_load_idx %arg7[%parallel_loop3A_186] : memref<16384xf32, #tpu.memory_space<vmem>>[vector<16xi32>], vector<16xf32>,
        %parallel_loop3A_188 = arith.constant 4096 : i32
        %parallel_loop3A_189 = vector.broadcast %parallel_loop3A_188 : i32 to vector<16xi32>
        %parallel_loop3A_190 = arith.addi %parallel_loop3A_53, %parallel_loop3A_189 : vector<16xi32>
        %parallel_loop3A_191 = tpu.vector_load_idx %arg7[%parallel_loop3A_190] : memref<16384xf32, #tpu.memory_space<vmem>>[vector<16xi32>], vector<16xf32>,
        %parallel_loop3A_192 = arith.mulf %parallel_loop3A_187, %parallel_loop3A_191 : vector<16xf32>
        %parallel_loop3A_193 = arith.constant 4096 : i32
        %parallel_loop3A_194 = vector.broadcast %parallel_loop3A_193 : i32 to vector<16xi32>
        %parallel_loop3A_195 = arith.addi %parallel_loop3A_68, %parallel_loop3A_194 : vector<16xi32>
        %parallel_loop3A_196 = tpu.vector_load_idx %arg7[%parallel_loop3A_195] : memref<16384xf32, #tpu.memory_space<vmem>>[vector<16xi32>], vector<16xf32>,
        %parallel_loop3A_197 = arith.constant 4096 : i32
        %parallel_loop3A_198 = vector.broadcast %parallel_loop3A_197 : i32 to vector<16xi32>
        %parallel_loop3A_199 = arith.addi %parallel_loop3A_83, %parallel_loop3A_198 : vector<16xi32>
        %parallel_loop3A_200 = tpu.vector_load_idx %arg7[%parallel_loop3A_199] : memref<16384xf32, #tpu.memory_space<vmem>>[vector<16xi32>], vector<16xf32>,
        %parallel_loop3A_201 = arith.mulf %parallel_loop3A_196, %parallel_loop3A_200 : vector<16xf32>
        %parallel_loop3A_202 = arith.constant 4 : i32
        %parallel_loop3A_203 = vector.broadcast %parallel_loop3A_202 : i32 to vector<16xi32>
        %parallel_loop3A_204 = arith.addi %mul3A_6, %parallel_loop3A_203 : vector<16xi32>
        %parallel_loop3A_205 = arith.mulf %parallel_loop3A_192, %parallel_loop3A_201 : vector<16xf32>
        %parallel_loop3A_206 = arith.constant 0 : i32
        %parallel_loop3A_207 = tpu.memref_slice %arg8[%parallel_loop3A_18, %parallel_loop3A_206] : memref<32x272xf32, #tpu.memory_space<vmem>> -> memref<1x272xf32, #tpu.memory_space<vmem>>
        %parallel_loop3A_208 = tpu.memref_squeeze %parallel_loop3A_207 : memref<1x272xf32, #tpu.memory_space<vmem>> -> memref<272xf32, #tpu.memory_space<vmem>>
        tpu.vector_store_idx %parallel_loop3A_208[%parallel_loop3A_204], %parallel_loop3A_205 : memref<272xf32, #tpu.memory_space<vmem>>[vector<16xi32>], vector<16xf32>,
        %parallel_loop3A_209 = arith.constant 5120 : i32
        %parallel_loop3A_210 = vector.broadcast %parallel_loop3A_209 : i32 to vector<16xi32>
        %parallel_loop3A_211 = arith.addi %parallel_loop3A_38, %parallel_loop3A_210 : vector<16xi32>
        %parallel_loop3A_212 = tpu.vector_load_idx %arg7[%parallel_loop3A_211] : memref<16384xf32, #tpu.memory_space<vmem>>[vector<16xi32>], vector<16xf32>,
        %parallel_loop3A_213 = arith.constant 5120 : i32
        %parallel_loop3A_214 = vector.broadcast %parallel_loop3A_213 : i32 to vector<16xi32>
        %parallel_loop3A_215 = arith.addi %parallel_loop3A_53, %parallel_loop3A_214 : vector<16xi32>
        %parallel_loop3A_216 = tpu.vector_load_idx %arg7[%parallel_loop3A_215] : memref<16384xf32, #tpu.memory_space<vmem>>[vector<16xi32>], vector<16xf32>,
        %parallel_loop3A_217 = arith.mulf %parallel_loop3A_212, %parallel_loop3A_216 : vector<16xf32>
        %parallel_loop3A_218 = arith.constant 5120 : i32
        %parallel_loop3A_219 = vector.broadcast %parallel_loop3A_218 : i32 to vector<16xi32>
        %parallel_loop3A_220 = arith.addi %parallel_loop3A_68, %parallel_loop3A_219 : vector<16xi32>
        %parallel_loop3A_221 = tpu.vector_load_idx %arg7[%parallel_loop3A_220] : memref<16384xf32, #tpu.memory_space<vmem>>[vector<16xi32>], vector<16xf32>,
        %parallel_loop3A_222 = arith.constant 5120 : i32
        %parallel_loop3A_223 = vector.broadcast %parallel_loop3A_222 : i32 to vector<16xi32>
        %parallel_loop3A_224 = arith.addi %parallel_loop3A_83, %parallel_loop3A_223 : vector<16xi32>
        %parallel_loop3A_225 = tpu.vector_load_idx %arg7[%parallel_loop3A_224] : memref<16384xf32, #tpu.memory_space<vmem>>[vector<16xi32>], vector<16xf32>,
        %parallel_loop3A_226 = arith.mulf %parallel_loop3A_221, %parallel_loop3A_225 : vector<16xf32>
        %parallel_loop3A_227 = arith.constant 5 : i32
        %parallel_loop3A_228 = vector.broadcast %parallel_loop3A_227 : i32 to vector<16xi32>
        %parallel_loop3A_229 = arith.addi %mul3A_6, %parallel_loop3A_228 : vector<16xi32>
        %parallel_loop3A_230 = arith.mulf %parallel_loop3A_217, %parallel_loop3A_226 : vector<16xf32>
        %parallel_loop3A_231 = arith.constant 0 : i32
        %parallel_loop3A_232 = tpu.memref_slice %arg8[%parallel_loop3A_18, %parallel_loop3A_231] : memref<32x272xf32, #tpu.memory_space<vmem>> -> memref<1x272xf32, #tpu.memory_space<vmem>>
        %parallel_loop3A_233 = tpu.memref_squeeze %parallel_loop3A_232 : memref<1x272xf32, #tpu.memory_space<vmem>> -> memref<272xf32, #tpu.memory_space<vmem>>
        tpu.vector_store_idx %parallel_loop3A_233[%parallel_loop3A_229], %parallel_loop3A_230 : memref<272xf32, #tpu.memory_space<vmem>>[vector<16xi32>], vector<16xf32>,
        %parallel_loop3A_234 = arith.constant 6144 : i32
        %parallel_loop3A_235 = vector.broadcast %parallel_loop3A_234 : i32 to vector<16xi32>
        %parallel_loop3A_236 = arith.addi %parallel_loop3A_38, %parallel_loop3A_235 : vector<16xi32>
        %parallel_loop3A_237 = tpu.vector_load_idx %arg7[%parallel_loop3A_236] : memref<16384xf32, #tpu.memory_space<vmem>>[vector<16xi32>], vector<16xf32>,
        %parallel_loop3A_238 = arith.constant 6144 : i32
        %parallel_loop3A_239 = vector.broadcast %parallel_loop3A_238 : i32 to vector<16xi32>
        %parallel_loop3A_240 = arith.addi %parallel_loop3A_53, %parallel_loop3A_239 : vector<16xi32>
        %parallel_loop3A_241 = tpu.vector_load_idx %arg7[%parallel_loop3A_240] : memref<16384xf32, #tpu.memory_space<vmem>>[vector<16xi32>], vector<16xf32>,
        %parallel_loop3A_242 = arith.mulf %parallel_loop3A_237, %parallel_loop3A_241 : vector<16xf32>
        %parallel_loop3A_243 = arith.constant 6144 : i32
        %parallel_loop3A_244 = vector.broadcast %parallel_loop3A_243 : i32 to vector<16xi32>
        %parallel_loop3A_245 = arith.addi %parallel_loop3A_68, %parallel_loop3A_244 : vector<16xi32>
        %parallel_loop3A_246 = tpu.vector_load_idx %arg7[%parallel_loop3A_245] : memref<16384xf32, #tpu.memory_space<vmem>>[vector<16xi32>], vector<16xf32>,
        %parallel_loop3A_247 = arith.constant 6144 : i32
        %parallel_loop3A_248 = vector.broadcast %parallel_loop3A_247 : i32 to vector<16xi32>
        %parallel_loop3A_249 = arith.addi %parallel_loop3A_83, %parallel_loop3A_248 : vector<16xi32>
        %parallel_loop3A_250 = tpu.vector_load_idx %arg7[%parallel_loop3A_249] : memref<16384xf32, #tpu.memory_space<vmem>>[vector<16xi32>], vector<16xf32>,
        %parallel_loop3A_251 = arith.mulf %parallel_loop3A_246, %parallel_loop3A_250 : vector<16xf32>
        %parallel_loop3A_252 = arith.constant 6 : i32
        %parallel_loop3A_253 = vector.broadcast %parallel_loop3A_252 : i32 to vector<16xi32>
        %parallel_loop3A_254 = arith.addi %mul3A_6, %parallel_loop3A_253 : vector<16xi32>
        %parallel_loop3A_255 = arith.mulf %parallel_loop3A_242, %parallel_loop3A_251 : vector<16xf32>
        %parallel_loop3A_256 = arith.constant 0 : i32
        %parallel_loop3A_257 = tpu.memref_slice %arg8[%parallel_loop3A_18, %parallel_loop3A_256] : memref<32x272xf32, #tpu.memory_space<vmem>> -> memref<1x272xf32, #tpu.memory_space<vmem>>
        %parallel_loop3A_258 = tpu.memref_squeeze %parallel_loop3A_257 : memref<1x272xf32, #tpu.memory_space<vmem>> -> memref<272xf32, #tpu.memory_space<vmem>>
        tpu.vector_store_idx %parallel_loop3A_258[%parallel_loop3A_254], %parallel_loop3A_255 : memref<272xf32, #tpu.memory_space<vmem>>[vector<16xi32>], vector<16xf32>,
        %parallel_loop3A_259 = arith.constant 7168 : i32
        %parallel_loop3A_260 = vector.broadcast %parallel_loop3A_259 : i32 to vector<16xi32>
        %parallel_loop3A_261 = arith.addi %parallel_loop3A_38, %parallel_loop3A_260 : vector<16xi32>
        %parallel_loop3A_262 = tpu.vector_load_idx %arg7[%parallel_loop3A_261] : memref<16384xf32, #tpu.memory_space<vmem>>[vector<16xi32>], vector<16xf32>,
        %parallel_loop3A_263 = arith.constant 7168 : i32
        %parallel_loop3A_264 = vector.broadcast %parallel_loop3A_263 : i32 to vector<16xi32>
        %parallel_loop3A_265 = arith.addi %parallel_loop3A_53, %parallel_loop3A_264 : vector<16xi32>
        %parallel_loop3A_266 = tpu.vector_load_idx %arg7[%parallel_loop3A_265] : memref<16384xf32, #tpu.memory_space<vmem>>[vector<16xi32>], vector<16xf32>,
        %parallel_loop3A_267 = arith.mulf %parallel_loop3A_262, %parallel_loop3A_266 : vector<16xf32>
        %parallel_loop3A_268 = arith.constant 7168 : i32
        %parallel_loop3A_269 = vector.broadcast %parallel_loop3A_268 : i32 to vector<16xi32>
        %parallel_loop3A_270 = arith.addi %parallel_loop3A_68, %parallel_loop3A_269 : vector<16xi32>
        %parallel_loop3A_271 = tpu.vector_load_idx %arg7[%parallel_loop3A_270] : memref<16384xf32, #tpu.memory_space<vmem>>[vector<16xi32>], vector<16xf32>,
        %parallel_loop3A_272 = arith.constant 7168 : i32
        %parallel_loop3A_273 = vector.broadcast %parallel_loop3A_272 : i32 to vector<16xi32>
        %parallel_loop3A_274 = arith.addi %parallel_loop3A_83, %parallel_loop3A_273 : vector<16xi32>
        %parallel_loop3A_275 = tpu.vector_load_idx %arg7[%parallel_loop3A_274] : memref<16384xf32, #tpu.memory_space<vmem>>[vector<16xi32>], vector<16xf32>,
        %parallel_loop3A_276 = arith.mulf %parallel_loop3A_271, %parallel_loop3A_275 : vector<16xf32>
        %parallel_loop3A_277 = arith.constant 7 : i32
        %parallel_loop3A_278 = vector.broadcast %parallel_loop3A_277 : i32 to vector<16xi32>
        %parallel_loop3A_279 = arith.addi %mul3A_6, %parallel_loop3A_278 : vector<16xi32>
        %parallel_loop3A_280 = arith.mulf %parallel_loop3A_267, %parallel_loop3A_276 : vector<16xf32>
        %parallel_loop3A_281 = arith.constant 0 : i32
        %parallel_loop3A_282 = tpu.memref_slice %arg8[%parallel_loop3A_18, %parallel_loop3A_281] : memref<32x272xf32, #tpu.memory_space<vmem>> -> memref<1x272xf32, #tpu.memory_space<vmem>>
        %parallel_loop3A_283 = tpu.memref_squeeze %parallel_loop3A_282 : memref<1x272xf32, #tpu.memory_space<vmem>> -> memref<272xf32, #tpu.memory_space<vmem>>
        tpu.vector_store_idx %parallel_loop3A_283[%parallel_loop3A_279], %parallel_loop3A_280 : memref<272xf32, #tpu.memory_space<vmem>>[vector<16xi32>], vector<16xf32>,
        %parallel_loop3A_284 = arith.constant 8192 : i32
        %parallel_loop3A_285 = vector.broadcast %parallel_loop3A_284 : i32 to vector<16xi32>
        %parallel_loop3A_286 = arith.addi %parallel_loop3A_38, %parallel_loop3A_285 : vector<16xi32>
        %parallel_loop3A_287 = tpu.vector_load_idx %arg7[%parallel_loop3A_286] : memref<16384xf32, #tpu.memory_space<vmem>>[vector<16xi32>], vector<16xf32>,
        %parallel_loop3A_288 = arith.constant 8192 : i32
        %parallel_loop3A_289 = vector.broadcast %parallel_loop3A_288 : i32 to vector<16xi32>
        %parallel_loop3A_290 = arith.addi %parallel_loop3A_53, %parallel_loop3A_289 : vector<16xi32>
        %parallel_loop3A_291 = tpu.vector_load_idx %arg7[%parallel_loop3A_290] : memref<16384xf32, #tpu.memory_space<vmem>>[vector<16xi32>], vector<16xf32>,
        %parallel_loop3A_292 = arith.mulf %parallel_loop3A_287, %parallel_loop3A_291 : vector<16xf32>
        %parallel_loop3A_293 = arith.constant 8192 : i32
        %parallel_loop3A_294 = vector.broadcast %parallel_loop3A_293 : i32 to vector<16xi32>
        %parallel_loop3A_295 = arith.addi %parallel_loop3A_68, %parallel_loop3A_294 : vector<16xi32>
        %parallel_loop3A_296 = tpu.vector_load_idx %arg7[%parallel_loop3A_295] : memref<16384xf32, #tpu.memory_space<vmem>>[vector<16xi32>], vector<16xf32>,
        %parallel_loop3A_297 = arith.constant 8192 : i32
        %parallel_loop3A_298 = vector.broadcast %parallel_loop3A_297 : i32 to vector<16xi32>
        %parallel_loop3A_299 = arith.addi %parallel_loop3A_83, %parallel_loop3A_298 : vector<16xi32>
        %parallel_loop3A_300 = tpu.vector_load_idx %arg7[%parallel_loop3A_299] : memref<16384xf32, #tpu.memory_space<vmem>>[vector<16xi32>], vector<16xf32>,
        %parallel_loop3A_301 = arith.mulf %parallel_loop3A_296, %parallel_loop3A_300 : vector<16xf32>
        %parallel_loop3A_302 = arith.constant 8 : i32
        %parallel_loop3A_303 = vector.broadcast %parallel_loop3A_302 : i32 to vector<16xi32>
        %parallel_loop3A_304 = arith.addi %mul3A_6, %parallel_loop3A_303 : vector<16xi32>
        %parallel_loop3A_305 = arith.mulf %parallel_loop3A_292, %parallel_loop3A_301 : vector<16xf32>
        %parallel_loop3A_306 = arith.constant 0 : i32
        %parallel_loop3A_307 = tpu.memref_slice %arg8[%parallel_loop3A_18, %parallel_loop3A_306] : memref<32x272xf32, #tpu.memory_space<vmem>> -> memref<1x272xf32, #tpu.memory_space<vmem>>
        %parallel_loop3A_308 = tpu.memref_squeeze %parallel_loop3A_307 : memref<1x272xf32, #tpu.memory_space<vmem>> -> memref<272xf32, #tpu.memory_space<vmem>>
        tpu.vector_store_idx %parallel_loop3A_308[%parallel_loop3A_304], %parallel_loop3A_305 : memref<272xf32, #tpu.memory_space<vmem>>[vector<16xi32>], vector<16xf32>,
        %parallel_loop3A_309 = arith.constant 9216 : i32
        %parallel_loop3A_310 = vector.broadcast %parallel_loop3A_309 : i32 to vector<16xi32>
        %parallel_loop3A_311 = arith.addi %parallel_loop3A_38, %parallel_loop3A_310 : vector<16xi32>
        %parallel_loop3A_312 = tpu.vector_load_idx %arg7[%parallel_loop3A_311] : memref<16384xf32, #tpu.memory_space<vmem>>[vector<16xi32>], vector<16xf32>,
        %parallel_loop3A_313 = arith.constant 9216 : i32
        %parallel_loop3A_314 = vector.broadcast %parallel_loop3A_313 : i32 to vector<16xi32>
        %parallel_loop3A_315 = arith.addi %parallel_loop3A_53, %parallel_loop3A_314 : vector<16xi32>
        %parallel_loop3A_316 = tpu.vector_load_idx %arg7[%parallel_loop3A_315] : memref<16384xf32, #tpu.memory_space<vmem>>[vector<16xi32>], vector<16xf32>,
        %parallel_loop3A_317 = arith.mulf %parallel_loop3A_312, %parallel_loop3A_316 : vector<16xf32>
        %parallel_loop3A_318 = arith.constant 9216 : i32
        %parallel_loop3A_319 = vector.broadcast %parallel_loop3A_318 : i32 to vector<16xi32>
        %parallel_loop3A_320 = arith.addi %parallel_loop3A_68, %parallel_loop3A_319 : vector<16xi32>
        %parallel_loop3A_321 = tpu.vector_load_idx %arg7[%parallel_loop3A_320] : memref<16384xf32, #tpu.memory_space<vmem>>[vector<16xi32>], vector<16xf32>,
        %parallel_loop3A_322 = arith.constant 9216 : i32
        %parallel_loop3A_323 = vector.broadcast %parallel_loop3A_322 : i32 to vector<16xi32>
        %parallel_loop3A_324 = arith.addi %parallel_loop3A_83, %parallel_loop3A_323 : vector<16xi32>
        %parallel_loop3A_325 = tpu.vector_load_idx %arg7[%parallel_loop3A_324] : memref<16384xf32, #tpu.memory_space<vmem>>[vector<16xi32>], vector<16xf32>,
        %parallel_loop3A_326 = arith.mulf %parallel_loop3A_321, %parallel_loop3A_325 : vector<16xf32>
        %parallel_loop3A_327 = arith.constant 9 : i32
        %parallel_loop3A_328 = vector.broadcast %parallel_loop3A_327 : i32 to vector<16xi32>
        %parallel_loop3A_329 = arith.addi %mul3A_6, %parallel_loop3A_328 : vector<16xi32>
        %parallel_loop3A_330 = arith.mulf %parallel_loop3A_317, %parallel_loop3A_326 : vector<16xf32>
        %parallel_loop3A_331 = arith.constant 0 : i32
        %parallel_loop3A_332 = tpu.memref_slice %arg8[%parallel_loop3A_18, %parallel_loop3A_331] : memref<32x272xf32, #tpu.memory_space<vmem>> -> memref<1x272xf32, #tpu.memory_space<vmem>>
        %parallel_loop3A_333 = tpu.memref_squeeze %parallel_loop3A_332 : memref<1x272xf32, #tpu.memory_space<vmem>> -> memref<272xf32, #tpu.memory_space<vmem>>
        tpu.vector_store_idx %parallel_loop3A_333[%parallel_loop3A_329], %parallel_loop3A_330 : memref<272xf32, #tpu.memory_space<vmem>>[vector<16xi32>], vector<16xf32>,
        %parallel_loop3A_334 = arith.constant 10240 : i32
        %parallel_loop3A_335 = vector.broadcast %parallel_loop3A_334 : i32 to vector<16xi32>
        %parallel_loop3A_336 = arith.addi %parallel_loop3A_38, %parallel_loop3A_335 : vector<16xi32>
        %parallel_loop3A_337 = tpu.vector_load_idx %arg7[%parallel_loop3A_336] : memref<16384xf32, #tpu.memory_space<vmem>>[vector<16xi32>], vector<16xf32>,
        %parallel_loop3A_338 = arith.constant 10240 : i32
        %parallel_loop3A_339 = vector.broadcast %parallel_loop3A_338 : i32 to vector<16xi32>
        %parallel_loop3A_340 = arith.addi %parallel_loop3A_53, %parallel_loop3A_339 : vector<16xi32>
        %parallel_loop3A_341 = tpu.vector_load_idx %arg7[%parallel_loop3A_340] : memref<16384xf32, #tpu.memory_space<vmem>>[vector<16xi32>], vector<16xf32>,
        %parallel_loop3A_342 = arith.mulf %parallel_loop3A_337, %parallel_loop3A_341 : vector<16xf32>
        %parallel_loop3A_343 = arith.constant 10240 : i32
        %parallel_loop3A_344 = vector.broadcast %parallel_loop3A_343 : i32 to vector<16xi32>
        %parallel_loop3A_345 = arith.addi %parallel_loop3A_68, %parallel_loop3A_344 : vector<16xi32>
        %parallel_loop3A_346 = tpu.vector_load_idx %arg7[%parallel_loop3A_345] : memref<16384xf32, #tpu.memory_space<vmem>>[vector<16xi32>], vector<16xf32>,
        %parallel_loop3A_347 = arith.constant 10240 : i32
        %parallel_loop3A_348 = vector.broadcast %parallel_loop3A_347 : i32 to vector<16xi32>
        %parallel_loop3A_349 = arith.addi %parallel_loop3A_83, %parallel_loop3A_348 : vector<16xi32>
        %parallel_loop3A_350 = tpu.vector_load_idx %arg7[%parallel_loop3A_349] : memref<16384xf32, #tpu.memory_space<vmem>>[vector<16xi32>], vector<16xf32>,
        %parallel_loop3A_351 = arith.mulf %parallel_loop3A_346, %parallel_loop3A_350 : vector<16xf32>
        %parallel_loop3A_352 = arith.constant 10 : i32
        %parallel_loop3A_353 = vector.broadcast %parallel_loop3A_352 : i32 to vector<16xi32>
        %parallel_loop3A_354 = arith.addi %mul3A_6, %parallel_loop3A_353 : vector<16xi32>
        %parallel_loop3A_355 = arith.mulf %parallel_loop3A_342, %parallel_loop3A_351 : vector<16xf32>
        %parallel_loop3A_356 = arith.constant 0 : i32
        %parallel_loop3A_357 = tpu.memref_slice %arg8[%parallel_loop3A_18, %parallel_loop3A_356] : memref<32x272xf32, #tpu.memory_space<vmem>> -> memref<1x272xf32, #tpu.memory_space<vmem>>
        %parallel_loop3A_358 = tpu.memref_squeeze %parallel_loop3A_357 : memref<1x272xf32, #tpu.memory_space<vmem>> -> memref<272xf32, #tpu.memory_space<vmem>>
        tpu.vector_store_idx %parallel_loop3A_358[%parallel_loop3A_354], %parallel_loop3A_355 : memref<272xf32, #tpu.memory_space<vmem>>[vector<16xi32>], vector<16xf32>,
        %parallel_loop3A_359 = arith.constant 11264 : i32
        %parallel_loop3A_360 = vector.broadcast %parallel_loop3A_359 : i32 to vector<16xi32>
        %parallel_loop3A_361 = arith.addi %parallel_loop3A_38, %parallel_loop3A_360 : vector<16xi32>
        %parallel_loop3A_362 = tpu.vector_load_idx %arg7[%parallel_loop3A_361] : memref<16384xf32, #tpu.memory_space<vmem>>[vector<16xi32>], vector<16xf32>,
        %parallel_loop3A_363 = arith.constant 11264 : i32
        %parallel_loop3A_364 = vector.broadcast %parallel_loop3A_363 : i32 to vector<16xi32>
        %parallel_loop3A_365 = arith.addi %parallel_loop3A_53, %parallel_loop3A_364 : vector<16xi32>
        %parallel_loop3A_366 = tpu.vector_load_idx %arg7[%parallel_loop3A_365] : memref<16384xf32, #tpu.memory_space<vmem>>[vector<16xi32>], vector<16xf32>,
        %parallel_loop3A_367 = arith.mulf %parallel_loop3A_362, %parallel_loop3A_366 : vector<16xf32>
        %parallel_loop3A_368 = arith.constant 11264 : i32
        %parallel_loop3A_369 = vector.broadcast %parallel_loop3A_368 : i32 to vector<16xi32>
        %parallel_loop3A_370 = arith.addi %parallel_loop3A_68, %parallel_loop3A_369 : vector<16xi32>
        %parallel_loop3A_371 = tpu.vector_load_idx %arg7[%parallel_loop3A_370] : memref<16384xf32, #tpu.memory_space<vmem>>[vector<16xi32>], vector<16xf32>,
        %parallel_loop3A_372 = arith.constant 11264 : i32
        %parallel_loop3A_373 = vector.broadcast %parallel_loop3A_372 : i32 to vector<16xi32>
        %parallel_loop3A_374 = arith.addi %parallel_loop3A_83, %parallel_loop3A_373 : vector<16xi32>
        %parallel_loop3A_375 = tpu.vector_load_idx %arg7[%parallel_loop3A_374] : memref<16384xf32, #tpu.memory_space<vmem>>[vector<16xi32>], vector<16xf32>,
        %parallel_loop3A_376 = arith.mulf %parallel_loop3A_371, %parallel_loop3A_375 : vector<16xf32>
        %parallel_loop3A_377 = arith.constant 11 : i32
        %parallel_loop3A_378 = vector.broadcast %parallel_loop3A_377 : i32 to vector<16xi32>
        %parallel_loop3A_379 = arith.addi %mul3A_6, %parallel_loop3A_378 : vector<16xi32>
        %parallel_loop3A_380 = arith.mulf %parallel_loop3A_367, %parallel_loop3A_376 : vector<16xf32>
        %parallel_loop3A_381 = arith.constant 0 : i32
        %parallel_loop3A_382 = tpu.memref_slice %arg8[%parallel_loop3A_18, %parallel_loop3A_381] : memref<32x272xf32, #tpu.memory_space<vmem>> -> memref<1x272xf32, #tpu.memory_space<vmem>>
        %parallel_loop3A_383 = tpu.memref_squeeze %parallel_loop3A_382 : memref<1x272xf32, #tpu.memory_space<vmem>> -> memref<272xf32, #tpu.memory_space<vmem>>
        tpu.vector_store_idx %parallel_loop3A_383[%parallel_loop3A_379], %parallel_loop3A_380 : memref<272xf32, #tpu.memory_space<vmem>>[vector<16xi32>], vector<16xf32>,
        %parallel_loop3A_384 = arith.constant 12288 : i32
        %parallel_loop3A_385 = vector.broadcast %parallel_loop3A_384 : i32 to vector<16xi32>
        %parallel_loop3A_386 = arith.addi %parallel_loop3A_38, %parallel_loop3A_385 : vector<16xi32>
        %parallel_loop3A_387 = tpu.vector_load_idx %arg7[%parallel_loop3A_386] : memref<16384xf32, #tpu.memory_space<vmem>>[vector<16xi32>], vector<16xf32>,
        %parallel_loop3A_388 = arith.constant 12288 : i32
        %parallel_loop3A_389 = vector.broadcast %parallel_loop3A_388 : i32 to vector<16xi32>
        %parallel_loop3A_390 = arith.addi %parallel_loop3A_53, %parallel_loop3A_389 : vector<16xi32>
        %parallel_loop3A_391 = tpu.vector_load_idx %arg7[%parallel_loop3A_390] : memref<16384xf32, #tpu.memory_space<vmem>>[vector<16xi32>], vector<16xf32>,
        %parallel_loop3A_392 = arith.mulf %parallel_loop3A_387, %parallel_loop3A_391 : vector<16xf32>
        %parallel_loop3A_393 = arith.constant 12288 : i32
        %parallel_loop3A_394 = vector.broadcast %parallel_loop3A_393 : i32 to vector<16xi32>
        %parallel_loop3A_395 = arith.addi %parallel_loop3A_68, %parallel_loop3A_394 : vector<16xi32>
        %parallel_loop3A_396 = tpu.vector_load_idx %arg7[%parallel_loop3A_395] : memref<16384xf32, #tpu.memory_space<vmem>>[vector<16xi32>], vector<16xf32>,
        %parallel_loop3A_397 = arith.constant 12288 : i32
        %parallel_loop3A_398 = vector.broadcast %parallel_loop3A_397 : i32 to vector<16xi32>
        %parallel_loop3A_399 = arith.addi %parallel_loop3A_83, %parallel_loop3A_398 : vector<16xi32>
        %parallel_loop3A_400 = tpu.vector_load_idx %arg7[%parallel_loop3A_399] : memref<16384xf32, #tpu.memory_space<vmem>>[vector<16xi32>], vector<16xf32>,
        %parallel_loop3A_401 = arith.mulf %parallel_loop3A_396, %parallel_loop3A_400 : vector<16xf32>
        %parallel_loop3A_402 = arith.constant 12 : i32
        %parallel_loop3A_403 = vector.broadcast %parallel_loop3A_402 : i32 to vector<16xi32>
        %parallel_loop3A_404 = arith.addi %mul3A_6, %parallel_loop3A_403 : vector<16xi32>
        %parallel_loop3A_405 = arith.mulf %parallel_loop3A_392, %parallel_loop3A_401 : vector<16xf32>
        %parallel_loop3A_406 = arith.constant 0 : i32
        %parallel_loop3A_407 = tpu.memref_slice %arg8[%parallel_loop3A_18, %parallel_loop3A_406] : memref<32x272xf32, #tpu.memory_space<vmem>> -> memref<1x272xf32, #tpu.memory_space<vmem>>
        %parallel_loop3A_408 = tpu.memref_squeeze %parallel_loop3A_407 : memref<1x272xf32, #tpu.memory_space<vmem>> -> memref<272xf32, #tpu.memory_space<vmem>>
        tpu.vector_store_idx %parallel_loop3A_408[%parallel_loop3A_404], %parallel_loop3A_405 : memref<272xf32, #tpu.memory_space<vmem>>[vector<16xi32>], vector<16xf32>,
        %parallel_loop3A_409 = arith.constant 13312 : i32
        %parallel_loop3A_410 = vector.broadcast %parallel_loop3A_409 : i32 to vector<16xi32>
        %parallel_loop3A_411 = arith.addi %parallel_loop3A_38, %parallel_loop3A_410 : vector<16xi32>
        %parallel_loop3A_412 = tpu.vector_load_idx %arg7[%parallel_loop3A_411] : memref<16384xf32, #tpu.memory_space<vmem>>[vector<16xi32>], vector<16xf32>,
        %parallel_loop3A_413 = arith.constant 13312 : i32
        %parallel_loop3A_414 = vector.broadcast %parallel_loop3A_413 : i32 to vector<16xi32>
        %parallel_loop3A_415 = arith.addi %parallel_loop3A_53, %parallel_loop3A_414 : vector<16xi32>
        %parallel_loop3A_416 = tpu.vector_load_idx %arg7[%parallel_loop3A_415] : memref<16384xf32, #tpu.memory_space<vmem>>[vector<16xi32>], vector<16xf32>,
        %parallel_loop3A_417 = arith.mulf %parallel_loop3A_412, %parallel_loop3A_416 : vector<16xf32>
        %parallel_loop3A_418 = arith.constant 13312 : i32
        %parallel_loop3A_419 = vector.broadcast %parallel_loop3A_418 : i32 to vector<16xi32>
        %parallel_loop3A_420 = arith.addi %parallel_loop3A_68, %parallel_loop3A_419 : vector<16xi32>
        %parallel_loop3A_421 = tpu.vector_load_idx %arg7[%parallel_loop3A_420] : memref<16384xf32, #tpu.memory_space<vmem>>[vector<16xi32>], vector<16xf32>,
        %parallel_loop3A_422 = arith.constant 13312 : i32
        %parallel_loop3A_423 = vector.broadcast %parallel_loop3A_422 : i32 to vector<16xi32>
        %parallel_loop3A_424 = arith.addi %parallel_loop3A_83, %parallel_loop3A_423 : vector<16xi32>
        %parallel_loop3A_425 = tpu.vector_load_idx %arg7[%parallel_loop3A_424] : memref<16384xf32, #tpu.memory_space<vmem>>[vector<16xi32>], vector<16xf32>,
        %parallel_loop3A_426 = arith.mulf %parallel_loop3A_421, %parallel_loop3A_425 : vector<16xf32>
        %parallel_loop3A_427 = arith.constant 13 : i32
        %parallel_loop3A_428 = vector.broadcast %parallel_loop3A_427 : i32 to vector<16xi32>
        %parallel_loop3A_429 = arith.addi %mul3A_6, %parallel_loop3A_428 : vector<16xi32>
        %parallel_loop3A_430 = arith.mulf %parallel_loop3A_417, %parallel_loop3A_426 : vector<16xf32>
        %parallel_loop3A_431 = arith.constant 0 : i32
        %parallel_loop3A_432 = tpu.memref_slice %arg8[%parallel_loop3A_18, %parallel_loop3A_431] : memref<32x272xf32, #tpu.memory_space<vmem>> -> memref<1x272xf32, #tpu.memory_space<vmem>>
        %parallel_loop3A_433 = tpu.memref_squeeze %parallel_loop3A_432 : memref<1x272xf32, #tpu.memory_space<vmem>> -> memref<272xf32, #tpu.memory_space<vmem>>
        tpu.vector_store_idx %parallel_loop3A_433[%parallel_loop3A_429], %parallel_loop3A_430 : memref<272xf32, #tpu.memory_space<vmem>>[vector<16xi32>], vector<16xf32>,
        %parallel_loop3A_434 = arith.constant 14336 : i32
        %parallel_loop3A_435 = vector.broadcast %parallel_loop3A_434 : i32 to vector<16xi32>
        %parallel_loop3A_436 = arith.addi %parallel_loop3A_38, %parallel_loop3A_435 : vector<16xi32>
        %parallel_loop3A_437 = tpu.vector_load_idx %arg7[%parallel_loop3A_436] : memref<16384xf32, #tpu.memory_space<vmem>>[vector<16xi32>], vector<16xf32>,
        %parallel_loop3A_438 = arith.constant 14336 : i32
        %parallel_loop3A_439 = vector.broadcast %parallel_loop3A_438 : i32 to vector<16xi32>
        %parallel_loop3A_440 = arith.addi %parallel_loop3A_53, %parallel_loop3A_439 : vector<16xi32>
        %parallel_loop3A_441 = tpu.vector_load_idx %arg7[%parallel_loop3A_440] : memref<16384xf32, #tpu.memory_space<vmem>>[vector<16xi32>], vector<16xf32>,
        %parallel_loop3A_442 = arith.mulf %parallel_loop3A_437, %parallel_loop3A_441 : vector<16xf32>
        %parallel_loop3A_443 = arith.constant 14336 : i32
        %parallel_loop3A_444 = vector.broadcast %parallel_loop3A_443 : i32 to vector<16xi32>
        %parallel_loop3A_445 = arith.addi %parallel_loop3A_68, %parallel_loop3A_444 : vector<16xi32>
        %parallel_loop3A_446 = tpu.vector_load_idx %arg7[%parallel_loop3A_445] : memref<16384xf32, #tpu.memory_space<vmem>>[vector<16xi32>], vector<16xf32>,
        %parallel_loop3A_447 = arith.constant 14336 : i32
        %parallel_loop3A_448 = vector.broadcast %parallel_loop3A_447 : i32 to vector<16xi32>
        %parallel_loop3A_449 = arith.addi %parallel_loop3A_83, %parallel_loop3A_448 : vector<16xi32>
        %parallel_loop3A_450 = tpu.vector_load_idx %arg7[%parallel_loop3A_449] : memref<16384xf32, #tpu.memory_space<vmem>>[vector<16xi32>], vector<16xf32>,
        %parallel_loop3A_451 = arith.mulf %parallel_loop3A_446, %parallel_loop3A_450 : vector<16xf32>
        %parallel_loop3A_452 = arith.constant 14 : i32
        %parallel_loop3A_453 = vector.broadcast %parallel_loop3A_452 : i32 to vector<16xi32>
        %parallel_loop3A_454 = arith.addi %mul3A_6, %parallel_loop3A_453 : vector<16xi32>
        %parallel_loop3A_455 = arith.mulf %parallel_loop3A_442, %parallel_loop3A_451 : vector<16xf32>
        %parallel_loop3A_456 = arith.constant 0 : i32
        %parallel_loop3A_457 = tpu.memref_slice %arg8[%parallel_loop3A_18, %parallel_loop3A_456] : memref<32x272xf32, #tpu.memory_space<vmem>> -> memref<1x272xf32, #tpu.memory_space<vmem>>
        %parallel_loop3A_458 = tpu.memref_squeeze %parallel_loop3A_457 : memref<1x272xf32, #tpu.memory_space<vmem>> -> memref<272xf32, #tpu.memory_space<vmem>>
        tpu.vector_store_idx %parallel_loop3A_458[%parallel_loop3A_454], %parallel_loop3A_455 : memref<272xf32, #tpu.memory_space<vmem>>[vector<16xi32>], vector<16xf32>,
        %parallel_loop3A_459 = arith.constant 15360 : i32
        %parallel_loop3A_460 = vector.broadcast %parallel_loop3A_459 : i32 to vector<16xi32>
        %parallel_loop3A_461 = arith.addi %parallel_loop3A_38, %parallel_loop3A_460 : vector<16xi32>
        %parallel_loop3A_462 = tpu.vector_load_idx %arg7[%parallel_loop3A_461] : memref<16384xf32, #tpu.memory_space<vmem>>[vector<16xi32>], vector<16xf32>,
        %parallel_loop3A_463 = arith.constant 15360 : i32
        %parallel_loop3A_464 = vector.broadcast %parallel_loop3A_463 : i32 to vector<16xi32>
        %parallel_loop3A_465 = arith.addi %parallel_loop3A_53, %parallel_loop3A_464 : vector<16xi32>
        %parallel_loop3A_466 = tpu.vector_load_idx %arg7[%parallel_loop3A_465] : memref<16384xf32, #tpu.memory_space<vmem>>[vector<16xi32>], vector<16xf32>,
        %parallel_loop3A_467 = arith.mulf %parallel_loop3A_462, %parallel_loop3A_466 : vector<16xf32>
        %parallel_loop3A_468 = arith.constant 15360 : i32
        %parallel_loop3A_469 = vector.broadcast %parallel_loop3A_468 : i32 to vector<16xi32>
        %parallel_loop3A_470 = arith.addi %parallel_loop3A_68, %parallel_loop3A_469 : vector<16xi32>
        %parallel_loop3A_471 = tpu.vector_load_idx %arg7[%parallel_loop3A_470] : memref<16384xf32, #tpu.memory_space<vmem>>[vector<16xi32>], vector<16xf32>,
        %parallel_loop3A_472 = arith.constant 15360 : i32
        %parallel_loop3A_473 = vector.broadcast %parallel_loop3A_472 : i32 to vector<16xi32>
        %parallel_loop3A_474 = arith.addi %parallel_loop3A_83, %parallel_loop3A_473 : vector<16xi32>
        %parallel_loop3A_475 = tpu.vector_load_idx %arg7[%parallel_loop3A_474] : memref<16384xf32, #tpu.memory_space<vmem>>[vector<16xi32>], vector<16xf32>,
        %parallel_loop3A_476 = arith.mulf %parallel_loop3A_471, %parallel_loop3A_475 : vector<16xf32>
        %parallel_loop3A_477 = arith.constant 15 : i32
        %parallel_loop3A_478 = vector.broadcast %parallel_loop3A_477 : i32 to vector<16xi32>
        %parallel_loop3A_479 = arith.addi %mul3A_6, %parallel_loop3A_478 : vector<16xi32>
        %parallel_loop3A_480 = arith.mulf %parallel_loop3A_467, %parallel_loop3A_476 : vector<16xf32>
        %parallel_loop3A_481 = arith.constant 0 : i32
        %parallel_loop3A_482 = tpu.memref_slice %arg8[%parallel_loop3A_18, %parallel_loop3A_481] : memref<32x272xf32, #tpu.memory_space<vmem>> -> memref<1x272xf32, #tpu.memory_space<vmem>>
        %parallel_loop3A_483 = tpu.memref_squeeze %parallel_loop3A_482 : memref<1x272xf32, #tpu.memory_space<vmem>> -> memref<272xf32, #tpu.memory_space<vmem>>
        tpu.vector_store_idx %parallel_loop3A_483[%parallel_loop3A_479], %parallel_loop3A_480 : memref<272xf32, #tpu.memory_space<vmem>>[vector<16xi32>], vector<16xf32>,
      } {sc.loop_unroll_factor = 1 : i64, sc.parallel_access}
      %parallel_loop3A_15 = arith.constant 0 : i32
      %parallel_loop3A_16 = arith.constant 32 : i32
      %parallel_loop3A_17 = arith.constant 1 : i32
      scf.for %parallel_loop3A_18 = %parallel_loop3A_15 to %parallel_loop3A_16 step %parallel_loop3A_17  : i32 {
        %parallel_loop3A_19 = arith.constant 32 : i32
        %parallel_loop3A_20 = arith.muli %scan3A_12, %parallel_loop3A_19 : i32
        %parallel_loop3A_21 = arith.addi %parallel_loop3A_20, %parallel_loop3A_18 : i32
        %parallel_loop3A_22 = arith.constant 0 : i32
        %parallel_loop3A_23 = vector.broadcast %parallel_loop3A_22 : i32 to vector<16xi32>
        %parallel_loop3A_24 = arith.addi %iota3A, %parallel_loop3A_23 : vector<16xi32>
        %parallel_loop3A_25 = arith.constant 0 : i32
        %parallel_loop3A_26 = tpu.memref_slice %arg8[%parallel_loop3A_18, %parallel_loop3A_25] : memref<32x272xf32, #tpu.memory_space<vmem>> -> memref<1x272xf32, #tpu.memory_space<vmem>>
        %parallel_loop3A_27 = tpu.memref_squeeze %parallel_loop3A_26 : memref<1x272xf32, #tpu.memory_space<vmem>> -> memref<272xf32, #tpu.memory_space<vmem>>
        %parallel_loop3A_28 = tpu.vector_load_idx %parallel_loop3A_27[%parallel_loop3A_24] : memref<272xf32, #tpu.memory_space<vmem>>[vector<16xi32>], vector<16xf32>,
        %parallel_loop3A_29 = arith.constant 17 : i32
        %parallel_loop3A_30 = vector.broadcast %parallel_loop3A_29 : i32 to vector<16xi32>
        %parallel_loop3A_31 = arith.addi %iota3A, %parallel_loop3A_30 : vector<16xi32>
        %parallel_loop3A_32 = arith.constant 0 : i32
        %parallel_loop3A_33 = tpu.memref_slice %arg8[%parallel_loop3A_18, %parallel_loop3A_32] : memref<32x272xf32, #tpu.memory_space<vmem>> -> memref<1x272xf32, #tpu.memory_space<vmem>>
        %parallel_loop3A_34 = tpu.memref_squeeze %parallel_loop3A_33 : memref<1x272xf32, #tpu.memory_space<vmem>> -> memref<272xf32, #tpu.memory_space<vmem>>
        %parallel_loop3A_35 = tpu.vector_load_idx %parallel_loop3A_34[%parallel_loop3A_31] : memref<272xf32, #tpu.memory_space<vmem>>[vector<16xi32>], vector<16xf32>,
        %parallel_loop3A_36 = arith.constant 34 : i32
        %parallel_loop3A_37 = vector.broadcast %parallel_loop3A_36 : i32 to vector<16xi32>
        %parallel_loop3A_38 = arith.addi %iota3A, %parallel_loop3A_37 : vector<16xi32>
        %parallel_loop3A_39 = arith.constant 0 : i32
        %parallel_loop3A_40 = tpu.memref_slice %arg8[%parallel_loop3A_18, %parallel_loop3A_39] : memref<32x272xf32, #tpu.memory_space<vmem>> -> memref<1x272xf32, #tpu.memory_space<vmem>>
        %parallel_loop3A_41 = tpu.memref_squeeze %parallel_loop3A_40 : memref<1x272xf32, #tpu.memory_space<vmem>> -> memref<272xf32, #tpu.memory_space<vmem>>
        %parallel_loop3A_42 = tpu.vector_load_idx %parallel_loop3A_41[%parallel_loop3A_38] : memref<272xf32, #tpu.memory_space<vmem>>[vector<16xi32>], vector<16xf32>,
        %parallel_loop3A_43 = arith.constant 51 : i32
        %parallel_loop3A_44 = vector.broadcast %parallel_loop3A_43 : i32 to vector<16xi32>
        %parallel_loop3A_45 = arith.addi %iota3A, %parallel_loop3A_44 : vector<16xi32>
        %parallel_loop3A_46 = arith.constant 0 : i32
        %parallel_loop3A_47 = tpu.memref_slice %arg8[%parallel_loop3A_18, %parallel_loop3A_46] : memref<32x272xf32, #tpu.memory_space<vmem>> -> memref<1x272xf32, #tpu.memory_space<vmem>>
        %parallel_loop3A_48 = tpu.memref_squeeze %parallel_loop3A_47 : memref<1x272xf32, #tpu.memory_space<vmem>> -> memref<272xf32, #tpu.memory_space<vmem>>
        %parallel_loop3A_49 = tpu.vector_load_idx %parallel_loop3A_48[%parallel_loop3A_45] : memref<272xf32, #tpu.memory_space<vmem>>[vector<16xi32>], vector<16xf32>,
        %parallel_loop3A_50 = arith.constant 68 : i32
        %parallel_loop3A_51 = vector.broadcast %parallel_loop3A_50 : i32 to vector<16xi32>
        %parallel_loop3A_52 = arith.addi %iota3A, %parallel_loop3A_51 : vector<16xi32>
        %parallel_loop3A_53 = arith.constant 0 : i32
        %parallel_loop3A_54 = tpu.memref_slice %arg8[%parallel_loop3A_18, %parallel_loop3A_53] : memref<32x272xf32, #tpu.memory_space<vmem>> -> memref<1x272xf32, #tpu.memory_space<vmem>>
        %parallel_loop3A_55 = tpu.memref_squeeze %parallel_loop3A_54 : memref<1x272xf32, #tpu.memory_space<vmem>> -> memref<272xf32, #tpu.memory_space<vmem>>
        %parallel_loop3A_56 = tpu.vector_load_idx %parallel_loop3A_55[%parallel_loop3A_52] : memref<272xf32, #tpu.memory_space<vmem>>[vector<16xi32>], vector<16xf32>,
        %parallel_loop3A_57 = arith.constant 85 : i32
        %parallel_loop3A_58 = vector.broadcast %parallel_loop3A_57 : i32 to vector<16xi32>
        %parallel_loop3A_59 = arith.addi %iota3A, %parallel_loop3A_58 : vector<16xi32>
        %parallel_loop3A_60 = arith.constant 0 : i32
        %parallel_loop3A_61 = tpu.memref_slice %arg8[%parallel_loop3A_18, %parallel_loop3A_60] : memref<32x272xf32, #tpu.memory_space<vmem>> -> memref<1x272xf32, #tpu.memory_space<vmem>>
        %parallel_loop3A_62 = tpu.memref_squeeze %parallel_loop3A_61 : memref<1x272xf32, #tpu.memory_space<vmem>> -> memref<272xf32, #tpu.memory_space<vmem>>
        %parallel_loop3A_63 = tpu.vector_load_idx %parallel_loop3A_62[%parallel_loop3A_59] : memref<272xf32, #tpu.memory_space<vmem>>[vector<16xi32>], vector<16xf32>,
        %parallel_loop3A_64 = arith.constant 102 : i32
        %parallel_loop3A_65 = vector.broadcast %parallel_loop3A_64 : i32 to vector<16xi32>
        %parallel_loop3A_66 = arith.addi %iota3A, %parallel_loop3A_65 : vector<16xi32>
        %parallel_loop3A_67 = arith.constant 0 : i32
        %parallel_loop3A_68 = tpu.memref_slice %arg8[%parallel_loop3A_18, %parallel_loop3A_67] : memref<32x272xf32, #tpu.memory_space<vmem>> -> memref<1x272xf32, #tpu.memory_space<vmem>>
        %parallel_loop3A_69 = tpu.memref_squeeze %parallel_loop3A_68 : memref<1x272xf32, #tpu.memory_space<vmem>> -> memref<272xf32, #tpu.memory_space<vmem>>
        %parallel_loop3A_70 = tpu.vector_load_idx %parallel_loop3A_69[%parallel_loop3A_66] : memref<272xf32, #tpu.memory_space<vmem>>[vector<16xi32>], vector<16xf32>,
        %parallel_loop3A_71 = arith.constant 119 : i32
        %parallel_loop3A_72 = vector.broadcast %parallel_loop3A_71 : i32 to vector<16xi32>
        %parallel_loop3A_73 = arith.addi %iota3A, %parallel_loop3A_72 : vector<16xi32>
        %parallel_loop3A_74 = arith.constant 0 : i32
        %parallel_loop3A_75 = tpu.memref_slice %arg8[%parallel_loop3A_18, %parallel_loop3A_74] : memref<32x272xf32, #tpu.memory_space<vmem>> -> memref<1x272xf32, #tpu.memory_space<vmem>>
        %parallel_loop3A_76 = tpu.memref_squeeze %parallel_loop3A_75 : memref<1x272xf32, #tpu.memory_space<vmem>> -> memref<272xf32, #tpu.memory_space<vmem>>
        %parallel_loop3A_77 = tpu.vector_load_idx %parallel_loop3A_76[%parallel_loop3A_73] : memref<272xf32, #tpu.memory_space<vmem>>[vector<16xi32>], vector<16xf32>,
        %parallel_loop3A_78 = arith.constant 136 : i32
        %parallel_loop3A_79 = vector.broadcast %parallel_loop3A_78 : i32 to vector<16xi32>
        %parallel_loop3A_80 = arith.addi %iota3A, %parallel_loop3A_79 : vector<16xi32>
        %parallel_loop3A_81 = arith.constant 0 : i32
        %parallel_loop3A_82 = tpu.memref_slice %arg8[%parallel_loop3A_18, %parallel_loop3A_81] : memref<32x272xf32, #tpu.memory_space<vmem>> -> memref<1x272xf32, #tpu.memory_space<vmem>>
        %parallel_loop3A_83 = tpu.memref_squeeze %parallel_loop3A_82 : memref<1x272xf32, #tpu.memory_space<vmem>> -> memref<272xf32, #tpu.memory_space<vmem>>
        %parallel_loop3A_84 = tpu.vector_load_idx %parallel_loop3A_83[%parallel_loop3A_80] : memref<272xf32, #tpu.memory_space<vmem>>[vector<16xi32>], vector<16xf32>,
        %parallel_loop3A_85 = arith.constant 153 : i32
        %parallel_loop3A_86 = vector.broadcast %parallel_loop3A_85 : i32 to vector<16xi32>
        %parallel_loop3A_87 = arith.addi %iota3A, %parallel_loop3A_86 : vector<16xi32>
        %parallel_loop3A_88 = arith.constant 0 : i32
        %parallel_loop3A_89 = tpu.memref_slice %arg8[%parallel_loop3A_18, %parallel_loop3A_88] : memref<32x272xf32, #tpu.memory_space<vmem>> -> memref<1x272xf32, #tpu.memory_space<vmem>>
        %parallel_loop3A_90 = tpu.memref_squeeze %parallel_loop3A_89 : memref<1x272xf32, #tpu.memory_space<vmem>> -> memref<272xf32, #tpu.memory_space<vmem>>
        %parallel_loop3A_91 = tpu.vector_load_idx %parallel_loop3A_90[%parallel_loop3A_87] : memref<272xf32, #tpu.memory_space<vmem>>[vector<16xi32>], vector<16xf32>,
        %parallel_loop3A_92 = arith.constant 170 : i32
        %parallel_loop3A_93 = vector.broadcast %parallel_loop3A_92 : i32 to vector<16xi32>
        %parallel_loop3A_94 = arith.addi %iota3A, %parallel_loop3A_93 : vector<16xi32>
        %parallel_loop3A_95 = arith.constant 0 : i32
        %parallel_loop3A_96 = tpu.memref_slice %arg8[%parallel_loop3A_18, %parallel_loop3A_95] : memref<32x272xf32, #tpu.memory_space<vmem>> -> memref<1x272xf32, #tpu.memory_space<vmem>>
        %parallel_loop3A_97 = tpu.memref_squeeze %parallel_loop3A_96 : memref<1x272xf32, #tpu.memory_space<vmem>> -> memref<272xf32, #tpu.memory_space<vmem>>
        %parallel_loop3A_98 = tpu.vector_load_idx %parallel_loop3A_97[%parallel_loop3A_94] : memref<272xf32, #tpu.memory_space<vmem>>[vector<16xi32>], vector<16xf32>,
        %parallel_loop3A_99 = arith.constant 187 : i32
        %parallel_loop3A_100 = vector.broadcast %parallel_loop3A_99 : i32 to vector<16xi32>
        %parallel_loop3A_101 = arith.addi %iota3A, %parallel_loop3A_100 : vector<16xi32>
        %parallel_loop3A_102 = arith.constant 0 : i32
        %parallel_loop3A_103 = tpu.memref_slice %arg8[%parallel_loop3A_18, %parallel_loop3A_102] : memref<32x272xf32, #tpu.memory_space<vmem>> -> memref<1x272xf32, #tpu.memory_space<vmem>>
        %parallel_loop3A_104 = tpu.memref_squeeze %parallel_loop3A_103 : memref<1x272xf32, #tpu.memory_space<vmem>> -> memref<272xf32, #tpu.memory_space<vmem>>
        %parallel_loop3A_105 = tpu.vector_load_idx %parallel_loop3A_104[%parallel_loop3A_101] : memref<272xf32, #tpu.memory_space<vmem>>[vector<16xi32>], vector<16xf32>,
        %parallel_loop3A_106 = arith.constant 204 : i32
        %parallel_loop3A_107 = vector.broadcast %parallel_loop3A_106 : i32 to vector<16xi32>
        %parallel_loop3A_108 = arith.addi %iota3A, %parallel_loop3A_107 : vector<16xi32>
        %parallel_loop3A_109 = arith.constant 0 : i32
        %parallel_loop3A_110 = tpu.memref_slice %arg8[%parallel_loop3A_18, %parallel_loop3A_109] : memref<32x272xf32, #tpu.memory_space<vmem>> -> memref<1x272xf32, #tpu.memory_space<vmem>>
        %parallel_loop3A_111 = tpu.memref_squeeze %parallel_loop3A_110 : memref<1x272xf32, #tpu.memory_space<vmem>> -> memref<272xf32, #tpu.memory_space<vmem>>
        %parallel_loop3A_112 = tpu.vector_load_idx %parallel_loop3A_111[%parallel_loop3A_108] : memref<272xf32, #tpu.memory_space<vmem>>[vector<16xi32>], vector<16xf32>,
        %parallel_loop3A_113 = arith.constant 221 : i32
        %parallel_loop3A_114 = vector.broadcast %parallel_loop3A_113 : i32 to vector<16xi32>
        %parallel_loop3A_115 = arith.addi %iota3A, %parallel_loop3A_114 : vector<16xi32>
        %parallel_loop3A_116 = arith.constant 0 : i32
        %parallel_loop3A_117 = tpu.memref_slice %arg8[%parallel_loop3A_18, %parallel_loop3A_116] : memref<32x272xf32, #tpu.memory_space<vmem>> -> memref<1x272xf32, #tpu.memory_space<vmem>>
        %parallel_loop3A_118 = tpu.memref_squeeze %parallel_loop3A_117 : memref<1x272xf32, #tpu.memory_space<vmem>> -> memref<272xf32, #tpu.memory_space<vmem>>
        %parallel_loop3A_119 = tpu.vector_load_idx %parallel_loop3A_118[%parallel_loop3A_115] : memref<272xf32, #tpu.memory_space<vmem>>[vector<16xi32>], vector<16xf32>,
        %parallel_loop3A_120 = arith.constant 238 : i32
        %parallel_loop3A_121 = vector.broadcast %parallel_loop3A_120 : i32 to vector<16xi32>
        %parallel_loop3A_122 = arith.addi %iota3A, %parallel_loop3A_121 : vector<16xi32>
        %parallel_loop3A_123 = arith.constant 0 : i32
        %parallel_loop3A_124 = tpu.memref_slice %arg8[%parallel_loop3A_18, %parallel_loop3A_123] : memref<32x272xf32, #tpu.memory_space<vmem>> -> memref<1x272xf32, #tpu.memory_space<vmem>>
        %parallel_loop3A_125 = tpu.memref_squeeze %parallel_loop3A_124 : memref<1x272xf32, #tpu.memory_space<vmem>> -> memref<272xf32, #tpu.memory_space<vmem>>
        %parallel_loop3A_126 = tpu.vector_load_idx %parallel_loop3A_125[%parallel_loop3A_122] : memref<272xf32, #tpu.memory_space<vmem>>[vector<16xi32>], vector<16xf32>,
        %parallel_loop3A_127 = arith.constant 255 : i32
        %parallel_loop3A_128 = vector.broadcast %parallel_loop3A_127 : i32 to vector<16xi32>
        %parallel_loop3A_129 = arith.addi %iota3A, %parallel_loop3A_128 : vector<16xi32>
        %parallel_loop3A_130 = arith.constant 0 : i32
        %parallel_loop3A_131 = tpu.memref_slice %arg8[%parallel_loop3A_18, %parallel_loop3A_130] : memref<32x272xf32, #tpu.memory_space<vmem>> -> memref<1x272xf32, #tpu.memory_space<vmem>>
        %parallel_loop3A_132 = tpu.memref_squeeze %parallel_loop3A_131 : memref<1x272xf32, #tpu.memory_space<vmem>> -> memref<272xf32, #tpu.memory_space<vmem>>
        %parallel_loop3A_133 = tpu.vector_load_idx %parallel_loop3A_132[%parallel_loop3A_129] : memref<272xf32, #tpu.memory_space<vmem>>[vector<16xi32>], vector<16xf32>,
        %parallel_loop3A_134 = arith.maximumf %parallel_loop3A_28, %parallel_loop3A_35 : vector<16xf32>
        %parallel_loop3A_135 = arith.maximumf %parallel_loop3A_42, %parallel_loop3A_49 : vector<16xf32>
        %parallel_loop3A_136 = arith.maximumf %parallel_loop3A_56, %parallel_loop3A_63 : vector<16xf32>
        %parallel_loop3A_137 = arith.maximumf %parallel_loop3A_70, %parallel_loop3A_77 : vector<16xf32>
        %parallel_loop3A_138 = arith.maximumf %parallel_loop3A_84, %parallel_loop3A_91 : vector<16xf32>
        %parallel_loop3A_139 = arith.maximumf %parallel_loop3A_98, %parallel_loop3A_105 : vector<16xf32>
        %parallel_loop3A_140 = arith.maximumf %parallel_loop3A_112, %parallel_loop3A_119 : vector<16xf32>
        %parallel_loop3A_141 = arith.maximumf %parallel_loop3A_126, %parallel_loop3A_133 : vector<16xf32>
        %parallel_loop3A_142 = arith.maximumf %parallel_loop3A_134, %parallel_loop3A_135 : vector<16xf32>
        %parallel_loop3A_143 = arith.maximumf %parallel_loop3A_136, %parallel_loop3A_137 : vector<16xf32>
        %parallel_loop3A_144 = arith.maximumf %parallel_loop3A_138, %parallel_loop3A_139 : vector<16xf32>
        %parallel_loop3A_145 = arith.maximumf %parallel_loop3A_140, %parallel_loop3A_141 : vector<16xf32>
        %parallel_loop3A_146 = arith.maximumf %parallel_loop3A_142, %parallel_loop3A_143 : vector<16xf32>
        %parallel_loop3A_147 = arith.maximumf %parallel_loop3A_144, %parallel_loop3A_145 : vector<16xf32>
        %parallel_loop3A_148 = arith.maximumf %parallel_loop3A_146, %parallel_loop3A_147 : vector<16xf32>
        %parallel_loop3A_149 = arith.subf %parallel_loop3A_28, %parallel_loop3A_148 : vector<16xf32>
        %parallel_loop3A_150 = arith.constant 1.000000e+02 : f32
        %parallel_loop3A_151 = vector.broadcast %parallel_loop3A_150 : f32 to vector<16xf32>
        %parallel_loop3A_152 = arith.mulf %parallel_loop3A_149, %parallel_loop3A_151 : vector<16xf32>
        %parallel_loop3A_153 = math.exp %parallel_loop3A_152 : vector<16xf32>
        %parallel_loop3A_154 = arith.subf %parallel_loop3A_35, %parallel_loop3A_148 : vector<16xf32>
        %parallel_loop3A_155 = arith.constant 1.000000e+02 : f32
        %parallel_loop3A_156 = vector.broadcast %parallel_loop3A_155 : f32 to vector<16xf32>
        %parallel_loop3A_157 = arith.mulf %parallel_loop3A_154, %parallel_loop3A_156 : vector<16xf32>
        %parallel_loop3A_158 = math.exp %parallel_loop3A_157 : vector<16xf32>
        %parallel_loop3A_159 = arith.subf %parallel_loop3A_42, %parallel_loop3A_148 : vector<16xf32>
        %parallel_loop3A_160 = arith.constant 1.000000e+02 : f32
        %parallel_loop3A_161 = vector.broadcast %parallel_loop3A_160 : f32 to vector<16xf32>
        %parallel_loop3A_162 = arith.mulf %parallel_loop3A_159, %parallel_loop3A_161 : vector<16xf32>
        %parallel_loop3A_163 = math.exp %parallel_loop3A_162 : vector<16xf32>
        %parallel_loop3A_164 = arith.subf %parallel_loop3A_49, %parallel_loop3A_148 : vector<16xf32>
        %parallel_loop3A_165 = arith.constant 1.000000e+02 : f32
        %parallel_loop3A_166 = vector.broadcast %parallel_loop3A_165 : f32 to vector<16xf32>
        %parallel_loop3A_167 = arith.mulf %parallel_loop3A_164, %parallel_loop3A_166 : vector<16xf32>
        %parallel_loop3A_168 = math.exp %parallel_loop3A_167 : vector<16xf32>
        %parallel_loop3A_169 = arith.subf %parallel_loop3A_56, %parallel_loop3A_148 : vector<16xf32>
        %parallel_loop3A_170 = arith.constant 1.000000e+02 : f32
        %parallel_loop3A_171 = vector.broadcast %parallel_loop3A_170 : f32 to vector<16xf32>
        %parallel_loop3A_172 = arith.mulf %parallel_loop3A_169, %parallel_loop3A_171 : vector<16xf32>
        %parallel_loop3A_173 = math.exp %parallel_loop3A_172 : vector<16xf32>
        %parallel_loop3A_174 = arith.subf %parallel_loop3A_63, %parallel_loop3A_148 : vector<16xf32>
        %parallel_loop3A_175 = arith.constant 1.000000e+02 : f32
        %parallel_loop3A_176 = vector.broadcast %parallel_loop3A_175 : f32 to vector<16xf32>
        %parallel_loop3A_177 = arith.mulf %parallel_loop3A_174, %parallel_loop3A_176 : vector<16xf32>
        %parallel_loop3A_178 = math.exp %parallel_loop3A_177 : vector<16xf32>
        %parallel_loop3A_179 = arith.subf %parallel_loop3A_70, %parallel_loop3A_148 : vector<16xf32>
        %parallel_loop3A_180 = arith.constant 1.000000e+02 : f32
        %parallel_loop3A_181 = vector.broadcast %parallel_loop3A_180 : f32 to vector<16xf32>
        %parallel_loop3A_182 = arith.mulf %parallel_loop3A_179, %parallel_loop3A_181 : vector<16xf32>
        %parallel_loop3A_183 = math.exp %parallel_loop3A_182 : vector<16xf32>
        %parallel_loop3A_184 = arith.subf %parallel_loop3A_77, %parallel_loop3A_148 : vector<16xf32>
        %parallel_loop3A_185 = arith.constant 1.000000e+02 : f32
        %parallel_loop3A_186 = vector.broadcast %parallel_loop3A_185 : f32 to vector<16xf32>
        %parallel_loop3A_187 = arith.mulf %parallel_loop3A_184, %parallel_loop3A_186 : vector<16xf32>
        %parallel_loop3A_188 = math.exp %parallel_loop3A_187 : vector<16xf32>
        %parallel_loop3A_189 = arith.subf %parallel_loop3A_84, %parallel_loop3A_148 : vector<16xf32>
        %parallel_loop3A_190 = arith.constant 1.000000e+02 : f32
        %parallel_loop3A_191 = vector.broadcast %parallel_loop3A_190 : f32 to vector<16xf32>
        %parallel_loop3A_192 = arith.mulf %parallel_loop3A_189, %parallel_loop3A_191 : vector<16xf32>
        %parallel_loop3A_193 = math.exp %parallel_loop3A_192 : vector<16xf32>
        %parallel_loop3A_194 = arith.subf %parallel_loop3A_91, %parallel_loop3A_148 : vector<16xf32>
        %parallel_loop3A_195 = arith.constant 1.000000e+02 : f32
        %parallel_loop3A_196 = vector.broadcast %parallel_loop3A_195 : f32 to vector<16xf32>
        %parallel_loop3A_197 = arith.mulf %parallel_loop3A_194, %parallel_loop3A_196 : vector<16xf32>
        %parallel_loop3A_198 = math.exp %parallel_loop3A_197 : vector<16xf32>
        %parallel_loop3A_199 = arith.subf %parallel_loop3A_98, %parallel_loop3A_148 : vector<16xf32>
        %parallel_loop3A_200 = arith.constant 1.000000e+02 : f32
        %parallel_loop3A_201 = vector.broadcast %parallel_loop3A_200 : f32 to vector<16xf32>
        %parallel_loop3A_202 = arith.mulf %parallel_loop3A_199, %parallel_loop3A_201 : vector<16xf32>
        %parallel_loop3A_203 = math.exp %parallel_loop3A_202 : vector<16xf32>
        %parallel_loop3A_204 = arith.subf %parallel_loop3A_105, %parallel_loop3A_148 : vector<16xf32>
        %parallel_loop3A_205 = arith.constant 1.000000e+02 : f32
        %parallel_loop3A_206 = vector.broadcast %parallel_loop3A_205 : f32 to vector<16xf32>
        %parallel_loop3A_207 = arith.mulf %parallel_loop3A_204, %parallel_loop3A_206 : vector<16xf32>
        %parallel_loop3A_208 = math.exp %parallel_loop3A_207 : vector<16xf32>
        %parallel_loop3A_209 = arith.subf %parallel_loop3A_112, %parallel_loop3A_148 : vector<16xf32>
        %parallel_loop3A_210 = arith.constant 1.000000e+02 : f32
        %parallel_loop3A_211 = vector.broadcast %parallel_loop3A_210 : f32 to vector<16xf32>
        %parallel_loop3A_212 = arith.mulf %parallel_loop3A_209, %parallel_loop3A_211 : vector<16xf32>
        %parallel_loop3A_213 = math.exp %parallel_loop3A_212 : vector<16xf32>
        %parallel_loop3A_214 = arith.subf %parallel_loop3A_119, %parallel_loop3A_148 : vector<16xf32>
        %parallel_loop3A_215 = arith.constant 1.000000e+02 : f32
        %parallel_loop3A_216 = vector.broadcast %parallel_loop3A_215 : f32 to vector<16xf32>
        %parallel_loop3A_217 = arith.mulf %parallel_loop3A_214, %parallel_loop3A_216 : vector<16xf32>
        %parallel_loop3A_218 = math.exp %parallel_loop3A_217 : vector<16xf32>
        %parallel_loop3A_219 = arith.subf %parallel_loop3A_126, %parallel_loop3A_148 : vector<16xf32>
        %parallel_loop3A_220 = arith.constant 1.000000e+02 : f32
        %parallel_loop3A_221 = vector.broadcast %parallel_loop3A_220 : f32 to vector<16xf32>
        %parallel_loop3A_222 = arith.mulf %parallel_loop3A_219, %parallel_loop3A_221 : vector<16xf32>
        %parallel_loop3A_223 = math.exp %parallel_loop3A_222 : vector<16xf32>
        %parallel_loop3A_224 = arith.subf %parallel_loop3A_133, %parallel_loop3A_148 : vector<16xf32>
        %parallel_loop3A_225 = arith.constant 1.000000e+02 : f32
        %parallel_loop3A_226 = vector.broadcast %parallel_loop3A_225 : f32 to vector<16xf32>
        %parallel_loop3A_227 = arith.mulf %parallel_loop3A_224, %parallel_loop3A_226 : vector<16xf32>
        %parallel_loop3A_228 = math.exp %parallel_loop3A_227 : vector<16xf32>
        %parallel_loop3A_229 = arith.addf %parallel_loop3A_153, %parallel_loop3A_158 : vector<16xf32>
        %parallel_loop3A_230 = arith.addf %parallel_loop3A_163, %parallel_loop3A_168 : vector<16xf32>
        %parallel_loop3A_231 = arith.addf %parallel_loop3A_173, %parallel_loop3A_178 : vector<16xf32>
        %parallel_loop3A_232 = arith.addf %parallel_loop3A_183, %parallel_loop3A_188 : vector<16xf32>
        %parallel_loop3A_233 = arith.addf %parallel_loop3A_193, %parallel_loop3A_198 : vector<16xf32>
        %parallel_loop3A_234 = arith.addf %parallel_loop3A_203, %parallel_loop3A_208 : vector<16xf32>
        %parallel_loop3A_235 = arith.addf %parallel_loop3A_213, %parallel_loop3A_218 : vector<16xf32>
        %parallel_loop3A_236 = arith.addf %parallel_loop3A_223, %parallel_loop3A_228 : vector<16xf32>
        %parallel_loop3A_237 = arith.addf %parallel_loop3A_229, %parallel_loop3A_230 : vector<16xf32>
        %parallel_loop3A_238 = arith.addf %parallel_loop3A_231, %parallel_loop3A_232 : vector<16xf32>
        %parallel_loop3A_239 = arith.addf %parallel_loop3A_233, %parallel_loop3A_234 : vector<16xf32>
        %parallel_loop3A_240 = arith.addf %parallel_loop3A_235, %parallel_loop3A_236 : vector<16xf32>
        %parallel_loop3A_241 = arith.addf %parallel_loop3A_237, %parallel_loop3A_238 : vector<16xf32>
        %parallel_loop3A_242 = arith.addf %parallel_loop3A_239, %parallel_loop3A_240 : vector<16xf32>
        %parallel_loop3A_243 = arith.addf %parallel_loop3A_241, %parallel_loop3A_242 : vector<16xf32>
        %parallel_loop3A_244 = vector.broadcast %parallel_loop3A_21 : i32 to vector<16xi32>
        tpu.vector_store_idx %arg9[%iota3A, %parallel_loop3A_244], %parallel_loop3A_148 : memref<16x1025xf32, #tpu.memory_space<vmem>>[vector<16xi32>, vector<16xi32>], vector<16xf32>,
        tpu.vector_store_idx %arg10[%iota3A, %parallel_loop3A_244], %parallel_loop3A_243 : memref<16x1025xf32, #tpu.memory_space<vmem>>[vector<16xi32>, vector<16xi32>], vector<16xf32>,
      } {sc.loop_unroll_factor = 1 : i64, sc.parallel_access}
    }
    %scan3A_11 = arith.constant 32 : i32
    "tpu.region"() ({
      %run_scoped3A = tpu.sem_alloc : memref<!tpu.dma_semaphore, #tpu.memory_space<semaphore_mem>>
      %dma_start3A = arith.constant 0 : i32
      %dma_start3A_12 = arith.constant 0 : i32
      %dma_start3A_13 = tpu.memref_slice %arg9[%dma_start3A, %dma_start3A_12] : memref<16x1025xf32, #tpu.memory_space<vmem>> -> memref<16x1024xf32, #tpu.memory_space<vmem>>
      %dma_start3A_14 = arith.constant 0 : i32
      %dma_start3A_15 = arith.constant 0 : i32
      %dma_start3A_16 = tpu.memref_slice %arg4[%add3A, %dma_start3A_14, %dma_start3A_15] : memref<32x16x1024xf32, #tpu.memory_space<hbm>> -> memref<1x16x1024xf32, #tpu.memory_space<hbm>>
      %dma_start3A_17 = tpu.memref_squeeze %dma_start3A_16 : memref<1x16x1024xf32, #tpu.memory_space<hbm>> -> memref<16x1024xf32, #tpu.memory_space<hbm>>
      %dma_start3A_18 = arith.constant 0 : i32
      %dma_start3A_19 = arith.constant 0 : i32
      %dma_start3A_20 = tpu.memref_slice %arg4[%add3A, %dma_start3A_18, %dma_start3A_19] : memref<32x16x1024xf32, #tpu.memory_space<hbm>> -> memref<1x16x1024xf32, #tpu.memory_space<hbm>>
      %dma_start3A_21 = tpu.memref_squeeze %dma_start3A_20 : memref<1x16x1024xf32, #tpu.memory_space<hbm>> -> memref<16x1024xf32, #tpu.memory_space<hbm>>
      %dma_start3A_22 = arith.constant 0 : i32
      %dma_start3A_23 = arith.constant 0 : i32
      %dma_start3A_24 = tpu.memref_slice %arg9[%dma_start3A_22, %dma_start3A_23] : memref<16x1025xf32, #tpu.memory_space<vmem>> -> memref<16x1024xf32, #tpu.memory_space<vmem>>
      tpu.enqueue_dma source(%dma_start3A_24 : memref<16x1024xf32, #tpu.memory_space<vmem>>) target(%dma_start3A_21 : memref<16x1024xf32, #tpu.memory_space<hbm>>) target_semaphore(%run_scoped3A : memref<!tpu.dma_semaphore, #tpu.memory_space<semaphore_mem>>)
      %dma_wait3A = arith.constant 0 : i32
      %dma_wait3A_25 = arith.constant 0 : i32
      %dma_wait3A_26 = tpu.memref_slice %arg9[%dma_wait3A, %dma_wait3A_25] : memref<16x1025xf32, #tpu.memory_space<vmem>> -> memref<16x1024xf32, #tpu.memory_space<vmem>>
      %dma_wait3A_27 = arith.constant 0 : i32
      %dma_wait3A_28 = arith.constant 0 : i32
      %dma_wait3A_29 = tpu.memref_slice %arg4[%add3A, %dma_wait3A_27, %dma_wait3A_28] : memref<32x16x1024xf32, #tpu.memory_space<hbm>> -> memref<1x16x1024xf32, #tpu.memory_space<hbm>>
      %dma_wait3A_30 = tpu.memref_squeeze %dma_wait3A_29 : memref<1x16x1024xf32, #tpu.memory_space<hbm>> -> memref<16x1024xf32, #tpu.memory_space<hbm>>
      %dma_wait3A_31 = arith.constant 0 : i32
      %dma_wait3A_32 = arith.constant 0 : i32
      %dma_wait3A_33 = tpu.memref_slice %arg4[%add3A, %dma_wait3A_31, %dma_wait3A_32] : memref<32x16x1024xf32, #tpu.memory_space<hbm>> -> memref<1x16x1024xf32, #tpu.memory_space<hbm>>
      %dma_wait3A_34 = tpu.memref_squeeze %dma_wait3A_33 : memref<1x16x1024xf32, #tpu.memory_space<hbm>> -> memref<16x1024xf32, #tpu.memory_space<hbm>>
      %dma_wait3A_35 = arith.constant 0 : i32
      %dma_wait3A_36 = arith.constant 0 : i32
      %dma_wait3A_37 = tpu.memref_slice %arg9[%dma_wait3A_35, %dma_wait3A_36] : memref<16x1025xf32, #tpu.memory_space<vmem>> -> memref<16x1024xf32, #tpu.memory_space<vmem>>
      tpu.wait_dma2 semaphore(%run_scoped3A : memref<!tpu.dma_semaphore, #tpu.memory_space<semaphore_mem>>) src(%dma_wait3A_37 : memref<16x1024xf32, #tpu.memory_space<vmem>>) dst(%dma_wait3A_34 : memref<16x1024xf32, #tpu.memory_space<hbm>>)
      tpu.yield
    }) : () -> ()
    "tpu.region"() ({
      %run_scoped3A = tpu.sem_alloc : memref<!tpu.dma_semaphore, #tpu.memory_space<semaphore_mem>>
      %dma_start3A = arith.constant 0 : i32
      %dma_start3A_12 = arith.constant 0 : i32
      %dma_start3A_13 = tpu.memref_slice %arg10[%dma_start3A, %dma_start3A_12] : memref<16x1025xf32, #tpu.memory_space<vmem>> -> memref<16x1024xf32, #tpu.memory_space<vmem>>
      %dma_start3A_14 = arith.constant 0 : i32
      %dma_start3A_15 = arith.constant 0 : i32
      %dma_start3A_16 = tpu.memref_slice %arg5[%add3A, %dma_start3A_14, %dma_start3A_15] : memref<32x16x1024xf32, #tpu.memory_space<hbm>> -> memref<1x16x1024xf32, #tpu.memory_space<hbm>>
      %dma_start3A_17 = tpu.memref_squeeze %dma_start3A_16 : memref<1x16x1024xf32, #tpu.memory_space<hbm>> -> memref<16x1024xf32, #tpu.memory_space<hbm>>
      %dma_start3A_18 = arith.constant 0 : i32
      %dma_start3A_19 = arith.constant 0 : i32
      %dma_start3A_20 = tpu.memref_slice %arg5[%add3A, %dma_start3A_18, %dma_start3A_19] : memref<32x16x1024xf32, #tpu.memory_space<hbm>> -> memref<1x16x1024xf32, #tpu.memory_space<hbm>>
      %dma_start3A_21 = tpu.memref_squeeze %dma_start3A_20 : memref<1x16x1024xf32, #tpu.memory_space<hbm>> -> memref<16x1024xf32, #tpu.memory_space<hbm>>
      %dma_start3A_22 = arith.constant 0 : i32
      %dma_start3A_23 = arith.constant 0 : i32
      %dma_start3A_24 = tpu.memref_slice %arg10[%dma_start3A_22, %dma_start3A_23] : memref<16x1025xf32, #tpu.memory_space<vmem>> -> memref<16x1024xf32, #tpu.memory_space<vmem>>
      tpu.enqueue_dma source(%dma_start3A_24 : memref<16x1024xf32, #tpu.memory_space<vmem>>) target(%dma_start3A_21 : memref<16x1024xf32, #tpu.memory_space<hbm>>) target_semaphore(%run_scoped3A : memref<!tpu.dma_semaphore, #tpu.memory_space<semaphore_mem>>)
      %dma_wait3A = arith.constant 0 : i32
      %dma_wait3A_25 = arith.constant 0 : i32
      %dma_wait3A_26 = tpu.memref_slice %arg10[%dma_wait3A, %dma_wait3A_25] : memref<16x1025xf32, #tpu.memory_space<vmem>> -> memref<16x1024xf32, #tpu.memory_space<vmem>>
      %dma_wait3A_27 = arith.constant 0 : i32
      %dma_wait3A_28 = arith.constant 0 : i32
      %dma_wait3A_29 = tpu.memref_slice %arg5[%add3A, %dma_wait3A_27, %dma_wait3A_28] : memref<32x16x1024xf32, #tpu.memory_space<hbm>> -> memref<1x16x1024xf32, #tpu.memory_space<hbm>>
      %dma_wait3A_30 = tpu.memref_squeeze %dma_wait3A_29 : memref<1x16x1024xf32, #tpu.memory_space<hbm>> -> memref<16x1024xf32, #tpu.memory_space<hbm>>
      %dma_wait3A_31 = arith.constant 0 : i32
      %dma_wait3A_32 = arith.constant 0 : i32
      %dma_wait3A_33 = tpu.memref_slice %arg5[%add3A, %dma_wait3A_31, %dma_wait3A_32] : memref<32x16x1024xf32, #tpu.memory_space<hbm>> -> memref<1x16x1024xf32, #tpu.memory_space<hbm>>
      %dma_wait3A_34 = tpu.memref_squeeze %dma_wait3A_33 : memref<1x16x1024xf32, #tpu.memory_space<hbm>> -> memref<16x1024xf32, #tpu.memory_space<hbm>>
      %dma_wait3A_35 = arith.constant 0 : i32
      %dma_wait3A_36 = arith.constant 0 : i32
      %dma_wait3A_37 = tpu.memref_slice %arg10[%dma_wait3A_35, %dma_wait3A_36] : memref<16x1025xf32, #tpu.memory_space<vmem>> -> memref<16x1024xf32, #tpu.memory_space<vmem>>
      tpu.wait_dma2 semaphore(%run_scoped3A : memref<!tpu.dma_semaphore, #tpu.memory_space<semaphore_mem>>) src(%dma_wait3A_37 : memref<16x1024xf32, #tpu.memory_space<vmem>>) dst(%dma_wait3A_34 : memref<16x1024xf32, #tpu.memory_space<hbm>>)
      tpu.yield
    }) : () -> ()
    return
  }
}

module attributes {stable_mosaic.version = 14 : i64} {
  func.func @_combine_body(%arg0: memref<4096x128xf32, #tpu.memory_space<vmem>>, %arg1: memref<4096x128xf32, #tpu.memory_space<vmem>>, %arg2: memref<32x32xf32, #tpu.memory_space<vmem>>, %arg3: memref<128x128xf32, #tpu.memory_space<vmem>>, %arg4: memref<128x128xf32, #tpu.memory_space<vmem>>) attributes {dimension_semantics = [], scalar_prefetch = 0 : i64, scratch_operands = 0 : i64, tpu.core_type = #tpu.core_type<tc>} {
    %get3A = arith.constant 0 : index
    %get3A_0 = arith.constant 0 : index
    %get3A_1 = vector.load %arg0[%get3A, %get3A_0] : memref<4096x128xf32, #tpu.memory_space<vmem>>, vector<4096x128xf32>
    %get3A_2 = arith.constant 0 : index
    %get3A_3 = arith.constant 0 : index
    %get3A_4 = vector.load %arg1[%get3A_2, %get3A_3] : memref<4096x128xf32, #tpu.memory_space<vmem>>, vector<4096x128xf32>
    %log3A = math.log %get3A_4 : vector<4096x128xf32>
    %mul3A = arith.constant 0.00999999977 : f32
    %mul3A_5 = vector.broadcast %mul3A : f32 to vector<4096x128xf32>
    %mul3A_6 = arith.mulf %mul3A_5, %log3A : vector<4096x128xf32>
    %add3A = arith.addf %get3A_1, %mul3A_6 : vector<4096x128xf32>
    %reshape3A = vector.shape_cast %add3A : vector<4096x128xf32> to vector<32x128x128xf32>
    %get3A_7 = arith.constant 0 : index
    %get3A_8 = arith.constant 0 : index
    %get3A_9 = vector.load %arg2[%get3A_7, %get3A_8] : memref<32x32xf32, #tpu.memory_space<vmem>>, vector<32x32xf32>
    %reduce_max3A = arith.constant dense<0xFF800000> : vector<32xf32>
    %reduce_max3A_10 = vector.multi_reduction <maximumf>, %get3A_9, %reduce_max3A [1] : vector<32x32xf32> to vector<32xf32>
    %broadcast_in_dim3A = vector.shape_cast %reduce_max3A_10 : vector<32xf32> to vector<32x1xf32>
    %sub3A = vector.broadcast %broadcast_in_dim3A : vector<32x1xf32> to vector<32x32xf32>
    %sub3A_11 = arith.subf %get3A_9, %sub3A : vector<32x32xf32>
    %exp3A = math.exp %sub3A_11 : vector<32x32xf32>
    %reduce_sum3A = arith.constant dense<0.000000e+00> : vector<32xf32>
    %reduce_sum3A_12 = vector.multi_reduction <add>, %exp3A, %reduce_sum3A [1] : vector<32x32xf32> to vector<32xf32>
    %broadcast_in_dim3A_13 = vector.shape_cast %reduce_sum3A_12 : vector<32xf32> to vector<32x1xf32>
    %div3A = vector.broadcast %broadcast_in_dim3A_13 : vector<32x1xf32> to vector<32x32xf32>
    %div3A_14 = arith.divf %exp3A, %div3A : vector<32x32xf32>
    %reduce_max3A_15 = arith.constant dense<0xFF800000> : vector<32xf32>
    %reduce_max3A_16 = vector.multi_reduction <maximumf>, %reshape3A, %reduce_max3A_15 [1, 2] : vector<32x128x128xf32> to vector<32xf32>
    %max3A = arith.constant 1.000000e+00 : f32
    %max3A_17 = vector.broadcast %max3A : f32 to vector<32xf32>
    %max3A_18 = arith.maximumf %reduce_max3A_16, %max3A_17 : vector<32xf32>
    %reshape3A_19 = vector.shape_cast %max3A_18 : vector<32xf32> to vector<1x32xf32>
    %div3A_20 = vector.broadcast %reshape3A_19 : vector<1x32xf32> to vector<32x32xf32>
    %div3A_21 = arith.divf %div3A_14, %div3A_20 : vector<32x32xf32>
    %dot_general3A = arith.constant dense<0.000000e+00> : vector<32x128x128xf32>
    %dot_general3A_22 = tpu.matmul %div3A_21, %reshape3A, %dot_general3A {dimension_numbers = #tpu.dot_dimension_numbers<[1], [0], [0], [1, 2], [0, 0, 1, 1, 1, 2], [], []>, transpose_lhs_hint = false} : vector<32x32xf32>, vector<32x128x128xf32>, vector<32x128x128xf32> -> vector<32x128x128xf32>
    %reduce_max3A_23 = arith.constant dense<0xFF800000> : vector<128x128xf32>
    %reduce_max3A_24 = vector.multi_reduction <maximumf>, %dot_general3A_22, %reduce_max3A_23 [0] : vector<32x128x128xf32> to vector<128x128xf32>
    %broadcast_in_dim3A_25 = vector.shape_cast %reduce_max3A_24 : vector<128x128xf32> to vector<1x128x128xf32>
    %sub3A_26 = vector.broadcast %broadcast_in_dim3A_25 : vector<1x128x128xf32> to vector<32x128x128xf32>
    %sub3A_27 = arith.subf %dot_general3A_22, %sub3A_26 : vector<32x128x128xf32>
    %mul3A_28 = arith.constant 1.000000e+02 : f32
    %mul3A_29 = vector.broadcast %mul3A_28 : f32 to vector<32x128x128xf32>
    %mul3A_30 = arith.mulf %sub3A_27, %mul3A_29 : vector<32x128x128xf32>
    %exp3A_31 = math.exp %mul3A_30 : vector<32x128x128xf32>
    %reduce_sum3A_32 = arith.constant dense<0.000000e+00> : vector<128x128xf32>
    %reduce_sum3A_33 = vector.multi_reduction <add>, %exp3A_31, %reduce_sum3A_32 [0] : vector<32x128x128xf32> to vector<128x128xf32>
    %broadcast_in_dim3A_34 = vector.shape_cast %reduce_sum3A_33 : vector<128x128xf32> to vector<1x128x128xf32>
    %log3A_35 = math.log %broadcast_in_dim3A_34 : vector<1x128x128xf32>
    %mul3A_36 = arith.constant 0.00999999977 : f32
    %mul3A_37 = vector.broadcast %mul3A_36 : f32 to vector<1x128x128xf32>
    %mul3A_38 = arith.mulf %mul3A_37, %log3A_35 : vector<1x128x128xf32>
    %add3A_39 = arith.addf %broadcast_in_dim3A_25, %mul3A_38 : vector<1x128x128xf32>
    %reshape3A_40 = vector.shape_cast %add3A_39 : vector<1x128x128xf32> to vector<128x128xf32>
    %reduce_max3A_41 = vector.shape_cast %reshape3A_40 : vector<128x128xf32> to vector<1x128x128xf32>
    %reduce_max3A_42 = arith.constant dense<0xFF800000> : vector<1xf32>
    %reduce_max3A_43 = vector.multi_reduction <maximumf>, %reduce_max3A_41, %reduce_max3A_42 [1, 2] : vector<1x128x128xf32> to vector<1xf32>
    %reduce_max3A_44 = vector.shape_cast %reduce_max3A_43 : vector<1xf32> to vector<1x1x1xf32>
    %reduce_max3A_45 = vector.extract %reduce_max3A_44[0, 0, 0] : f32 from vector<1x1x1xf32>
    %max3A_46 = arith.constant 1.000000e+00 : f32
    %max3A_47 = arith.maximumf %reduce_max3A_45, %max3A_46 : f32
    %div3A_48 = vector.broadcast %max3A_47 : f32 to vector<128x128xf32>
    %div3A_49 = arith.divf %reshape3A_40, %div3A_48 : vector<128x128xf32>
    %get3A_50 = arith.constant 0 : index
    %get3A_51 = arith.constant 0 : index
    %get3A_52 = vector.load %arg3[%get3A_50, %get3A_51] : memref<128x128xf32, #tpu.memory_space<vmem>>, vector<128x128xf32>
    %max3A_53 = arith.maximumf %get3A_52, %div3A_49 : vector<128x128xf32>
    %sub3A_54 = arith.subf %get3A_52, %max3A_53 : vector<128x128xf32>
    %mul3A_55 = arith.constant 1.000000e+02 : f32
    %mul3A_56 = vector.broadcast %mul3A_55 : f32 to vector<128x128xf32>
    %mul3A_57 = arith.mulf %sub3A_54, %mul3A_56 : vector<128x128xf32>
    %exp3A_58 = math.exp %mul3A_57 : vector<128x128xf32>
    %sub3A_59 = arith.subf %div3A_49, %max3A_53 : vector<128x128xf32>
    %mul3A_60 = arith.constant 1.000000e+02 : f32
    %mul3A_61 = vector.broadcast %mul3A_60 : f32 to vector<128x128xf32>
    %mul3A_62 = arith.mulf %sub3A_59, %mul3A_61 : vector<128x128xf32>
    %exp3A_63 = math.exp %mul3A_62 : vector<128x128xf32>
    %add3A_64 = arith.addf %exp3A_58, %exp3A_63 : vector<128x128xf32>
    %log3A_65 = math.log %add3A_64 : vector<128x128xf32>
    %mul3A_66 = arith.constant 0.00999999977 : f32
    %mul3A_67 = vector.broadcast %mul3A_66 : f32 to vector<128x128xf32>
    %mul3A_68 = arith.mulf %mul3A_67, %log3A_65 : vector<128x128xf32>
    %add3A_69 = arith.addf %max3A_53, %mul3A_68 : vector<128x128xf32>
    %reduce_max3A_70 = vector.shape_cast %add3A_69 : vector<128x128xf32> to vector<1x128x128xf32>
    %reduce_max3A_71 = arith.constant dense<0xFF800000> : vector<1xf32>
    %reduce_max3A_72 = vector.multi_reduction <maximumf>, %reduce_max3A_70, %reduce_max3A_71 [1, 2] : vector<1x128x128xf32> to vector<1xf32>
    %reduce_max3A_73 = vector.shape_cast %reduce_max3A_72 : vector<1xf32> to vector<1x1x1xf32>
    %reduce_max3A_74 = vector.extract %reduce_max3A_73[0, 0, 0] : f32 from vector<1x1x1xf32>
    %max3A_75 = arith.constant 1.000000e+00 : f32
    %max3A_76 = arith.maximumf %reduce_max3A_74, %max3A_75 : f32
    %div3A_77 = vector.broadcast %max3A_76 : f32 to vector<128x128xf32>
    %div3A_78 = arith.divf %add3A_69, %div3A_77 : vector<128x128xf32>
    %swap3A = arith.constant 0 : index
    %swap3A_79 = arith.constant 0 : index
    %swap3A_80 = vector.load %arg4[%swap3A, %swap3A_79] : memref<128x128xf32, #tpu.memory_space<vmem>>, vector<128x128xf32>
    tpu.vector_store %arg4[%swap3A, %swap3A_79], %div3A_78 {strides = array<i32>} : memref<128x128xf32, #tpu.memory_space<vmem>>, vector<128x128xf32>,
    return
  }
}

</mosaic_0001>

<sc_bundles>
// kernel: kernel.6.cloned.1.call-start
scs
__scs_entry_jumppad:
0x0: {  	(pc) =	sbr.rel $0x88, $3  }
0x1: {  	(tag) =	ssettag $0x0;
	lr =	simm.s32 $0x1  }
0x2: {  	[smem:$0x3F9E] =	sst lr;
	_ =	strace $0xD0000000  }
0x3: {  	_ = 	snop  }
0x4: {  	_ = 	snop  }
0x5: {  	_ = 	snop  }
0x6: {  	_ = 	snop  }
0x7: {  	_ = 	snop  }
__scs_overlays_trampoline_lowered:
0x8: {  	[smem:$0x3FAD] =	sst s0  }
0x9: {  	[smem:$0x3FAE] =	sst s1  }
0xa: {  	[smem:$0x3FAF] =	sst s2  }
0xb: {  	[smem:$0x3FB0] =	sst s3  }
0xc: {  	[smem:$0x3FB1] =	sst s4  }
0xd: {  	[smem:$0x3FB2] =	sst s5  }
0xe: {  	[smem:$0x3FB3] =	sst s6  }
0xf: {  	[smem:$0x3FB4] =	sst s7  }
0x10: {  	[smem:$0x3FB5] =	sst s8  }
0x11: {  	[smem:$0x3FB6] =	sst s9;
	s0 =	simm.s32 @!p0 $0x0  }
0x12: {  	s1 =	sld [smem:$0x3F9C];
	s0 =	simm.s32 @p0 $0x1  }
0x13: {  	[smem:$0x3FB7] =	sst s0;
	s0 =	simm.s32 @!p1 $0x0  }
0x14: {  	s2 =	sld [smem:$0x3F9B];
	s0 =	simm.s32 @p1 $0x1  }
0x15: {  	[smem:$0x3FB8] =	sst s0;
	s0 =	simm.s32 @!p2 $0x0  }
0x16: {  	s3 =	sld [smem:$0x3FDB];
	s0 =	simm.s32 @p2 $0x1  }
0x17: {  	s4 =	simm.s32 $0x1BF5;
	[smem:$0x3FBA] =	sst s0  }
0x18: {  	s0 =	sld [smem:$0x3F9D];
	_ =	swait.ge [sflag:s4], $0x0  }
0x19: {  	s7 =	sld [smem:$0x3F9E]  }
0x1a: {  	s8 =	sadd.s32 $0xFFFFE003, lr  }
0x1b: {  	s9 =	sadd.s32 $0xFFFFFEF7, lr;
	s5 =	simm.s32 $0xFFFFFFFF;
	p2 =	slt.u32 s8, $0xFFFFF086  }
0x1c: {  	p1 =	slt.u32 s9, $0xF7A;
	s5 =	simm.s32 @!p2 $0x0  }
0x1d: {  	s5 =	simm.s32 @p1 $0x1;
	p0 =	seq.s32 s7, s2  }
0x1e: {  	s7 =	smul.u32 @!p0 $0xF7A, s2;
	p2 =	seq.s32 @!p0 s5, $0x0  }
0x1f: {  	s9 =	smul.u32 $0xF7A, s1;
	s8 =	simm.s32 @!p0 $0x1BF5;
	p2 =	por !p2, p0  }
0x20: {  	[sflag:s8] =	ssyncset.s32 @!p0 $0xFFFFF086;
	s6 =	sadd.s32 @!p0 s3, s7;
	s7 =	simm.s32 @!p0 $0x108  }
0x21: {  	s3 =	sadd.s32 s3, s9;
	s6 =	sadd.s32 @!p0 $0x88, s6;
	s7 =	simm.s32 @p2 $0x1082  }
0x22: {  	[simem:s7], [sflag:s8] =	dma.local @!p0 [hbm:s6], $0xF7A  }
0x23: {  	s9 =	sor.u32 $0xD0000000, s2;
	s6 =	simm.s32 $0x108;
	_ =	swait.ge @!p0 [sflag:s8], $0x0  }
0x24: {  	s3 =	sadd.s32 $0x88, s3;
	s6 =	simm.s32 @!p1 $0x1082;
	[sflag:s4] =	ssyncset.s32 $0xFFFFF086  }
0x25: {  	[simem:s6], [sflag:s4] =	dma.local [hbm:s3], $0xF7A  }
0x26: {  	[smem:$0x3F9E] =	sst s1;
	(tag) =	ssettag s2;
	_ =	strace s9  }
0x27: {  	s1 =	sld [smem:$0x3FAE]  }
0x28: {  	s2 =	sld [smem:$0x3FAF]  }
0x29: {  	s4 =	sld [smem:$0x3FB1]  }
0x2a: {  	p0 =	seq.s32 s5, $0x0;
	s5 =	sld [smem:$0x3FB2]  }
0x2b: {  	s6 =	sld [smem:$0x3FB3]  }
0x2c: {  	s7 =	sld [smem:$0x3FB4]  }
0x2d: {  	s3 =	simm.s32 $0x108;
	s8 =	sld [smem:$0x3FB5]  }
0x2e: {  	s3 =	simm.s32 @!p0 $0x1082;
	s9 =	sld [smem:$0x3FB6]  }
0x2f: {  	lr =	sadd.s32 s0, s3;
	s0 =	sld [smem:$0x3FAD]  }
0x30: {  	s3 =	sld [smem:$0x3FB0]  }
0x31: {  	[smem:$0x3FB9] =	sst s10  }
0x32: {  	s10 =	sld [smem:$0x3FB7];
	_ =	sdelay $0x3  }
0x33: {  	p0 =	seq.s32 s10, $0x1;
	s10 =	sld [smem:$0x3FB9];
	_ =	sdelay $0x3  }
0x34: {  	[smem:$0x3FB9] =	sst s10  }
0x35: {  	s10 =	sld [smem:$0x3FB8];
	_ =	sdelay $0x3  }
0x36: {  	p1 =	seq.s32 s10, $0x1;
	s10 =	sld [smem:$0x3FB9];
	_ =	sdelay $0x3  }
0x37: {  	[smem:$0x3FB9] =	sst s10  }
0x38: {  	s10 =	sld [smem:$0x3FBA]  }
0x39: {  	_ = 	snop;
	(pc) =	sbr.ind lr, $3  }
0x3a: {  	_ = 	snop  }
0x3b: {  	_ = 	snop  }
0x3c: {  	p2 =	seq.s32 s10, $0x1;
	s10 =	sld [smem:$0x3FB9]  }
0x3d: {  	_ =	shalt  }
0x3e: {  	_ =	shalt  }
0x3f: {  	_ =	shalt  }
0x40: {  	_ =	shalt  }
0x41: {  	_ =	shalt  }
0x42: {  	_ =	shalt  }
0x43: {  	_ =	shalt  }
0x44: {  	_ =	shalt  }
0x45: {  	_ =	shalt  }
0x46: {  	_ =	shalt  }
0x47: {  	_ =	shalt  }
0x48: {  	_ =	shalt  }
0x49: {  	_ =	shalt  }
0x4a: {  	_ =	shalt  }
0x4b: {  	_ =	shalt  }
0x4c: {  	_ =	shalt  }
0x4d: {  	_ =	shalt  }
0x4e: {  	_ =	shalt  }
0x4f: {  	_ =	shalt  }
0x50: {  	_ =	shalt  }
0x51: {  	_ =	shalt  }
0x52: {  	_ =	shalt  }
0x53: {  	_ =	shalt  }
0x54: {  	_ =	shalt  }
0x55: {  	_ =	shalt  }
0x56: {  	_ =	shalt  }
0x57: {  	_ =	shalt  }
0x58: {  	_ =	shalt  }
0x59: {  	_ =	shalt  }
0x5a: {  	_ =	shalt  }
0x5b: {  	_ =	shalt  }
0x5c: {  	_ =	shalt  }
0x5d: {  	_ =	shalt  }
0x5e: {  	_ =	shalt  }
0x5f: {  	_ =	shalt  }
0x60: {  	_ =	shalt  }
0x61: {  	_ =	shalt  }
0x62: {  	_ =	shalt  }
0x63: {  	_ =	shalt  }
0x64: {  	_ =	shalt  }
0x65: {  	_ =	shalt  }
0x66: {  	_ =	shalt  }
0x67: {  	_ =	shalt  }
0x68: {  	_ =	shalt  }
0x69: {  	_ =	shalt  }
0x6a: {  	_ =	shalt  }
0x6b: {  	_ =	shalt  }
0x6c: {  	_ =	shalt  }
0x6d: {  	_ =	shalt  }
0x6e: {  	_ =	shalt  }
0x6f: {  	_ =	shalt  }
0x70: {  	_ =	shalt  }
0x71: {  	_ =	shalt  }
0x72: {  	_ =	shalt  }
0x73: {  	_ =	shalt  }
0x74: {  	_ =	shalt  }
0x75: {  	_ =	shalt  }
0x76: {  	_ =	shalt  }
0x77: {  	_ =	shalt  }
0x78: {  	_ =	shalt  }
0x79: {  	_ =	shalt  }
0x7a: {  	_ =	shalt  }
0x7b: {  	_ =	shalt  }
0x7c: {  	_ =	shalt  }
0x7d: {  	_ =	shalt  }
0x7e: {  	_ =	shalt  }
0x7f: {  	_ =	shalt  }
0x80: {  	_ =	shalt  }
0x81: {  	_ =	shalt  }
0x82: {  	_ =	shalt  }
0x83: {  	_ =	shalt  }
0x84: {  	_ =	shalt  }
0x85: {  	_ =	shalt  }
0x86: {  	_ =	shalt  }
0x87: {  	_ =	shalt  }
.Lfunc_end0:
.L_simem_size_0:
called_computation_lowered:
.L_overlay_start_0:
0x88: {  	s2 =	sld [smem:$0x3FD9]  }
0x89: {  	s3 =	sld [smem:$0x3FFE];
	_ =	sdelay $0x1  }
0x8a: {  	s1 =	srdreg.scid  }
0x8b: {  	s0 =	sand.u32 $0x1, s1  }
0x8c: {  	s17 =	sshll.u32 s0, $0xA;
	s2 =	sadd.s32 s3, s2  }
0x8d: {  	s2 =	sadd.s32 s2, s17  }
0x8e: {  	[smem:$0x3FC5] =	sst s2  }
0x8f: {  	_ = 	snop  }
0x90: {  	s2 =	sld [smem:$0x3FD0];
	(tm) =	ssettm $0x1  }
0x91: {  	s18 =	sld [smem:$0x3FFB];
	_ =	sdelay $0x3  }
0x92: {  	_ =	strace s18  }
0x93: {  	s3 =	sld [smem:$0x3FFC];
	_ =	sdelay $0x3  }
0x94: {  	_ =	strace s3  }
0x95: {  	s3 =	sld [smem:$0x3FFD];
	_ =	sdelay $0x3  }
0x96: {  	_ =	strace s3  }
0x97: {  	_ =	strace $0x8FFFFFFF  }
0x98: {  	s19 =	sld [smem:$0x3FDB];
	_ =	sdelay $0x1  }
0x99: {  	s4 =	simm.s32 $_scs_section_size  }
0x9a: {  	s5 =	simm.s32 $_size__tile_overlayer_lowered;
	s6 =	simm.s32 $_tile_overlayer_lowered  }
0x9b: {  	s22 =	simm.s32 $0x1BFF;
	s21 =	sshll.u32 s6, $0x1;
	s3 =	sadd.s32 s4, s19  }
0x9c: {  	s7 =	simm.s32 $0x0;
	s20 =	sshll.u32 s5, $0x1;
	s5 =	sadd.s32 s21, s3  }
0x9d: {  	[timem:s7], [sflag:s22] =	dma.local [hbm:s5], s20  }
0x9e: {  	_ =	swait.ge [sflag:s22], s20  }
0x9f: {  	s4 =	ssub.s32 $0x0, s20;
	[sflag:s22] =	ssyncset.done $0x0  }
0xa0: {  	[sflag:s22] =	ssyncadd.s32 s4;
	_ =	sdelay $0x1  }
0xa1: {  	s23 =	simm.s32 $0x1B8B  }
0xa2: {  	_ =	swait.ge [sflag:s23], $0x1  }
0xa3: {  	[sflag:s23] =	ssyncset.done $0x0  }
0xa4: {  	s25 =	simm.s32 $0x1B8E;
	s24 =	sld [smem:$0x3FFE];
	[sflag:s23] =	ssyncadd.s32 $0xFFFFFFFF  }
0xa5: {  	s26 =	simm.s32 $execute0_lowered;
	[smem:$0x3FD2] =	sst s25  }
0xa6: {  	s5 =	sshll.u32 s26, $0x1;
	_ =	strace $0x80000046;
	[dreg:$0x1] =	wrdreg $0xFFFFFFFF  }
0xa7: {  	s28 =	simm.s32 $_size_execute0_lowered;
	s3 =	sadd.s32 s3, s5;
	[dreg:$0x0] =	wrdreg $0x0  }
0xa8: {  	s5 =	sshll.u32 s28, $0x1;
	[dreg:$0x2] =	wrdreg s3  }
0xa9: {  	[dreg:$0x3] =	wrdreg s5  }
0xaa: {  	[dreg:$0x4] =	wrdreg $0xC0  }
0xab: {  	_ =	task [dreg:s7], $0x5FFFF  }
0xac: {  	[dreg:$0x1] =	wrdreg $0xFFFFFFFF  }
0xad: {  	[dreg:$0x0] =	wrdreg $0x60  }
0xae: {  	[dreg:$0x2] =	wrdreg s2  }
0xaf: {  	[dreg:$0x3] =	wrdreg s24  }
0xb0: {  	[dreg:$0x4] =	wrdreg $0x9  }
0xb1: {  	_ =	task.clear_ibuf [dreg:s7], $0x5FFFF;
	_ =	strace $0x90000046  }
0xb2: {  	s29 =	simm.s32 $0x9;
	_ =	strace $0x80000048  }
0xb3: {  	_ =	swait.ge [sflag:s29], $0x1  }
0xb4: {  	[sflag:s29] =	ssyncadd.s32 $0xFFFFFFFF  }
0xb5: {  	_ =	strace $0x90000048  }
0xb6: {  	_ =	sfence  }
0xb7: {  	s30 =	sld [smem:$0x0];
	_ =	sdelay $0x2  }
0xb8: {  	s31 =	sshll.u32 s1, $0xD;
	s1 =	sshrl.u32 s1, $0x2  }
0xb9: {  	s3 =	sand.u32 $0x4000, s31;
	s1 =	sadd.s32 s1, s30  }
0xba: {  	s0 =	sor.u32 s3, s0;
	s1 =	sshll.u32 s1, $0x11  }
0xbb: {  	s0 =	sor.u32 s1, s0  }
0xbc: {  	s0 =	sadd.s32 $0x8F2B, s0  }
0xbd: {  	[sflag:s0] =	ssyncadd.remote.s32 $0x1  }
0xbe: {  	_ =	sfence.sel $0xFFFF  }
0xbf: {  	[dreg:$0x0] =	wrdreg $0xFFFFFFFF;
	(pc) =	sbr.abs _section_cstart, $3  }
0xc0: {  	[dreg:$0x1] =	wrdreg $0xFFFFFFFF  }
0xc1: {  	_ =	task.clear_ibuf [dreg:s7], $0x2FFFF;
	_ =	strace $0x9FFFFFFF  }
0xc2: {  	(tm) =	ssettm $0x7FFFFFFF  }
0xc3: {  	_ =	shalt  }
tec
execute0_lowered:
.L_overlay_start_1:
0x0: {  	(tag) =	ssettag $0x1  }
0x1: {  	s0 =	rddreg [dreg:$0x1];
	s3 =	simm.s32 $0x0;
	s1 =	srdreg.scid;
	v0 =	vlaneseq.u32  }
0x2: {  	s2 =	stileid.u32;
	s8 =	simm.s32 $0x10000;
	s9 =	simm.s32 $0x1;
	v1 =	vmul.u32 $0x11, v0;
	v2 =	vmul.u32 $0x4, v0;
	v18 =	vadd.s32 $0x11, v0  }
0x3: {  	s10 =	simm.s32 $0x16200;
	s11 =	simm.s32 $0x1A280;
	s12 =	simm.s32 $0x1C2C0;
	v19 =	vadd.s32 $0x22, v0;
	v20 =	vadd.s32 $0x33, v0;
	v21 =	vadd.s32 $0x44, v0  }
0x4: {  	s13 =	simm.s32 $0x1C6C8;
	s14 =	simm.s32 $0x1CAD0;
	s15 =	simm.s32 $0x1CED8;
	v22 =	vadd.s32 $0x55, v0;
	v23 =	vadd.s32 $0x66, v0;
	v24 =	vadd.s32 $0x77, v0  }
0x5: {  	s16 =	simm.s32 $0x1D2E0;
	s17 =	simm.s32 $0x1D6E8;
	s18 =	simm.s32 $0x1DAF0;
	v25 =	vadd.s32 $0x88, v0;
	v26 =	vadd.s32 $0x99, v0;
	v27 =	vadd.s32 $0xAA, v0  }
0x6: {  	s19 =	simm.s32 $0x1DEF8;
	s1 =	sand.u32 $0x1, s1;
	s2 =	sshll.u32 s2, $0x1;
	v28 =	vadd.s32 $0xBB, v0;
	v29 =	vadd.s32 $0xCC, v0;
	v30 =	vadd.s32 $0xDD, v0  }
0x7: {  	s20 =	simm.s32 $0x0;
	[smem:$0x7FF] =	sst s3;
	v31 =	vadd.s32 $0xEE, v0;
	v32 =	vadd.s32 $0xFF, v0;
	v33 =	vmul.u32 $0x408, v0;
	s2 =	sor.u32 s1, s2  }
0x8: {  	_ =	strace $0x80000047;
	s1 =	ssub.s32 $0x2, s1;
	s4 =	sshll.u32 s2, $0xD;
	v3 =	vadd.s32 $0x1, v1;
	v4 =	vadd.s32 $0x2, v1;
	v9 =	vadd.s32 $0x7, v1;
	[tilespmem:$0x1FFB0] =	vst v1  }
0x9: {  	s2 =	sshll.u32 s2, $0xB;
	s5 =	sshrl.u32 s1, $0x1;
	v5 =	vadd.s32 $0x3, v1;
	v6 =	vadd.s32 $0x4, v1;
	v7 =	vadd.s32 $0x5, v1;
	s4 =	sadd.s32 s4, s0;
	[tilespmem:$0x1FFC0] =	vst v3  }
0xa: {  	v8 =	vadd.s32 $0x6, v1;
	v11 =	vadd.s32 $0x9, v1;
	v12 =	vadd.s32 $0xA, v1;
	s0 =	sadd.s32 s2, s0;
	s1 =	ssub.s32 s1, s5;
	s2 =	simm.s32 $0x1BAB0;
	[tilespmem:$0x1FFD0] =	vst v4  }
0xb: {  	v10 =	vadd.s32 $0x8, v1;
	v13 =	vadd.s32 $0xB, v1;
	v14 =	vadd.s32 $0xC, v1;
	[tilespmem:$0x1FFE0] =	vst v5;
	s4 =	sadd.s32 $0x102000, s4;
	s5 =	sadd.s32 $0x2000, s0;
	s6 =	sadd.s32 $0x12000, s0  }
0xc: {  	v15 =	vadd.s32 $0xD, v1;
	v16 =	vadd.s32 $0xE, v1;
	v17 =	vadd.s32 $0xF, v1;
	[tilespmem:$0x1FFF0] =	vst v6;
	s7 =	smax.u32 s1, $0x1;
	s0 =	simm.s32 $0x1B6A8;
	s1 =	simm.s32 $0x1BEB8  }
.LBB2_1:
0xd: {  	s21 =	rddreg [dreg:$0x0]  }
0xe: {  	[tilespmem:s8], [sflag:$0x1] =	stream.linear.gather [hbm4b:s21+s3], $0x4000, $0x38;
	[tilespmem:$0x1E300] =	vst v63  }
0xf: {  	_ =	swait.ge [sflag:s9], $0x4000  }
0x10: {  	[sflag:s9] =	ssyncset.done $0x0  }
0x11: {  	[sflag:s9] =	ssyncadd.s32 $0xFFFFC000  }
0x12: {  	[tilespmem:s3], [sflag:$0x1] =	stream.linear.gather [hbm4b:s4+s3], $0x10000, $0x38;
	[tilespmem:$0x1E300] =	vst v63  }
0x13: {  	_ =	swait.ge [sflag:s9], $0x10000  }
0x14: {  	s22 =	simm.s32 $0x0;
	[sflag:s9] =	ssyncset.done $0x0  }
0x15: {  	s23 =	simm.s32 $0x0;
	s21 =	simm.s32 $0x3;
	[sflag:s9] =	ssyncadd.s32 $0xFFFF0000  }
.LBB2_2:
0x16: {  	s24 =	sadd.s32 $0xFFFFFFFD, s21;
	v34 =	vor.u32 s21, v2  }
0x17: {  	s25 =	sadd.s32 $0xFFFFFFFE, s21;
	v35 =	vor.u32 s24, v2  }
0x18: {  	s26 =	sadd.s32 $0xFFFFFFFF, s21;
	v36 =	vor.u32 s25, v2  }
0x19: {  	v38 =	vor.u32 s26, v2  }
0x1a: {  	s26 =	simm.s32 $0x0  }
0x1b: {  	v34 =	vld.idx.msk [tilespmem:v34+s26+$0x0], $0xffff  }
0x1c: {  	v37 =	vld.idx.msk [tilespmem:v35+s26+$0x0], $0xffff  }
0x1d: {  	v36 =	vld.idx.msk [tilespmem:v36+s26+$0x0], $0xffff  }
0x1e: {  	v35 =	vld.idx.msk [tilespmem:v38+s26+$0x0], $0xffff;
	_ =	sdelay $0x4  }
0x1f: {  	v60 =	vld.idx.msk [tilespmem:v34+s8+$0x0], $0xffff  }
0x20: {  	v39 =	vld.idx.msk [tilespmem:v37+s8+$0x0], $0xffff  }
0x21: {  	v40 =	vld.idx.msk [tilespmem:v36+s8+$0x0], $0xffff  }
0x22: {  	v41 =	vld.idx.msk [tilespmem:v35+s8+$0x0], $0xffff;
	_ =	sdelay $0x4  }
0x23: {  	v61 =	vadd.s32 $0x400, v37;
	v39 =	vmul.f32 v40, v39;
	v38 =	vmul.f32 v60, v41  }
0x24: {  	v62 =	vadd.s32 $0x400, v36  }
0x25: {  	v63 =	vadd.s32 $0x400, v35;
	v38 =	vmul.f32 v38, v39  }
0x26: {  	s24 =	simm.s32 $0x0;
	v42 =	vadd.s32 $0x400, v34  }
0x27: {  	[tilespmem:v1+s24+$0x14000] =	vst.idx.msk $0xffff, v38  }
0x28: {  	v38 =	vld.idx.msk [tilespmem:v61+s8+$0x0], $0xffff  }
0x29: {  	v44 =	vld.idx.msk [tilespmem:v62+s8+$0x0], $0xffff  }
0x2a: {  	v39 =	vld.idx.msk [tilespmem:v63+s8+$0x0], $0xffff  }
0x2b: {  	v45 =	vld.idx.msk [tilespmem:v42+s8+$0x0], $0xffff;
	_ =	sdelay $0x4  }
0x2c: {  	v46 =	vadd.s32 $0x800, v37;
	v38 =	vmul.f32 v44, v38;
	v39 =	vmul.f32 v45, v39  }
0x2d: {  	v47 =	vadd.s32 $0x800, v36  }
0x2e: {  	v48 =	vadd.s32 $0x800, v35;
	v38 =	vmul.f32 v39, v38  }
0x2f: {  	v49 =	vadd.s32 $0x800, v34  }
0x30: {  	[tilespmem:v3+s24+$0x14000] =	vst.idx.msk $0xffff, v38  }
0x31: {  	v38 =	vld.idx.msk [tilespmem:v46+s8+$0x0], $0xffff  }
0x32: {  	v50 =	vld.idx.msk [tilespmem:v47+s8+$0x0], $0xffff  }
0x33: {  	v39 =	vld.idx.msk [tilespmem:v48+s8+$0x0], $0xffff  }
0x34: {  	v51 =	vld.idx.msk [tilespmem:v49+s8+$0x0], $0xffff;
	_ =	sdelay $0x4  }
0x35: {  	v52 =	vadd.s32 $0xC00, v37;
	v38 =	vmul.f32 v50, v38;
	v39 =	vmul.f32 v51, v39  }
0x36: {  	v53 =	vadd.s32 $0xC00, v36  }
0x37: {  	v54 =	vadd.s32 $0xC00, v35;
	v38 =	vmul.f32 v39, v38  }
0x38: {  	v55 =	vadd.s32 $0xC00, v34  }
0x39: {  	[tilespmem:v4+s24+$0x14000] =	vst.idx.msk $0xffff, v38  }
0x3a: {  	v38 =	vld.idx.msk [tilespmem:v52+s8+$0x0], $0xffff  }
0x3b: {  	v56 =	vld.idx.msk [tilespmem:v53+s8+$0x0], $0xffff  }
0x3c: {  	v39 =	vld.idx.msk [tilespmem:v54+s8+$0x0], $0xffff  }
0x3d: {  	v57 =	vld.idx.msk [tilespmem:v55+s8+$0x0], $0xffff;
	_ =	sdelay $0x4  }
0x3e: {  	v58 =	vadd.s32 $0x1000, v37;
	v38 =	vmul.f32 v56, v38;
	v39 =	vmul.f32 v57, v39  }
0x3f: {  	v59 =	vadd.s32 $0x1000, v36  }
0x40: {  	v60 =	vadd.s32 $0x1000, v35;
	v38 =	vmul.f32 v39, v38  }
0x41: {  	v61 =	vadd.s32 $0x1000, v34  }
0x42: {  	[tilespmem:v5+s24+$0x14000] =	vst.idx.msk $0xffff, v38  }
0x43: {  	v38 =	vld.idx.msk [tilespmem:v58+s8+$0x0], $0xffff  }
0x44: {  	v62 =	vld.idx.msk [tilespmem:v59+s8+$0x0], $0xffff  }
0x45: {  	s28 =	sadd.s32 $0x40, s21;
	v39 =	vld.idx.msk [tilespmem:v60+s8+$0x0], $0xffff  }
0x46: {  	s25 =	sadd.s32 $0xFFFFFFFD, s28;
	v63 =	vld.idx.msk [tilespmem:v61+s8+$0x0], $0xffff  }
0x47: {  	v43 =	vor.u32 s25, v2  }
0x48: {  	s31 =	sadd.s32 $0xFFFFFFFE, s28;
	v48 =	vor.u32 s28, v2  }
0x49: {  	v44 =	vor.u32 s31, v2;
	s31 =	sadd.s32 $0xFFFFFFFF, s28  }
0x4a: {  	v45 =	vor.u32 s31, v2  }
0x4b: {  	v46 =	vadd.s32 $0x1400, v37;
	v40 =	vmul.f32 v62, v38;
	v39 =	vmul.f32 v63, v39  }
0x4c: {  	v41 =	vld.idx.msk [tilespmem:v43+s26+$0x0], $0xffff;
	v49 =	vadd.s32 $0x1400, v36  }
0x4d: {  	v47 =	vadd.s32 $0x1400, v35;
	v38 =	vld.idx.msk [tilespmem:v48+s26+$0x0], $0xffff;
	v50 =	vmul.f32 v39, v40  }
0x4e: {  	v51 =	vadd.s32 $0x1400, v34;
	v40 =	vld.idx.msk [tilespmem:v44+s26+$0x0], $0xffff  }
0x4f: {  	v39 =	vld.idx.msk [tilespmem:v45+s26+$0x0], $0xffff;
	[tilespmem:v6+s24+$0x14000] =	vst.idx.msk $0xffff, v50  }
0x50: {  	v43 =	vld.idx.msk [tilespmem:v46+s8+$0x0], $0xffff  }
0x51: {  	v42 =	vld.idx.msk [tilespmem:v49+s8+$0x0], $0xffff  }
0x52: {  	v52 =	vld.idx.msk [tilespmem:v47+s8+$0x0], $0xffff  }
0x53: {  	v44 =	vld.idx.msk [tilespmem:v51+s8+$0x0], $0xffff;
	_ =	sdelay $0x2  }
0x54: {  	v54 =	vld.idx.msk [tilespmem:v41+s8+$0x0], $0xffff  }
0x55: {  	v53 =	vld.idx.msk [tilespmem:v38+s8+$0x0], $0xffff  }
0x56: {  	v56 =	vadd.s32 $0x1800, v37;
	v48 =	vld.idx.msk [tilespmem:v40+s8+$0x0], $0xffff;
	v42 =	vmul.f32 v42, v43;
	v55 =	vmul.f32 v44, v52  }
0x57: {  	v49 =	vadd.s32 $0x1800, v36;
	v57 =	vld.idx.msk [tilespmem:v39+s8+$0x0], $0xffff  }
0x58: {  	v58 =	vadd.s32 $0x1800, v35;
	v42 =	vmul.f32 v55, v42  }
0x59: {  	v50 =	vadd.s32 $0x1800, v34  }
0x5a: {  	[tilespmem:v7+s24+$0x14000] =	vst.idx.msk $0xffff, v42  }
0x5b: {  	v42 =	vld.idx.msk [tilespmem:v56+s8+$0x0], $0xffff  }
0x5c: {  	v60 =	vadd.s32 $0x400, v41;
	v59 =	vmul.f32 v48, v54;
	v45 =	vmul.f32 v53, v57;
	v61 =	vld.idx.msk [tilespmem:v49+s8+$0x0], $0xffff  }
0x5d: {  	v62 =	vadd.s32 $0x400, v40;
	v43 =	vld.idx.msk [tilespmem:v58+s8+$0x0], $0xffff  }
0x5e: {  	v63 =	vadd.s32 $0x400, v39;
	v52 =	vld.idx.msk [tilespmem:v50+s8+$0x0], $0xffff;
	v44 =	vmul.f32 v45, v59  }
0x5f: {  	s25 =	simm.s32 $0x110;
	v53 =	vadd.s32 $0x400, v38  }
0x60: {  	[tilespmem:v1+s25+$0x14000] =	vst.idx.msk $0xffff, v44  }
0x61: {  	v44 =	vld.idx.msk [tilespmem:v60+s8+$0x0], $0xffff  }
0x62: {  	v54 =	vld.idx.msk [tilespmem:v62+s8+$0x0], $0xffff  }
0x63: {  	v55 =	vadd.s32 $0x1C00, v37;
	v45 =	vld.idx.msk [tilespmem:v63+s8+$0x0], $0xffff;
	v42 =	vmul.f32 v61, v42;
	v43 =	vmul.f32 v52, v43  }
0x64: {  	v57 =	vadd.s32 $0x1C00, v36;
	v56 =	vld.idx.msk [tilespmem:v53+s8+$0x0], $0xffff  }
0x65: {  	v58 =	vadd.s32 $0x1C00, v35;
	v42 =	vmul.f32 v43, v42  }
0x66: {  	v59 =	vadd.s32 $0x1C00, v34  }
0x67: {  	[tilespmem:v8+s24+$0x14000] =	vst.idx.msk $0xffff, v42  }
0x68: {  	v42 =	vld.idx.msk [tilespmem:v55+s8+$0x0], $0xffff  }
0x69: {  	v60 =	vadd.s32 $0x800, v41;
	v44 =	vmul.f32 v54, v44;
	v45 =	vmul.f32 v56, v45;
	v61 =	vld.idx.msk [tilespmem:v57+s8+$0x0], $0xffff  }
0x6a: {  	v62 =	vadd.s32 $0x800, v40;
	v43 =	vld.idx.msk [tilespmem:v58+s8+$0x0], $0xffff  }
0x6b: {  	v63 =	vadd.s32 $0x800, v39;
	v52 =	vld.idx.msk [tilespmem:v59+s8+$0x0], $0xffff;
	v44 =	vmul.f32 v45, v44  }
0x6c: {  	v53 =	vadd.s32 $0x800, v38  }
0x6d: {  	[tilespmem:v3+s25+$0x14000] =	vst.idx.msk $0xffff, v44  }
0x6e: {  	v44 =	vld.idx.msk [tilespmem:v60+s8+$0x0], $0xffff  }
0x6f: {  	v54 =	vld.idx.msk [tilespmem:v62+s8+$0x0], $0xffff  }
0x70: {  	v55 =	vadd.s32 $0x2000, v37;
	v45 =	vld.idx.msk [tilespmem:v63+s8+$0x0], $0xffff;
	v42 =	vmul.f32 v61, v42;
	v43 =	vmul.f32 v52, v43  }
0x71: {  	v57 =	vadd.s32 $0x2000, v36;
	v56 =	vld.idx.msk [tilespmem:v53+s8+$0x0], $0xffff  }
0x72: {  	v58 =	vadd.s32 $0x2000, v35;
	v42 =	vmul.f32 v43, v42  }
0x73: {  	v59 =	vadd.s32 $0x2000, v34  }
0x74: {  	[tilespmem:v9+s24+$0x14000] =	vst.idx.msk $0xffff, v42  }
0x75: {  	v42 =	vld.idx.msk [tilespmem:v55+s8+$0x0], $0xffff  }
0x76: {  	v60 =	vadd.s32 $0xC00, v41;
	v44 =	vmul.f32 v54, v44;
	v45 =	vmul.f32 v56, v45;
	v61 =	vld.idx.msk [tilespmem:v57+s8+$0x0], $0xffff  }
0x77: {  	v62 =	vadd.s32 $0xC00, v40;
	v43 =	vld.idx.msk [tilespmem:v58+s8+$0x0], $0xffff  }
0x78: {  	v63 =	vadd.s32 $0xC00, v39;
	v52 =	vld.idx.msk [tilespmem:v59+s8+$0x0], $0xffff;
	v44 =	vmul.f32 v45, v44  }
0x79: {  	v53 =	vadd.s32 $0xC00, v38  }
0x7a: {  	[tilespmem:v4+s25+$0x14000] =	vst.idx.msk $0xffff, v44  }
0x7b: {  	v44 =	vld.idx.msk [tilespmem:v60+s8+$0x0], $0xffff  }
0x7c: {  	v54 =	vld.idx.msk [tilespmem:v62+s8+$0x0], $0xffff  }
0x7d: {  	v55 =	vadd.s32 $0x2400, v37;
	v45 =	vld.idx.msk [tilespmem:v63+s8+$0x0], $0xffff;
	v42 =	vmul.f32 v61, v42;
	v43 =	vmul.f32 v52, v43  }
0x7e: {  	v57 =	vadd.s32 $0x2400, v36;
	v56 =	vld.idx.msk [tilespmem:v53+s8+$0x0], $0xffff  }
0x7f: {  	v58 =	vadd.s32 $0x2400, v35;
	v42 =	vmul.f32 v43, v42  }
0x80: {  	v59 =	vadd.s32 $0x2400, v34  }
0x81: {  	[tilespmem:v10+s24+$0x14000] =	vst.idx.msk $0xffff, v42  }
0x82: {  	v42 =	vld.idx.msk [tilespmem:v55+s8+$0x0], $0xffff  }
0x83: {  	v60 =	vadd.s32 $0x1000, v41;
	v44 =	vmul.f32 v54, v44;
	v45 =	vmul.f32 v56, v45;
	v61 =	vld.idx.msk [tilespmem:v57+s8+$0x0], $0xffff  }
0x84: {  	v62 =	vadd.s32 $0x1000, v40;
	v43 =	vld.idx.msk [tilespmem:v58+s8+$0x0], $0xffff  }
0x85: {  	v63 =	vadd.s32 $0x1000, v39;
	v54 =	vld.idx.msk [tilespmem:v59+s8+$0x0], $0xffff;
	v44 =	vmul.f32 v45, v44  }
0x86: {  	v55 =	vadd.s32 $0x1000, v38  }
0x87: {  	s29 =	sadd.s32 $0x40, s28;
	[tilespmem:v5+s25+$0x14000] =	vst.idx.msk $0xffff, v44  }
0x88: {  	s28 =	sadd.s32 $0xFFFFFFFD, s29;
	v56 =	vor.u32 s29, v2;
	v44 =	vld.idx.msk [tilespmem:v60+s8+$0x0], $0xffff  }
0x89: {  	v51 =	vor.u32 s28, v2;
	v48 =	vld.idx.msk [tilespmem:v62+s8+$0x0], $0xffff  }
0x8a: {  	v57 =	vadd.s32 $0x2800, v37;
	v45 =	vld.idx.msk [tilespmem:v63+s8+$0x0], $0xffff;
	v42 =	vmul.f32 v61, v42;
	v43 =	vmul.f32 v54, v43  }
0x8b: {  	v59 =	vadd.s32 $0x2800, v36;
	v58 =	vld.idx.msk [tilespmem:v55+s8+$0x0], $0xffff  }
0x8c: {  	v53 =	vadd.s32 $0x2800, v35;
	v52 =	vmul.f32 v43, v42  }
0x8d: {  	s28 =	sadd.s32 $0xFFFFFFFE, s29;
	v60 =	vadd.s32 $0x2800, v34;
	v42 =	vld.idx.msk [tilespmem:v56+s26+$0x0], $0xffff  }
0x8e: {  	v61 =	vor.u32 s28, v2;
	s28 =	sadd.s32 $0xFFFFFFFF, s29;
	v43 =	vld.idx.msk [tilespmem:v51+s26+$0x0], $0xffff;
	[tilespmem:v11+s24+$0x14000] =	vst.idx.msk $0xffff, v52  }
0x8f: {  	v62 =	vor.u32 s28, v2;
	v47 =	vld.idx.msk [tilespmem:v57+s8+$0x0], $0xffff  }
0x90: {  	v63 =	vadd.s32 $0x1400, v41;
	v44 =	vmul.f32 v48, v44;
	v45 =	vmul.f32 v58, v45;
	v57 =	vld.idx.msk [tilespmem:v59+s8+$0x0], $0xffff  }
0x91: {  	v58 =	vadd.s32 $0x1400, v40;
	v53 =	vld.idx.msk [tilespmem:v53+s8+$0x0], $0xffff  }
0x92: {  	v55 =	vadd.s32 $0x1400, v39;
	v46 =	vld.idx.msk [tilespmem:v60+s8+$0x0], $0xffff;
	v54 =	vmul.f32 v45, v44  }
0x93: {  	v59 =	vadd.s32 $0x1400, v38;
	v45 =	vld.idx.msk [tilespmem:v61+s26+$0x0], $0xffff  }
0x94: {  	v44 =	vld.idx.msk [tilespmem:v62+s26+$0x0], $0xffff;
	[tilespmem:v6+s25+$0x14000] =	vst.idx.msk $0xffff, v54  }
0x95: {  	v48 =	vld.idx.msk [tilespmem:v63+s8+$0x0], $0xffff  }
0x96: {  	v50 =	vld.idx.msk [tilespmem:v58+s8+$0x0], $0xffff  }
0x97: {  	v60 =	vld.idx.msk [tilespmem:v55+s8+$0x0], $0xffff  }
0x98: {  	v61 =	vadd.s32 $0x2C00, v37;
	v51 =	vld.idx.msk [tilespmem:v59+s8+$0x0], $0xffff;
	v47 =	vmul.f32 v57, v47;
	v46 =	vmul.f32 v46, v53  }
0x99: {  	v62 =	vadd.s32 $0x2C00, v36;
	v53 =	vld.idx.msk [tilespmem:v42+s8+$0x0], $0xffff  }
0x9a: {  	v55 =	vld.idx.msk [tilespmem:v43+s8+$0x0], $0xffff;
	v63 =	vadd.s32 $0x2C00, v35;
	v46 =	vmul.f32 v46, v47  }
0x9b: {  	v57 =	vadd.s32 $0x2C00, v34;
	v56 =	vld.idx.msk [tilespmem:v45+s8+$0x0], $0xffff  }
0x9c: {  	[tilespmem:v12+s24+$0x14000] =	vst.idx.msk $0xffff, v46;
	v58 =	vld.idx.msk [tilespmem:v44+s8+$0x0], $0xffff  }
0x9d: {  	v46 =	vld.idx.msk [tilespmem:v61+s8+$0x0], $0xffff;
	v48 =	vmul.f32 v50, v48;
	v60 =	vmul.f32 v51, v60;
	v50 =	vadd.s32 $0x1800, v41  }
0x9e: {  	v51 =	vld.idx.msk [tilespmem:v62+s8+$0x0], $0xffff;
	v61 =	vadd.s32 $0x1800, v40  }
0x9f: {  	v49 =	vadd.s32 $0x1800, v39;
	v47 =	vld.idx.msk [tilespmem:v63+s8+$0x0], $0xffff;
	v48 =	vmul.f32 v60, v48  }
0xa0: {  	v54 =	vld.idx.msk [tilespmem:v57+s8+$0x0], $0xffff;
	v62 =	vadd.s32 $0x1800, v38  }
0xa1: {  	v63 =	vadd.s32 $0x400, v43;
	[tilespmem:v7+s25+$0x14000] =	vst.idx.msk $0xffff, v48;
	v55 =	vmul.f32 v56, v55;
	v53 =	vmul.f32 v53, v58  }
0xa2: {  	v60 =	vadd.s32 $0x400, v45;
	v50 =	vld.idx.msk [tilespmem:v50+s8+$0x0], $0xffff  }
0xa3: {  	v52 =	vld.idx.msk [tilespmem:v61+s8+$0x0], $0xffff;
	v61 =	vadd.s32 $0x400, v42;
	v53 =	vmul.f32 v53, v55  }
0xa4: {  	s28 =	simm.s32 $0x220;
	v59 =	vadd.s32 $0x3000, v37;
	v49 =	vld.idx.msk [tilespmem:v49+s8+$0x0], $0xffff;
	v55 =	vadd.s32 $0x400, v44  }
0xa5: {  	v62 =	vld.idx.msk [tilespmem:v62+s8+$0x0], $0xffff;
	v46 =	vmul.f32 v51, v46;
	v47 =	vmul.f32 v54, v47;
	[tilespmem:v1+s28+$0x14000] =	vst.idx.msk $0xffff, v53  }
0xa6: {  	v51 =	vld.idx.msk [tilespmem:v63+s8+$0x0], $0xffff;
	v63 =	vadd.s32 $0x3000, v36  }
0xa7: {  	v46 =	vmul.f32 v47, v46;
	v48 =	vld.idx.msk [tilespmem:v60+s8+$0x0], $0xffff;
	v60 =	vadd.s32 $0x3000, v35  }
0xa8: {  	v56 =	vadd.s32 $0x3000, v34;
	v61 =	vld.idx.msk [tilespmem:v61+s8+$0x0], $0xffff  }
0xa9: {  	[tilespmem:v13+s24+$0x14000] =	vst.idx.msk $0xffff, v46;
	v55 =	vld.idx.msk [tilespmem:v55+s8+$0x0], $0xffff  }
0xaa: {  	v46 =	vld.idx.msk [tilespmem:v59+s8+$0x0], $0xffff;
	v50 =	vmul.f32 v52, v50;
	v49 =	vmul.f32 v62, v49;
	v62 =	vadd.s32 $0x1C00, v41  }
0xab: {  	v53 =	vld.idx.msk [tilespmem:v63+s8+$0x0], $0xffff;
	v63 =	vadd.s32 $0x1C00, v40  }
0xac: {  	v49 =	vmul.f32 v49, v50;
	v47 =	vld.idx.msk [tilespmem:v60+s8+$0x0], $0xffff;
	v60 =	vadd.s32 $0x1C00, v39  }
0xad: {  	v58 =	vadd.s32 $0x1C00, v38;
	v56 =	vld.idx.msk [tilespmem:v56+s8+$0x0], $0xffff  }
0xae: {  	[tilespmem:v8+s25+$0x14000] =	vst.idx.msk $0xffff, v49;
	v48 =	vmul.f32 v48, v51;
	v61 =	vmul.f32 v61, v55;
	v55 =	vadd.s32 $0x800, v43  }
0xaf: {  	v49 =	vadd.s32 $0x800, v45;
	v52 =	vld.idx.msk [tilespmem:v62+s8+$0x0], $0xffff  }
0xb0: {  	v51 =	vadd.s32 $0x800, v44;
	v48 =	vmul.f32 v61, v48;
	v54 =	vld.idx.msk [tilespmem:v63+s8+$0x0], $0xffff  }
0xb1: {  	v59 =	vadd.s32 $0x800, v42;
	v50 =	vld.idx.msk [tilespmem:v60+s8+$0x0], $0xffff;
	v60 =	vadd.s32 $0x3400, v37  }
0xb2: {  	v46 =	vmul.f32 v53, v46;
	v47 =	vmul.f32 v56, v47;
	[tilespmem:v3+s28+$0x14000] =	vst.idx.msk $0xffff, v48;
	v48 =	vld.idx.msk [tilespmem:v58+s8+$0x0], $0xffff  }
0xb3: {  	v53 =	vadd.s32 $0x3400, v36;
	v55 =	vld.idx.msk [tilespmem:v55+s8+$0x0], $0xffff  }
0xb4: {  	v56 =	vld.idx.msk [tilespmem:v49+s8+$0x0], $0xffff;
	v46 =	vmul.f32 v47, v46;
	v49 =	vadd.s32 $0x3400, v35  }
0xb5: {  	v61 =	vadd.s32 $0x3400, v34;
	v57 =	vld.idx.msk [tilespmem:v51+s8+$0x0], $0xffff  }
0xb6: {  	v58 =	vld.idx.msk [tilespmem:v59+s8+$0x0], $0xffff;
	[tilespmem:v14+s24+$0x14000] =	vst.idx.msk $0xffff, v46  }
0xb7: {  	v46 =	vld.idx.msk [tilespmem:v60+s8+$0x0], $0xffff;
	v62 =	vmul.f32 v54, v52;
	v52 =	vadd.s32 $0x2000, v41;
	v63 =	vmul.f32 v48, v50  }
0xb8: {  	v47 =	vld.idx.msk [tilespmem:v53+s8+$0x0], $0xffff;
	v50 =	vadd.s32 $0x2000, v40  }
0xb9: {  	v51 =	vadd.s32 $0x2000, v39;
	v48 =	vld.idx.msk [tilespmem:v49+s8+$0x0], $0xffff;
	v54 =	vmul.f32 v63, v62  }
0xba: {  	s30 =	simm.s32 $0xCC0;
	v53 =	vadd.s32 $0x2000, v38;
	v49 =	vld.idx.msk [tilespmem:v61+s8+$0x0], $0xffff  }
.LBB2_3:
0xbb: {  	p0 =	sne.s32 s30, $0x83C0;
	v55 =	vmul.f32 v56, v55;
	v56 =	vmul.f32 v58, v57;
	v57 =	vadd.s32 $0xC00, v43;
	[tilespmem:v9+s25+$0x14000] =	vst.idx.msk $0xffff, v54  }
0xbc: {  	v54 =	vadd.s32 $0xC00, v45;
	v52 =	vld.idx.msk [tilespmem:v52+s8+$0x0], $0xffff  }
0xbd: {  	v55 =	vmul.f32 v56, v55;
	v56 =	vadd.s32 $0xC00, v44;
	v50 =	vld.idx.msk [tilespmem:v50+s8+$0x0], $0xffff  }
0xbe: {  	v58 =	vadd.s32 $0xC00, v42;
	v59 =	vadd.s32 $0x3800, v37;
	v51 =	vld.idx.msk [tilespmem:v51+s8+$0x0], $0xffff  }
0xbf: {  	v46 =	vmul.f32 v47, v46;
	v47 =	vmul.f32 v49, v48;
	[tilespmem:v4+s28+$0x14000] =	vst.idx.msk $0xffff, v55;
	v53 =	vld.idx.msk [tilespmem:v53+s8+$0x0], $0xffff  }
0xc0: {  	v49 =	vadd.s32 $0x3800, v36;
	v48 =	vld.idx.msk [tilespmem:v57+s8+$0x0], $0xffff  }
0xc1: {  	v46 =	vmul.f32 v47, v46;
	v47 =	vadd.s32 $0x3800, v35;
	v54 =	vld.idx.msk [tilespmem:v54+s8+$0x0], $0xffff  }
0xc2: {  	v55 =	vld.idx.msk [tilespmem:v56+s8+$0x0], $0xffff;
	v56 =	vadd.s32 $0x3800, v34  }
0xc3: {  	v57 =	vld.idx.msk [tilespmem:v58+s8+$0x0], $0xffff;
	[tilespmem:v15+s24+$0x14000] =	vst.idx.msk $0xffff, v46  }
0xc4: {  	v46 =	vld.idx.msk [tilespmem:v59+s8+$0x0], $0xffff  }
0xc5: {  	v50 =	vmul.f32 v50, v52;
	v52 =	vadd.s32 $0x2400, v41;
	v51 =	vmul.f32 v53, v51;
	v49 =	vld.idx.msk [tilespmem:v49+s8+$0x0], $0xffff  }
0xc6: {  	v53 =	vadd.s32 $0x2400, v40;
	v47 =	vld.idx.msk [tilespmem:v47+s8+$0x0], $0xffff  }
0xc7: {  	v50 =	vmul.f32 v51, v50;
	v51 =	vadd.s32 $0x2400, v39;
	v56 =	vld.idx.msk [tilespmem:v56+s8+$0x0], $0xffff  }
0xc8: {  	v58 =	vadd.s32 $0x2400, v38  }
0xc9: {  	v48 =	vmul.f32 v54, v48;
	v54 =	vmul.f32 v57, v55;
	v55 =	vadd.s32 $0x1000, v43;
	[tilespmem:v10+s25+$0x14000] =	vst.idx.msk $0xffff, v50  }
0xca: {  	v50 =	vadd.s32 $0x1000, v45;
	v52 =	vld.idx.msk [tilespmem:v52+s8+$0x0], $0xffff  }
0xcb: {  	v48 =	vmul.f32 v54, v48;
	v54 =	vadd.s32 $0x1000, v44;
	v53 =	vld.idx.msk [tilespmem:v53+s8+$0x0], $0xffff  }
0xcc: {  	v59 =	vadd.s32 $0x3C00, v37;
	v37 =	vmovc v41;
	v41 =	vmov v43;
	v57 =	vadd.s32 $0x1000, v42;
	v51 =	vld.idx.msk [tilespmem:v51+s8+$0x0], $0xffff  }
0xcd: {  	v46 =	vmul.f32 v49, v46;
	v47 =	vmul.f32 v56, v47;
	[tilespmem:v5+s28+$0x14000] =	vst.idx.msk $0xffff, v48;
	v43 =	vld.idx.msk [tilespmem:v58+s8+$0x0], $0xffff  }
0xce: {  	v49 =	vadd.s32 $0x3C00, v36;
	v36 =	vmov v40;
	v40 =	vmov v45;
	v48 =	vld.idx.msk [tilespmem:v55+s8+$0x0], $0xffff  }
0xcf: {  	v46 =	vmul.f32 v47, v46;
	v47 =	vadd.s32 $0x3C00, v35;
	v35 =	vmovc v39;
	v39 =	vmov v44;
	v45 =	vld.idx.msk [tilespmem:v50+s8+$0x0], $0xffff  }
0xd0: {  	s29 =	sadd.s32 $0x40, s29;
	v50 =	vadd.s32 $0x3C00, v34;
	v34 =	vmov v38;
	v38 =	vmov v42;
	v44 =	vld.idx.msk [tilespmem:v54+s8+$0x0], $0xffff  }
0xd1: {  	s31 =	sadd.s32 $0xFFFFFFFD, s29;
	v42 =	vor.u32 s29, v2;
	v54 =	vld.idx.msk [tilespmem:v57+s8+$0x0], $0xffff;
	[tilespmem:v16+s24+$0x14000] =	vst.idx.msk $0xffff, v46  }
0xd2: {  	v46 =	vor.u32 s31, v2;
	v55 =	vld.idx.msk [tilespmem:v59+s8+$0x0], $0xffff  }
0xd3: {  	v52 =	vmul.f32 v53, v52;
	v43 =	vmul.f32 v43, v51;
	v51 =	vadd.s32 $0x2800, v37;
	v49 =	vld.idx.msk [tilespmem:v49+s8+$0x0], $0xffff  }
0xd4: {  	v53 =	vadd.s32 $0x2800, v36;
	v47 =	vld.idx.msk [tilespmem:v47+s8+$0x0], $0xffff  }
0xd5: {  	v56 =	vadd.s32 $0x2800, v35;
	v52 =	vmul.f32 v43, v52;
	v50 =	vld.idx.msk [tilespmem:v50+s8+$0x0], $0xffff  }
0xd6: {  	s31 =	sadd.s32 $0xFFFFFFFE, s29;
	v57 =	vadd.s32 $0x2800, v34;
	v42 =	vld.idx.msk [tilespmem:v42+s26+$0x0], $0xffff  }
0xd7: {  	v43 =	vld.idx.msk [tilespmem:v46+s26+$0x0], $0xffff;
	v46 =	vor.u32 s31, v2;
	s31 =	sadd.s32 $0xFFFFFFFF, s29;
	[tilespmem:v11+s25+$0x14000] =	vst.idx.msk $0xffff, v52  }
0xd8: {  	v45 =	vmul.f32 v45, v48;
	v44 =	vmul.f32 v54, v44;
	v52 =	vor.u32 s31, v2;
	v48 =	vld.idx.msk [tilespmem:v51+s8+$0x0], $0xffff  }
0xd9: {  	v51 =	vadd.s32 $0x1400, v41;
	v53 =	vld.idx.msk [tilespmem:v53+s8+$0x0], $0xffff  }
0xda: {  	v58 =	vadd.s32 $0x1400, v40;
	v54 =	vmul.f32 v44, v45;
	v56 =	vld.idx.msk [tilespmem:v56+s8+$0x0], $0xffff  }
0xdb: {  	v59 =	vadd.s32 $0x1400, v39;
	v49 =	vmul.f32 v49, v55;
	v47 =	vmul.f32 v50, v47;
	v57 =	vld.idx.msk [tilespmem:v57+s8+$0x0], $0xffff  }
0xdc: {  	v45 =	vld.idx.msk [tilespmem:v46+s26+$0x0], $0xffff;
	v46 =	vadd.s32 $0x1400, v38  }
0xdd: {  	v47 =	vmul.f32 v47, v49;
	v44 =	vld.idx.msk [tilespmem:v52+s26+$0x0], $0xffff;
	[tilespmem:v6+s28+$0x14000] =	vst.idx.msk $0xffff, v54  }
0xde: {  	v49 =	vld.idx.msk [tilespmem:v51+s8+$0x0], $0xffff  }
0xdf: {  	v50 =	vld.idx.msk [tilespmem:v58+s8+$0x0], $0xffff;
	[tilespmem:v17+s24+$0x14000] =	vst.idx.msk $0xffff, v47;
	s24 =	smov.u32 s25;
	s25 =	smov.u32 s28  }
0xe0: {  	v47 =	vld.idx.msk [tilespmem:v59+s8+$0x0], $0xffff  }
0xe1: {  	v52 =	vadd.s32 $0x2C00, v37;
	v48 =	vmul.f32 v53, v48;
	v51 =	vmul.f32 v57, v56;
	v46 =	vld.idx.msk [tilespmem:v46+s8+$0x0], $0xffff  }
0xe2: {  	v54 =	vadd.s32 $0x2C00, v36;
	v53 =	vld.idx.msk [tilespmem:v42+s8+$0x0], $0xffff  }
0xe3: {  	v48 =	vmul.f32 v51, v48;
	v51 =	vadd.s32 $0x2C00, v35;
	v55 =	vld.idx.msk [tilespmem:v43+s8+$0x0], $0xffff  }
0xe4: {  	v57 =	vadd.s32 $0x2C00, v34;
	v56 =	vld.idx.msk [tilespmem:v45+s8+$0x0], $0xffff  }
0xe5: {  	v58 =	vld.idx.msk [tilespmem:v44+s8+$0x0], $0xffff;
	[tilespmem:v12+s24+$0x14000] =	vst.idx.msk $0xffff, v48  }
0xe6: {  	v48 =	vld.idx.msk [tilespmem:v52+s8+$0x0], $0xffff  }
0xe7: {  	v49 =	vmul.f32 v50, v49;
	v46 =	vmul.f32 v46, v47;
	v47 =	vadd.s32 $0x1800, v41;
	v50 =	vld.idx.msk [tilespmem:v54+s8+$0x0], $0xffff  }
0xe8: {  	v52 =	vadd.s32 $0x1800, v40;
	v51 =	vld.idx.msk [tilespmem:v51+s8+$0x0], $0xffff  }
0xe9: {  	v46 =	vmul.f32 v46, v49;
	v49 =	vadd.s32 $0x1800, v39;
	v54 =	vld.idx.msk [tilespmem:v57+s8+$0x0], $0xffff  }
0xea: {  	v57 =	vadd.s32 $0x1800, v38  }
0xeb: {  	v55 =	vmul.f32 v56, v55;
	v56 =	vadd.s32 $0x400, v43;
	v53 =	vmul.f32 v53, v58;
	[tilespmem:v7+s25+$0x14000] =	vst.idx.msk $0xffff, v46  }
0xec: {  	v46 =	vadd.s32 $0x400, v45;
	v47 =	vld.idx.msk [tilespmem:v47+s8+$0x0], $0xffff  }
0xed: {  	v53 =	vmul.f32 v53, v55;
	v55 =	vadd.s32 $0x400, v44;
	v52 =	vld.idx.msk [tilespmem:v52+s8+$0x0], $0xffff  }
0xee: {  	s28 =	sshra.s32 s30, $0x2;
	v59 =	vadd.s32 $0x3000, v37;
	v58 =	vadd.s32 $0x400, v42;
	v49 =	vld.idx.msk [tilespmem:v49+s8+$0x0], $0xffff  }
0xef: {  	v48 =	vmul.f32 v50, v48;
	v50 =	vmul.f32 v54, v51;
	[tilespmem:v1+s28+$0x14000] =	vst.idx.msk $0xffff, v53;
	v53 =	vld.idx.msk [tilespmem:v57+s8+$0x0], $0xffff  }
0xf0: {  	v54 =	vadd.s32 $0x3000, v36;
	v51 =	vld.idx.msk [tilespmem:v56+s8+$0x0], $0xffff  }
0xf1: {  	v48 =	vmul.f32 v50, v48;
	v50 =	vadd.s32 $0x3000, v35;
	v46 =	vld.idx.msk [tilespmem:v46+s8+$0x0], $0xffff  }
0xf2: {  	v56 =	vadd.s32 $0x3000, v34;
	v55 =	vld.idx.msk [tilespmem:v55+s8+$0x0], $0xffff  }
0xf3: {  	v57 =	vld.idx.msk [tilespmem:v58+s8+$0x0], $0xffff;
	[tilespmem:v13+s24+$0x14000] =	vst.idx.msk $0xffff, v48  }
0xf4: {  	v48 =	vld.idx.msk [tilespmem:v59+s8+$0x0], $0xffff  }
0xf5: {  	v47 =	vmul.f32 v52, v47;
	v52 =	vadd.s32 $0x1C00, v41;
	v49 =	vmul.f32 v53, v49;
	v53 =	vld.idx.msk [tilespmem:v54+s8+$0x0], $0xffff  }
0xf6: {  	v54 =	vadd.s32 $0x1C00, v40;
	v50 =	vld.idx.msk [tilespmem:v50+s8+$0x0], $0xffff  }
0xf7: {  	v47 =	vmul.f32 v49, v47;
	v49 =	vadd.s32 $0x1C00, v39;
	v56 =	vld.idx.msk [tilespmem:v56+s8+$0x0], $0xffff  }
0xf8: {  	v58 =	vadd.s32 $0x1C00, v38  }
0xf9: {  	v46 =	vmul.f32 v46, v51;
	v51 =	vmul.f32 v57, v55;
	v55 =	vadd.s32 $0x800, v43;
	[tilespmem:v8+s25+$0x14000] =	vst.idx.msk $0xffff, v47  }
0xfa: {  	v47 =	vadd.s32 $0x800, v45;
	v52 =	vld.idx.msk [tilespmem:v52+s8+$0x0], $0xffff  }
0xfb: {  	v46 =	vmul.f32 v51, v46;
	v51 =	vadd.s32 $0x800, v44;
	v54 =	vld.idx.msk [tilespmem:v54+s8+$0x0], $0xffff  }
0xfc: {  	v60 =	vadd.s32 $0x3400, v37;
	v59 =	vadd.s32 $0x800, v42;
	v49 =	vld.idx.msk [tilespmem:v49+s8+$0x0], $0xffff  }
0xfd: {  	[tilespmem:v3+s28+$0x14000] =	vst.idx.msk $0xffff, v46;
	v61 =	vld.idx.msk [tilespmem:v58+s8+$0x0], $0xffff;
	v46 =	vmul.f32 v53, v48;
	v48 =	vmul.f32 v56, v50  }
0xfe: {  	v50 =	vadd.s32 $0x3400, v36;
	v55 =	vld.idx.msk [tilespmem:v55+s8+$0x0], $0xffff  }
0xff: {  	v56 =	vld.idx.msk [tilespmem:v47+s8+$0x0], $0xffff;
	v46 =	vmul.f32 v48, v46;
	v48 =	vadd.s32 $0x3400, v35  }
0x100: {  	v53 =	vadd.s32 $0x3400, v34;
	v57 =	vld.idx.msk [tilespmem:v51+s8+$0x0], $0xffff  }
0x101: {  	v58 =	vld.idx.msk [tilespmem:v59+s8+$0x0], $0xffff;
	[tilespmem:v14+s24+$0x14000] =	vst.idx.msk $0xffff, v46  }
.Ltmp0:
0x102: {  	v46 =	vld.idx.msk [tilespmem:v60+s8+$0x0], $0xffff;
	(pc) =	sbr.rel @p0 .LBB2_3-.Ltmp0, $4  }
0x103: {  	v51 =	vmul.f32 v54, v52;
	v52 =	vadd.s32 $0x2000, v41;
	v49 =	vmul.f32 v61, v49;
	v47 =	vld.idx.msk [tilespmem:v50+s8+$0x0], $0xffff  }
0x104: {  	v50 =	vadd.s32 $0x2000, v40;
	v48 =	vld.idx.msk [tilespmem:v48+s8+$0x0], $0xffff  }
0x105: {  	v54 =	vmul.f32 v49, v51;
	v51 =	vadd.s32 $0x2000, v39;
	v49 =	vld.idx.msk [tilespmem:v53+s8+$0x0], $0xffff  }
0x106: {  	s30 =	sadd.s32 $0x440, s30;
	v53 =	vadd.s32 $0x2000, v38  }
0x107: {  	v55 =	vmul.f32 v56, v55;
	v61 =	vmul.f32 v58, v57;
	v62 =	vadd.s32 $0xC00, v43  }
0x108: {  	v63 =	vadd.s32 $0xC00, v45  }
0x109: {  	v60 =	vadd.s32 $0xC00, v44;
	v55 =	vmul.f32 v61, v55  }
0x10a: {  	v59 =	vadd.s32 $0xC00, v42  }
0x10b: {  	[tilespmem:v4+s28+$0x14000] =	vst.idx.msk $0xffff, v55  }
0x10c: {  	v55 =	vld.idx.msk [tilespmem:v62+s8+$0x0], $0xffff  }
0x10d: {  	v61 =	vld.idx.msk [tilespmem:v63+s8+$0x0], $0xffff  }
0x10e: {  	v56 =	vld.idx.msk [tilespmem:v60+s8+$0x0], $0xffff  }
0x10f: {  	v62 =	vld.idx.msk [tilespmem:v59+s8+$0x0], $0xffff;
	_ =	sdelay $0x4  }
0x110: {  	v63 =	vadd.s32 $0x1000, v43;
	v55 =	vmul.f32 v61, v55;
	v56 =	vmul.f32 v62, v56  }
0x111: {  	v60 =	vadd.s32 $0x1000, v45  }
0x112: {  	v61 =	vadd.s32 $0x1000, v44;
	v55 =	vmul.f32 v56, v55  }
0x113: {  	v62 =	vadd.s32 $0x1000, v42  }
0x114: {  	[tilespmem:v5+s28+$0x14000] =	vst.idx.msk $0xffff, v55  }
0x115: {  	v55 =	vld.idx.msk [tilespmem:v63+s8+$0x0], $0xffff  }
0x116: {  	v63 =	vld.idx.msk [tilespmem:v60+s8+$0x0], $0xffff  }
0x117: {  	v56 =	vld.idx.msk [tilespmem:v61+s8+$0x0], $0xffff  }
0x118: {  	v60 =	vld.idx.msk [tilespmem:v62+s8+$0x0], $0xffff;
	_ =	sdelay $0x4  }
0x119: {  	v61 =	vadd.s32 $0x1400, v43;
	v55 =	vmul.f32 v63, v55;
	v56 =	vmul.f32 v60, v56  }
0x11a: {  	v62 =	vadd.s32 $0x1400, v45  }
0x11b: {  	v63 =	vadd.s32 $0x1400, v44;
	v55 =	vmul.f32 v56, v55  }
0x11c: {  	v60 =	vadd.s32 $0x1400, v42  }
0x11d: {  	[tilespmem:v6+s28+$0x14000] =	vst.idx.msk $0xffff, v55  }
0x11e: {  	v55 =	vld.idx.msk [tilespmem:v61+s8+$0x0], $0xffff  }
0x11f: {  	v61 =	vld.idx.msk [tilespmem:v62+s8+$0x0], $0xffff  }
0x120: {  	v56 =	vld.idx.msk [tilespmem:v63+s8+$0x0], $0xffff  }
0x121: {  	v62 =	vld.idx.msk [tilespmem:v60+s8+$0x0], $0xffff;
	_ =	sdelay $0x4  }
0x122: {  	v63 =	vadd.s32 $0x1800, v43;
	v55 =	vmul.f32 v61, v55;
	v56 =	vmul.f32 v62, v56  }
0x123: {  	v60 =	vadd.s32 $0x1800, v45  }
0x124: {  	v61 =	vadd.s32 $0x1800, v44;
	v55 =	vmul.f32 v56, v55  }
0x125: {  	v62 =	vadd.s32 $0x1800, v42  }
0x126: {  	[tilespmem:v7+s28+$0x14000] =	vst.idx.msk $0xffff, v55  }
0x127: {  	v55 =	vld.idx.msk [tilespmem:v63+s8+$0x0], $0xffff  }
0x128: {  	v63 =	vld.idx.msk [tilespmem:v60+s8+$0x0], $0xffff  }
0x129: {  	v56 =	vld.idx.msk [tilespmem:v61+s8+$0x0], $0xffff  }
0x12a: {  	v60 =	vld.idx.msk [tilespmem:v62+s8+$0x0], $0xffff;
	_ =	sdelay $0x4  }
0x12b: {  	v61 =	vadd.s32 $0x1C00, v43;
	v55 =	vmul.f32 v63, v55;
	v56 =	vmul.f32 v60, v56  }
0x12c: {  	v62 =	vadd.s32 $0x1C00, v45  }
0x12d: {  	v63 =	vadd.s32 $0x1C00, v44;
	v55 =	vmul.f32 v56, v55  }
0x12e: {  	v60 =	vadd.s32 $0x1C00, v42  }
0x12f: {  	[tilespmem:v8+s28+$0x14000] =	vst.idx.msk $0xffff, v55  }
0x130: {  	v55 =	vld.idx.msk [tilespmem:v61+s8+$0x0], $0xffff  }
0x131: {  	v61 =	vld.idx.msk [tilespmem:v62+s8+$0x0], $0xffff  }
0x132: {  	v56 =	vld.idx.msk [tilespmem:v63+s8+$0x0], $0xffff  }
0x133: {  	v62 =	vld.idx.msk [tilespmem:v60+s8+$0x0], $0xffff;
	_ =	sdelay $0x4  }
0x134: {  	[tilespmem:v9+s25+$0x14000] =	vst.idx.msk $0xffff, v54;
	v63 =	vmul.f32 v61, v55;
	v60 =	vmul.f32 v62, v56;
	v61 =	vadd.s32 $0x2000, v43  }
0x135: {  	v52 =	vld.idx.msk [tilespmem:v52+s8+$0x0], $0xffff;
	v62 =	vadd.s32 $0x2000, v45  }
0x136: {  	v50 =	vld.idx.msk [tilespmem:v50+s8+$0x0], $0xffff;
	v54 =	vmul.f32 v60, v63;
	v63 =	vadd.s32 $0x2000, v44  }
0x137: {  	v51 =	vld.idx.msk [tilespmem:v51+s8+$0x0], $0xffff;
	v60 =	vadd.s32 $0x2000, v42  }
0x138: {  	v53 =	vld.idx.msk [tilespmem:v53+s8+$0x0], $0xffff;
	[tilespmem:v9+s28+$0x14000] =	vst.idx.msk $0xffff, v54  }
0x139: {  	v54 =	vld.idx.msk [tilespmem:v61+s8+$0x0], $0xffff  }
0x13a: {  	v61 =	vld.idx.msk [tilespmem:v62+s8+$0x0], $0xffff  }
0x13b: {  	v55 =	vld.idx.msk [tilespmem:v63+s8+$0x0], $0xffff  }
0x13c: {  	v62 =	vld.idx.msk [tilespmem:v60+s8+$0x0], $0xffff  }
0x13d: {  	v50 =	vmul.f32 v50, v52;
	v51 =	vmul.f32 v53, v51;
	v63 =	vadd.s32 $0x2400, v41  }
0x13e: {  	v53 =	vadd.s32 $0x2400, v40  }
0x13f: {  	v58 =	vadd.s32 $0x2400, v38;
	v50 =	vmul.f32 v51, v50  }
0x140: {  	v51 =	vadd.s32 $0x2400, v39  }
0x141: {  	[tilespmem:v10+s25+$0x14000] =	vst.idx.msk $0xffff, v50;
	v60 =	vmul.f32 v61, v54;
	v61 =	vmul.f32 v62, v55;
	v62 =	vadd.s32 $0x2400, v43  }
0x142: {  	v52 =	vld.idx.msk [tilespmem:v63+s8+$0x0], $0xffff;
	v63 =	vadd.s32 $0x2400, v45  }
0x143: {  	v53 =	vld.idx.msk [tilespmem:v53+s8+$0x0], $0xffff;
	v50 =	vmul.f32 v61, v60;
	v60 =	vadd.s32 $0x2400, v44  }
0x144: {  	v58 =	vld.idx.msk [tilespmem:v58+s8+$0x0], $0xffff;
	v61 =	vadd.s32 $0x2400, v42  }
0x145: {  	v51 =	vld.idx.msk [tilespmem:v51+s8+$0x0], $0xffff;
	[tilespmem:v10+s28+$0x14000] =	vst.idx.msk $0xffff, v50  }
0x146: {  	v50 =	vld.idx.msk [tilespmem:v62+s8+$0x0], $0xffff  }
0x147: {  	v62 =	vld.idx.msk [tilespmem:v63+s8+$0x0], $0xffff  }
0x148: {  	v54 =	vld.idx.msk [tilespmem:v60+s8+$0x0], $0xffff  }
0x149: {  	v63 =	vld.idx.msk [tilespmem:v61+s8+$0x0], $0xffff  }
0x14a: {  	v51 =	vmul.f32 v58, v51;
	v52 =	vmul.f32 v53, v52;
	v60 =	vadd.s32 $0x2800, v41  }
0x14b: {  	v61 =	vadd.s32 $0x2800, v40  }
0x14c: {  	v58 =	vadd.s32 $0x2800, v38;
	v51 =	vmul.f32 v51, v52  }
0x14d: {  	v52 =	vadd.s32 $0x2800, v39  }
0x14e: {  	[tilespmem:v11+s25+$0x14000] =	vst.idx.msk $0xffff, v51;
	v50 =	vmul.f32 v62, v50;
	v62 =	vmul.f32 v63, v54;
	v54 =	vadd.s32 $0x2800, v43  }
0x14f: {  	v53 =	vld.idx.msk [tilespmem:v60+s8+$0x0], $0xffff;
	v63 =	vadd.s32 $0x2800, v45  }
0x150: {  	v60 =	vld.idx.msk [tilespmem:v61+s8+$0x0], $0xffff;
	v61 =	vadd.s32 $0x2800, v44;
	v50 =	vmul.f32 v62, v50  }
0x151: {  	v58 =	vld.idx.msk [tilespmem:v58+s8+$0x0], $0xffff;
	v62 =	vadd.s32 $0x2800, v42  }
0x152: {  	v52 =	vld.idx.msk [tilespmem:v52+s8+$0x0], $0xffff;
	[tilespmem:v11+s28+$0x14000] =	vst.idx.msk $0xffff, v50  }
0x153: {  	v50 =	vld.idx.msk [tilespmem:v54+s8+$0x0], $0xffff  }
0x154: {  	v54 =	vld.idx.msk [tilespmem:v63+s8+$0x0], $0xffff  }
0x155: {  	v51 =	vld.idx.msk [tilespmem:v61+s8+$0x0], $0xffff  }
0x156: {  	v63 =	vld.idx.msk [tilespmem:v62+s8+$0x0], $0xffff  }
0x157: {  	v53 =	vmul.f32 v60, v53;
	v52 =	vmul.f32 v58, v52;
	v60 =	vadd.s32 $0x2C00, v41  }
0x158: {  	v61 =	vadd.s32 $0x2C00, v40  }
0x159: {  	v52 =	vmul.f32 v52, v53;
	v62 =	vadd.s32 $0x2C00, v39  }
0x15a: {  	v58 =	vadd.s32 $0x2C00, v38  }
0x15b: {  	[tilespmem:v12+s25+$0x14000] =	vst.idx.msk $0xffff, v52;
	v52 =	vadd.s32 $0x2C00, v43;
	v50 =	vmul.f32 v54, v50;
	v51 =	vmul.f32 v63, v51  }
0x15c: {  	v54 =	vld.idx.msk [tilespmem:v60+s8+$0x0], $0xffff;
	v63 =	vadd.s32 $0x2C00, v45  }
0x15d: {  	v60 =	vld.idx.msk [tilespmem:v61+s8+$0x0], $0xffff;
	v61 =	vadd.s32 $0x2C00, v44;
	v50 =	vmul.f32 v51, v50  }
0x15e: {  	v53 =	vld.idx.msk [tilespmem:v62+s8+$0x0], $0xffff;
	v62 =	vadd.s32 $0x2C00, v42  }
0x15f: {  	v58 =	vld.idx.msk [tilespmem:v58+s8+$0x0], $0xffff;
	[tilespmem:v12+s28+$0x14000] =	vst.idx.msk $0xffff, v50  }
0x160: {  	v50 =	vld.idx.msk [tilespmem:v52+s8+$0x0], $0xffff  }
0x161: {  	v52 =	vld.idx.msk [tilespmem:v63+s8+$0x0], $0xffff  }
0x162: {  	v51 =	vld.idx.msk [tilespmem:v61+s8+$0x0], $0xffff  }
0x163: {  	v55 =	vld.idx.msk [tilespmem:v62+s8+$0x0], $0xffff  }
0x164: {  	v54 =	vmul.f32 v60, v54;
	v63 =	vadd.s32 $0x3000, v41;
	v53 =	vmul.f32 v58, v53  }
0x165: {  	v60 =	vadd.s32 $0x3000, v40  }
0x166: {  	v61 =	vadd.s32 $0x3000, v39;
	v53 =	vmul.f32 v53, v54  }
0x167: {  	v58 =	vadd.s32 $0x3000, v38  }
0x168: {  	v62 =	vadd.s32 $0x3000, v43;
	[tilespmem:v13+s25+$0x14000] =	vst.idx.msk $0xffff, v53;
	v50 =	vmul.f32 v52, v50;
	v51 =	vmul.f32 v55, v51  }
0x169: {  	v52 =	vld.idx.msk [tilespmem:v63+s8+$0x0], $0xffff;
	v63 =	vadd.s32 $0x3000, v45  }
0x16a: {  	v56 =	vld.idx.msk [tilespmem:v60+s8+$0x0], $0xffff;
	v60 =	vadd.s32 $0x3000, v44;
	v50 =	vmul.f32 v51, v50  }
0x16b: {  	v54 =	vld.idx.msk [tilespmem:v61+s8+$0x0], $0xffff;
	v61 =	vadd.s32 $0x3000, v42  }
0x16c: {  	v58 =	vld.idx.msk [tilespmem:v58+s8+$0x0], $0xffff;
	[tilespmem:v13+s28+$0x14000] =	vst.idx.msk $0xffff, v50  }
0x16d: {  	v50 =	vld.idx.msk [tilespmem:v62+s8+$0x0], $0xffff  }
0x16e: {  	v53 =	vld.idx.msk [tilespmem:v63+s8+$0x0], $0xffff  }
0x16f: {  	v51 =	vld.idx.msk [tilespmem:v60+s8+$0x0], $0xffff  }
0x170: {  	v55 =	vld.idx.msk [tilespmem:v61+s8+$0x0], $0xffff  }
0x171: {  	v62 =	vadd.s32 $0x3400, v41;
	v52 =	vmul.f32 v56, v52;
	v54 =	vmul.f32 v58, v54  }
0x172: {  	v56 =	vadd.s32 $0x3400, v40  }
0x173: {  	v63 =	vadd.s32 $0x3400, v39;
	v52 =	vmul.f32 v54, v52  }
0x174: {  	v60 =	vadd.s32 $0x3400, v38  }
0x175: {  	v61 =	vadd.s32 $0x3400, v43;
	[tilespmem:v14+s25+$0x14000] =	vst.idx.msk $0xffff, v52;
	v50 =	vmul.f32 v53, v50;
	v51 =	vmul.f32 v55, v51  }
0x176: {  	v53 =	vld.idx.msk [tilespmem:v62+s8+$0x0], $0xffff;
	v62 =	vadd.s32 $0x3400, v45  }
0x177: {  	v59 =	vadd.s32 $0x3400, v42;
	v56 =	vld.idx.msk [tilespmem:v56+s8+$0x0], $0xffff;
	v50 =	vmul.f32 v51, v50  }
0x178: {  	v46 =	vmul.f32 v47, v46;
	v54 =	vld.idx.msk [tilespmem:v63+s8+$0x0], $0xffff;
	v63 =	vmul.f32 v49, v48;
	v51 =	vadd.s32 $0x3400, v44  }
0x179: {  	v57 =	vadd.s32 $0x3800, v37;
	v48 =	vld.idx.msk [tilespmem:v60+s8+$0x0], $0xffff;
	[tilespmem:v14+s28+$0x14000] =	vst.idx.msk $0xffff, v50  }
0x17a: {  	v60 =	vadd.s32 $0x3800, v36;
	v46 =	vmul.f32 v63, v46;
	v50 =	vld.idx.msk [tilespmem:v61+s8+$0x0], $0xffff  }
0x17b: {  	v61 =	vadd.s32 $0x3800, v35;
	v52 =	vld.idx.msk [tilespmem:v62+s8+$0x0], $0xffff  }
0x17c: {  	[tilespmem:v15+s24+$0x14000] =	vst.idx.msk $0xffff, v46;
	v62 =	vadd.s32 $0x3800, v34;
	v46 =	vld.idx.msk [tilespmem:v59+s8+$0x0], $0xffff  }
0x17d: {  	v51 =	vld.idx.msk [tilespmem:v51+s8+$0x0], $0xffff  }
0x17e: {  	v63 =	vadd.s32 $0x3800, v41;
	v57 =	vld.idx.msk [tilespmem:v57+s8+$0x0], $0xffff;
	v53 =	vmul.f32 v56, v53;
	v48 =	vmul.f32 v48, v54  }
0x17f: {  	v49 =	vld.idx.msk [tilespmem:v60+s8+$0x0], $0xffff;
	v54 =	vadd.s32 $0x3800, v40  }
0x180: {  	v60 =	vadd.s32 $0x3800, v39;
	v48 =	vmul.f32 v48, v53;
	v47 =	vld.idx.msk [tilespmem:v61+s8+$0x0], $0xffff  }
0x181: {  	v55 =	vld.idx.msk [tilespmem:v62+s8+$0x0], $0xffff;
	v61 =	vadd.s32 $0x3800, v38  }
0x182: {  	[tilespmem:v15+s25+$0x14000] =	vst.idx.msk $0xffff, v48;
	v62 =	vadd.s32 $0x3800, v43;
	v50 =	vmul.f32 v52, v50;
	v46 =	vmul.f32 v46, v51  }
0x183: {  	v51 =	vld.idx.msk [tilespmem:v63+s8+$0x0], $0xffff;
	v63 =	vadd.s32 $0x3800, v45  }
0x184: {  	v58 =	vadd.s32 $0x3800, v42;
	v54 =	vld.idx.msk [tilespmem:v54+s8+$0x0], $0xffff;
	v46 =	vmul.f32 v46, v50  }
0x185: {  	v37 =	vadd.s32 $0x3C00, v37;
	v53 =	vld.idx.msk [tilespmem:v60+s8+$0x0], $0xffff;
	v50 =	vadd.s32 $0x3800, v44  }
0x186: {  	v49 =	vmul.f32 v49, v57;
	v47 =	vmul.f32 v55, v47;
	v60 =	vld.idx.msk [tilespmem:v61+s8+$0x0], $0xffff;
	[tilespmem:v15+s28+$0x14000] =	vst.idx.msk $0xffff, v46  }
0x187: {  	v61 =	vadd.s32 $0x3C00, v36;
	v46 =	vld.idx.msk [tilespmem:v62+s8+$0x0], $0xffff  }
0x188: {  	v47 =	vmul.f32 v47, v49;
	v62 =	vadd.s32 $0x3C00, v35;
	v48 =	vld.idx.msk [tilespmem:v63+s8+$0x0], $0xffff  }
0x189: {  	v63 =	vadd.s32 $0x3C00, v34;
	v56 =	vld.idx.msk [tilespmem:v58+s8+$0x0], $0xffff  }
0x18a: {  	v49 =	vld.idx.msk [tilespmem:v50+s8+$0x0], $0xffff;
	[tilespmem:v16+s24+$0x14000] =	vst.idx.msk $0xffff, v47  }
0x18b: {  	v57 =	vadd.s32 $0x3C00, v41;
	v58 =	vmul.f32 v54, v51;
	v37 =	vld.idx.msk [tilespmem:v37+s8+$0x0], $0xffff;
	v59 =	vmul.f32 v60, v53  }
0x18c: {  	v36 =	vld.idx.msk [tilespmem:v61+s8+$0x0], $0xffff;
	v60 =	vadd.s32 $0x3C00, v40  }
0x18d: {  	v61 =	vadd.s32 $0x3C00, v39;
	v35 =	vld.idx.msk [tilespmem:v62+s8+$0x0], $0xffff;
	v50 =	vmul.f32 v59, v58  }
0x18e: {  	v34 =	vld.idx.msk [tilespmem:v63+s8+$0x0], $0xffff;
	v62 =	vadd.s32 $0x3C00, v38  }
0x18f: {  	v63 =	vadd.s32 $0x3C00, v43;
	v46 =	vmul.f32 v48, v46;
	[tilespmem:v16+s25+$0x14000] =	vst.idx.msk $0xffff, v50;
	v47 =	vmul.f32 v56, v49  }
0x190: {  	v50 =	vadd.s32 $0x3C00, v45;
	v41 =	vld.idx.msk [tilespmem:v57+s8+$0x0], $0xffff  }
0x191: {  	v51 =	vadd.s32 $0x3C00, v44;
	v40 =	vld.idx.msk [tilespmem:v60+s8+$0x0], $0xffff;
	v46 =	vmul.f32 v47, v46  }
0x192: {  	v52 =	vadd.s32 $0x3C00, v42;
	v39 =	vld.idx.msk [tilespmem:v61+s8+$0x0], $0xffff  }
0x193: {  	v38 =	vld.idx.msk [tilespmem:v62+s8+$0x0], $0xffff;
	[tilespmem:v16+s28+$0x14000] =	vst.idx.msk $0xffff, v46  }
0x194: {  	v43 =	vld.idx.msk [tilespmem:v63+s8+$0x0], $0xffff  }
0x195: {  	v45 =	vld.idx.msk [tilespmem:v50+s8+$0x0], $0xffff  }
0x196: {  	v44 =	vld.idx.msk [tilespmem:v51+s8+$0x0], $0xffff  }
0x197: {  	v42 =	vld.idx.msk [tilespmem:v52+s8+$0x0], $0xffff  }
0x198: {  	v36 =	vmul.f32 v36, v37;
	v34 =	vmul.f32 v34, v35;
	_ =	sdelay $0x1  }
0x199: {  	v34 =	vmul.f32 v34, v36  }
0x19a: {  	v53 =	vmul.f32 v40, v41;
	v54 =	vmul.f32 v38, v39  }
0x19b: {  	v55 =	vmul.f32 v45, v43;
	v56 =	vmul.f32 v42, v44  }
0x19c: {  	v35 =	vmul.f32 v54, v53  }
0x19d: {  	[tilespmem:v17+s24+$0x14000] =	vst.idx.msk $0xffff, v34;
	v57 =	vmul.f32 v56, v55  }
0x19e: {  	[tilespmem:v17+s25+$0x14000] =	vst.idx.msk $0xffff, v35  }
0x19f: {  	[tilespmem:v17+s28+$0x14000] =	vst.idx.msk $0xffff, v57;
	s28 =	simm.s32 $0x14000  }
0x1a0: {  	v34 =	vld.idx.msk [tilespmem:v0+s28+$0x0], $0xffff  }
0x1a1: {  	v35 =	vld.idx.msk [tilespmem:v28+s28+$0x0], $0xffff  }
0x1a2: {  	v36 =	vld.idx.msk [tilespmem:v30+s28+$0x0], $0xffff  }
0x1a3: {  	v37 =	vld.idx.msk [tilespmem:v32+s28+$0x0], $0xffff  }
0x1a4: {  	v40 =	vld.idx.msk [tilespmem:v20+s28+$0x0], $0xffff  }
0x1a5: {  	v38 =	vld.idx.msk [tilespmem:v22+s28+$0x0], $0xffff  }
0x1a6: {  	v39 =	vld.idx.msk [tilespmem:v24+s28+$0x0], $0xffff  }
0x1a7: {  	v41 =	vld.idx.msk [tilespmem:v21+s28+$0x0], $0xffff  }
0x1a8: {  	v42 =	vld.idx.msk [tilespmem:v27+s28+$0x0], $0xffff  }
0x1a9: {  	v43 =	vld.idx.msk [tilespmem:v25+s28+$0x0], $0xffff  }
0x1aa: {  	v44 =	vld.idx.msk [tilespmem:v23+s28+$0x0], $0xffff  }
0x1ab: {  	v45 =	vld.idx.msk [tilespmem:v26+s28+$0x0], $0xffff  }
0x1ac: {  	v47 =	vld.idx.msk [tilespmem:v18+s28+$0x0], $0xffff  }
0x1ad: {  	v48 =	vld.idx.msk [tilespmem:v19+s28+$0x0], $0xffff  }
0x1ae: {  	v49 =	vld.idx.msk [tilespmem:v31+s28+$0x0], $0xffff  }
0x1af: {  	v50 =	vld.idx.msk [tilespmem:v29+s28+$0x0], $0xffff;
	_ =	sdelay $0x2  }
0x1b0: {  	v58 =	vmax.f32 v41, v38;
	v51 =	vmax.f32 v42, v35;
	v59 =	vmax.f32 v44, v39  }
0x1b1: {  	v53 =	vmax.f32 v43, v45;
	v60 =	vmax.f32 v34, v47;
	v61 =	vmax.f32 v48, v40  }
0x1b2: {  	v62 =	vmax.f32 v49, v37;
	v63 =	vmax.f32 v50, v36;
	v46 =	vmax.f32 v58, v59  }
0x1b3: {  	v51 =	vmax.f32 v53, v51;
	v52 =	vmax.f32 v60, v61;
	v57 =	vmax.f32 v63, v62  }
0x1b4: {  	v46 =	vmax.f32 v52, v46;
	v51 =	vmax.f32 v51, v57  }
0x1b5: {  	v46 =	vmax.f32 v46, v51  }
0x1b6: {  	v34 =	vsub.f32 v34, v46;
	v48 =	vsub.f32 v48, v46  }
0x1b7: {  	v41 =	vsub.f32 v41, v46;
	v44 =	vsub.f32 v44, v46  }
0x1b8: {  	v45 =	vsub.f32 v45, v46;
	v43 =	vsub.f32 v43, v46  }
0x1b9: {  	v58 =	vsub.f32 v42, v46;
	v35 =	vsub.f32 v35, v46  }
0x1ba: {  	v39 =	vsub.f32 v39, v46;
	v34 =	vmul.f32 $1.000000000e+02, v34;
	v48 =	vmul.f32 $1.000000000e+02, v48  }
0x1bb: {  	s29 =	simm.s32 $0x14110;
	v62 =	vsub.f32 v38, v46;
	v41 =	vmul.f32 $1.000000000e+02, v41;
	v59 =	vmul.f32 $1.000000000e+02, v44  }
0x1bc: {  	v3 =	vld.idx.msk [tilespmem:v0+s29+$0x0], $0xffff;
	v40 =	vsub.f32 v40, v46;
	v4 =	vmul.f32 $1.000000000e+02, v43;
	v60 =	vmul.f32 $1.000000000e+02, v45  }
0x1bd: {  	v1 =	vld.idx.msk [tilespmem:v28+s29+$0x0], $0xffff;
	v37 =	vsub.f32 v37, v46;
	v61 =	vmul.f32 $1.000000000e+02, v58;
	v35 =	vmul.f32 $1.000000000e+02, v35  }
0x1be: {  	v56 =	vld.idx.msk [tilespmem:v20+s29+$0x0], $0xffff;
	v47 =	vsub.f32 v47, v46;
	v63 =	vmul.f32 $1.000000000e+02, v39;
	v53 =	vmul.f32 $1.000000000e+02, v62  }
0x1bf: {  	v0 =	vld.idx.msk [tilespmem:v24+s29+$0x0], $0xffff;
	v62 =	vmul.f32 $1.000000000e+02, v40;
	v37 =	vmul.f32 $1.000000000e+02, v37  }
0x1c0: {  	v55 =	vld.idx.msk [tilespmem:v25+s29+$0x0], $0xffff;
	v45 =	vsub.f32 v50, v46;
	v50 =	vmul.f32 $1.000000000e+02, v47;
	v51 =	vmul.f32 $1.442695020e+00, v34  }
0x1c1: {  	v57 =	vld.idx.msk [tilespmem:v27+s29+$0x0], $0xffff;
	v41 =	vmul.f32 $1.442695020e+00, v41;
	v5 =	vmul.f32 $1.442695020e+00, v60  }
0x1c2: {  	v38 =	vld.idx.msk [tilespmem:v32+s29+$0x0], $0xffff;
	v49 =	vsub.f32 v49, v46;
	v35 =	vmul.f32 $1.442695020e+00, v35;
	v42 =	vmul.f32 $1.442695020e+00, v59  }
0x1c3: {  	v39 =	vld.idx.msk [tilespmem:v22+s29+$0x0], $0xffff;
	v44 =	vmul.f32 $1.442695020e+00, v48;
	v59 =	vmul.f32 $1.442695020e+00, v63  }
0x1c4: {  	v58 =	vld.idx.msk [tilespmem:v23+s29+$0x0], $0xffff;
	v60 =	vmul.f32 $1.000000000e+02, v49;
	(erf) = vpow2.f32 v35  }
0x1c5: {  	v48 =	vld.idx.msk [tilespmem:v21+s29+$0x0], $0xffff;
	v61 =	vmul.f32 $1.442695020e+00, v61;
	v49 =	vsub.f32 v36, v46;
	v36 =	vmul.f32 $1.442695020e+00, v37  }
0x1c6: {  	s30 =	sadd.s32 $0x0, s22;
	v40 =	vld.idx.msk [tilespmem:v18+s29+$0x0], $0xffff;
	v53 =	vmul.f32 $1.442695020e+00, v53;
	(erf) = vpow2.f32 v41  }
0x1c7: {  	v54 =	vmov s30;
	v47 =	vld.idx.msk [tilespmem:v19+s29+$0x0], $0xffff;
	v63 =	vmul.f32 $1.442695020e+00, v60;
	(erf) = vpow2.f32 v59  }
0x1c8: {  	s31 =	sadd.s32 $0x1, s22;
	v52 =	vand.u32 $0x3FF, v54;
	v34 =	vld.idx.msk [tilespmem:v30+s29+$0x0], $0xffff;
	v43 =	vmul.f32 $1.442695020e+00, v50;
	(erf) = vpow2.f32 v61  }
0x1c9: {  	v37 =	vmov s31;
	v35 =	vmul.f32 $1.442695020e+00, v62;
	v59 =	vld.idx.msk [tilespmem:v26+s29+$0x0], $0xffff;
	(erf) = vpow2.f32 v63  }
0x1ca: {  	v45 =	vmul.f32 $1.000000000e+02, v45;
	v62 =	vld.idx.msk [tilespmem:v31+s29+$0x0], $0xffff;
	v60 =	vmax.f32 v48, v39;
	(erf) = vpow2.f32 v42  }
0x1cb: {  	v50 =	vld.idx.msk [tilespmem:v29+s29+$0x0], $0xffff;
	v63 =	vmax.f32 v57, v1;
	v42 =	vmax.f32 v58, v0;
	(erf) = vpow2.f32 v35  }
0x1cc: {  	v35 =	vand.u32 $0x3FF, v37;
	v41 =	vmax.f32 v60, v42;
	(erf) = vpow2.f32 v36  }
0x1cd: {  	v60 =	vmax.f32 v3, v40;
	v37 =	vmax.f32 v47, v56;
	v6 =	vpop (erf);
	(erf) = vpow2.f32 v44  }
0x1ce: {  	v36 =	vadd.s32 v33, v52;
	v44 =	vmax.f32 v55, v59;
	(erf) = vpow2.f32 v51  }
0x1cf: {  	v52 =	vmax.f32 v44, v63;
	v44 =	vmax.f32 v62, v38;
	(erf) = vpow2.f32 v53  }
0x1d0: {  	v61 =	vpop (erf);
	v53 =	vmax.f32 v60, v37;
	v60 =	vmul.f32 $1.442695020e+00, v4;
	v37 =	vmax.f32 v50, v34  }
0x1d1: {  	v51 =	vpop (erf);
	(erf) = vpow2.f32 v5;
	v37 =	vmax.f32 v37, v44;
	v44 =	vmax.f32 v53, v41  }
0x1d2: {  	v63 =	vpop (erf);
	(erf) = vpow2.f32 v43;
	v37 =	vmax.f32 v52, v37;
	v43 =	vmul.f32 $1.442695020e+00, v45  }
0x1d3: {  	v49 =	vmul.f32 $1.000000000e+02, v49;
	v42 =	vpop (erf);
	v37 =	vmax.f32 v44, v37;
	(erf) = vpow2.f32 v60  }
0x1d4: {  	v54 =	vpop (erf);
	(erf) = vpow2.f32 v43;
	v43 =	vsub.f32 v47, v37  }
0x1d5: {  	v45 =	vmul.f32 $1.442695020e+00, v49;
	v41 =	vadd.f32 v51, v54;
	v54 =	vpop (erf)  }
0x1d6: {  	v52 =	vsub.f32 v56, v37;
	v53 =	vpop (erf);
	v56 =	vmul.f32 $1.000000000e+02, v43;
	v43 =	vsub.f32 v58, v37  }
0x1d7: {  	v44 =	vadd.f32 v53, v42;
	v53 =	vsub.f32 v62, v37;
	v62 =	vpop (erf);
	(erf) = vpow2.f32 v45  }
0x1d8: {  	v42 =	vsub.f32 v3, v37;
	v45 =	vsub.f32 v48, v37;
	v58 =	vmul.f32 $1.000000000e+02, v43  }
0x1d9: {  	v43 =	vsub.f32 v50, v37;
	v50 =	vadd.f32 v6, v63;
	v6 =	vlaneseq.u32  }
0x1da: {  	v49 =	vsub.f32 v1, v37;
	v48 =	vsub.f32 v59, v37;
	v47 =	vpop (erf);
	v60 =	vmul.f32 $1.000000000e+02, v42  }
0x1db: {  	v42 =	vsub.f32 v55, v37;
	v54 =	vadd.f32 v54, v62;
	v51 =	vpop (erf);
	v59 =	vmul.f32 $1.000000000e+02, v45  }
0x1dc: {  	v48 =	vmul.f32 $1.000000000e+02, v48;
	v45 =	vmul.f32 $1.442695020e+00, v60;
	v60 =	vsub.f32 v57, v37;
	v55 =	vpop (erf)  }
0x1dd: {  	s24 =	simm.s32 $0x2;
	s25 =	simm.s32 $0x14220;
	[tilespmem:v36+s10+$0x0] =	vst.idx.msk $0xffff, v46;
	v51 =	vadd.f32 v51, v61;
	v42 =	vmul.f32 $1.000000000e+02, v42;
	v61 =	vsub.f32 v0, v37;
	v57 =	vpop (erf)  }
.LBB2_5:
0x1de: {  	v46 =	vld.idx.msk [tilespmem:v6+s25+$0x0], $0xffff;
	p0 =	sne.s32 s24, $0x1F;
	v39 =	vsub.f32 v39, v37;
	v60 =	vmul.f32 $1.000000000e+02, v60;
	v62 =	vmul.f32 $1.000000000e+02, v49;
	v63 =	vpop (erf);
	s26 =	smov.u32 s24;
	s24 =	sadd.s32 $0x1, s24  }
0x1df: {  	v59 =	vmul.f32 $1.442695020e+00, v59;
	v49 =	vld.idx.msk [tilespmem:v28+s25+$0x0], $0xffff;
	v0 =	vmul.f32 $1.442695020e+00, v48;
	v55 =	vadd.f32 v55, v63;
	v48 =	vpop (erf)  }
0x1e0: {  	v47 =	vadd.f32 v57, v47;
	v61 =	vmul.f32 $1.000000000e+02, v61;
	v63 =	vld.idx.msk [tilespmem:v30+s25+$0x0], $0xffff;
	v62 =	vmul.f32 $1.442695020e+00, v62;
	v57 =	vpop (erf)  }
0x1e1: {  	v58 =	vmul.f32 $1.442695020e+00, v58;
	v3 =	vmul.f32 $1.000000000e+02, v39;
	v1 =	vld.idx.msk [tilespmem:v32+s25+$0x0], $0xffff;
	v48 =	vadd.f32 v57, v48  }
0x1e2: {  	v56 =	vmul.f32 $1.442695020e+00, v56;
	v41 =	vadd.f32 v41, v51;
	v57 =	vld.idx.msk [tilespmem:v20+s25+$0x0], $0xffff;
	(erf) = vpow2.f32 v62  }
0x1e3: {  	v51 =	vmul.f32 $1.442695020e+00, v61;
	v39 =	vld.idx.msk [tilespmem:v22+s25+$0x0], $0xffff;
	(erf) = vpow2.f32 v59;
	v44 =	vadd.f32 v44, v48  }
0x1e4: {  	v53 =	vmul.f32 $1.000000000e+02, v53;
	v4 =	vsub.f32 v38, v37;
	v47 =	vadd.f32 v54, v47;
	v48 =	vld.idx.msk [tilespmem:v24+s25+$0x0], $0xffff  }
0x1e5: {  	v50 =	vadd.f32 v50, v55;
	v59 =	vmul.f32 $1.442695020e+00, v60;
	v54 =	vld.idx.msk [tilespmem:v21+s25+$0x0], $0xffff;
	(erf) = vpow2.f32 v51  }
0x1e6: {  	v41 =	vadd.f32 v41, v47;
	v51 =	vsub.f32 v40, v37;
	v40 =	vmul.f32 $1.000000000e+02, v4;
	v60 =	vld.idx.msk [tilespmem:v27+s25+$0x0], $0xffff  }
0x1e7: {  	v47 =	vmul.f32 $1.000000000e+02, v52;
	v52 =	vmul.f32 $1.442695020e+00, v53;
	v44 =	vadd.f32 v44, v50;
	v38 =	vmovc v1;
	v61 =	vld.idx.msk [tilespmem:v25+s25+$0x0], $0xffff  }
0x1e8: {  	v50 =	vsub.f32 v34, v37;
	v34 =	vmovc v63;
	v53 =	vmul.f32 $1.442695020e+00, v40;
	v1 =	vld.idx.msk [tilespmem:v23+s25+$0x0], $0xffff;
	(erf) = vpow2.f32 v59  }
0x1e9: {  	s26 =	sadd.s32 s26, s22;
	v47 =	vmul.f32 $1.442695020e+00, v47;
	v41 =	vadd.f32 v44, v41;
	v55 =	vld.idx.msk [tilespmem:v26+s25+$0x0], $0xffff;
	(erf) = vpow2.f32 v52  }
0x1ea: {  	v44 =	vmov s26;
	v51 =	vmul.f32 $1.000000000e+02, v51;
	v40 =	vld.idx.msk [tilespmem:v18+s25+$0x0], $0xffff;
	(erf) = vpow2.f32 v58  }
0x1eb: {  	v3 =	vmul.f32 $1.442695020e+00, v3;
	v58 =	vmax.f32 v54, v39;
	v52 =	vld.idx.msk [tilespmem:v19+s25+$0x0], $0xffff;
	(erf) = vpow2.f32 v47;
	v62 =	vpop (erf);
	[tilespmem:v36+s11+$0x0] =	vst.idx.msk $0xffff, v41  }
0x1ec: {  	v51 =	vmul.f32 $1.442695020e+00, v51;
	v41 =	vmax.f32 v60, v49;
	v47 =	vld.idx.msk [tilespmem:v31+s25+$0x0], $0xffff;
	v63 =	vpop (erf);
	(erf) = vpow2.f32 v53  }
0x1ed: {  	v44 =	vand.u32 $0x3FF, v44;
	v4 =	vld.idx.msk [tilespmem:v29+s25+$0x0], $0xffff;
	(erf) = vpow2.f32 v56  }
0x1ee: {  	v36 =	vadd.s32 v33, v35;
	v35 =	vmov v44;
	v53 =	vmax.f32 v1, v48;
	v56 =	vpop (erf)  }
0x1ef: {  	v44 =	vmax.f32 v61, v55;
	v53 =	vmax.f32 v58, v53;
	(erf) = vpow2.f32 v45  }
0x1f0: {  	v5 =	vmax.f32 v46, v40;
	v44 =	vmax.f32 v44, v41;
	(erf) = vpow2.f32 v3  }
0x1f1: {  	v50 =	vmul.f32 $1.000000000e+02, v50;
	v3 =	vmax.f32 v52, v57;
	(erf) = vpow2.f32 v0;
	v0 =	vpop (erf)  }
0x1f2: {  	v42 =	vmul.f32 $1.442695020e+00, v42;
	v41 =	vmax.f32 v47, v38;
	v3 =	vmax.f32 v5, v3;
	v45 =	vpop (erf)  }
0x1f3: {  	v43 =	vmul.f32 $1.000000000e+02, v43;
	v58 =	vmax.f32 v4, v34;
	[tilespmem:v36+s10+$0x0] =	vst.idx.msk $0xffff, v37;
	(erf) = vpow2.f32 v51;
	v37 =	vpop (erf)  }
0x1f4: {  	v53 =	vmax.f32 v3, v53;
	v51 =	vmax.f32 v58, v41;
	v41 =	vadd.f32 v56, v37;
	v5 =	vpop (erf)  }
0x1f5: {  	v43 =	vmul.f32 $1.442695020e+00, v43;
	v50 =	vmul.f32 $1.442695020e+00, v50;
	v37 =	vmax.f32 v44, v51;
	v44 =	vpop (erf)  }
0x1f6: {  	v37 =	vmax.f32 v53, v37;
	v44 =	vadd.f32 v44, v45;
	v3 =	vpop (erf);
	(erf) = vpow2.f32 v42  }
0x1f7: {  	v42 =	vsub.f32 v46, v37;
	v53 =	vsub.f32 v47, v37;
	(erf) = vpow2.f32 v43  }
0x1f8: {  	v49 =	vsub.f32 v49, v37;
	v43 =	vsub.f32 v52, v37;
	v47 =	vpop (erf);
	(erf) = vpow2.f32 v50  }
0x1f9: {  	v45 =	vsub.f32 v54, v37;
	v52 =	vsub.f32 v57, v37;
	v42 =	vmul.f32 $1.000000000e+02, v42;
	v46 =	vpop (erf)  }
.Ltmp1:
0x1fa: {  	v1 =	vsub.f32 v1, v37;
	v54 =	vsub.f32 v55, v37;
	v56 =	vmul.f32 $1.000000000e+02, v43;
	v55 =	vpop (erf);
	(pc) =	sbr.rel @p0 .LBB2_5-.Ltmp1, $4  }
0x1fb: {  	v59 =	vmul.f32 $1.000000000e+02, v45;
	v43 =	vsub.f32 v61, v37;
	v51 =	vadd.f32 v46, v63  }
0x1fc: {  	v60 =	vsub.f32 v60, v37;
	v58 =	vmul.f32 $1.000000000e+02, v1;
	v45 =	vmul.f32 $1.442695020e+00, v42;
	v57 =	vpop (erf)  }
0x1fd: {  	v50 =	vadd.f32 v62, v0;
	v42 =	vmul.f32 $1.000000000e+02, v43;
	v43 =	vsub.f32 v4, v37  }
0x1fe: {  	s25 =	sadd.s32 $0x110, s25;
	v61 =	vsub.f32 v48, v37;
	v48 =	vmul.f32 $1.000000000e+02, v54;
	v54 =	vadd.f32 v5, v3  }
0x1ff: {  	v0 =	vmul.f32 $1.000000000e+02, v49  }
0x200: {  	v3 =	vmul.f32 $1.000000000e+02, v60;
	v4 =	vmul.f32 $1.442695020e+00, v59  }
0x201: {  	v1 =	vsub.f32 v39, v37;
	v58 =	vmul.f32 $1.442695020e+00, v58;
	v60 =	vmul.f32 $1.000000000e+02, v43  }
0x202: {  	v5 =	vmul.f32 $1.000000000e+02, v61;
	v0 =	vmul.f32 $1.442695020e+00, v0  }
0x203: {  	v1 =	vmul.f32 $1.000000000e+02, v1;
	v3 =	vmul.f32 $1.442695020e+00, v3  }
0x204: {  	(erf) = vpow2.f32 v0;
	v0 =	vmul.f32 $1.442695020e+00, v5  }
0x205: {  	v5 =	vsub.f32 v38, v37;
	(erf) = vpow2.f32 v4;
	v4 =	vmul.f32 $1.000000000e+02, v53  }
0x206: {  	(erf) = vpow2.f32 v0;
	v0 =	vmul.f32 $1.000000000e+02, v52  }
0x207: {  	v5 =	vmul.f32 $1.000000000e+02, v5;
	v4 =	vmul.f32 $1.442695020e+00, v4  }
0x208: {  	v34 =	vsub.f32 v34, v37;
	(erf) = vpow2.f32 v3;
	v0 =	vmul.f32 $1.442695020e+00, v0  }
0x209: {  	(erf) = vpow2.f32 v4;
	v4 =	vmul.f32 $1.442695020e+00, v5  }
0x20a: {  	v34 =	vmul.f32 $1.000000000e+02, v34;
	(erf) = vpow2.f32 v58  }
0x20b: {  	v3 =	vsub.f32 v40, v37;
	v5 =	vmul.f32 $1.442695020e+00, v56;
	(erf) = vpow2.f32 v0  }
0x20c: {  	v1 =	vmul.f32 $1.442695020e+00, v1;
	v0 =	vpop (erf);
	(erf) = vpow2.f32 v4  }
0x20d: {  	v3 =	vmul.f32 $1.000000000e+02, v3;
	v4 =	vpop (erf);
	(erf) = vpow2.f32 v5  }
0x20e: {  	v5 =	vmul.f32 $1.442695020e+00, v48;
	v59 =	vpop (erf);
	(erf) = vpow2.f32 v45  }
0x20f: {  	v3 =	vmul.f32 $1.442695020e+00, v3;
	v39 =	vpop (erf);
	(erf) = vpow2.f32 v1  }
0x210: {  	v1 =	vpop (erf);
	(erf) = vpow2.f32 v5;
	v5 =	vmul.f32 $1.442695020e+00, v42  }
0x211: {  	v61 =	vpop (erf);
	(erf) = vpow2.f32 v3;
	v3 =	vmul.f32 $1.442695020e+00, v60  }
0x212: {  	v62 =	vpop (erf)  }
0x213: {  	v34 =	vmul.f32 $1.442695020e+00, v34;
	(erf) = vpow2.f32 v5;
	v63 =	vpop (erf)  }
0x214: {  	(erf) = vpow2.f32 v3;
	v5 =	vpop (erf)  }
0x215: {  	(erf) = vpow2.f32 v34;
	v3 =	vpop (erf)  }
0x216: {  	v4 =	vadd.f32 v59, v4;
	v52 =	vpop (erf)  }
0x217: {  	v0 =	vadd.f32 v55, v0;
	v55 =	vadd.f32 v57, v47;
	v53 =	vpop (erf)  }
0x218: {  	v41 =	vadd.f32 v41, v51;
	v4 =	vadd.f32 v44, v4;
	v46 =	vpop (erf)  }
0x219: {  	v45 =	vadd.f32 v54, v55;
	v0 =	vadd.f32 v50, v0;
	v56 =	vpop (erf)  }
0x21a: {  	v57 =	vpop (erf)  }
0x21b: {  	v41 =	vadd.f32 v41, v45;
	v0 =	vadd.f32 v4, v0;
	v58 =	vpop (erf)  }
0x21c: {  	v39 =	vadd.f32 v39, v62;
	v5 =	vadd.f32 v61, v5;
	v4 =	vpop (erf)  }
0x21d: {  	v34 =	vadd.f32 v52, v63;
	v3 =	vadd.f32 v3, v53;
	v59 =	vpop (erf)  }
0x21e: {  	v1 =	vadd.f32 v56, v1;
	v62 =	vadd.f32 v58, v46;
	v60 =	vpop (erf)  }
0x21f: {  	v4 =	vadd.f32 v57, v4;
	v61 =	vadd.f32 v60, v59  }
0x220: {  	v1 =	vadd.f32 v5, v1;
	v3 =	vadd.f32 v3, v62  }
0x221: {  	v63 =	vadd.s32 v33, v35;
	v4 =	vadd.f32 v39, v4;
	v5 =	vadd.f32 v34, v61  }
0x222: {  	v0 =	vadd.f32 v0, v41  }
0x223: {  	v1 =	vadd.f32 v1, v3;
	v3 =	vadd.f32 v5, v4;
	_ =	sdelay $0x1  }
0x224: {  	[tilespmem:v36+s11+$0x0] =	vst.idx.msk $0xffff, v0;
	v0 =	vadd.f32 v3, v1  }
0x225: {  	s23 =	sadd.s32 $0x1, s23;
	[tilespmem:v63+s10+$0x0] =	vst.idx.msk $0xffff, v37  }
0x226: {  	p0 =	sne.s32 s23, $0x20;
	[tilespmem:v63+s11+$0x0] =	vst.idx.msk $0xffff, v0  }
.Ltmp2:
0x227: {  	v1 =	vld [tilespmem:$0x1FFB0];
	(pc) =	sbr.rel @p0 .LBB2_2-.Ltmp2, $4  }
0x228: {  	v4 =	vld [tilespmem:$0x1FFD0]  }
0x229: {  	v3 =	vld [tilespmem:$0x1FFC0]  }
0x22a: {  	v5 =	vld [tilespmem:$0x1FFE0]  }
0x22b: {  	s21 =	sadd.s32 $0x800, s21;
	s22 =	sadd.s32 $0x20, s22;
	v0 =	vlaneseq.u32;
	v6 =	vld [tilespmem:$0x1FFF0]  }
0x22c: {  	[hbm4b:s5+s3] =	stream.linear.scatter [tilespmem:s10], [sflag:$0x1], $0x400, $0x38;
	[tilespmem:$0x1E300] =	vst v63  }
0x22d: {  	s21 =	sadd.s32 $0x80, s5;
	s22 =	simm.s32 $0x16608  }
0x22e: {  	[hbm4b:s21+s3] =	stream.linear.scatter [tilespmem:s22], [sflag:$0x1], $0x400, $0x38;
	[tilespmem:$0x1E300] =	vst v63  }
0x22f: {  	s25 =	sadd.s32 $0x100, s5;
	s26 =	simm.s32 $0x16A10  }
0x230: {  	[hbm4b:s25+s3] =	stream.linear.scatter [tilespmem:s26], [sflag:$0x1], $0x400, $0x38;
	[tilespmem:$0x1E300] =	vst v63  }
0x231: {  	s28 =	sadd.s32 $0x180, s5;
	s29 =	simm.s32 $0x16E18  }
0x232: {  	[hbm4b:s28+s3] =	stream.linear.scatter [tilespmem:s29], [sflag:$0x1], $0x400, $0x38;
	[tilespmem:$0x1E300] =	vst v63  }
0x233: {  	s30 =	sadd.s32 $0x200, s5;
	s31 =	simm.s32 $0x17220  }
0x234: {  	[hbm4b:s30+s3] =	stream.linear.scatter [tilespmem:s31], [sflag:$0x1], $0x400, $0x38;
	[tilespmem:$0x1E300] =	vst v63  }
0x235: {  	s23 =	sadd.s32 $0x280, s5;
	s24 =	simm.s32 $0x17628  }
0x236: {  	[hbm4b:s23+s3] =	stream.linear.scatter [tilespmem:s24], [sflag:$0x1], $0x400, $0x38;
	[tilespmem:$0x1E300] =	vst v63  }
0x237: {  	s25 =	sadd.s32 $0x300, s5;
	s26 =	simm.s32 $0x17A30  }
0x238: {  	[hbm4b:s25+s3] =	stream.linear.scatter [tilespmem:s26], [sflag:$0x1], $0x400, $0x38;
	[tilespmem:$0x1E300] =	vst v63  }
0x239: {  	s28 =	sadd.s32 $0x380, s5;
	s29 =	simm.s32 $0x17E38  }
0x23a: {  	[hbm4b:s28+s3] =	stream.linear.scatter [tilespmem:s29], [sflag:$0x1], $0x400, $0x38;
	[tilespmem:$0x1E300] =	vst v63  }
0x23b: {  	s30 =	sadd.s32 $0x400, s5;
	s31 =	simm.s32 $0x18240  }
0x23c: {  	[hbm4b:s30+s3] =	stream.linear.scatter [tilespmem:s31], [sflag:$0x1], $0x400, $0x38;
	[tilespmem:$0x1E300] =	vst v63  }
0x23d: {  	s23 =	sadd.s32 $0x480, s5;
	s24 =	simm.s32 $0x18648  }
0x23e: {  	[hbm4b:s23+s3] =	stream.linear.scatter [tilespmem:s24], [sflag:$0x1], $0x400, $0x38;
	[tilespmem:$0x1E300] =	vst v63  }
0x23f: {  	s25 =	sadd.s32 $0x500, s5;
	s26 =	simm.s32 $0x18A50  }
0x240: {  	[hbm4b:s25+s3] =	stream.linear.scatter [tilespmem:s26], [sflag:$0x1], $0x400, $0x38;
	[tilespmem:$0x1E300] =	vst v63  }
0x241: {  	s28 =	sadd.s32 $0x580, s5;
	s29 =	simm.s32 $0x18E58  }
0x242: {  	[hbm4b:s28+s3] =	stream.linear.scatter [tilespmem:s29], [sflag:$0x1], $0x400, $0x38;
	[tilespmem:$0x1E300] =	vst v63  }
0x243: {  	s30 =	sadd.s32 $0x600, s5;
	s31 =	simm.s32 $0x19260  }
0x244: {  	[hbm4b:s30+s3] =	stream.linear.scatter [tilespmem:s31], [sflag:$0x1], $0x400, $0x38;
	[tilespmem:$0x1E300] =	vst v63  }
0x245: {  	s23 =	sadd.s32 $0x680, s5;
	s24 =	simm.s32 $0x19668  }
0x246: {  	[hbm4b:s23+s3] =	stream.linear.scatter [tilespmem:s24], [sflag:$0x1], $0x400, $0x38;
	[tilespmem:$0x1E300] =	vst v63  }
0x247: {  	s25 =	sadd.s32 $0x700, s5;
	s26 =	simm.s32 $0x19A70  }
0x248: {  	[hbm4b:s25+s3] =	stream.linear.scatter [tilespmem:s26], [sflag:$0x1], $0x400, $0x38;
	[tilespmem:$0x1E300] =	vst v63  }
0x249: {  	s28 =	sadd.s32 $0x780, s5;
	s29 =	simm.s32 $0x19E78  }
0x24a: {  	[hbm4b:s28+s3] =	stream.linear.scatter [tilespmem:s29], [sflag:$0x1], $0x400, $0x38;
	[tilespmem:$0x1E300] =	vst v63  }
0x24b: {  	_ =	swait.ge [sflag:s9], $0x4000  }
0x24c: {  	[sflag:s9] =	ssyncset.done $0x0  }
0x24d: {  	[sflag:s9] =	ssyncadd.s32 $0xFFFFC000  }
0x24e: {  	[hbm4b:s6+s3] =	stream.linear.scatter [tilespmem:s11], [sflag:$0x1], $0x400, $0x38;
	[tilespmem:$0x1E300] =	vst v63  }
0x24f: {  	s30 =	sadd.s32 $0x80, s6;
	s31 =	simm.s32 $0x1A688  }
0x250: {  	[hbm4b:s30+s3] =	stream.linear.scatter [tilespmem:s31], [sflag:$0x1], $0x400, $0x38;
	[tilespmem:$0x1E300] =	vst v63  }
0x251: {  	s23 =	sadd.s32 $0x100, s6;
	s24 =	simm.s32 $0x1AA90  }
0x252: {  	[hbm4b:s23+s3] =	stream.linear.scatter [tilespmem:s24], [sflag:$0x1], $0x400, $0x38;
	[tilespmem:$0x1E300] =	vst v63  }
0x253: {  	s25 =	sadd.s32 $0x180, s6;
	s26 =	simm.s32 $0x1AE98  }
0x254: {  	[hbm4b:s25+s3] =	stream.linear.scatter [tilespmem:s26], [sflag:$0x1], $0x400, $0x38;
	[tilespmem:$0x1E300] =	vst v63  }
0x255: {  	s28 =	sadd.s32 $0x200, s6;
	s29 =	simm.s32 $0x1B2A0  }
0x256: {  	[hbm4b:s28+s3] =	stream.linear.scatter [tilespmem:s29], [sflag:$0x1], $0x400, $0x38;
	[tilespmem:$0x1E300] =	vst v63  }
0x257: {  	s30 =	sadd.s32 $0x280, s6  }
0x258: {  	[hbm4b:s30+s3] =	stream.linear.scatter [tilespmem:s0], [sflag:$0x1], $0x400, $0x38;
	[tilespmem:$0x1E300] =	vst v63  }
0x259: {  	s31 =	sadd.s32 $0x300, s6  }
0x25a: {  	[hbm4b:s31+s3] =	stream.linear.scatter [tilespmem:s2], [sflag:$0x1], $0x400, $0x38;
	[tilespmem:$0x1E300] =	vst v63  }
0x25b: {  	s22 =	sadd.s32 $0x380, s6  }
0x25c: {  	[hbm4b:s22+s3] =	stream.linear.scatter [tilespmem:s1], [sflag:$0x1], $0x400, $0x38;
	[tilespmem:$0x1E300] =	vst v63  }
0x25d: {  	s23 =	sadd.s32 $0x400, s6  }
0x25e: {  	[hbm4b:s23+s3] =	stream.linear.scatter [tilespmem:s12], [sflag:$0x1], $0x400, $0x38;
	[tilespmem:$0x1E300] =	vst v63  }
0x25f: {  	s24 =	sadd.s32 $0x480, s6  }
0x260: {  	[hbm4b:s24+s3] =	stream.linear.scatter [tilespmem:s13], [sflag:$0x1], $0x400, $0x38;
	[tilespmem:$0x1E300] =	vst v63  }
0x261: {  	s25 =	sadd.s32 $0x500, s6  }
0x262: {  	[hbm4b:s25+s3] =	stream.linear.scatter [tilespmem:s14], [sflag:$0x1], $0x400, $0x38;
	[tilespmem:$0x1E300] =	vst v63  }
0x263: {  	s26 =	sadd.s32 $0x580, s6  }
0x264: {  	[hbm4b:s26+s3] =	stream.linear.scatter [tilespmem:s15], [sflag:$0x1], $0x400, $0x38;
	[tilespmem:$0x1E300] =	vst v63  }
0x265: {  	s28 =	sadd.s32 $0x600, s6  }
0x266: {  	[hbm4b:s28+s3] =	stream.linear.scatter [tilespmem:s16], [sflag:$0x1], $0x400, $0x38;
	[tilespmem:$0x1E300] =	vst v63  }
0x267: {  	s20 =	sadd.s32 $0x1, s20;
	s29 =	sadd.s32 $0x680, s6  }
0x268: {  	[hbm4b:s29+s3] =	stream.linear.scatter [tilespmem:s17], [sflag:$0x1], $0x400, $0x38;
	[tilespmem:$0x1E300] =	vst v63  }
0x269: {  	p0 =	sne.s32 s20, s7;
	s30 =	sadd.s32 $0x700, s6  }
0x26a: {  	[hbm4b:s30+s3] =	stream.linear.scatter [tilespmem:s18], [sflag:$0x1], $0x400, $0x38;
	[tilespmem:$0x1E300] =	vst v63  }
.Ltmp3:
0x26b: {  	s31 =	sadd.s32 $0x780, s6;
	(pc) =	sbr.rel @p0 .LBB2_1-.Ltmp3, $4  }
0x26c: {  	[hbm4b:s31+s3] =	stream.linear.scatter [tilespmem:s19], [sflag:$0x1], $0x400, $0x38;
	[tilespmem:$0x1E300] =	vst v63  }
0x26d: {  	_ =	swait.ge [sflag:s9], $0x4000  }
0x26e: {  	[sflag:s9] =	ssyncset.done $0x0  }
0x26f: {  	[sflag:s9] =	ssyncadd.s32 $0xFFFFC000  }
0x270: {  	_ =	sfence.sel $0x180000  }
0x271: {  	[bflag:$0x0] =	sbarrier.arrive $0xFFFF  }
0x272: {  	_ =	strace $0x90000047  }
0x273: {  	s0 =	stileid.u32;
	[bflag:$0x2] =	sbarrier.arrive $0xFFFF  }
0x274: {  	p0 =	sne.s32 s0, $0x0;
	s0 =	rddreg [dreg:$0x2]  }
0x275: {  	s0 =	sadd.s32 @!p0 $0x100000, s0  }
0x276: {  	[sflag:s0] =	ssyncadd.tile.s32 @!p0 $0x1;
	_ =	shalt  }
.Lfunc_end2:
_tile_overlayer_lowered:
.L_overlay_start_2:
0x277: {  	(tag) =	ssettag $0x2  }
0x278: {  	s0 =	rddreg [dreg:$0x0];
	s2 =	stileid.u32  }
0x279: {  	s1 =	rddreg [dreg:$0x1];
	p0 =	sne.s32 s2, $0x0  }
0x27a: {  	s3 =	rddreg [dreg:$0x2];
	[bflag:$0x3] =	sbarrier.arrive $0xFFFF;
	s2 =	simm.s32 @!p0 $0x1C01  }
0x27b: {  	[timem:s3], [sflag:s2] =	dma.local @!p0 [hbm:s0], s1  }
0x27c: {  	s0 =	simm.s32 @!p0 $0x1  }
0x27d: {  	_ =	swait.ge @!p0 [sflag:s0], s1  }
0x27e: {  	s1 =	ssub.s32 @!p0 $0x0, s1;
	[sflag:s0] =	ssyncset.done @!p0 $0x0  }
0x27f: {  	[sflag:s0] =	ssyncadd.s32 @!p0 s1  }
0x280: {  	[bflag:$0x3] =	sbarrier.arrive $0xFFFF  }
0x281: {  	_ =	shalt  }

// kernel: kernel.9.cloned.1.call-start
scs
__scs_entry_jumppad:
0x0: {  	(pc) =	sbr.rel $0x88, $3  }
0x1: {  	(tag) =	ssettag $0x0;
	lr =	simm.s32 $0x1  }
0x2: {  	[smem:$0x3F9E] =	sst lr;
	_ =	strace $0xD0000000  }
0x3: {  	_ = 	snop  }
0x4: {  	_ = 	snop  }
0x5: {  	_ = 	snop  }
0x6: {  	_ = 	snop  }
0x7: {  	_ = 	snop  }
__scs_overlays_trampoline_lowered:
0x8: {  	[smem:$0x3FAD] =	sst s0  }
0x9: {  	[smem:$0x3FAE] =	sst s1  }
0xa: {  	[smem:$0x3FAF] =	sst s2  }
0xb: {  	[smem:$0x3FB0] =	sst s3  }
0xc: {  	[smem:$0x3FB1] =	sst s4  }
0xd: {  	[smem:$0x3FB2] =	sst s5  }
0xe: {  	[smem:$0x3FB3] =	sst s6  }
0xf: {  	[smem:$0x3FB4] =	sst s7  }
0x10: {  	[smem:$0x3FB5] =	sst s8  }
0x11: {  	[smem:$0x3FB6] =	sst s9;
	s0 =	simm.s32 @!p0 $0x0  }
0x12: {  	s1 =	sld [smem:$0x3F9C];
	s0 =	simm.s32 @p0 $0x1  }
0x13: {  	[smem:$0x3FB7] =	sst s0;
	s0 =	simm.s32 @!p1 $0x0  }
0x14: {  	s2 =	sld [smem:$0x3F9B];
	s0 =	simm.s32 @p1 $0x1  }
0x15: {  	[smem:$0x3FB8] =	sst s0;
	s0 =	simm.s32 @!p2 $0x0  }
0x16: {  	s3 =	sld [smem:$0x3FDB];
	s0 =	simm.s32 @p2 $0x1  }
0x17: {  	s4 =	simm.s32 $0x1BF5;
	[smem:$0x3FBA] =	sst s0  }
0x18: {  	s0 =	sld [smem:$0x3F9D];
	_ =	swait.ge [sflag:s4], $0x0  }
0x19: {  	s7 =	sld [smem:$0x3F9E]  }
0x1a: {  	s8 =	sadd.s32 $0xFFFFE003, lr  }
0x1b: {  	s9 =	sadd.s32 $0xFFFFFEF7, lr;
	s5 =	simm.s32 $0xFFFFFFFF;
	p2 =	slt.u32 s8, $0xFFFFF086  }
0x1c: {  	p1 =	slt.u32 s9, $0xF7A;
	s5 =	simm.s32 @!p2 $0x0  }
0x1d: {  	s5 =	simm.s32 @p1 $0x1;
	p0 =	seq.s32 s7, s2  }
0x1e: {  	s7 =	smul.u32 @!p0 $0xF7A, s2;
	p2 =	seq.s32 @!p0 s5, $0x0  }
0x1f: {  	s9 =	smul.u32 $0xF7A, s1;
	s8 =	simm.s32 @!p0 $0x1BF5;
	p2 =	por !p2, p0  }
0x20: {  	[sflag:s8] =	ssyncset.s32 @!p0 $0xFFFFF086;
	s6 =	sadd.s32 @!p0 s3, s7;
	s7 =	simm.s32 @!p0 $0x108  }
0x21: {  	s3 =	sadd.s32 s3, s9;
	s6 =	sadd.s32 @!p0 $0x88, s6;
	s7 =	simm.s32 @p2 $0x1082  }
0x22: {  	[simem:s7], [sflag:s8] =	dma.local @!p0 [hbm:s6], $0xF7A  }
0x23: {  	s9 =	sor.u32 $0xD0000000, s2;
	s6 =	simm.s32 $0x108;
	_ =	swait.ge @!p0 [sflag:s8], $0x0  }
0x24: {  	s3 =	sadd.s32 $0x88, s3;
	s6 =	simm.s32 @!p1 $0x1082;
	[sflag:s4] =	ssyncset.s32 $0xFFFFF086  }
0x25: {  	[simem:s6], [sflag:s4] =	dma.local [hbm:s3], $0xF7A  }
0x26: {  	[smem:$0x3F9E] =	sst s1;
	(tag) =	ssettag s2;
	_ =	strace s9  }
0x27: {  	s1 =	sld [smem:$0x3FAE]  }
0x28: {  	s2 =	sld [smem:$0x3FAF]  }
0x29: {  	s4 =	sld [smem:$0x3FB1]  }
0x2a: {  	p0 =	seq.s32 s5, $0x0;
	s5 =	sld [smem:$0x3FB2]  }
0x2b: {  	s6 =	sld [smem:$0x3FB3]  }
0x2c: {  	s7 =	sld [smem:$0x3FB4]  }
0x2d: {  	s3 =	simm.s32 $0x108;
	s8 =	sld [smem:$0x3FB5]  }
0x2e: {  	s3 =	simm.s32 @!p0 $0x1082;
	s9 =	sld [smem:$0x3FB6]  }
0x2f: {  	lr =	sadd.s32 s0, s3;
	s0 =	sld [smem:$0x3FAD]  }
0x30: {  	s3 =	sld [smem:$0x3FB0]  }
0x31: {  	[smem:$0x3FB9] =	sst s10  }
0x32: {  	s10 =	sld [smem:$0x3FB7];
	_ =	sdelay $0x3  }
0x33: {  	p0 =	seq.s32 s10, $0x1;
	s10 =	sld [smem:$0x3FB9];
	_ =	sdelay $0x3  }
0x34: {  	[smem:$0x3FB9] =	sst s10  }
0x35: {  	s10 =	sld [smem:$0x3FB8];
	_ =	sdelay $0x3  }
0x36: {  	p1 =	seq.s32 s10, $0x1;
	s10 =	sld [smem:$0x3FB9];
	_ =	sdelay $0x3  }
0x37: {  	[smem:$0x3FB9] =	sst s10  }
0x38: {  	s10 =	sld [smem:$0x3FBA]  }
0x39: {  	_ = 	snop;
	(pc) =	sbr.ind lr, $3  }
0x3a: {  	_ = 	snop  }
0x3b: {  	_ = 	snop  }
0x3c: {  	p2 =	seq.s32 s10, $0x1;
	s10 =	sld [smem:$0x3FB9]  }
0x3d: {  	_ =	shalt  }
0x3e: {  	_ =	shalt  }
0x3f: {  	_ =	shalt  }
0x40: {  	_ =	shalt  }
0x41: {  	_ =	shalt  }
0x42: {  	_ =	shalt  }
0x43: {  	_ =	shalt  }
0x44: {  	_ =	shalt  }
0x45: {  	_ =	shalt  }
0x46: {  	_ =	shalt  }
0x47: {  	_ =	shalt  }
0x48: {  	_ =	shalt  }
0x49: {  	_ =	shalt  }
0x4a: {  	_ =	shalt  }
0x4b: {  	_ =	shalt  }
0x4c: {  	_ =	shalt  }
0x4d: {  	_ =	shalt  }
0x4e: {  	_ =	shalt  }
0x4f: {  	_ =	shalt  }
0x50: {  	_ =	shalt  }
0x51: {  	_ =	shalt  }
0x52: {  	_ =	shalt  }
0x53: {  	_ =	shalt  }
0x54: {  	_ =	shalt  }
0x55: {  	_ =	shalt  }
0x56: {  	_ =	shalt  }
0x57: {  	_ =	shalt  }
0x58: {  	_ =	shalt  }
0x59: {  	_ =	shalt  }
0x5a: {  	_ =	shalt  }
0x5b: {  	_ =	shalt  }
0x5c: {  	_ =	shalt  }
0x5d: {  	_ =	shalt  }
0x5e: {  	_ =	shalt  }
0x5f: {  	_ =	shalt  }
0x60: {  	_ =	shalt  }
0x61: {  	_ =	shalt  }
0x62: {  	_ =	shalt  }
0x63: {  	_ =	shalt  }
0x64: {  	_ =	shalt  }
0x65: {  	_ =	shalt  }
0x66: {  	_ =	shalt  }
0x67: {  	_ =	shalt  }
0x68: {  	_ =	shalt  }
0x69: {  	_ =	shalt  }
0x6a: {  	_ =	shalt  }
0x6b: {  	_ =	shalt  }
0x6c: {  	_ =	shalt  }
0x6d: {  	_ =	shalt  }
0x6e: {  	_ =	shalt  }
0x6f: {  	_ =	shalt  }
0x70: {  	_ =	shalt  }
0x71: {  	_ =	shalt  }
0x72: {  	_ =	shalt  }
0x73: {  	_ =	shalt  }
0x74: {  	_ =	shalt  }
0x75: {  	_ =	shalt  }
0x76: {  	_ =	shalt  }
0x77: {  	_ =	shalt  }
0x78: {  	_ =	shalt  }
0x79: {  	_ =	shalt  }
0x7a: {  	_ =	shalt  }
0x7b: {  	_ =	shalt  }
0x7c: {  	_ =	shalt  }
0x7d: {  	_ =	shalt  }
0x7e: {  	_ =	shalt  }
0x7f: {  	_ =	shalt  }
0x80: {  	_ =	shalt  }
0x81: {  	_ =	shalt  }
0x82: {  	_ =	shalt  }
0x83: {  	_ =	shalt  }
0x84: {  	_ =	shalt  }
0x85: {  	_ =	shalt  }
0x86: {  	_ =	shalt  }
0x87: {  	_ =	shalt  }
.Lfunc_end0:
.L_simem_size_0:
called_computation.1_lowered:
.L_overlay_start_0:
0x88: {  	s2 =	sld [smem:$0x3FD9]  }
0x89: {  	s3 =	sld [smem:$0x3FFE];
	_ =	sdelay $0x1  }
0x8a: {  	s1 =	srdreg.scid  }
0x8b: {  	s0 =	sand.u32 $0x1, s1  }
0x8c: {  	s17 =	sshll.u32 s0, $0xA;
	s2 =	sadd.s32 s3, s2  }
0x8d: {  	s2 =	sadd.s32 s2, s17  }
0x8e: {  	[smem:$0x3FC5] =	sst s2  }
0x8f: {  	_ = 	snop  }
0x90: {  	s2 =	sld [smem:$0x3FD0];
	(tm) =	ssettm $0x1  }
0x91: {  	s18 =	sld [smem:$0x3FFB];
	_ =	sdelay $0x3  }
0x92: {  	_ =	strace s18  }
0x93: {  	s3 =	sld [smem:$0x3FFC];
	_ =	sdelay $0x3  }
0x94: {  	_ =	strace s3  }
0x95: {  	s3 =	sld [smem:$0x3FFD];
	_ =	sdelay $0x3  }
0x96: {  	_ =	strace s3  }
0x97: {  	_ =	strace $0x8FFFFFFF  }
0x98: {  	s19 =	sld [smem:$0x3FDB];
	_ =	sdelay $0x1  }
0x99: {  	s4 =	simm.s32 $_scs_section_size  }
0x9a: {  	s5 =	simm.s32 $_size__tile_overlayer_lowered;
	s6 =	simm.s32 $_tile_overlayer_lowered  }
0x9b: {  	s22 =	simm.s32 $0x1BFF;
	s21 =	sshll.u32 s6, $0x1;
	s3 =	sadd.s32 s4, s19  }
0x9c: {  	s7 =	simm.s32 $0x0;
	s20 =	sshll.u32 s5, $0x1;
	s5 =	sadd.s32 s21, s3  }
0x9d: {  	[timem:s7], [sflag:s22] =	dma.local [hbm:s5], s20  }
0x9e: {  	_ =	swait.ge [sflag:s22], s20  }
0x9f: {  	s4 =	ssub.s32 $0x0, s20;
	[sflag:s22] =	ssyncset.done $0x0  }
0xa0: {  	[sflag:s22] =	ssyncadd.s32 s4;
	_ =	sdelay $0x1  }
0xa1: {  	s23 =	simm.s32 $0x1B8B  }
0xa2: {  	_ =	swait.ge [sflag:s23], $0x1  }
0xa3: {  	[sflag:s23] =	ssyncset.done $0x0  }
0xa4: {  	s25 =	simm.s32 $0x1B8E;
	s24 =	sld [smem:$0x3FFE];
	[sflag:s23] =	ssyncadd.s32 $0xFFFFFFFF  }
0xa5: {  	s26 =	simm.s32 $execute0_lowered;
	[smem:$0x3FD2] =	sst s25  }
0xa6: {  	s5 =	sshll.u32 s26, $0x1;
	_ =	strace $0x80000049;
	[dreg:$0x1] =	wrdreg $0xFFFFFFFF  }
0xa7: {  	s28 =	simm.s32 $_size_execute0_lowered;
	s3 =	sadd.s32 s3, s5;
	[dreg:$0x0] =	wrdreg $0x0  }
0xa8: {  	s5 =	sshll.u32 s28, $0x1;
	[dreg:$0x2] =	wrdreg s3  }
0xa9: {  	[dreg:$0x3] =	wrdreg s5  }
0xaa: {  	[dreg:$0x4] =	wrdreg $0xC0  }
0xab: {  	_ =	task [dreg:s7], $0x5FFFF  }
0xac: {  	[dreg:$0x1] =	wrdreg $0xFFFFFFFF  }
0xad: {  	[dreg:$0x0] =	wrdreg $0x60  }
0xae: {  	[dreg:$0x2] =	wrdreg s2  }
0xaf: {  	[dreg:$0x3] =	wrdreg s24  }
0xb0: {  	[dreg:$0x4] =	wrdreg $0x9  }
0xb1: {  	_ =	task.clear_ibuf [dreg:s7], $0x5FFFF;
	_ =	strace $0x90000049  }
0xb2: {  	s29 =	simm.s32 $0x9;
	_ =	strace $0x8000004B  }
0xb3: {  	_ =	swait.ge [sflag:s29], $0x1  }
0xb4: {  	[sflag:s29] =	ssyncadd.s32 $0xFFFFFFFF  }
0xb5: {  	_ =	strace $0x9000004B  }
0xb6: {  	_ =	sfence  }
0xb7: {  	s30 =	sld [smem:$0x0];
	_ =	sdelay $0x2  }
0xb8: {  	s31 =	sshll.u32 s1, $0xD;
	s1 =	sshrl.u32 s1, $0x2  }
0xb9: {  	s3 =	sand.u32 $0x4000, s31;
	s1 =	sadd.s32 s1, s30  }
0xba: {  	s0 =	sor.u32 s3, s0;
	s1 =	sshll.u32 s1, $0x11  }
0xbb: {  	s0 =	sor.u32 s1, s0  }
0xbc: {  	s0 =	sadd.s32 $0x8F2B, s0  }
0xbd: {  	[sflag:s0] =	ssyncadd.remote.s32 $0x1  }
0xbe: {  	_ =	sfence.sel $0xFFFF  }
0xbf: {  	[dreg:$0x0] =	wrdreg $0xFFFFFFFF;
	(pc) =	sbr.abs _section_cstart, $3  }
0xc0: {  	[dreg:$0x1] =	wrdreg $0xFFFFFFFF  }
0xc1: {  	_ =	task.clear_ibuf [dreg:s7], $0x2FFFF;
	_ =	strace $0x9FFFFFFF  }
0xc2: {  	(tm) =	ssettm $0x7FFFFFFF  }
0xc3: {  	_ =	shalt  }
tec
execute0_lowered:
.L_overlay_start_1:
0x0: {  	(tag) =	ssettag $0x1  }
0x1: {  	s0 =	rddreg [dreg:$0x1];
	s3 =	simm.s32 $0x0;
	s1 =	srdreg.scid;
	v0 =	vlaneseq.u32  }
0x2: {  	s2 =	stileid.u32;
	s8 =	simm.s32 $0x10000;
	s9 =	simm.s32 $0x1;
	v1 =	vmul.u32 $0x11, v0;
	v2 =	vmul.u32 $0x4, v0;
	v18 =	vadd.s32 $0x11, v0  }
0x3: {  	s10 =	simm.s32 $0x16200;
	s11 =	simm.s32 $0x1A280;
	s12 =	simm.s32 $0x1C2C0;
	v19 =	vadd.s32 $0x22, v0;
	v20 =	vadd.s32 $0x33, v0;
	v21 =	vadd.s32 $0x44, v0  }
0x4: {  	s13 =	simm.s32 $0x1C6C8;
	s14 =	simm.s32 $0x1CAD0;
	s15 =	simm.s32 $0x1CED8;
	v22 =	vadd.s32 $0x55, v0;
	v23 =	vadd.s32 $0x66, v0;
	v24 =	vadd.s32 $0x77, v0  }
0x5: {  	s16 =	simm.s32 $0x1D2E0;
	s17 =	simm.s32 $0x1D6E8;
	s18 =	simm.s32 $0x1DAF0;
	v25 =	vadd.s32 $0x88, v0;
	v26 =	vadd.s32 $0x99, v0;
	v27 =	vadd.s32 $0xAA, v0  }
0x6: {  	s19 =	simm.s32 $0x1DEF8;
	s1 =	sand.u32 $0x1, s1;
	s2 =	sshll.u32 s2, $0x1;
	v28 =	vadd.s32 $0xBB, v0;
	v29 =	vadd.s32 $0xCC, v0;
	v30 =	vadd.s32 $0xDD, v0  }
0x7: {  	s20 =	simm.s32 $0x0;
	[smem:$0x7FF] =	sst s3;
	v31 =	vadd.s32 $0xEE, v0;
	v32 =	vadd.s32 $0xFF, v0;
	v33 =	vmul.u32 $0x408, v0;
	s2 =	sor.u32 s1, s2  }
0x8: {  	_ =	strace $0x8000004A;
	s1 =	ssub.s32 $0x2, s1;
	s4 =	sshll.u32 s2, $0xD;
	v3 =	vadd.s32 $0x1, v1;
	v4 =	vadd.s32 $0x2, v1;
	v9 =	vadd.s32 $0x7, v1;
	[tilespmem:$0x1FFB0] =	vst v1  }
0x9: {  	s2 =	sshll.u32 s2, $0xB;
	s5 =	sshrl.u32 s1, $0x1;
	v5 =	vadd.s32 $0x3, v1;
	v6 =	vadd.s32 $0x4, v1;
	v7 =	vadd.s32 $0x5, v1;
	s4 =	sadd.s32 s4, s0;
	[tilespmem:$0x1FFC0] =	vst v3  }
0xa: {  	v8 =	vadd.s32 $0x6, v1;
	v11 =	vadd.s32 $0x9, v1;
	v12 =	vadd.s32 $0xA, v1;
	s0 =	sadd.s32 s2, s0;
	s1 =	ssub.s32 s1, s5;
	s2 =	simm.s32 $0x1BAB0;
	[tilespmem:$0x1FFD0] =	vst v4  }
0xb: {  	v10 =	vadd.s32 $0x8, v1;
	v13 =	vadd.s32 $0xB, v1;
	v14 =	vadd.s32 $0xC, v1;
	[tilespmem:$0x1FFE0] =	vst v5;
	s4 =	sadd.s32 $0x102000, s4;
	s5 =	sadd.s32 $0x2000, s0;
	s6 =	sadd.s32 $0x12000, s0  }
0xc: {  	v15 =	vadd.s32 $0xD, v1;
	v16 =	vadd.s32 $0xE, v1;
	v17 =	vadd.s32 $0xF, v1;
	[tilespmem:$0x1FFF0] =	vst v6;
	s7 =	smax.u32 s1, $0x1;
	s0 =	simm.s32 $0x1B6A8;
	s1 =	simm.s32 $0x1BEB8  }
.LBB2_1:
0xd: {  	s21 =	rddreg [dreg:$0x0]  }
0xe: {  	[tilespmem:s8], [sflag:$0x1] =	stream.linear.gather [hbm4b:s21+s3], $0x4000, $0x38;
	[tilespmem:$0x1E300] =	vst v63  }
0xf: {  	_ =	swait.ge [sflag:s9], $0x4000  }
0x10: {  	[sflag:s9] =	ssyncset.done $0x0  }
0x11: {  	[sflag:s9] =	ssyncadd.s32 $0xFFFFC000  }
0x12: {  	[tilespmem:s3], [sflag:$0x1] =	stream.linear.gather [hbm4b:s4+s3], $0x10000, $0x38;
	[tilespmem:$0x1E300] =	vst v63  }
0x13: {  	_ =	swait.ge [sflag:s9], $0x10000  }
0x14: {  	s22 =	simm.s32 $0x0;
	[sflag:s9] =	ssyncset.done $0x0  }
0x15: {  	s23 =	simm.s32 $0x0;
	s21 =	simm.s32 $0x3;
	[sflag:s9] =	ssyncadd.s32 $0xFFFF0000  }
.LBB2_2:
0x16: {  	s24 =	sadd.s32 $0xFFFFFFFD, s21;
	v34 =	vor.u32 s21, v2  }
0x17: {  	s25 =	sadd.s32 $0xFFFFFFFE, s21;
	v35 =	vor.u32 s24, v2  }
0x18: {  	s26 =	sadd.s32 $0xFFFFFFFF, s21;
	v36 =	vor.u32 s25, v2  }
0x19: {  	v38 =	vor.u32 s26, v2  }
0x1a: {  	s26 =	simm.s32 $0x0  }
0x1b: {  	v34 =	vld.idx.msk [tilespmem:v34+s26+$0x0], $0xffff  }
0x1c: {  	v37 =	vld.idx.msk [tilespmem:v35+s26+$0x0], $0xffff  }
0x1d: {  	v36 =	vld.idx.msk [tilespmem:v36+s26+$0x0], $0xffff  }
0x1e: {  	v35 =	vld.idx.msk [tilespmem:v38+s26+$0x0], $0xffff;
	_ =	sdelay $0x4  }
0x1f: {  	v60 =	vld.idx.msk [tilespmem:v34+s8+$0x0], $0xffff  }
0x20: {  	v39 =	vld.idx.msk [tilespmem:v37+s8+$0x0], $0xffff  }
0x21: {  	v40 =	vld.idx.msk [tilespmem:v36+s8+$0x0], $0xffff  }
0x22: {  	v41 =	vld.idx.msk [tilespmem:v35+s8+$0x0], $0xffff;
	_ =	sdelay $0x4  }
0x23: {  	v61 =	vadd.s32 $0x400, v37;
	v39 =	vmul.f32 v40, v39;
	v38 =	vmul.f32 v60, v41  }
0x24: {  	v62 =	vadd.s32 $0x400, v36  }
0x25: {  	v63 =	vadd.s32 $0x400, v35;
	v38 =	vmul.f32 v38, v39  }
0x26: {  	s24 =	simm.s32 $0x0;
	v42 =	vadd.s32 $0x400, v34  }
0x27: {  	[tilespmem:v1+s24+$0x14000] =	vst.idx.msk $0xffff, v38  }
0x28: {  	v38 =	vld.idx.msk [tilespmem:v61+s8+$0x0], $0xffff  }
0x29: {  	v44 =	vld.idx.msk [tilespmem:v62+s8+$0x0], $0xffff  }
0x2a: {  	v39 =	vld.idx.msk [tilespmem:v63+s8+$0x0], $0xffff  }
0x2b: {  	v45 =	vld.idx.msk [tilespmem:v42+s8+$0x0], $0xffff;
	_ =	sdelay $0x4  }
0x2c: {  	v46 =	vadd.s32 $0x800, v37;
	v38 =	vmul.f32 v44, v38;
	v39 =	vmul.f32 v45, v39  }
0x2d: {  	v47 =	vadd.s32 $0x800, v36  }
0x2e: {  	v48 =	vadd.s32 $0x800, v35;
	v38 =	vmul.f32 v39, v38  }
0x2f: {  	v49 =	vadd.s32 $0x800, v34  }
0x30: {  	[tilespmem:v3+s24+$0x14000] =	vst.idx.msk $0xffff, v38  }
0x31: {  	v38 =	vld.idx.msk [tilespmem:v46+s8+$0x0], $0xffff  }
0x32: {  	v50 =	vld.idx.msk [tilespmem:v47+s8+$0x0], $0xffff  }
0x33: {  	v39 =	vld.idx.msk [tilespmem:v48+s8+$0x0], $0xffff  }
0x34: {  	v51 =	vld.idx.msk [tilespmem:v49+s8+$0x0], $0xffff;
	_ =	sdelay $0x4  }
0x35: {  	v52 =	vadd.s32 $0xC00, v37;
	v38 =	vmul.f32 v50, v38;
	v39 =	vmul.f32 v51, v39  }
0x36: {  	v53 =	vadd.s32 $0xC00, v36  }
0x37: {  	v54 =	vadd.s32 $0xC00, v35;
	v38 =	vmul.f32 v39, v38  }
0x38: {  	v55 =	vadd.s32 $0xC00, v34  }
0x39: {  	[tilespmem:v4+s24+$0x14000] =	vst.idx.msk $0xffff, v38  }
0x3a: {  	v38 =	vld.idx.msk [tilespmem:v52+s8+$0x0], $0xffff  }
0x3b: {  	v56 =	vld.idx.msk [tilespmem:v53+s8+$0x0], $0xffff  }
0x3c: {  	v39 =	vld.idx.msk [tilespmem:v54+s8+$0x0], $0xffff  }
0x3d: {  	v57 =	vld.idx.msk [tilespmem:v55+s8+$0x0], $0xffff;
	_ =	sdelay $0x4  }
0x3e: {  	v58 =	vadd.s32 $0x1000, v37;
	v38 =	vmul.f32 v56, v38;
	v39 =	vmul.f32 v57, v39  }
0x3f: {  	v59 =	vadd.s32 $0x1000, v36  }
0x40: {  	v60 =	vadd.s32 $0x1000, v35;
	v38 =	vmul.f32 v39, v38  }
0x41: {  	v61 =	vadd.s32 $0x1000, v34  }
0x42: {  	[tilespmem:v5+s24+$0x14000] =	vst.idx.msk $0xffff, v38  }
0x43: {  	v38 =	vld.idx.msk [tilespmem:v58+s8+$0x0], $0xffff  }
0x44: {  	v62 =	vld.idx.msk [tilespmem:v59+s8+$0x0], $0xffff  }
0x45: {  	s28 =	sadd.s32 $0x40, s21;
	v39 =	vld.idx.msk [tilespmem:v60+s8+$0x0], $0xffff  }
0x46: {  	s25 =	sadd.s32 $0xFFFFFFFD, s28;
	v63 =	vld.idx.msk [tilespmem:v61+s8+$0x0], $0xffff  }
0x47: {  	v43 =	vor.u32 s25, v2  }
0x48: {  	s31 =	sadd.s32 $0xFFFFFFFE, s28;
	v48 =	vor.u32 s28, v2  }
0x49: {  	v44 =	vor.u32 s31, v2;
	s31 =	sadd.s32 $0xFFFFFFFF, s28  }
0x4a: {  	v45 =	vor.u32 s31, v2  }
0x4b: {  	v46 =	vadd.s32 $0x1400, v37;
	v40 =	vmul.f32 v62, v38;
	v39 =	vmul.f32 v63, v39  }
0x4c: {  	v41 =	vld.idx.msk [tilespmem:v43+s26+$0x0], $0xffff;
	v49 =	vadd.s32 $0x1400, v36  }
0x4d: {  	v47 =	vadd.s32 $0x1400, v35;
	v38 =	vld.idx.msk [tilespmem:v48+s26+$0x0], $0xffff;
	v50 =	vmul.f32 v39, v40  }
0x4e: {  	v51 =	vadd.s32 $0x1400, v34;
	v40 =	vld.idx.msk [tilespmem:v44+s26+$0x0], $0xffff  }
0x4f: {  	v39 =	vld.idx.msk [tilespmem:v45+s26+$0x0], $0xffff;
	[tilespmem:v6+s24+$0x14000] =	vst.idx.msk $0xffff, v50  }
0x50: {  	v43 =	vld.idx.msk [tilespmem:v46+s8+$0x0], $0xffff  }
0x51: {  	v42 =	vld.idx.msk [tilespmem:v49+s8+$0x0], $0xffff  }
0x52: {  	v52 =	vld.idx.msk [tilespmem:v47+s8+$0x0], $0xffff  }
0x53: {  	v44 =	vld.idx.msk [tilespmem:v51+s8+$0x0], $0xffff;
	_ =	sdelay $0x2  }
0x54: {  	v54 =	vld.idx.msk [tilespmem:v41+s8+$0x0], $0xffff  }
0x55: {  	v53 =	vld.idx.msk [tilespmem:v38+s8+$0x0], $0xffff  }
0x56: {  	v56 =	vadd.s32 $0x1800, v37;
	v48 =	vld.idx.msk [tilespmem:v40+s8+$0x0], $0xffff;
	v42 =	vmul.f32 v42, v43;
	v55 =	vmul.f32 v44, v52  }
0x57: {  	v49 =	vadd.s32 $0x1800, v36;
	v57 =	vld.idx.msk [tilespmem:v39+s8+$0x0], $0xffff  }
0x58: {  	v58 =	vadd.s32 $0x1800, v35;
	v42 =	vmul.f32 v55, v42  }
0x59: {  	v50 =	vadd.s32 $0x1800, v34  }
0x5a: {  	[tilespmem:v7+s24+$0x14000] =	vst.idx.msk $0xffff, v42  }
0x5b: {  	v42 =	vld.idx.msk [tilespmem:v56+s8+$0x0], $0xffff  }
0x5c: {  	v60 =	vadd.s32 $0x400, v41;
	v59 =	vmul.f32 v48, v54;
	v45 =	vmul.f32 v53, v57;
	v61 =	vld.idx.msk [tilespmem:v49+s8+$0x0], $0xffff  }
0x5d: {  	v62 =	vadd.s32 $0x400, v40;
	v43 =	vld.idx.msk [tilespmem:v58+s8+$0x0], $0xffff  }
0x5e: {  	v63 =	vadd.s32 $0x400, v39;
	v52 =	vld.idx.msk [tilespmem:v50+s8+$0x0], $0xffff;
	v44 =	vmul.f32 v45, v59  }
0x5f: {  	s25 =	simm.s32 $0x110;
	v53 =	vadd.s32 $0x400, v38  }
0x60: {  	[tilespmem:v1+s25+$0x14000] =	vst.idx.msk $0xffff, v44  }
0x61: {  	v44 =	vld.idx.msk [tilespmem:v60+s8+$0x0], $0xffff  }
0x62: {  	v54 =	vld.idx.msk [tilespmem:v62+s8+$0x0], $0xffff  }
0x63: {  	v55 =	vadd.s32 $0x1C00, v37;
	v45 =	vld.idx.msk [tilespmem:v63+s8+$0x0], $0xffff;
	v42 =	vmul.f32 v61, v42;
	v43 =	vmul.f32 v52, v43  }
0x64: {  	v57 =	vadd.s32 $0x1C00, v36;
	v56 =	vld.idx.msk [tilespmem:v53+s8+$0x0], $0xffff  }
0x65: {  	v58 =	vadd.s32 $0x1C00, v35;
	v42 =	vmul.f32 v43, v42  }
0x66: {  	v59 =	vadd.s32 $0x1C00, v34  }
0x67: {  	[tilespmem:v8+s24+$0x14000] =	vst.idx.msk $0xffff, v42  }
0x68: {  	v42 =	vld.idx.msk [tilespmem:v55+s8+$0x0], $0xffff  }
0x69: {  	v60 =	vadd.s32 $0x800, v41;
	v44 =	vmul.f32 v54, v44;
	v45 =	vmul.f32 v56, v45;
	v61 =	vld.idx.msk [tilespmem:v57+s8+$0x0], $0xffff  }
0x6a: {  	v62 =	vadd.s32 $0x800, v40;
	v43 =	vld.idx.msk [tilespmem:v58+s8+$0x0], $0xffff  }
0x6b: {  	v63 =	vadd.s32 $0x800, v39;
	v52 =	vld.idx.msk [tilespmem:v59+s8+$0x0], $0xffff;
	v44 =	vmul.f32 v45, v44  }
0x6c: {  	v53 =	vadd.s32 $0x800, v38  }
0x6d: {  	[tilespmem:v3+s25+$0x14000] =	vst.idx.msk $0xffff, v44  }
0x6e: {  	v44 =	vld.idx.msk [tilespmem:v60+s8+$0x0], $0xffff  }
0x6f: {  	v54 =	vld.idx.msk [tilespmem:v62+s8+$0x0], $0xffff  }
0x70: {  	v55 =	vadd.s32 $0x2000, v37;
	v45 =	vld.idx.msk [tilespmem:v63+s8+$0x0], $0xffff;
	v42 =	vmul.f32 v61, v42;
	v43 =	vmul.f32 v52, v43  }
0x71: {  	v57 =	vadd.s32 $0x2000, v36;
	v56 =	vld.idx.msk [tilespmem:v53+s8+$0x0], $0xffff  }
0x72: {  	v58 =	vadd.s32 $0x2000, v35;
	v42 =	vmul.f32 v43, v42  }
0x73: {  	v59 =	vadd.s32 $0x2000, v34  }
0x74: {  	[tilespmem:v9+s24+$0x14000] =	vst.idx.msk $0xffff, v42  }
0x75: {  	v42 =	vld.idx.msk [tilespmem:v55+s8+$0x0], $0xffff  }
0x76: {  	v60 =	vadd.s32 $0xC00, v41;
	v44 =	vmul.f32 v54, v44;
	v45 =	vmul.f32 v56, v45;
	v61 =	vld.idx.msk [tilespmem:v57+s8+$0x0], $0xffff  }
0x77: {  	v62 =	vadd.s32 $0xC00, v40;
	v43 =	vld.idx.msk [tilespmem:v58+s8+$0x0], $0xffff  }
0x78: {  	v63 =	vadd.s32 $0xC00, v39;
	v52 =	vld.idx.msk [tilespmem:v59+s8+$0x0], $0xffff;
	v44 =	vmul.f32 v45, v44  }
0x79: {  	v53 =	vadd.s32 $0xC00, v38  }
0x7a: {  	[tilespmem:v4+s25+$0x14000] =	vst.idx.msk $0xffff, v44  }
0x7b: {  	v44 =	vld.idx.msk [tilespmem:v60+s8+$0x0], $0xffff  }
0x7c: {  	v54 =	vld.idx.msk [tilespmem:v62+s8+$0x0], $0xffff  }
0x7d: {  	v55 =	vadd.s32 $0x2400, v37;
	v45 =	vld.idx.msk [tilespmem:v63+s8+$0x0], $0xffff;
	v42 =	vmul.f32 v61, v42;
	v43 =	vmul.f32 v52, v43  }
0x7e: {  	v57 =	vadd.s32 $0x2400, v36;
	v56 =	vld.idx.msk [tilespmem:v53+s8+$0x0], $0xffff  }
0x7f: {  	v58 =	vadd.s32 $0x2400, v35;
	v42 =	vmul.f32 v43, v42  }
0x80: {  	v59 =	vadd.s32 $0x2400, v34  }
0x81: {  	[tilespmem:v10+s24+$0x14000] =	vst.idx.msk $0xffff, v42  }
0x82: {  	v42 =	vld.idx.msk [tilespmem:v55+s8+$0x0], $0xffff  }
0x83: {  	v60 =	vadd.s32 $0x1000, v41;
	v44 =	vmul.f32 v54, v44;
	v45 =	vmul.f32 v56, v45;
	v61 =	vld.idx.msk [tilespmem:v57+s8+$0x0], $0xffff  }
0x84: {  	v62 =	vadd.s32 $0x1000, v40;
	v43 =	vld.idx.msk [tilespmem:v58+s8+$0x0], $0xffff  }
0x85: {  	v63 =	vadd.s32 $0x1000, v39;
	v54 =	vld.idx.msk [tilespmem:v59+s8+$0x0], $0xffff;
	v44 =	vmul.f32 v45, v44  }
0x86: {  	v55 =	vadd.s32 $0x1000, v38  }
0x87: {  	s29 =	sadd.s32 $0x40, s28;
	[tilespmem:v5+s25+$0x14000] =	vst.idx.msk $0xffff, v44  }
0x88: {  	s28 =	sadd.s32 $0xFFFFFFFD, s29;
	v56 =	vor.u32 s29, v2;
	v44 =	vld.idx.msk [tilespmem:v60+s8+$0x0], $0xffff  }
0x89: {  	v51 =	vor.u32 s28, v2;
	v48 =	vld.idx.msk [tilespmem:v62+s8+$0x0], $0xffff  }
0x8a: {  	v57 =	vadd.s32 $0x2800, v37;
	v45 =	vld.idx.msk [tilespmem:v63+s8+$0x0], $0xffff;
	v42 =	vmul.f32 v61, v42;
	v43 =	vmul.f32 v54, v43  }
0x8b: {  	v59 =	vadd.s32 $0x2800, v36;
	v58 =	vld.idx.msk [tilespmem:v55+s8+$0x0], $0xffff  }
0x8c: {  	v53 =	vadd.s32 $0x2800, v35;
	v52 =	vmul.f32 v43, v42  }
0x8d: {  	s28 =	sadd.s32 $0xFFFFFFFE, s29;
	v60 =	vadd.s32 $0x2800, v34;
	v42 =	vld.idx.msk [tilespmem:v56+s26+$0x0], $0xffff  }
0x8e: {  	v61 =	vor.u32 s28, v2;
	s28 =	sadd.s32 $0xFFFFFFFF, s29;
	v43 =	vld.idx.msk [tilespmem:v51+s26+$0x0], $0xffff;
	[tilespmem:v11+s24+$0x14000] =	vst.idx.msk $0xffff, v52  }
0x8f: {  	v62 =	vor.u32 s28, v2;
	v47 =	vld.idx.msk [tilespmem:v57+s8+$0x0], $0xffff  }
0x90: {  	v63 =	vadd.s32 $0x1400, v41;
	v44 =	vmul.f32 v48, v44;
	v45 =	vmul.f32 v58, v45;
	v57 =	vld.idx.msk [tilespmem:v59+s8+$0x0], $0xffff  }
0x91: {  	v58 =	vadd.s32 $0x1400, v40;
	v53 =	vld.idx.msk [tilespmem:v53+s8+$0x0], $0xffff  }
0x92: {  	v55 =	vadd.s32 $0x1400, v39;
	v46 =	vld.idx.msk [tilespmem:v60+s8+$0x0], $0xffff;
	v54 =	vmul.f32 v45, v44  }
0x93: {  	v59 =	vadd.s32 $0x1400, v38;
	v45 =	vld.idx.msk [tilespmem:v61+s26+$0x0], $0xffff  }
0x94: {  	v44 =	vld.idx.msk [tilespmem:v62+s26+$0x0], $0xffff;
	[tilespmem:v6+s25+$0x14000] =	vst.idx.msk $0xffff, v54  }
0x95: {  	v48 =	vld.idx.msk [tilespmem:v63+s8+$0x0], $0xffff  }
0x96: {  	v50 =	vld.idx.msk [tilespmem:v58+s8+$0x0], $0xffff  }
0x97: {  	v60 =	vld.idx.msk [tilespmem:v55+s8+$0x0], $0xffff  }
0x98: {  	v61 =	vadd.s32 $0x2C00, v37;
	v51 =	vld.idx.msk [tilespmem:v59+s8+$0x0], $0xffff;
	v47 =	vmul.f32 v57, v47;
	v46 =	vmul.f32 v46, v53  }
0x99: {  	v62 =	vadd.s32 $0x2C00, v36;
	v53 =	vld.idx.msk [tilespmem:v42+s8+$0x0], $0xffff  }
0x9a: {  	v55 =	vld.idx.msk [tilespmem:v43+s8+$0x0], $0xffff;
	v63 =	vadd.s32 $0x2C00, v35;
	v46 =	vmul.f32 v46, v47  }
0x9b: {  	v57 =	vadd.s32 $0x2C00, v34;
	v56 =	vld.idx.msk [tilespmem:v45+s8+$0x0], $0xffff  }
0x9c: {  	[tilespmem:v12+s24+$0x14000] =	vst.idx.msk $0xffff, v46;
	v58 =	vld.idx.msk [tilespmem:v44+s8+$0x0], $0xffff  }
0x9d: {  	v46 =	vld.idx.msk [tilespmem:v61+s8+$0x0], $0xffff;
	v48 =	vmul.f32 v50, v48;
	v60 =	vmul.f32 v51, v60;
	v50 =	vadd.s32 $0x1800, v41  }
0x9e: {  	v51 =	vld.idx.msk [tilespmem:v62+s8+$0x0], $0xffff;
	v61 =	vadd.s32 $0x1800, v40  }
0x9f: {  	v49 =	vadd.s32 $0x1800, v39;
	v47 =	vld.idx.msk [tilespmem:v63+s8+$0x0], $0xffff;
	v48 =	vmul.f32 v60, v48  }
0xa0: {  	v54 =	vld.idx.msk [tilespmem:v57+s8+$0x0], $0xffff;
	v62 =	vadd.s32 $0x1800, v38  }
0xa1: {  	v63 =	vadd.s32 $0x400, v43;
	[tilespmem:v7+s25+$0x14000] =	vst.idx.msk $0xffff, v48;
	v55 =	vmul.f32 v56, v55;
	v53 =	vmul.f32 v53, v58  }
0xa2: {  	v60 =	vadd.s32 $0x400, v45;
	v50 =	vld.idx.msk [tilespmem:v50+s8+$0x0], $0xffff  }
0xa3: {  	v52 =	vld.idx.msk [tilespmem:v61+s8+$0x0], $0xffff;
	v61 =	vadd.s32 $0x400, v42;
	v53 =	vmul.f32 v53, v55  }
0xa4: {  	s28 =	simm.s32 $0x220;
	v59 =	vadd.s32 $0x3000, v37;
	v49 =	vld.idx.msk [tilespmem:v49+s8+$0x0], $0xffff;
	v55 =	vadd.s32 $0x400, v44  }
0xa5: {  	v62 =	vld.idx.msk [tilespmem:v62+s8+$0x0], $0xffff;
	v46 =	vmul.f32 v51, v46;
	v47 =	vmul.f32 v54, v47;
	[tilespmem:v1+s28+$0x14000] =	vst.idx.msk $0xffff, v53  }
0xa6: {  	v51 =	vld.idx.msk [tilespmem:v63+s8+$0x0], $0xffff;
	v63 =	vadd.s32 $0x3000, v36  }
0xa7: {  	v46 =	vmul.f32 v47, v46;
	v48 =	vld.idx.msk [tilespmem:v60+s8+$0x0], $0xffff;
	v60 =	vadd.s32 $0x3000, v35  }
0xa8: {  	v56 =	vadd.s32 $0x3000, v34;
	v61 =	vld.idx.msk [tilespmem:v61+s8+$0x0], $0xffff  }
0xa9: {  	[tilespmem:v13+s24+$0x14000] =	vst.idx.msk $0xffff, v46;
	v55 =	vld.idx.msk [tilespmem:v55+s8+$0x0], $0xffff  }
0xaa: {  	v46 =	vld.idx.msk [tilespmem:v59+s8+$0x0], $0xffff;
	v50 =	vmul.f32 v52, v50;
	v49 =	vmul.f32 v62, v49;
	v62 =	vadd.s32 $0x1C00, v41  }
0xab: {  	v53 =	vld.idx.msk [tilespmem:v63+s8+$0x0], $0xffff;
	v63 =	vadd.s32 $0x1C00, v40  }
0xac: {  	v49 =	vmul.f32 v49, v50;
	v47 =	vld.idx.msk [tilespmem:v60+s8+$0x0], $0xffff;
	v60 =	vadd.s32 $0x1C00, v39  }
0xad: {  	v58 =	vadd.s32 $0x1C00, v38;
	v56 =	vld.idx.msk [tilespmem:v56+s8+$0x0], $0xffff  }
0xae: {  	[tilespmem:v8+s25+$0x14000] =	vst.idx.msk $0xffff, v49;
	v48 =	vmul.f32 v48, v51;
	v61 =	vmul.f32 v61, v55;
	v55 =	vadd.s32 $0x800, v43  }
0xaf: {  	v49 =	vadd.s32 $0x800, v45;
	v52 =	vld.idx.msk [tilespmem:v62+s8+$0x0], $0xffff  }
0xb0: {  	v51 =	vadd.s32 $0x800, v44;
	v48 =	vmul.f32 v61, v48;
	v54 =	vld.idx.msk [tilespmem:v63+s8+$0x0], $0xffff  }
0xb1: {  	v59 =	vadd.s32 $0x800, v42;
	v50 =	vld.idx.msk [tilespmem:v60+s8+$0x0], $0xffff;
	v60 =	vadd.s32 $0x3400, v37  }
0xb2: {  	v46 =	vmul.f32 v53, v46;
	v47 =	vmul.f32 v56, v47;
	[tilespmem:v3+s28+$0x14000] =	vst.idx.msk $0xffff, v48;
	v48 =	vld.idx.msk [tilespmem:v58+s8+$0x0], $0xffff  }
0xb3: {  	v53 =	vadd.s32 $0x3400, v36;
	v55 =	vld.idx.msk [tilespmem:v55+s8+$0x0], $0xffff  }
0xb4: {  	v56 =	vld.idx.msk [tilespmem:v49+s8+$0x0], $0xffff;
	v46 =	vmul.f32 v47, v46;
	v49 =	vadd.s32 $0x3400, v35  }
0xb5: {  	v61 =	vadd.s32 $0x3400, v34;
	v57 =	vld.idx.msk [tilespmem:v51+s8+$0x0], $0xffff  }
0xb6: {  	v58 =	vld.idx.msk [tilespmem:v59+s8+$0x0], $0xffff;
	[tilespmem:v14+s24+$0x14000] =	vst.idx.msk $0xffff, v46  }
0xb7: {  	v46 =	vld.idx.msk [tilespmem:v60+s8+$0x0], $0xffff;
	v62 =	vmul.f32 v54, v52;
	v52 =	vadd.s32 $0x2000, v41;
	v63 =	vmul.f32 v48, v50  }
0xb8: {  	v47 =	vld.idx.msk [tilespmem:v53+s8+$0x0], $0xffff;
	v50 =	vadd.s32 $0x2000, v40  }
0xb9: {  	v51 =	vadd.s32 $0x2000, v39;
	v48 =	vld.idx.msk [tilespmem:v49+s8+$0x0], $0xffff;
	v54 =	vmul.f32 v63, v62  }
0xba: {  	s30 =	simm.s32 $0xCC0;
	v53 =	vadd.s32 $0x2000, v38;
	v49 =	vld.idx.msk [tilespmem:v61+s8+$0x0], $0xffff  }
.LBB2_3:
0xbb: {  	p0 =	sne.s32 s30, $0x83C0;
	v55 =	vmul.f32 v56, v55;
	v56 =	vmul.f32 v58, v57;
	v57 =	vadd.s32 $0xC00, v43;
	[tilespmem:v9+s25+$0x14000] =	vst.idx.msk $0xffff, v54  }
0xbc: {  	v54 =	vadd.s32 $0xC00, v45;
	v52 =	vld.idx.msk [tilespmem:v52+s8+$0x0], $0xffff  }
0xbd: {  	v55 =	vmul.f32 v56, v55;
	v56 =	vadd.s32 $0xC00, v44;
	v50 =	vld.idx.msk [tilespmem:v50+s8+$0x0], $0xffff  }
0xbe: {  	v58 =	vadd.s32 $0xC00, v42;
	v59 =	vadd.s32 $0x3800, v37;
	v51 =	vld.idx.msk [tilespmem:v51+s8+$0x0], $0xffff  }
0xbf: {  	v46 =	vmul.f32 v47, v46;
	v47 =	vmul.f32 v49, v48;
	[tilespmem:v4+s28+$0x14000] =	vst.idx.msk $0xffff, v55;
	v53 =	vld.idx.msk [tilespmem:v53+s8+$0x0], $0xffff  }
0xc0: {  	v49 =	vadd.s32 $0x3800, v36;
	v48 =	vld.idx.msk [tilespmem:v57+s8+$0x0], $0xffff  }
0xc1: {  	v46 =	vmul.f32 v47, v46;
	v47 =	vadd.s32 $0x3800, v35;
	v54 =	vld.idx.msk [tilespmem:v54+s8+$0x0], $0xffff  }
0xc2: {  	v55 =	vld.idx.msk [tilespmem:v56+s8+$0x0], $0xffff;
	v56 =	vadd.s32 $0x3800, v34  }
0xc3: {  	v57 =	vld.idx.msk [tilespmem:v58+s8+$0x0], $0xffff;
	[tilespmem:v15+s24+$0x14000] =	vst.idx.msk $0xffff, v46  }
0xc4: {  	v46 =	vld.idx.msk [tilespmem:v59+s8+$0x0], $0xffff  }
0xc5: {  	v50 =	vmul.f32 v50, v52;
	v52 =	vadd.s32 $0x2400, v41;
	v51 =	vmul.f32 v53, v51;
	v49 =	vld.idx.msk [tilespmem:v49+s8+$0x0], $0xffff  }
0xc6: {  	v53 =	vadd.s32 $0x2400, v40;
	v47 =	vld.idx.msk [tilespmem:v47+s8+$0x0], $0xffff  }
0xc7: {  	v50 =	vmul.f32 v51, v50;
	v51 =	vadd.s32 $0x2400, v39;
	v56 =	vld.idx.msk [tilespmem:v56+s8+$0x0], $0xffff  }
0xc8: {  	v58 =	vadd.s32 $0x2400, v38  }
0xc9: {  	v48 =	vmul.f32 v54, v48;
	v54 =	vmul.f32 v57, v55;
	v55 =	vadd.s32 $0x1000, v43;
	[tilespmem:v10+s25+$0x14000] =	vst.idx.msk $0xffff, v50  }
0xca: {  	v50 =	vadd.s32 $0x1000, v45;
	v52 =	vld.idx.msk [tilespmem:v52+s8+$0x0], $0xffff  }
0xcb: {  	v48 =	vmul.f32 v54, v48;
	v54 =	vadd.s32 $0x1000, v44;
	v53 =	vld.idx.msk [tilespmem:v53+s8+$0x0], $0xffff  }
0xcc: {  	v59 =	vadd.s32 $0x3C00, v37;
	v37 =	vmovc v41;
	v41 =	vmov v43;
	v57 =	vadd.s32 $0x1000, v42;
	v51 =	vld.idx.msk [tilespmem:v51+s8+$0x0], $0xffff  }
0xcd: {  	v46 =	vmul.f32 v49, v46;
	v47 =	vmul.f32 v56, v47;
	[tilespmem:v5+s28+$0x14000] =	vst.idx.msk $0xffff, v48;
	v43 =	vld.idx.msk [tilespmem:v58+s8+$0x0], $0xffff  }
0xce: {  	v49 =	vadd.s32 $0x3C00, v36;
	v36 =	vmov v40;
	v40 =	vmov v45;
	v48 =	vld.idx.msk [tilespmem:v55+s8+$0x0], $0xffff  }
0xcf: {  	v46 =	vmul.f32 v47, v46;
	v47 =	vadd.s32 $0x3C00, v35;
	v35 =	vmovc v39;
	v39 =	vmov v44;
	v45 =	vld.idx.msk [tilespmem:v50+s8+$0x0], $0xffff  }
0xd0: {  	s29 =	sadd.s32 $0x40, s29;
	v50 =	vadd.s32 $0x3C00, v34;
	v34 =	vmov v38;
	v38 =	vmov v42;
	v44 =	vld.idx.msk [tilespmem:v54+s8+$0x0], $0xffff  }
0xd1: {  	s31 =	sadd.s32 $0xFFFFFFFD, s29;
	v42 =	vor.u32 s29, v2;
	v54 =	vld.idx.msk [tilespmem:v57+s8+$0x0], $0xffff;
	[tilespmem:v16+s24+$0x14000] =	vst.idx.msk $0xffff, v46  }
0xd2: {  	v46 =	vor.u32 s31, v2;
	v55 =	vld.idx.msk [tilespmem:v59+s8+$0x0], $0xffff  }
0xd3: {  	v52 =	vmul.f32 v53, v52;
	v43 =	vmul.f32 v43, v51;
	v51 =	vadd.s32 $0x2800, v37;
	v49 =	vld.idx.msk [tilespmem:v49+s8+$0x0], $0xffff  }
0xd4: {  	v53 =	vadd.s32 $0x2800, v36;
	v47 =	vld.idx.msk [tilespmem:v47+s8+$0x0], $0xffff  }
0xd5: {  	v56 =	vadd.s32 $0x2800, v35;
	v52 =	vmul.f32 v43, v52;
	v50 =	vld.idx.msk [tilespmem:v50+s8+$0x0], $0xffff  }
0xd6: {  	s31 =	sadd.s32 $0xFFFFFFFE, s29;
	v57 =	vadd.s32 $0x2800, v34;
	v42 =	vld.idx.msk [tilespmem:v42+s26+$0x0], $0xffff  }
0xd7: {  	v43 =	vld.idx.msk [tilespmem:v46+s26+$0x0], $0xffff;
	v46 =	vor.u32 s31, v2;
	s31 =	sadd.s32 $0xFFFFFFFF, s29;
	[tilespmem:v11+s25+$0x14000] =	vst.idx.msk $0xffff, v52  }
0xd8: {  	v45 =	vmul.f32 v45, v48;
	v44 =	vmul.f32 v54, v44;
	v52 =	vor.u32 s31, v2;
	v48 =	vld.idx.msk [tilespmem:v51+s8+$0x0], $0xffff  }
0xd9: {  	v51 =	vadd.s32 $0x1400, v41;
	v53 =	vld.idx.msk [tilespmem:v53+s8+$0x0], $0xffff  }
0xda: {  	v58 =	vadd.s32 $0x1400, v40;
	v54 =	vmul.f32 v44, v45;
	v56 =	vld.idx.msk [tilespmem:v56+s8+$0x0], $0xffff  }
0xdb: {  	v59 =	vadd.s32 $0x1400, v39;
	v49 =	vmul.f32 v49, v55;
	v47 =	vmul.f32 v50, v47;
	v57 =	vld.idx.msk [tilespmem:v57+s8+$0x0], $0xffff  }
0xdc: {  	v45 =	vld.idx.msk [tilespmem:v46+s26+$0x0], $0xffff;
	v46 =	vadd.s32 $0x1400, v38  }
0xdd: {  	v47 =	vmul.f32 v47, v49;
	v44 =	vld.idx.msk [tilespmem:v52+s26+$0x0], $0xffff;
	[tilespmem:v6+s28+$0x14000] =	vst.idx.msk $0xffff, v54  }
0xde: {  	v49 =	vld.idx.msk [tilespmem:v51+s8+$0x0], $0xffff  }
0xdf: {  	v50 =	vld.idx.msk [tilespmem:v58+s8+$0x0], $0xffff;
	[tilespmem:v17+s24+$0x14000] =	vst.idx.msk $0xffff, v47;
	s24 =	smov.u32 s25;
	s25 =	smov.u32 s28  }
0xe0: {  	v47 =	vld.idx.msk [tilespmem:v59+s8+$0x0], $0xffff  }
0xe1: {  	v52 =	vadd.s32 $0x2C00, v37;
	v48 =	vmul.f32 v53, v48;
	v51 =	vmul.f32 v57, v56;
	v46 =	vld.idx.msk [tilespmem:v46+s8+$0x0], $0xffff  }
0xe2: {  	v54 =	vadd.s32 $0x2C00, v36;
	v53 =	vld.idx.msk [tilespmem:v42+s8+$0x0], $0xffff  }
0xe3: {  	v48 =	vmul.f32 v51, v48;
	v51 =	vadd.s32 $0x2C00, v35;
	v55 =	vld.idx.msk [tilespmem:v43+s8+$0x0], $0xffff  }
0xe4: {  	v57 =	vadd.s32 $0x2C00, v34;
	v56 =	vld.idx.msk [tilespmem:v45+s8+$0x0], $0xffff  }
0xe5: {  	v58 =	vld.idx.msk [tilespmem:v44+s8+$0x0], $0xffff;
	[tilespmem:v12+s24+$0x14000] =	vst.idx.msk $0xffff, v48  }
0xe6: {  	v48 =	vld.idx.msk [tilespmem:v52+s8+$0x0], $0xffff  }
0xe7: {  	v49 =	vmul.f32 v50, v49;
	v46 =	vmul.f32 v46, v47;
	v47 =	vadd.s32 $0x1800, v41;
	v50 =	vld.idx.msk [tilespmem:v54+s8+$0x0], $0xffff  }
0xe8: {  	v52 =	vadd.s32 $0x1800, v40;
	v51 =	vld.idx.msk [tilespmem:v51+s8+$0x0], $0xffff  }
0xe9: {  	v46 =	vmul.f32 v46, v49;
	v49 =	vadd.s32 $0x1800, v39;
	v54 =	vld.idx.msk [tilespmem:v57+s8+$0x0], $0xffff  }
0xea: {  	v57 =	vadd.s32 $0x1800, v38  }
0xeb: {  	v55 =	vmul.f32 v56, v55;
	v56 =	vadd.s32 $0x400, v43;
	v53 =	vmul.f32 v53, v58;
	[tilespmem:v7+s25+$0x14000] =	vst.idx.msk $0xffff, v46  }
0xec: {  	v46 =	vadd.s32 $0x400, v45;
	v47 =	vld.idx.msk [tilespmem:v47+s8+$0x0], $0xffff  }
0xed: {  	v53 =	vmul.f32 v53, v55;
	v55 =	vadd.s32 $0x400, v44;
	v52 =	vld.idx.msk [tilespmem:v52+s8+$0x0], $0xffff  }
0xee: {  	s28 =	sshra.s32 s30, $0x2;
	v59 =	vadd.s32 $0x3000, v37;
	v58 =	vadd.s32 $0x400, v42;
	v49 =	vld.idx.msk [tilespmem:v49+s8+$0x0], $0xffff  }
0xef: {  	v48 =	vmul.f32 v50, v48;
	v50 =	vmul.f32 v54, v51;
	[tilespmem:v1+s28+$0x14000] =	vst.idx.msk $0xffff, v53;
	v53 =	vld.idx.msk [tilespmem:v57+s8+$0x0], $0xffff  }
0xf0: {  	v54 =	vadd.s32 $0x3000, v36;
	v51 =	vld.idx.msk [tilespmem:v56+s8+$0x0], $0xffff  }
0xf1: {  	v48 =	vmul.f32 v50, v48;
	v50 =	vadd.s32 $0x3000, v35;
	v46 =	vld.idx.msk [tilespmem:v46+s8+$0x0], $0xffff  }
0xf2: {  	v56 =	vadd.s32 $0x3000, v34;
	v55 =	vld.idx.msk [tilespmem:v55+s8+$0x0], $0xffff  }
0xf3: {  	v57 =	vld.idx.msk [tilespmem:v58+s8+$0x0], $0xffff;
	[tilespmem:v13+s24+$0x14000] =	vst.idx.msk $0xffff, v48  }
0xf4: {  	v48 =	vld.idx.msk [tilespmem:v59+s8+$0x0], $0xffff  }
0xf5: {  	v47 =	vmul.f32 v52, v47;
	v52 =	vadd.s32 $0x1C00, v41;
	v49 =	vmul.f32 v53, v49;
	v53 =	vld.idx.msk [tilespmem:v54+s8+$0x0], $0xffff  }
0xf6: {  	v54 =	vadd.s32 $0x1C00, v40;
	v50 =	vld.idx.msk [tilespmem:v50+s8+$0x0], $0xffff  }
0xf7: {  	v47 =	vmul.f32 v49, v47;
	v49 =	vadd.s32 $0x1C00, v39;
	v56 =	vld.idx.msk [tilespmem:v56+s8+$0x0], $0xffff  }
0xf8: {  	v58 =	vadd.s32 $0x1C00, v38  }
0xf9: {  	v46 =	vmul.f32 v46, v51;
	v51 =	vmul.f32 v57, v55;
	v55 =	vadd.s32 $0x800, v43;
	[tilespmem:v8+s25+$0x14000] =	vst.idx.msk $0xffff, v47  }
0xfa: {  	v47 =	vadd.s32 $0x800, v45;
	v52 =	vld.idx.msk [tilespmem:v52+s8+$0x0], $0xffff  }
0xfb: {  	v46 =	vmul.f32 v51, v46;
	v51 =	vadd.s32 $0x800, v44;
	v54 =	vld.idx.msk [tilespmem:v54+s8+$0x0], $0xffff  }
0xfc: {  	v60 =	vadd.s32 $0x3400, v37;
	v59 =	vadd.s32 $0x800, v42;
	v49 =	vld.idx.msk [tilespmem:v49+s8+$0x0], $0xffff  }
0xfd: {  	[tilespmem:v3+s28+$0x14000] =	vst.idx.msk $0xffff, v46;
	v61 =	vld.idx.msk [tilespmem:v58+s8+$0x0], $0xffff;
	v46 =	vmul.f32 v53, v48;
	v48 =	vmul.f32 v56, v50  }
0xfe: {  	v50 =	vadd.s32 $0x3400, v36;
	v55 =	vld.idx.msk [tilespmem:v55+s8+$0x0], $0xffff  }
0xff: {  	v56 =	vld.idx.msk [tilespmem:v47+s8+$0x0], $0xffff;
	v46 =	vmul.f32 v48, v46;
	v48 =	vadd.s32 $0x3400, v35  }
0x100: {  	v53 =	vadd.s32 $0x3400, v34;
	v57 =	vld.idx.msk [tilespmem:v51+s8+$0x0], $0xffff  }
0x101: {  	v58 =	vld.idx.msk [tilespmem:v59+s8+$0x0], $0xffff;
	[tilespmem:v14+s24+$0x14000] =	vst.idx.msk $0xffff, v46  }
.Ltmp0:
0x102: {  	v46 =	vld.idx.msk [tilespmem:v60+s8+$0x0], $0xffff;
	(pc) =	sbr.rel @p0 .LBB2_3-.Ltmp0, $4  }
0x103: {  	v51 =	vmul.f32 v54, v52;
	v52 =	vadd.s32 $0x2000, v41;
	v49 =	vmul.f32 v61, v49;
	v47 =	vld.idx.msk [tilespmem:v50+s8+$0x0], $0xffff  }
0x104: {  	v50 =	vadd.s32 $0x2000, v40;
	v48 =	vld.idx.msk [tilespmem:v48+s8+$0x0], $0xffff  }
0x105: {  	v54 =	vmul.f32 v49, v51;
	v51 =	vadd.s32 $0x2000, v39;
	v49 =	vld.idx.msk [tilespmem:v53+s8+$0x0], $0xffff  }
0x106: {  	s30 =	sadd.s32 $0x440, s30;
	v53 =	vadd.s32 $0x2000, v38  }
0x107: {  	v55 =	vmul.f32 v56, v55;
	v61 =	vmul.f32 v58, v57;
	v62 =	vadd.s32 $0xC00, v43  }
0x108: {  	v63 =	vadd.s32 $0xC00, v45  }
0x109: {  	v60 =	vadd.s32 $0xC00, v44;
	v55 =	vmul.f32 v61, v55  }
0x10a: {  	v59 =	vadd.s32 $0xC00, v42  }
0x10b: {  	[tilespmem:v4+s28+$0x14000] =	vst.idx.msk $0xffff, v55  }
0x10c: {  	v55 =	vld.idx.msk [tilespmem:v62+s8+$0x0], $0xffff  }
0x10d: {  	v61 =	vld.idx.msk [tilespmem:v63+s8+$0x0], $0xffff  }
0x10e: {  	v56 =	vld.idx.msk [tilespmem:v60+s8+$0x0], $0xffff  }
0x10f: {  	v62 =	vld.idx.msk [tilespmem:v59+s8+$0x0], $0xffff;
	_ =	sdelay $0x4  }
0x110: {  	v63 =	vadd.s32 $0x1000, v43;
	v55 =	vmul.f32 v61, v55;
	v56 =	vmul.f32 v62, v56  }
0x111: {  	v60 =	vadd.s32 $0x1000, v45  }
0x112: {  	v61 =	vadd.s32 $0x1000, v44;
	v55 =	vmul.f32 v56, v55  }
0x113: {  	v62 =	vadd.s32 $0x1000, v42  }
0x114: {  	[tilespmem:v5+s28+$0x14000] =	vst.idx.msk $0xffff, v55  }
0x115: {  	v55 =	vld.idx.msk [tilespmem:v63+s8+$0x0], $0xffff  }
0x116: {  	v63 =	vld.idx.msk [tilespmem:v60+s8+$0x0], $0xffff  }
0x117: {  	v56 =	vld.idx.msk [tilespmem:v61+s8+$0x0], $0xffff  }
0x118: {  	v60 =	vld.idx.msk [tilespmem:v62+s8+$0x0], $0xffff;
	_ =	sdelay $0x4  }
0x119: {  	v61 =	vadd.s32 $0x1400, v43;
	v55 =	vmul.f32 v63, v55;
	v56 =	vmul.f32 v60, v56  }
0x11a: {  	v62 =	vadd.s32 $0x1400, v45  }
0x11b: {  	v63 =	vadd.s32 $0x1400, v44;
	v55 =	vmul.f32 v56, v55  }
0x11c: {  	v60 =	vadd.s32 $0x1400, v42  }
0x11d: {  	[tilespmem:v6+s28+$0x14000] =	vst.idx.msk $0xffff, v55  }
0x11e: {  	v55 =	vld.idx.msk [tilespmem:v61+s8+$0x0], $0xffff  }
0x11f: {  	v61 =	vld.idx.msk [tilespmem:v62+s8+$0x0], $0xffff  }
0x120: {  	v56 =	vld.idx.msk [tilespmem:v63+s8+$0x0], $0xffff  }
0x121: {  	v62 =	vld.idx.msk [tilespmem:v60+s8+$0x0], $0xffff;
	_ =	sdelay $0x4  }
0x122: {  	v63 =	vadd.s32 $0x1800, v43;
	v55 =	vmul.f32 v61, v55;
	v56 =	vmul.f32 v62, v56  }
0x123: {  	v60 =	vadd.s32 $0x1800, v45  }
0x124: {  	v61 =	vadd.s32 $0x1800, v44;
	v55 =	vmul.f32 v56, v55  }
0x125: {  	v62 =	vadd.s32 $0x1800, v42  }
0x126: {  	[tilespmem:v7+s28+$0x14000] =	vst.idx.msk $0xffff, v55  }
0x127: {  	v55 =	vld.idx.msk [tilespmem:v63+s8+$0x0], $0xffff  }
0x128: {  	v63 =	vld.idx.msk [tilespmem:v60+s8+$0x0], $0xffff  }
0x129: {  	v56 =	vld.idx.msk [tilespmem:v61+s8+$0x0], $0xffff  }
0x12a: {  	v60 =	vld.idx.msk [tilespmem:v62+s8+$0x0], $0xffff;
	_ =	sdelay $0x4  }
0x12b: {  	v61 =	vadd.s32 $0x1C00, v43;
	v55 =	vmul.f32 v63, v55;
	v56 =	vmul.f32 v60, v56  }
0x12c: {  	v62 =	vadd.s32 $0x1C00, v45  }
0x12d: {  	v63 =	vadd.s32 $0x1C00, v44;
	v55 =	vmul.f32 v56, v55  }
0x12e: {  	v60 =	vadd.s32 $0x1C00, v42  }
0x12f: {  	[tilespmem:v8+s28+$0x14000] =	vst.idx.msk $0xffff, v55  }
0x130: {  	v55 =	vld.idx.msk [tilespmem:v61+s8+$0x0], $0xffff  }
0x131: {  	v61 =	vld.idx.msk [tilespmem:v62+s8+$0x0], $0xffff  }
0x132: {  	v56 =	vld.idx.msk [tilespmem:v63+s8+$0x0], $0xffff  }
0x133: {  	v62 =	vld.idx.msk [tilespmem:v60+s8+$0x0], $0xffff;
	_ =	sdelay $0x4  }
0x134: {  	[tilespmem:v9+s25+$0x14000] =	vst.idx.msk $0xffff, v54;
	v63 =	vmul.f32 v61, v55;
	v60 =	vmul.f32 v62, v56;
	v61 =	vadd.s32 $0x2000, v43  }
0x135: {  	v52 =	vld.idx.msk [tilespmem:v52+s8+$0x0], $0xffff;
	v62 =	vadd.s32 $0x2000, v45  }
0x136: {  	v50 =	vld.idx.msk [tilespmem:v50+s8+$0x0], $0xffff;
	v54 =	vmul.f32 v60, v63;
	v63 =	vadd.s32 $0x2000, v44  }
0x137: {  	v51 =	vld.idx.msk [tilespmem:v51+s8+$0x0], $0xffff;
	v60 =	vadd.s32 $0x2000, v42  }
0x138: {  	v53 =	vld.idx.msk [tilespmem:v53+s8+$0x0], $0xffff;
	[tilespmem:v9+s28+$0x14000] =	vst.idx.msk $0xffff, v54  }
0x139: {  	v54 =	vld.idx.msk [tilespmem:v61+s8+$0x0], $0xffff  }
0x13a: {  	v61 =	vld.idx.msk [tilespmem:v62+s8+$0x0], $0xffff  }
0x13b: {  	v55 =	vld.idx.msk [tilespmem:v63+s8+$0x0], $0xffff  }
0x13c: {  	v62 =	vld.idx.msk [tilespmem:v60+s8+$0x0], $0xffff  }
0x13d: {  	v50 =	vmul.f32 v50, v52;
	v51 =	vmul.f32 v53, v51;
	v63 =	vadd.s32 $0x2400, v41  }
0x13e: {  	v53 =	vadd.s32 $0x2400, v40  }
0x13f: {  	v58 =	vadd.s32 $0x2400, v38;
	v50 =	vmul.f32 v51, v50  }
0x140: {  	v51 =	vadd.s32 $0x2400, v39  }
0x141: {  	[tilespmem:v10+s25+$0x14000] =	vst.idx.msk $0xffff, v50;
	v60 =	vmul.f32 v61, v54;
	v61 =	vmul.f32 v62, v55;
	v62 =	vadd.s32 $0x2400, v43  }
0x142: {  	v52 =	vld.idx.msk [tilespmem:v63+s8+$0x0], $0xffff;
	v63 =	vadd.s32 $0x2400, v45  }
0x143: {  	v53 =	vld.idx.msk [tilespmem:v53+s8+$0x0], $0xffff;
	v50 =	vmul.f32 v61, v60;
	v60 =	vadd.s32 $0x2400, v44  }
0x144: {  	v58 =	vld.idx.msk [tilespmem:v58+s8+$0x0], $0xffff;
	v61 =	vadd.s32 $0x2400, v42  }
0x145: {  	v51 =	vld.idx.msk [tilespmem:v51+s8+$0x0], $0xffff;
	[tilespmem:v10+s28+$0x14000] =	vst.idx.msk $0xffff, v50  }
0x146: {  	v50 =	vld.idx.msk [tilespmem:v62+s8+$0x0], $0xffff  }
0x147: {  	v62 =	vld.idx.msk [tilespmem:v63+s8+$0x0], $0xffff  }
0x148: {  	v54 =	vld.idx.msk [tilespmem:v60+s8+$0x0], $0xffff  }
0x149: {  	v63 =	vld.idx.msk [tilespmem:v61+s8+$0x0], $0xffff  }
0x14a: {  	v51 =	vmul.f32 v58, v51;
	v52 =	vmul.f32 v53, v52;
	v60 =	vadd.s32 $0x2800, v41  }
0x14b: {  	v61 =	vadd.s32 $0x2800, v40  }
0x14c: {  	v58 =	vadd.s32 $0x2800, v38;
	v51 =	vmul.f32 v51, v52  }
0x14d: {  	v52 =	vadd.s32 $0x2800, v39  }
0x14e: {  	[tilespmem:v11+s25+$0x14000] =	vst.idx.msk $0xffff, v51;
	v50 =	vmul.f32 v62, v50;
	v62 =	vmul.f32 v63, v54;
	v54 =	vadd.s32 $0x2800, v43  }
0x14f: {  	v53 =	vld.idx.msk [tilespmem:v60+s8+$0x0], $0xffff;
	v63 =	vadd.s32 $0x2800, v45  }
0x150: {  	v60 =	vld.idx.msk [tilespmem:v61+s8+$0x0], $0xffff;
	v61 =	vadd.s32 $0x2800, v44;
	v50 =	vmul.f32 v62, v50  }
0x151: {  	v58 =	vld.idx.msk [tilespmem:v58+s8+$0x0], $0xffff;
	v62 =	vadd.s32 $0x2800, v42  }
0x152: {  	v52 =	vld.idx.msk [tilespmem:v52+s8+$0x0], $0xffff;
	[tilespmem:v11+s28+$0x14000] =	vst.idx.msk $0xffff, v50  }
0x153: {  	v50 =	vld.idx.msk [tilespmem:v54+s8+$0x0], $0xffff  }
0x154: {  	v54 =	vld.idx.msk [tilespmem:v63+s8+$0x0], $0xffff  }
0x155: {  	v51 =	vld.idx.msk [tilespmem:v61+s8+$0x0], $0xffff  }
0x156: {  	v63 =	vld.idx.msk [tilespmem:v62+s8+$0x0], $0xffff  }
0x157: {  	v53 =	vmul.f32 v60, v53;
	v52 =	vmul.f32 v58, v52;
	v60 =	vadd.s32 $0x2C00, v41  }
0x158: {  	v61 =	vadd.s32 $0x2C00, v40  }
0x159: {  	v52 =	vmul.f32 v52, v53;
	v62 =	vadd.s32 $0x2C00, v39  }
0x15a: {  	v58 =	vadd.s32 $0x2C00, v38  }
0x15b: {  	[tilespmem:v12+s25+$0x14000] =	vst.idx.msk $0xffff, v52;
	v52 =	vadd.s32 $0x2C00, v43;
	v50 =	vmul.f32 v54, v50;
	v51 =	vmul.f32 v63, v51  }
0x15c: {  	v54 =	vld.idx.msk [tilespmem:v60+s8+$0x0], $0xffff;
	v63 =	vadd.s32 $0x2C00, v45  }
0x15d: {  	v60 =	vld.idx.msk [tilespmem:v61+s8+$0x0], $0xffff;
	v61 =	vadd.s32 $0x2C00, v44;
	v50 =	vmul.f32 v51, v50  }
0x15e: {  	v53 =	vld.idx.msk [tilespmem:v62+s8+$0x0], $0xffff;
	v62 =	vadd.s32 $0x2C00, v42  }
0x15f: {  	v58 =	vld.idx.msk [tilespmem:v58+s8+$0x0], $0xffff;
	[tilespmem:v12+s28+$0x14000] =	vst.idx.msk $0xffff, v50  }
0x160: {  	v50 =	vld.idx.msk [tilespmem:v52+s8+$0x0], $0xffff  }
0x161: {  	v52 =	vld.idx.msk [tilespmem:v63+s8+$0x0], $0xffff  }
0x162: {  	v51 =	vld.idx.msk [tilespmem:v61+s8+$0x0], $0xffff  }
0x163: {  	v55 =	vld.idx.msk [tilespmem:v62+s8+$0x0], $0xffff  }
0x164: {  	v54 =	vmul.f32 v60, v54;
	v63 =	vadd.s32 $0x3000, v41;
	v53 =	vmul.f32 v58, v53  }
0x165: {  	v60 =	vadd.s32 $0x3000, v40  }
0x166: {  	v61 =	vadd.s32 $0x3000, v39;
	v53 =	vmul.f32 v53, v54  }
0x167: {  	v58 =	vadd.s32 $0x3000, v38  }
0x168: {  	v62 =	vadd.s32 $0x3000, v43;
	[tilespmem:v13+s25+$0x14000] =	vst.idx.msk $0xffff, v53;
	v50 =	vmul.f32 v52, v50;
	v51 =	vmul.f32 v55, v51  }
0x169: {  	v52 =	vld.idx.msk [tilespmem:v63+s8+$0x0], $0xffff;
	v63 =	vadd.s32 $0x3000, v45  }
0x16a: {  	v56 =	vld.idx.msk [tilespmem:v60+s8+$0x0], $0xffff;
	v60 =	vadd.s32 $0x3000, v44;
	v50 =	vmul.f32 v51, v50  }
0x16b: {  	v54 =	vld.idx.msk [tilespmem:v61+s8+$0x0], $0xffff;
	v61 =	vadd.s32 $0x3000, v42  }
0x16c: {  	v58 =	vld.idx.msk [tilespmem:v58+s8+$0x0], $0xffff;
	[tilespmem:v13+s28+$0x14000] =	vst.idx.msk $0xffff, v50  }
0x16d: {  	v50 =	vld.idx.msk [tilespmem:v62+s8+$0x0], $0xffff  }
0x16e: {  	v53 =	vld.idx.msk [tilespmem:v63+s8+$0x0], $0xffff  }
0x16f: {  	v51 =	vld.idx.msk [tilespmem:v60+s8+$0x0], $0xffff  }
0x170: {  	v55 =	vld.idx.msk [tilespmem:v61+s8+$0x0], $0xffff  }
0x171: {  	v62 =	vadd.s32 $0x3400, v41;
	v52 =	vmul.f32 v56, v52;
	v54 =	vmul.f32 v58, v54  }
0x172: {  	v56 =	vadd.s32 $0x3400, v40  }
0x173: {  	v63 =	vadd.s32 $0x3400, v39;
	v52 =	vmul.f32 v54, v52  }
0x174: {  	v60 =	vadd.s32 $0x3400, v38  }
0x175: {  	v61 =	vadd.s32 $0x3400, v43;
	[tilespmem:v14+s25+$0x14000] =	vst.idx.msk $0xffff, v52;
	v50 =	vmul.f32 v53, v50;
	v51 =	vmul.f32 v55, v51  }
0x176: {  	v53 =	vld.idx.msk [tilespmem:v62+s8+$0x0], $0xffff;
	v62 =	vadd.s32 $0x3400, v45  }
0x177: {  	v59 =	vadd.s32 $0x3400, v42;
	v56 =	vld.idx.msk [tilespmem:v56+s8+$0x0], $0xffff;
	v50 =	vmul.f32 v51, v50  }
0x178: {  	v46 =	vmul.f32 v47, v46;
	v54 =	vld.idx.msk [tilespmem:v63+s8+$0x0], $0xffff;
	v63 =	vmul.f32 v49, v48;
	v51 =	vadd.s32 $0x3400, v44  }
0x179: {  	v57 =	vadd.s32 $0x3800, v37;
	v48 =	vld.idx.msk [tilespmem:v60+s8+$0x0], $0xffff;
	[tilespmem:v14+s28+$0x14000] =	vst.idx.msk $0xffff, v50  }
0x17a: {  	v60 =	vadd.s32 $0x3800, v36;
	v46 =	vmul.f32 v63, v46;
	v50 =	vld.idx.msk [tilespmem:v61+s8+$0x0], $0xffff  }
0x17b: {  	v61 =	vadd.s32 $0x3800, v35;
	v52 =	vld.idx.msk [tilespmem:v62+s8+$0x0], $0xffff  }
0x17c: {  	[tilespmem:v15+s24+$0x14000] =	vst.idx.msk $0xffff, v46;
	v62 =	vadd.s32 $0x3800, v34;
	v46 =	vld.idx.msk [tilespmem:v59+s8+$0x0], $0xffff  }
0x17d: {  	v51 =	vld.idx.msk [tilespmem:v51+s8+$0x0], $0xffff  }
0x17e: {  	v63 =	vadd.s32 $0x3800, v41;
	v57 =	vld.idx.msk [tilespmem:v57+s8+$0x0], $0xffff;
	v53 =	vmul.f32 v56, v53;
	v48 =	vmul.f32 v48, v54  }
0x17f: {  	v49 =	vld.idx.msk [tilespmem:v60+s8+$0x0], $0xffff;
	v54 =	vadd.s32 $0x3800, v40  }
0x180: {  	v60 =	vadd.s32 $0x3800, v39;
	v48 =	vmul.f32 v48, v53;
	v47 =	vld.idx.msk [tilespmem:v61+s8+$0x0], $0xffff  }
0x181: {  	v55 =	vld.idx.msk [tilespmem:v62+s8+$0x0], $0xffff;
	v61 =	vadd.s32 $0x3800, v38  }
0x182: {  	[tilespmem:v15+s25+$0x14000] =	vst.idx.msk $0xffff, v48;
	v62 =	vadd.s32 $0x3800, v43;
	v50 =	vmul.f32 v52, v50;
	v46 =	vmul.f32 v46, v51  }
0x183: {  	v51 =	vld.idx.msk [tilespmem:v63+s8+$0x0], $0xffff;
	v63 =	vadd.s32 $0x3800, v45  }
0x184: {  	v58 =	vadd.s32 $0x3800, v42;
	v54 =	vld.idx.msk [tilespmem:v54+s8+$0x0], $0xffff;
	v46 =	vmul.f32 v46, v50  }
0x185: {  	v37 =	vadd.s32 $0x3C00, v37;
	v53 =	vld.idx.msk [tilespmem:v60+s8+$0x0], $0xffff;
	v50 =	vadd.s32 $0x3800, v44  }
0x186: {  	v49 =	vmul.f32 v49, v57;
	v47 =	vmul.f32 v55, v47;
	v60 =	vld.idx.msk [tilespmem:v61+s8+$0x0], $0xffff;
	[tilespmem:v15+s28+$0x14000] =	vst.idx.msk $0xffff, v46  }
0x187: {  	v61 =	vadd.s32 $0x3C00, v36;
	v46 =	vld.idx.msk [tilespmem:v62+s8+$0x0], $0xffff  }
0x188: {  	v47 =	vmul.f32 v47, v49;
	v62 =	vadd.s32 $0x3C00, v35;
	v48 =	vld.idx.msk [tilespmem:v63+s8+$0x0], $0xffff  }
0x189: {  	v63 =	vadd.s32 $0x3C00, v34;
	v56 =	vld.idx.msk [tilespmem:v58+s8+$0x0], $0xffff  }
0x18a: {  	v49 =	vld.idx.msk [tilespmem:v50+s8+$0x0], $0xffff;
	[tilespmem:v16+s24+$0x14000] =	vst.idx.msk $0xffff, v47  }
0x18b: {  	v57 =	vadd.s32 $0x3C00, v41;
	v58 =	vmul.f32 v54, v51;
	v37 =	vld.idx.msk [tilespmem:v37+s8+$0x0], $0xffff;
	v59 =	vmul.f32 v60, v53  }
0x18c: {  	v36 =	vld.idx.msk [tilespmem:v61+s8+$0x0], $0xffff;
	v60 =	vadd.s32 $0x3C00, v40  }
0x18d: {  	v61 =	vadd.s32 $0x3C00, v39;
	v35 =	vld.idx.msk [tilespmem:v62+s8+$0x0], $0xffff;
	v50 =	vmul.f32 v59, v58  }
0x18e: {  	v34 =	vld.idx.msk [tilespmem:v63+s8+$0x0], $0xffff;
	v62 =	vadd.s32 $0x3C00, v38  }
0x18f: {  	v63 =	vadd.s32 $0x3C00, v43;
	v46 =	vmul.f32 v48, v46;
	[tilespmem:v16+s25+$0x14000] =	vst.idx.msk $0xffff, v50;
	v47 =	vmul.f32 v56, v49  }
0x190: {  	v50 =	vadd.s32 $0x3C00, v45;
	v41 =	vld.idx.msk [tilespmem:v57+s8+$0x0], $0xffff  }
0x191: {  	v51 =	vadd.s32 $0x3C00, v44;
	v40 =	vld.idx.msk [tilespmem:v60+s8+$0x0], $0xffff;
	v46 =	vmul.f32 v47, v46  }
0x192: {  	v52 =	vadd.s32 $0x3C00, v42;
	v39 =	vld.idx.msk [tilespmem:v61+s8+$0x0], $0xffff  }
0x193: {  	v38 =	vld.idx.msk [tilespmem:v62+s8+$0x0], $0xffff;
	[tilespmem:v16+s28+$0x14000] =	vst.idx.msk $0xffff, v46  }
0x194: {  	v43 =	vld.idx.msk [tilespmem:v63+s8+$0x0], $0xffff  }
0x195: {  	v45 =	vld.idx.msk [tilespmem:v50+s8+$0x0], $0xffff  }
0x196: {  	v44 =	vld.idx.msk [tilespmem:v51+s8+$0x0], $0xffff  }
0x197: {  	v42 =	vld.idx.msk [tilespmem:v52+s8+$0x0], $0xffff  }
0x198: {  	v36 =	vmul.f32 v36, v37;
	v34 =	vmul.f32 v34, v35;
	_ =	sdelay $0x1  }
0x199: {  	v34 =	vmul.f32 v34, v36  }
0x19a: {  	v53 =	vmul.f32 v40, v41;
	v54 =	vmul.f32 v38, v39  }
0x19b: {  	v55 =	vmul.f32 v45, v43;
	v56 =	vmul.f32 v42, v44  }
0x19c: {  	v35 =	vmul.f32 v54, v53  }
0x19d: {  	[tilespmem:v17+s24+$0x14000] =	vst.idx.msk $0xffff, v34;
	v57 =	vmul.f32 v56, v55  }
0x19e: {  	[tilespmem:v17+s25+$0x14000] =	vst.idx.msk $0xffff, v35  }
0x19f: {  	[tilespmem:v17+s28+$0x14000] =	vst.idx.msk $0xffff, v57;
	s28 =	simm.s32 $0x14000  }
0x1a0: {  	v34 =	vld.idx.msk [tilespmem:v0+s28+$0x0], $0xffff  }
0x1a1: {  	v35 =	vld.idx.msk [tilespmem:v28+s28+$0x0], $0xffff  }
0x1a2: {  	v36 =	vld.idx.msk [tilespmem:v30+s28+$0x0], $0xffff  }
0x1a3: {  	v37 =	vld.idx.msk [tilespmem:v32+s28+$0x0], $0xffff  }
0x1a4: {  	v40 =	vld.idx.msk [tilespmem:v20+s28+$0x0], $0xffff  }
0x1a5: {  	v38 =	vld.idx.msk [tilespmem:v22+s28+$0x0], $0xffff  }
0x1a6: {  	v39 =	vld.idx.msk [tilespmem:v24+s28+$0x0], $0xffff  }
0x1a7: {  	v41 =	vld.idx.msk [tilespmem:v21+s28+$0x0], $0xffff  }
0x1a8: {  	v42 =	vld.idx.msk [tilespmem:v27+s28+$0x0], $0xffff  }
0x1a9: {  	v43 =	vld.idx.msk [tilespmem:v25+s28+$0x0], $0xffff  }
0x1aa: {  	v44 =	vld.idx.msk [tilespmem:v23+s28+$0x0], $0xffff  }
0x1ab: {  	v45 =	vld.idx.msk [tilespmem:v26+s28+$0x0], $0xffff  }
0x1ac: {  	v47 =	vld.idx.msk [tilespmem:v18+s28+$0x0], $0xffff  }
0x1ad: {  	v48 =	vld.idx.msk [tilespmem:v19+s28+$0x0], $0xffff  }
0x1ae: {  	v49 =	vld.idx.msk [tilespmem:v31+s28+$0x0], $0xffff  }
0x1af: {  	v50 =	vld.idx.msk [tilespmem:v29+s28+$0x0], $0xffff;
	_ =	sdelay $0x2  }
0x1b0: {  	v58 =	vmax.f32 v41, v38;
	v51 =	vmax.f32 v42, v35;
	v59 =	vmax.f32 v44, v39  }
0x1b1: {  	v53 =	vmax.f32 v43, v45;
	v60 =	vmax.f32 v34, v47;
	v61 =	vmax.f32 v48, v40  }
0x1b2: {  	v62 =	vmax.f32 v49, v37;
	v63 =	vmax.f32 v50, v36;
	v46 =	vmax.f32 v58, v59  }
0x1b3: {  	v51 =	vmax.f32 v53, v51;
	v52 =	vmax.f32 v60, v61;
	v57 =	vmax.f32 v63, v62  }
0x1b4: {  	v46 =	vmax.f32 v52, v46;
	v51 =	vmax.f32 v51, v57  }
0x1b5: {  	v46 =	vmax.f32 v46, v51  }
0x1b6: {  	v34 =	vsub.f32 v34, v46;
	v48 =	vsub.f32 v48, v46  }
0x1b7: {  	v41 =	vsub.f32 v41, v46;
	v44 =	vsub.f32 v44, v46  }
0x1b8: {  	v45 =	vsub.f32 v45, v46;
	v43 =	vsub.f32 v43, v46  }
0x1b9: {  	v58 =	vsub.f32 v42, v46;
	v35 =	vsub.f32 v35, v46  }
0x1ba: {  	v39 =	vsub.f32 v39, v46;
	v34 =	vmul.f32 $1.000000000e+02, v34;
	v48 =	vmul.f32 $1.000000000e+02, v48  }
0x1bb: {  	s29 =	simm.s32 $0x14110;
	v62 =	vsub.f32 v38, v46;
	v41 =	vmul.f32 $1.000000000e+02, v41;
	v59 =	vmul.f32 $1.000000000e+02, v44  }
0x1bc: {  	v3 =	vld.idx.msk [tilespmem:v0+s29+$0x0], $0xffff;
	v40 =	vsub.f32 v40, v46;
	v4 =	vmul.f32 $1.000000000e+02, v43;
	v60 =	vmul.f32 $1.000000000e+02, v45  }
0x1bd: {  	v1 =	vld.idx.msk [tilespmem:v28+s29+$0x0], $0xffff;
	v37 =	vsub.f32 v37, v46;
	v61 =	vmul.f32 $1.000000000e+02, v58;
	v35 =	vmul.f32 $1.000000000e+02, v35  }
0x1be: {  	v56 =	vld.idx.msk [tilespmem:v20+s29+$0x0], $0xffff;
	v47 =	vsub.f32 v47, v46;
	v63 =	vmul.f32 $1.000000000e+02, v39;
	v53 =	vmul.f32 $1.000000000e+02, v62  }
0x1bf: {  	v0 =	vld.idx.msk [tilespmem:v24+s29+$0x0], $0xffff;
	v62 =	vmul.f32 $1.000000000e+02, v40;
	v37 =	vmul.f32 $1.000000000e+02, v37  }
0x1c0: {  	v55 =	vld.idx.msk [tilespmem:v25+s29+$0x0], $0xffff;
	v45 =	vsub.f32 v50, v46;
	v50 =	vmul.f32 $1.000000000e+02, v47;
	v51 =	vmul.f32 $1.442695020e+00, v34  }
0x1c1: {  	v57 =	vld.idx.msk [tilespmem:v27+s29+$0x0], $0xffff;
	v41 =	vmul.f32 $1.442695020e+00, v41;
	v5 =	vmul.f32 $1.442695020e+00, v60  }
0x1c2: {  	v38 =	vld.idx.msk [tilespmem:v32+s29+$0x0], $0xffff;
	v49 =	vsub.f32 v49, v46;
	v35 =	vmul.f32 $1.442695020e+00, v35;
	v42 =	vmul.f32 $1.442695020e+00, v59  }
0x1c3: {  	v39 =	vld.idx.msk [tilespmem:v22+s29+$0x0], $0xffff;
	v44 =	vmul.f32 $1.442695020e+00, v48;
	v59 =	vmul.f32 $1.442695020e+00, v63  }
0x1c4: {  	v58 =	vld.idx.msk [tilespmem:v23+s29+$0x0], $0xffff;
	v60 =	vmul.f32 $1.000000000e+02, v49;
	(erf) = vpow2.f32 v35  }
0x1c5: {  	v48 =	vld.idx.msk [tilespmem:v21+s29+$0x0], $0xffff;
	v61 =	vmul.f32 $1.442695020e+00, v61;
	v49 =	vsub.f32 v36, v46;
	v36 =	vmul.f32 $1.442695020e+00, v37  }
0x1c6: {  	s30 =	sadd.s32 $0x0, s22;
	v40 =	vld.idx.msk [tilespmem:v18+s29+$0x0], $0xffff;
	v53 =	vmul.f32 $1.442695020e+00, v53;
	(erf) = vpow2.f32 v41  }
0x1c7: {  	v54 =	vmov s30;
	v47 =	vld.idx.msk [tilespmem:v19+s29+$0x0], $0xffff;
	v63 =	vmul.f32 $1.442695020e+00, v60;
	(erf) = vpow2.f32 v59  }
0x1c8: {  	s31 =	sadd.s32 $0x1, s22;
	v52 =	vand.u32 $0x3FF, v54;
	v34 =	vld.idx.msk [tilespmem:v30+s29+$0x0], $0xffff;
	v43 =	vmul.f32 $1.442695020e+00, v50;
	(erf) = vpow2.f32 v61  }
0x1c9: {  	v37 =	vmov s31;
	v35 =	vmul.f32 $1.442695020e+00, v62;
	v59 =	vld.idx.msk [tilespmem:v26+s29+$0x0], $0xffff;
	(erf) = vpow2.f32 v63  }
0x1ca: {  	v45 =	vmul.f32 $1.000000000e+02, v45;
	v62 =	vld.idx.msk [tilespmem:v31+s29+$0x0], $0xffff;
	v60 =	vmax.f32 v48, v39;
	(erf) = vpow2.f32 v42  }
0x1cb: {  	v50 =	vld.idx.msk [tilespmem:v29+s29+$0x0], $0xffff;
	v63 =	vmax.f32 v57, v1;
	v42 =	vmax.f32 v58, v0;
	(erf) = vpow2.f32 v35  }
0x1cc: {  	v35 =	vand.u32 $0x3FF, v37;
	v41 =	vmax.f32 v60, v42;
	(erf) = vpow2.f32 v36  }
0x1cd: {  	v60 =	vmax.f32 v3, v40;
	v37 =	vmax.f32 v47, v56;
	v6 =	vpop (erf);
	(erf) = vpow2.f32 v44  }
0x1ce: {  	v36 =	vadd.s32 v33, v52;
	v44 =	vmax.f32 v55, v59;
	(erf) = vpow2.f32 v51  }
0x1cf: {  	v52 =	vmax.f32 v44, v63;
	v44 =	vmax.f32 v62, v38;
	(erf) = vpow2.f32 v53  }
0x1d0: {  	v61 =	vpop (erf);
	v53 =	vmax.f32 v60, v37;
	v60 =	vmul.f32 $1.442695020e+00, v4;
	v37 =	vmax.f32 v50, v34  }
0x1d1: {  	v51 =	vpop (erf);
	(erf) = vpow2.f32 v5;
	v37 =	vmax.f32 v37, v44;
	v44 =	vmax.f32 v53, v41  }
0x1d2: {  	v63 =	vpop (erf);
	(erf) = vpow2.f32 v43;
	v37 =	vmax.f32 v52, v37;
	v43 =	vmul.f32 $1.442695020e+00, v45  }
0x1d3: {  	v49 =	vmul.f32 $1.000000000e+02, v49;
	v42 =	vpop (erf);
	v37 =	vmax.f32 v44, v37;
	(erf) = vpow2.f32 v60  }
0x1d4: {  	v54 =	vpop (erf);
	(erf) = vpow2.f32 v43;
	v43 =	vsub.f32 v47, v37  }
0x1d5: {  	v45 =	vmul.f32 $1.442695020e+00, v49;
	v41 =	vadd.f32 v51, v54;
	v54 =	vpop (erf)  }
0x1d6: {  	v52 =	vsub.f32 v56, v37;
	v53 =	vpop (erf);
	v56 =	vmul.f32 $1.000000000e+02, v43;
	v43 =	vsub.f32 v58, v37  }
0x1d7: {  	v44 =	vadd.f32 v53, v42;
	v53 =	vsub.f32 v62, v37;
	v62 =	vpop (erf);
	(erf) = vpow2.f32 v45  }
0x1d8: {  	v42 =	vsub.f32 v3, v37;
	v45 =	vsub.f32 v48, v37;
	v58 =	vmul.f32 $1.000000000e+02, v43  }
0x1d9: {  	v43 =	vsub.f32 v50, v37;
	v50 =	vadd.f32 v6, v63;
	v6 =	vlaneseq.u32  }
0x1da: {  	v49 =	vsub.f32 v1, v37;
	v48 =	vsub.f32 v59, v37;
	v47 =	vpop (erf);
	v60 =	vmul.f32 $1.000000000e+02, v42  }
0x1db: {  	v42 =	vsub.f32 v55, v37;
	v54 =	vadd.f32 v54, v62;
	v51 =	vpop (erf);
	v59 =	vmul.f32 $1.000000000e+02, v45  }
0x1dc: {  	v48 =	vmul.f32 $1.000000000e+02, v48;
	v45 =	vmul.f32 $1.442695020e+00, v60;
	v60 =	vsub.f32 v57, v37;
	v55 =	vpop (erf)  }
0x1dd: {  	s24 =	simm.s32 $0x2;
	s25 =	simm.s32 $0x14220;
	[tilespmem:v36+s10+$0x0] =	vst.idx.msk $0xffff, v46;
	v51 =	vadd.f32 v51, v61;
	v42 =	vmul.f32 $1.000000000e+02, v42;
	v61 =	vsub.f32 v0, v37;
	v57 =	vpop (erf)  }
.LBB2_5:
0x1de: {  	v46 =	vld.idx.msk [tilespmem:v6+s25+$0x0], $0xffff;
	p0 =	sne.s32 s24, $0x1F;
	v39 =	vsub.f32 v39, v37;
	v60 =	vmul.f32 $1.000000000e+02, v60;
	v62 =	vmul.f32 $1.000000000e+02, v49;
	v63 =	vpop (erf);
	s26 =	smov.u32 s24;
	s24 =	sadd.s32 $0x1, s24  }
0x1df: {  	v59 =	vmul.f32 $1.442695020e+00, v59;
	v49 =	vld.idx.msk [tilespmem:v28+s25+$0x0], $0xffff;
	v0 =	vmul.f32 $1.442695020e+00, v48;
	v55 =	vadd.f32 v55, v63;
	v48 =	vpop (erf)  }
0x1e0: {  	v47 =	vadd.f32 v57, v47;
	v61 =	vmul.f32 $1.000000000e+02, v61;
	v63 =	vld.idx.msk [tilespmem:v30+s25+$0x0], $0xffff;
	v62 =	vmul.f32 $1.442695020e+00, v62;
	v57 =	vpop (erf)  }
0x1e1: {  	v58 =	vmul.f32 $1.442695020e+00, v58;
	v3 =	vmul.f32 $1.000000000e+02, v39;
	v1 =	vld.idx.msk [tilespmem:v32+s25+$0x0], $0xffff;
	v48 =	vadd.f32 v57, v48  }
0x1e2: {  	v56 =	vmul.f32 $1.442695020e+00, v56;
	v41 =	vadd.f32 v41, v51;
	v57 =	vld.idx.msk [tilespmem:v20+s25+$0x0], $0xffff;
	(erf) = vpow2.f32 v62  }
0x1e3: {  	v51 =	vmul.f32 $1.442695020e+00, v61;
	v39 =	vld.idx.msk [tilespmem:v22+s25+$0x0], $0xffff;
	(erf) = vpow2.f32 v59;
	v44 =	vadd.f32 v44, v48  }
0x1e4: {  	v53 =	vmul.f32 $1.000000000e+02, v53;
	v4 =	vsub.f32 v38, v37;
	v47 =	vadd.f32 v54, v47;
	v48 =	vld.idx.msk [tilespmem:v24+s25+$0x0], $0xffff  }
0x1e5: {  	v50 =	vadd.f32 v50, v55;
	v59 =	vmul.f32 $1.442695020e+00, v60;
	v54 =	vld.idx.msk [tilespmem:v21+s25+$0x0], $0xffff;
	(erf) = vpow2.f32 v51  }
0x1e6: {  	v41 =	vadd.f32 v41, v47;
	v51 =	vsub.f32 v40, v37;
	v40 =	vmul.f32 $1.000000000e+02, v4;
	v60 =	vld.idx.msk [tilespmem:v27+s25+$0x0], $0xffff  }
0x1e7: {  	v47 =	vmul.f32 $1.000000000e+02, v52;
	v52 =	vmul.f32 $1.442695020e+00, v53;
	v44 =	vadd.f32 v44, v50;
	v38 =	vmovc v1;
	v61 =	vld.idx.msk [tilespmem:v25+s25+$0x0], $0xffff  }
0x1e8: {  	v50 =	vsub.f32 v34, v37;
	v34 =	vmovc v63;
	v53 =	vmul.f32 $1.442695020e+00, v40;
	v1 =	vld.idx.msk [tilespmem:v23+s25+$0x0], $0xffff;
	(erf) = vpow2.f32 v59  }
0x1e9: {  	s26 =	sadd.s32 s26, s22;
	v47 =	vmul.f32 $1.442695020e+00, v47;
	v41 =	vadd.f32 v44, v41;
	v55 =	vld.idx.msk [tilespmem:v26+s25+$0x0], $0xffff;
	(erf) = vpow2.f32 v52  }
0x1ea: {  	v44 =	vmov s26;
	v51 =	vmul.f32 $1.000000000e+02, v51;
	v40 =	vld.idx.msk [tilespmem:v18+s25+$0x0], $0xffff;
	(erf) = vpow2.f32 v58  }
0x1eb: {  	v3 =	vmul.f32 $1.442695020e+00, v3;
	v58 =	vmax.f32 v54, v39;
	v52 =	vld.idx.msk [tilespmem:v19+s25+$0x0], $0xffff;
	(erf) = vpow2.f32 v47;
	v62 =	vpop (erf);
	[tilespmem:v36+s11+$0x0] =	vst.idx.msk $0xffff, v41  }
0x1ec: {  	v51 =	vmul.f32 $1.442695020e+00, v51;
	v41 =	vmax.f32 v60, v49;
	v47 =	vld.idx.msk [tilespmem:v31+s25+$0x0], $0xffff;
	v63 =	vpop (erf);
	(erf) = vpow2.f32 v53  }
0x1ed: {  	v44 =	vand.u32 $0x3FF, v44;
	v4 =	vld.idx.msk [tilespmem:v29+s25+$0x0], $0xffff;
	(erf) = vpow2.f32 v56  }
0x1ee: {  	v36 =	vadd.s32 v33, v35;
	v35 =	vmov v44;
	v53 =	vmax.f32 v1, v48;
	v56 =	vpop (erf)  }
0x1ef: {  	v44 =	vmax.f32 v61, v55;
	v53 =	vmax.f32 v58, v53;
	(erf) = vpow2.f32 v45  }
0x1f0: {  	v5 =	vmax.f32 v46, v40;
	v44 =	vmax.f32 v44, v41;
	(erf) = vpow2.f32 v3  }
0x1f1: {  	v50 =	vmul.f32 $1.000000000e+02, v50;
	v3 =	vmax.f32 v52, v57;
	(erf) = vpow2.f32 v0;
	v0 =	vpop (erf)  }
0x1f2: {  	v42 =	vmul.f32 $1.442695020e+00, v42;
	v41 =	vmax.f32 v47, v38;
	v3 =	vmax.f32 v5, v3;
	v45 =	vpop (erf)  }
0x1f3: {  	v43 =	vmul.f32 $1.000000000e+02, v43;
	v58 =	vmax.f32 v4, v34;
	[tilespmem:v36+s10+$0x0] =	vst.idx.msk $0xffff, v37;
	(erf) = vpow2.f32 v51;
	v37 =	vpop (erf)  }
0x1f4: {  	v53 =	vmax.f32 v3, v53;
	v51 =	vmax.f32 v58, v41;
	v41 =	vadd.f32 v56, v37;
	v5 =	vpop (erf)  }
0x1f5: {  	v43 =	vmul.f32 $1.442695020e+00, v43;
	v50 =	vmul.f32 $1.442695020e+00, v50;
	v37 =	vmax.f32 v44, v51;
	v44 =	vpop (erf)  }
0x1f6: {  	v37 =	vmax.f32 v53, v37;
	v44 =	vadd.f32 v44, v45;
	v3 =	vpop (erf);
	(erf) = vpow2.f32 v42  }
0x1f7: {  	v42 =	vsub.f32 v46, v37;
	v53 =	vsub.f32 v47, v37;
	(erf) = vpow2.f32 v43  }
0x1f8: {  	v49 =	vsub.f32 v49, v37;
	v43 =	vsub.f32 v52, v37;
	v47 =	vpop (erf);
	(erf) = vpow2.f32 v50  }
0x1f9: {  	v45 =	vsub.f32 v54, v37;
	v52 =	vsub.f32 v57, v37;
	v42 =	vmul.f32 $1.000000000e+02, v42;
	v46 =	vpop (erf)  }
.Ltmp1:
0x1fa: {  	v1 =	vsub.f32 v1, v37;
	v54 =	vsub.f32 v55, v37;
	v56 =	vmul.f32 $1.000000000e+02, v43;
	v55 =	vpop (erf);
	(pc) =	sbr.rel @p0 .LBB2_5-.Ltmp1, $4  }
0x1fb: {  	v59 =	vmul.f32 $1.000000000e+02, v45;
	v43 =	vsub.f32 v61, v37;
	v51 =	vadd.f32 v46, v63  }
0x1fc: {  	v60 =	vsub.f32 v60, v37;
	v58 =	vmul.f32 $1.000000000e+02, v1;
	v45 =	vmul.f32 $1.442695020e+00, v42;
	v57 =	vpop (erf)  }
0x1fd: {  	v50 =	vadd.f32 v62, v0;
	v42 =	vmul.f32 $1.000000000e+02, v43;
	v43 =	vsub.f32 v4, v37  }
0x1fe: {  	s25 =	sadd.s32 $0x110, s25;
	v61 =	vsub.f32 v48, v37;
	v48 =	vmul.f32 $1.000000000e+02, v54;
	v54 =	vadd.f32 v5, v3  }
0x1ff: {  	v0 =	vmul.f32 $1.000000000e+02, v49  }
0x200: {  	v3 =	vmul.f32 $1.000000000e+02, v60;
	v4 =	vmul.f32 $1.442695020e+00, v59  }
0x201: {  	v1 =	vsub.f32 v39, v37;
	v58 =	vmul.f32 $1.442695020e+00, v58;
	v60 =	vmul.f32 $1.000000000e+02, v43  }
0x202: {  	v5 =	vmul.f32 $1.000000000e+02, v61;
	v0 =	vmul.f32 $1.442695020e+00, v0  }
0x203: {  	v1 =	vmul.f32 $1.000000000e+02, v1;
	v3 =	vmul.f32 $1.442695020e+00, v3  }
0x204: {  	(erf) = vpow2.f32 v0;
	v0 =	vmul.f32 $1.442695020e+00, v5  }
0x205: {  	v5 =	vsub.f32 v38, v37;
	(erf) = vpow2.f32 v4;
	v4 =	vmul.f32 $1.000000000e+02, v53  }
0x206: {  	(erf) = vpow2.f32 v0;
	v0 =	vmul.f32 $1.000000000e+02, v52  }
0x207: {  	v5 =	vmul.f32 $1.000000000e+02, v5;
	v4 =	vmul.f32 $1.442695020e+00, v4  }
0x208: {  	v34 =	vsub.f32 v34, v37;
	(erf) = vpow2.f32 v3;
	v0 =	vmul.f32 $1.442695020e+00, v0  }
0x209: {  	(erf) = vpow2.f32 v4;
	v4 =	vmul.f32 $1.442695020e+00, v5  }
0x20a: {  	v34 =	vmul.f32 $1.000000000e+02, v34;
	(erf) = vpow2.f32 v58  }
0x20b: {  	v3 =	vsub.f32 v40, v37;
	v5 =	vmul.f32 $1.442695020e+00, v56;
	(erf) = vpow2.f32 v0  }
0x20c: {  	v1 =	vmul.f32 $1.442695020e+00, v1;
	v0 =	vpop (erf);
	(erf) = vpow2.f32 v4  }
0x20d: {  	v3 =	vmul.f32 $1.000000000e+02, v3;
	v4 =	vpop (erf);
	(erf) = vpow2.f32 v5  }
0x20e: {  	v5 =	vmul.f32 $1.442695020e+00, v48;
	v59 =	vpop (erf);
	(erf) = vpow2.f32 v45  }
0x20f: {  	v3 =	vmul.f32 $1.442695020e+00, v3;
	v39 =	vpop (erf);
	(erf) = vpow2.f32 v1  }
0x210: {  	v1 =	vpop (erf);
	(erf) = vpow2.f32 v5;
	v5 =	vmul.f32 $1.442695020e+00, v42  }
0x211: {  	v61 =	vpop (erf);
	(erf) = vpow2.f32 v3;
	v3 =	vmul.f32 $1.442695020e+00, v60  }
0x212: {  	v62 =	vpop (erf)  }
0x213: {  	v34 =	vmul.f32 $1.442695020e+00, v34;
	(erf) = vpow2.f32 v5;
	v63 =	vpop (erf)  }
0x214: {  	(erf) = vpow2.f32 v3;
	v5 =	vpop (erf)  }
0x215: {  	(erf) = vpow2.f32 v34;
	v3 =	vpop (erf)  }
0x216: {  	v4 =	vadd.f32 v59, v4;
	v52 =	vpop (erf)  }
0x217: {  	v0 =	vadd.f32 v55, v0;
	v55 =	vadd.f32 v57, v47;
	v53 =	vpop (erf)  }
0x218: {  	v41 =	vadd.f32 v41, v51;
	v4 =	vadd.f32 v44, v4;
	v46 =	vpop (erf)  }
0x219: {  	v45 =	vadd.f32 v54, v55;
	v0 =	vadd.f32 v50, v0;
	v56 =	vpop (erf)  }
0x21a: {  	v57 =	vpop (erf)  }
0x21b: {  	v41 =	vadd.f32 v41, v45;
	v0 =	vadd.f32 v4, v0;
	v58 =	vpop (erf)  }
0x21c: {  	v39 =	vadd.f32 v39, v62;
	v5 =	vadd.f32 v61, v5;
	v4 =	vpop (erf)  }
0x21d: {  	v34 =	vadd.f32 v52, v63;
	v3 =	vadd.f32 v3, v53;
	v59 =	vpop (erf)  }
0x21e: {  	v1 =	vadd.f32 v56, v1;
	v62 =	vadd.f32 v58, v46;
	v60 =	vpop (erf)  }
0x21f: {  	v4 =	vadd.f32 v57, v4;
	v61 =	vadd.f32 v60, v59  }
0x220: {  	v1 =	vadd.f32 v5, v1;
	v3 =	vadd.f32 v3, v62  }
0x221: {  	v63 =	vadd.s32 v33, v35;
	v4 =	vadd.f32 v39, v4;
	v5 =	vadd.f32 v34, v61  }
0x222: {  	v0 =	vadd.f32 v0, v41  }
0x223: {  	v1 =	vadd.f32 v1, v3;
	v3 =	vadd.f32 v5, v4;
	_ =	sdelay $0x1  }
0x224: {  	[tilespmem:v36+s11+$0x0] =	vst.idx.msk $0xffff, v0;
	v0 =	vadd.f32 v3, v1  }
0x225: {  	s23 =	sadd.s32 $0x1, s23;
	[tilespmem:v63+s10+$0x0] =	vst.idx.msk $0xffff, v37  }
0x226: {  	p0 =	sne.s32 s23, $0x20;
	[tilespmem:v63+s11+$0x0] =	vst.idx.msk $0xffff, v0  }
.Ltmp2:
0x227: {  	v1 =	vld [tilespmem:$0x1FFB0];
	(pc) =	sbr.rel @p0 .LBB2_2-.Ltmp2, $4  }
0x228: {  	v4 =	vld [tilespmem:$0x1FFD0]  }
0x229: {  	v3 =	vld [tilespmem:$0x1FFC0]  }
0x22a: {  	v5 =	vld [tilespmem:$0x1FFE0]  }
0x22b: {  	s21 =	sadd.s32 $0x800, s21;
	s22 =	sadd.s32 $0x20, s22;
	v0 =	vlaneseq.u32;
	v6 =	vld [tilespmem:$0x1FFF0]  }
0x22c: {  	[hbm4b:s5+s3] =	stream.linear.scatter [tilespmem:s10], [sflag:$0x1], $0x400, $0x38;
	[tilespmem:$0x1E300] =	vst v63  }
0x22d: {  	s21 =	sadd.s32 $0x80, s5;
	s22 =	simm.s32 $0x16608  }
0x22e: {  	[hbm4b:s21+s3] =	stream.linear.scatter [tilespmem:s22], [sflag:$0x1], $0x400, $0x38;
	[tilespmem:$0x1E300] =	vst v63  }
0x22f: {  	s25 =	sadd.s32 $0x100, s5;
	s26 =	simm.s32 $0x16A10  }
0x230: {  	[hbm4b:s25+s3] =	stream.linear.scatter [tilespmem:s26], [sflag:$0x1], $0x400, $0x38;
	[tilespmem:$0x1E300] =	vst v63  }
0x231: {  	s28 =	sadd.s32 $0x180, s5;
	s29 =	simm.s32 $0x16E18  }
0x232: {  	[hbm4b:s28+s3] =	stream.linear.scatter [tilespmem:s29], [sflag:$0x1], $0x400, $0x38;
	[tilespmem:$0x1E300] =	vst v63  }
0x233: {  	s30 =	sadd.s32 $0x200, s5;
	s31 =	simm.s32 $0x17220  }
0x234: {  	[hbm4b:s30+s3] =	stream.linear.scatter [tilespmem:s31], [sflag:$0x1], $0x400, $0x38;
	[tilespmem:$0x1E300] =	vst v63  }
0x235: {  	s23 =	sadd.s32 $0x280, s5;
	s24 =	simm.s32 $0x17628  }
0x236: {  	[hbm4b:s23+s3] =	stream.linear.scatter [tilespmem:s24], [sflag:$0x1], $0x400, $0x38;
	[tilespmem:$0x1E300] =	vst v63  }
0x237: {  	s25 =	sadd.s32 $0x300, s5;
	s26 =	simm.s32 $0x17A30  }
0x238: {  	[hbm4b:s25+s3] =	stream.linear.scatter [tilespmem:s26], [sflag:$0x1], $0x400, $0x38;
	[tilespmem:$0x1E300] =	vst v63  }
0x239: {  	s28 =	sadd.s32 $0x380, s5;
	s29 =	simm.s32 $0x17E38  }
0x23a: {  	[hbm4b:s28+s3] =	stream.linear.scatter [tilespmem:s29], [sflag:$0x1], $0x400, $0x38;
	[tilespmem:$0x1E300] =	vst v63  }
0x23b: {  	s30 =	sadd.s32 $0x400, s5;
	s31 =	simm.s32 $0x18240  }
0x23c: {  	[hbm4b:s30+s3] =	stream.linear.scatter [tilespmem:s31], [sflag:$0x1], $0x400, $0x38;
	[tilespmem:$0x1E300] =	vst v63  }
0x23d: {  	s23 =	sadd.s32 $0x480, s5;
	s24 =	simm.s32 $0x18648  }
0x23e: {  	[hbm4b:s23+s3] =	stream.linear.scatter [tilespmem:s24], [sflag:$0x1], $0x400, $0x38;
	[tilespmem:$0x1E300] =	vst v63  }
0x23f: {  	s25 =	sadd.s32 $0x500, s5;
	s26 =	simm.s32 $0x18A50  }
0x240: {  	[hbm4b:s25+s3] =	stream.linear.scatter [tilespmem:s26], [sflag:$0x1], $0x400, $0x38;
	[tilespmem:$0x1E300] =	vst v63  }
0x241: {  	s28 =	sadd.s32 $0x580, s5;
	s29 =	simm.s32 $0x18E58  }
0x242: {  	[hbm4b:s28+s3] =	stream.linear.scatter [tilespmem:s29], [sflag:$0x1], $0x400, $0x38;
	[tilespmem:$0x1E300] =	vst v63  }
0x243: {  	s30 =	sadd.s32 $0x600, s5;
	s31 =	simm.s32 $0x19260  }
0x244: {  	[hbm4b:s30+s3] =	stream.linear.scatter [tilespmem:s31], [sflag:$0x1], $0x400, $0x38;
	[tilespmem:$0x1E300] =	vst v63  }
0x245: {  	s23 =	sadd.s32 $0x680, s5;
	s24 =	simm.s32 $0x19668  }
0x246: {  	[hbm4b:s23+s3] =	stream.linear.scatter [tilespmem:s24], [sflag:$0x1], $0x400, $0x38;
	[tilespmem:$0x1E300] =	vst v63  }
0x247: {  	s25 =	sadd.s32 $0x700, s5;
	s26 =	simm.s32 $0x19A70  }
0x248: {  	[hbm4b:s25+s3] =	stream.linear.scatter [tilespmem:s26], [sflag:$0x1], $0x400, $0x38;
	[tilespmem:$0x1E300] =	vst v63  }
0x249: {  	s28 =	sadd.s32 $0x780, s5;
	s29 =	simm.s32 $0x19E78  }
0x24a: {  	[hbm4b:s28+s3] =	stream.linear.scatter [tilespmem:s29], [sflag:$0x1], $0x400, $0x38;
	[tilespmem:$0x1E300] =	vst v63  }
0x24b: {  	_ =	swait.ge [sflag:s9], $0x4000  }
0x24c: {  	[sflag:s9] =	ssyncset.done $0x0  }
0x24d: {  	[sflag:s9] =	ssyncadd.s32 $0xFFFFC000  }
0x24e: {  	[hbm4b:s6+s3] =	stream.linear.scatter [tilespmem:s11], [sflag:$0x1], $0x400, $0x38;
	[tilespmem:$0x1E300] =	vst v63  }
0x24f: {  	s30 =	sadd.s32 $0x80, s6;
	s31 =	simm.s32 $0x1A688  }
0x250: {  	[hbm4b:s30+s3] =	stream.linear.scatter [tilespmem:s31], [sflag:$0x1], $0x400, $0x38;
	[tilespmem:$0x1E300] =	vst v63  }
0x251: {  	s23 =	sadd.s32 $0x100, s6;
	s24 =	simm.s32 $0x1AA90  }
0x252: {  	[hbm4b:s23+s3] =	stream.linear.scatter [tilespmem:s24], [sflag:$0x1], $0x400, $0x38;
	[tilespmem:$0x1E300] =	vst v63  }
0x253: {  	s25 =	sadd.s32 $0x180, s6;
	s26 =	simm.s32 $0x1AE98  }
0x254: {  	[hbm4b:s25+s3] =	stream.linear.scatter [tilespmem:s26], [sflag:$0x1], $0x400, $0x38;
	[tilespmem:$0x1E300] =	vst v63  }
0x255: {  	s28 =	sadd.s32 $0x200, s6;
	s29 =	simm.s32 $0x1B2A0  }
0x256: {  	[hbm4b:s28+s3] =	stream.linear.scatter [tilespmem:s29], [sflag:$0x1], $0x400, $0x38;
	[tilespmem:$0x1E300] =	vst v63  }
0x257: {  	s30 =	sadd.s32 $0x280, s6  }
0x258: {  	[hbm4b:s30+s3] =	stream.linear.scatter [tilespmem:s0], [sflag:$0x1], $0x400, $0x38;
	[tilespmem:$0x1E300] =	vst v63  }
0x259: {  	s31 =	sadd.s32 $0x300, s6  }
0x25a: {  	[hbm4b:s31+s3] =	stream.linear.scatter [tilespmem:s2], [sflag:$0x1], $0x400, $0x38;
	[tilespmem:$0x1E300] =	vst v63  }
0x25b: {  	s22 =	sadd.s32 $0x380, s6  }
0x25c: {  	[hbm4b:s22+s3] =	stream.linear.scatter [tilespmem:s1], [sflag:$0x1], $0x400, $0x38;
	[tilespmem:$0x1E300] =	vst v63  }
0x25d: {  	s23 =	sadd.s32 $0x400, s6  }
0x25e: {  	[hbm4b:s23+s3] =	stream.linear.scatter [tilespmem:s12], [sflag:$0x1], $0x400, $0x38;
	[tilespmem:$0x1E300] =	vst v63  }
0x25f: {  	s24 =	sadd.s32 $0x480, s6  }
0x260: {  	[hbm4b:s24+s3] =	stream.linear.scatter [tilespmem:s13], [sflag:$0x1], $0x400, $0x38;
	[tilespmem:$0x1E300] =	vst v63  }
0x261: {  	s25 =	sadd.s32 $0x500, s6  }
0x262: {  	[hbm4b:s25+s3] =	stream.linear.scatter [tilespmem:s14], [sflag:$0x1], $0x400, $0x38;
	[tilespmem:$0x1E300] =	vst v63  }
0x263: {  	s26 =	sadd.s32 $0x580, s6  }
0x264: {  	[hbm4b:s26+s3] =	stream.linear.scatter [tilespmem:s15], [sflag:$0x1], $0x400, $0x38;
	[tilespmem:$0x1E300] =	vst v63  }
0x265: {  	s28 =	sadd.s32 $0x600, s6  }
0x266: {  	[hbm4b:s28+s3] =	stream.linear.scatter [tilespmem:s16], [sflag:$0x1], $0x400, $0x38;
	[tilespmem:$0x1E300] =	vst v63  }
0x267: {  	s20 =	sadd.s32 $0x1, s20;
	s29 =	sadd.s32 $0x680, s6  }
0x268: {  	[hbm4b:s29+s3] =	stream.linear.scatter [tilespmem:s17], [sflag:$0x1], $0x400, $0x38;
	[tilespmem:$0x1E300] =	vst v63  }
0x269: {  	p0 =	sne.s32 s20, s7;
	s30 =	sadd.s32 $0x700, s6  }
0x26a: {  	[hbm4b:s30+s3] =	stream.linear.scatter [tilespmem:s18], [sflag:$0x1], $0x400, $0x38;
	[tilespmem:$0x1E300] =	vst v63  }
.Ltmp3:
0x26b: {  	s31 =	sadd.s32 $0x780, s6;
	(pc) =	sbr.rel @p0 .LBB2_1-.Ltmp3, $4  }
0x26c: {  	[hbm4b:s31+s3] =	stream.linear.scatter [tilespmem:s19], [sflag:$0x1], $0x400, $0x38;
	[tilespmem:$0x1E300] =	vst v63  }
0x26d: {  	_ =	swait.ge [sflag:s9], $0x4000  }
0x26e: {  	[sflag:s9] =	ssyncset.done $0x0  }
0x26f: {  	[sflag:s9] =	ssyncadd.s32 $0xFFFFC000  }
0x270: {  	_ =	sfence.sel $0x180000  }
0x271: {  	[bflag:$0x0] =	sbarrier.arrive $0xFFFF  }
0x272: {  	_ =	strace $0x9000004A  }
0x273: {  	s0 =	stileid.u32;
	[bflag:$0x2] =	sbarrier.arrive $0xFFFF  }
0x274: {  	p0 =	sne.s32 s0, $0x0;
	s0 =	rddreg [dreg:$0x2]  }
0x275: {  	s0 =	sadd.s32 @!p0 $0x100000, s0  }
0x276: {  	[sflag:s0] =	ssyncadd.tile.s32 @!p0 $0x1;
	_ =	shalt  }
.Lfunc_end2:
_tile_overlayer_lowered:
.L_overlay_start_2:
0x277: {  	(tag) =	ssettag $0x2  }
0x278: {  	s0 =	rddreg [dreg:$0x0];
	s2 =	stileid.u32  }
0x279: {  	s1 =	rddreg [dreg:$0x1];
	p0 =	sne.s32 s2, $0x0  }
0x27a: {  	s3 =	rddreg [dreg:$0x2];
	[bflag:$0x3] =	sbarrier.arrive $0xFFFF;
	s2 =	simm.s32 @!p0 $0x1C01  }
0x27b: {  	[timem:s3], [sflag:s2] =	dma.local @!p0 [hbm:s0], s1  }
0x27c: {  	s0 =	simm.s32 @!p0 $0x1  }
0x27d: {  	_ =	swait.ge @!p0 [sflag:s0], s1  }
0x27e: {  	s1 =	ssub.s32 @!p0 $0x0, s1;
	[sflag:s0] =	ssyncset.done @!p0 $0x0  }
0x27f: {  	[sflag:s0] =	ssyncadd.s32 @!p0 s1  }
0x280: {  	[bflag:$0x3] =	sbarrier.arrive $0xFFFF  }
0x281: {  	_ =	shalt  }

</sc_bundles>
